<compile_context>
chip_gen: v7x
topology: tpu7x:2x2x1
jax: 0.10.2.dev20260603
libtpu: 0.0.44.dev20260713+nightly
codegen_flags: <defaults>
</compile_context>

<pallas_src>
import functools

import jax
import jax.numpy as jnp
from jax import lax
from jax.experimental import pallas as pl
from jax.experimental.pallas import tpu as pltpu
from jax.experimental.pallas import tpu_sc as plsc

LANES = 16
NC, NS = 2, 16
NW = NC * NS
CHUNK = 32
SUP = 128
NSLOT = 4


def _pre_body(seg_ref, pos_ref, ids_ref, tt_ref, pos0_ref, delta_ref,
              comb_ref):
    pos0_ref[...] = pos_ref[...] + seg_ref[0:1, :]
    delta_ref[...] = seg_ref[1:2, :] - seg_ref[0:1, :]
    comb_ref[...] = ids_ref[...] * 2 + tt_ref[...]


def _make_pre(seg, pos, ids, tt):
    t, d = seg.shape
    s = pos.shape[0]
    assert t == 2
    return pl.pallas_call(
        _pre_body,
        out_shape=(jax.ShapeDtypeStruct((s, d), jnp.float32),
                   jax.ShapeDtypeStruct((1, d), jnp.float32),
                   jax.ShapeDtypeStruct(ids.shape, jnp.int32)),
    )(seg, pos, ids, tt)


def _sc_body(seq, total_rows, d,
             tok_hbm, pos0_hbm, delta_hbm, comb_hbm, out_hbm,
             idlist, cblk, idxc, pos0blk, delta_v, buf0, buf1, buf2, buf3,
             sem_i, sem_g, sem_w):
    bufs = (buf0, buf1, buf2, buf3)
    vecs = d // LANES
    rows_per_w = total_rows // NW
    seqs_per_w = rows_per_w // seq
    nsup = seq // SUP
    sub_blocks = SUP // CHUNK
    k_iters = seqs_per_w // NSLOT
    wid = lax.axis_index("s") * NC + lax.axis_index("c")
    wbase = wid * rows_per_w
    wrow0 = wid * (rows_per_w // SUP)
    iota = lax.iota(jnp.int32, LANES)
    zero16 = iota * 0

    pltpu.sync_copy(delta_hbm, delta_v)
    dvecs = [delta_v[0, pl.ds(j * LANES, LANES)] for j in range(vecs)]

    def row_base(q, p):
        return wbase + q * seq + p * CHUNK

    def issue(slot, q, p2):
        for v in range(CHUNK // LANES):
            cv = cblk[q, pl.ds(p2 * CHUNK + v * LANES, LANES)]
            idxc[slot, pl.ds(v * LANES, LANES)] = lax.shift_right_logical(
                cv, 1)
        pltpu.async_copy(tok_hbm.at[idxc.at[slot]], bufs[slot], sem_g[slot])

    def wait_gather(slot):
        pltpu.make_async_copy(
            tok_hbm.at[pl.ds(0, CHUNK)], bufs[slot], sem_g[slot]).wait()

    def splat(v, l):
        idx = (zero16 + l)[:, None]
        dn = lax.GatherDimensionNumbers(
            offset_dims=(), collapsed_slice_dims=(0,), start_index_map=(0,))
        return lax.gather(v, idx, dn, slice_sizes=(1,),
                          mode=lax.GatherScatterMode.PROMISE_IN_BOUNDS)

    def tf_vec(q, p2, g):
        cv = cblk[q, pl.ds(p2 * CHUNK + g * LANES, LANES)]
        return (cv & 1).astype(jnp.float32)

    def vadd_pair(s0, q0, s1, q1, p2):
        bufA = bufs[s0]
        bufB = bufs[s1]

        @pl.loop(0, CHUNK // LANES)
        def _grp(g):
            tfvA = tf_vec(q0, p2, g)
            tfvB = tf_vec(q1, p2, g)

            @pl.loop(0, LANES)
            def _lane(l):
                i = g * LANES + l
                tfA = splat(tfvA, l)
                tfB = splat(tfvB, l)
                for j in range(vecs):
                    sl = pl.ds(j * LANES, LANES)
                    pv = pos0blk[i, sl]
                    bufA[i, sl] = bufA[i, sl] + (pv + tfA * dvecs[j])
                    bufB[i, sl] = bufB[i, sl] + (pv + tfB * dvecs[j])

    def write(slot, q, p):
        base = row_base(q, p)
        pltpu.async_copy(bufs[slot], out_hbm.at[pl.ds(base, CHUNK)],
                         sem_w[slot])

    def wait_write(slot):
        pltpu.make_async_copy(
            bufs[slot], out_hbm.at[pl.ds(0, CHUNK)], sem_w[slot]).wait()

    @pl.loop(0, nsup)
    def _sup(sup):
        for j in range(seqs_per_w // LANES):
            idlist[pl.ds(j * LANES, LANES)] = (
                wrow0 + (iota + j * LANES) * nsup + sup)
        pltpu.async_copy(comb_hbm.at[idlist], cblk, sem_i).wait()

        @pl.loop(0, sub_blocks)
        def _pblock(p2):
            p = sup * sub_blocks + p2
            pltpu.sync_copy(pos0_hbm.at[pl.ds(p * CHUNK, CHUNK)], pos0blk)
            for s in range(NSLOT):
                issue(s, s, p2)

            @pl.loop(0, k_iters)
            def _k(k):
                for s0, s1 in ((0, 1), (2, 3)):
                    q0 = k * NSLOT + s0
                    q1 = k * NSLOT + s1
                    wait_gather(s0)
                    wait_gather(s1)
                    vadd_pair(s0, q0, s1, q1, p2)
                    write(s0, q0, p)
                    write(s1, q1, p)

                @pl.when(k < k_iters - 1)
                def _reissue():
                    for s in range(NSLOT):
                        wait_write(s)
                        issue(s, (k + 1) * NSLOT + s, p2)

            for s in range(NSLOT):
                wait_write(s)


@functools.lru_cache(maxsize=None)
def _make_sc(seq, total_rows, d):
    rows_per_w = total_rows // NW
    seqs_per_w = rows_per_w // seq
    assert total_rows % NW == 0 and rows_per_w % seq == 0
    assert seq % SUP == 0 and SUP % CHUNK == 0
    assert seqs_per_w % NSLOT == 0 and seqs_per_w % LANES == 0
    assert d % LANES == 0
    mesh = plsc.VectorSubcoreMesh(
        core_axis_name="c", subcore_axis_name="s",
        num_cores=NC, num_subcores=NS)
    return pl.kernel(
        functools.partial(_sc_body, seq, total_rows, d),
        out_type=jax.ShapeDtypeStruct((total_rows, d), jnp.float32),
        mesh=mesh,
        scratch_types=[
            pltpu.VMEM((seqs_per_w,), jnp.int32),
            pltpu.VMEM((seqs_per_w, SUP), jnp.int32),
            pltpu.VMEM((NSLOT, CHUNK), jnp.int32),
            pltpu.VMEM((CHUNK, d), jnp.float32),
            pltpu.VMEM((1, d), jnp.float32),
            pltpu.VMEM((CHUNK, d), jnp.float32),
            pltpu.VMEM((CHUNK, d), jnp.float32),
            pltpu.VMEM((CHUNK, d), jnp.float32),
            pltpu.VMEM((CHUNK, d), jnp.float32),
            pltpu.SemaphoreType.DMA,
            [pltpu.SemaphoreType.DMA] * NSLOT,
            [pltpu.SemaphoreType.DMA] * NSLOT,
        ],
    )


def kernel(input_ids, token_type_ids, token_embedding, segment_embedding,
           position_embedding):
    b, s = input_ids.shape
    d = token_embedding.shape[1]
    pos0, delta, comb = _make_pre(
        segment_embedding, position_embedding,
        input_ids.astype(jnp.int32), token_type_ids.astype(jnp.int32))
    comb2 = comb.reshape(-1, SUP)
    sc = _make_sc(s, b * s, d)
    out = sc(token_embedding, pos0, delta, comb2)
    return out.reshape(b, s, d)

# --- scband reference (transcript-rebuilt; emitter-appended) ---
"""Pipeline reference for scband-bert-embedding-24781961297929 (READ-ONLY COPY).

The authoritative reference and input builder live on the scoring server;
editing this copy changes nothing except your own understanding.
"""

import jax, jax.numpy as jnp
import numpy as np

VOCAB_SIZE = 100000
N_EMBD = 768
TYPE_VOCAB_SIZE = 2
MAX_POS_EMBD = 512
BATCH = 1024
SEQ_LEN = 512


def setup_inputs(seed: int = 0) -> dict:
    key = jax.random.key(seed)
    k1, k2, k3, k4, k5 = jax.random.split(key, 5)
    input_ids = jax.random.randint(k1, (BATCH, SEQ_LEN), 0, VOCAB_SIZE, dtype=jnp.int64 if jax.config.jax_enable_x64 else jnp.int32)
    token_type_ids = jax.random.randint(k2, (BATCH, SEQ_LEN), 0, TYPE_VOCAB_SIZE, dtype=jnp.int64 if jax.config.jax_enable_x64 else jnp.int32)
    token_embedding = jax.random.normal(k3, (VOCAB_SIZE, N_EMBD), dtype=jnp.float32)
    segment_embedding = jax.random.normal(k4, (TYPE_VOCAB_SIZE, N_EMBD), dtype=jnp.float32)
    position_embedding = jax.random.normal(k5, (MAX_POS_EMBD, N_EMBD), dtype=jnp.float32)
    return {
        "input_ids": input_ids,
        "token_type_ids": token_type_ids,
        "token_embedding": token_embedding,
        "segment_embedding": segment_embedding,
        "position_embedding": position_embedding,
    }


def reference(input_ids, token_type_ids, token_embedding, segment_embedding, position_embedding):
    seq_len = input_ids.shape[1]
    position_ids = jnp.arange(seq_len)[None, :]  # [1, S]
    tok_emb = jnp.take(token_embedding, input_ids, axis=0)          # [B, S, D]
    seg_emb = jnp.take(segment_embedding, token_type_ids, axis=0)   # [B, S, D]
    pos_emb = jnp.take(position_embedding, position_ids, axis=0)    # [1, S, D]
    embeddings = tok_emb + seg_emb + pos_emb
    return embeddings

if __name__ == "__main__":
    import jax
    _d = setup_inputs()
    print(jax.jit(kernel)(*tuple(_d.values())))

</pallas_src>

<mosaic_0001>
#map = affine_map<(d0, d1) -> (0, 0)>
module attributes {stable_mosaic.version = 14 : i64} {
  func.func @_sc_body(%arg0: i32, %arg1: i32, %arg2: memref<100000x768xf32, #tpu.memory_space<hbm>>, %arg3: memref<512x768xf32, #tpu.memory_space<hbm>>, %arg4: memref<1x768xf32, #tpu.memory_space<hbm>>, %arg5: memref<4096x128xi32, #tpu.memory_space<hbm>>, %arg6: memref<524288x768xf32, #tpu.memory_space<hbm>>, %arg7: memref<32xi32, #tpu.memory_space<vmem>>, %arg8: memref<32x128xi32, #tpu.memory_space<vmem>>, %arg9: memref<4x32xi32, #tpu.memory_space<vmem>>, %arg10: memref<32x768xf32, #tpu.memory_space<vmem>>, %arg11: memref<1x768xf32, #tpu.memory_space<vmem>>, %arg12: memref<32x768xf32, #tpu.memory_space<vmem>>, %arg13: memref<32x768xf32, #tpu.memory_space<vmem>>, %arg14: memref<32x768xf32, #tpu.memory_space<vmem>>, %arg15: memref<32x768xf32, #tpu.memory_space<vmem>>, %arg16: memref<!tpu.dma_semaphore, #tpu.memory_space<semaphore_mem>>, %arg17: memref<!tpu.dma_semaphore, #tpu.memory_space<semaphore_mem>>, %arg18: memref<!tpu.dma_semaphore, #tpu.memory_space<semaphore_mem>>, %arg19: memref<!tpu.dma_semaphore, #tpu.memory_space<semaphore_mem>>, %arg20: memref<!tpu.dma_semaphore, #tpu.memory_space<semaphore_mem>>, %arg21: memref<!tpu.dma_semaphore, #tpu.memory_space<semaphore_mem>>, %arg22: memref<!tpu.dma_semaphore, #tpu.memory_space<semaphore_mem>>, %arg23: memref<!tpu.dma_semaphore, #tpu.memory_space<semaphore_mem>>, %arg24: memref<!tpu.dma_semaphore, #tpu.memory_space<semaphore_mem>>) attributes {dimension_semantics = [#tpu.dimension_semantics<core_parallel>, #tpu.dimension_semantics<subcore_parallel>], iteration_bounds = array<i64: 2, 16>, scalar_prefetch = 0 : i64, scratch_operands = 18 : i64, tpu.core_type = #tpu.core_type<sc_vector_subcore>, window_params = [{transform_indices = #map}, {transform_indices = #map}, {transform_indices = #map}, {transform_indices = #map}, {transform_indices = #map}]} {
    %mul3A = arith.constant 2 : i32
    %mul3A_0 = arith.muli %arg1, %mul3A : i32
    %add3A = arith.addi %mul3A_0, %arg0 : i32
    %mul3A_1 = arith.constant 16384 : i32
    %mul3A_2 = arith.muli %add3A, %mul3A_1 : i32
    %mul3A_3 = arith.constant 128 : i32
    %mul3A_4 = arith.muli %add3A, %mul3A_3 : i32
    %iota3A = tpu.iota {dimensions = array<i32: 0>} : vector<16xi32>
    %mul3A_5 = arith.constant 0 : i32
    %mul3A_6 = vector.broadcast %mul3A_5 : i32 to vector<16xi32>
    %mul3A_7 = arith.muli %iota3A, %mul3A_6 : vector<16xi32>
    "tpu.region"() ({
      %run_scoped3A = tpu.sem_alloc : memref<!tpu.dma_semaphore, #tpu.memory_space<semaphore_mem>>
      tpu.enqueue_dma source(%arg4 : memref<1x768xf32, #tpu.memory_space<hbm>>) target(%arg11 : memref<1x768xf32, #tpu.memory_space<vmem>>) target_semaphore(%run_scoped3A : memref<!tpu.dma_semaphore, #tpu.memory_space<semaphore_mem>>)
      tpu.wait_dma2 semaphore(%run_scoped3A : memref<!tpu.dma_semaphore, #tpu.memory_space<semaphore_mem>>) src(%arg4 : memref<1x768xf32, #tpu.memory_space<hbm>>) dst(%arg11 : memref<1x768xf32, #tpu.memory_space<vmem>>)
      tpu.yield
    }) : () -> ()
    %get3A = arith.constant 0 : i32
    %get3A_8 = arith.index_cast %get3A : i32 to index
    %get3A_9 = arith.constant 0 : index
    %get3A_10 = tpu.vector_load %arg11[%get3A_8, %get3A_9] {strides = array<i32>} : memref<1x768xf32, #tpu.memory_space<vmem>>, vector<1x16xf32>,
    %get3A_11 = vector.shape_cast %get3A_10 : vector<1x16xf32> to vector<16xf32>
    %get3A_12 = arith.constant 0 : i32
    %get3A_13 = arith.index_cast %get3A_12 : i32 to index
    %get3A_14 = arith.constant 16 : index
    %get3A_15 = tpu.vector_load %arg11[%get3A_13, %get3A_14] {strides = array<i32>} : memref<1x768xf32, #tpu.memory_space<vmem>>, vector<1x16xf32>,
    %get3A_16 = vector.shape_cast %get3A_15 : vector<1x16xf32> to vector<16xf32>
    %get3A_17 = arith.constant 0 : i32
    %get3A_18 = arith.index_cast %get3A_17 : i32 to index
    %get3A_19 = arith.constant 32 : index
    %get3A_20 = tpu.vector_load %arg11[%get3A_18, %get3A_19] {strides = array<i32>} : memref<1x768xf32, #tpu.memory_space<vmem>>, vector<1x16xf32>,
    %get3A_21 = vector.shape_cast %get3A_20 : vector<1x16xf32> to vector<16xf32>
    %get3A_22 = arith.constant 0 : i32
    %get3A_23 = arith.index_cast %get3A_22 : i32 to index
    %get3A_24 = arith.constant 48 : index
    %get3A_25 = tpu.vector_load %arg11[%get3A_23, %get3A_24] {strides = array<i32>} : memref<1x768xf32, #tpu.memory_space<vmem>>, vector<1x16xf32>,
    %get3A_26 = vector.shape_cast %get3A_25 : vector<1x16xf32> to vector<16xf32>
    %get3A_27 = arith.constant 0 : i32
    %get3A_28 = arith.index_cast %get3A_27 : i32 to index
    %get3A_29 = arith.constant 64 : index
    %get3A_30 = tpu.vector_load %arg11[%get3A_28, %get3A_29] {strides = array<i32>} : memref<1x768xf32, #tpu.memory_space<vmem>>, vector<1x16xf32>,
    %get3A_31 = vector.shape_cast %get3A_30 : vector<1x16xf32> to vector<16xf32>
    %get3A_32 = arith.constant 0 : i32
    %get3A_33 = arith.index_cast %get3A_32 : i32 to index
    %get3A_34 = arith.constant 80 : index
    %get3A_35 = tpu.vector_load %arg11[%get3A_33, %get3A_34] {strides = array<i32>} : memref<1x768xf32, #tpu.memory_space<vmem>>, vector<1x16xf32>,
    %get3A_36 = vector.shape_cast %get3A_35 : vector<1x16xf32> to vector<16xf32>
    %get3A_37 = arith.constant 0 : i32
    %get3A_38 = arith.index_cast %get3A_37 : i32 to index
    %get3A_39 = arith.constant 96 : index
    %get3A_40 = tpu.vector_load %arg11[%get3A_38, %get3A_39] {strides = array<i32>} : memref<1x768xf32, #tpu.memory_space<vmem>>, vector<1x16xf32>,
    %get3A_41 = vector.shape_cast %get3A_40 : vector<1x16xf32> to vector<16xf32>
    %get3A_42 = arith.constant 0 : i32
    %get3A_43 = arith.index_cast %get3A_42 : i32 to index
    %get3A_44 = arith.constant 112 : index
    %get3A_45 = tpu.vector_load %arg11[%get3A_43, %get3A_44] {strides = array<i32>} : memref<1x768xf32, #tpu.memory_space<vmem>>, vector<1x16xf32>,
    %get3A_46 = vector.shape_cast %get3A_45 : vector<1x16xf32> to vector<16xf32>
    %get3A_47 = arith.constant 0 : i32
    %get3A_48 = arith.index_cast %get3A_47 : i32 to index
    %get3A_49 = arith.constant 128 : index
    %get3A_50 = tpu.vector_load %arg11[%get3A_48, %get3A_49] {strides = array<i32>} : memref<1x768xf32, #tpu.memory_space<vmem>>, vector<1x16xf32>,
    %get3A_51 = vector.shape_cast %get3A_50 : vector<1x16xf32> to vector<16xf32>
    %get3A_52 = arith.constant 0 : i32
    %get3A_53 = arith.index_cast %get3A_52 : i32 to index
    %get3A_54 = arith.constant 144 : index
    %get3A_55 = tpu.vector_load %arg11[%get3A_53, %get3A_54] {strides = array<i32>} : memref<1x768xf32, #tpu.memory_space<vmem>>, vector<1x16xf32>,
    %get3A_56 = vector.shape_cast %get3A_55 : vector<1x16xf32> to vector<16xf32>
    %get3A_57 = arith.constant 0 : i32
    %get3A_58 = arith.index_cast %get3A_57 : i32 to index
    %get3A_59 = arith.constant 160 : index
    %get3A_60 = tpu.vector_load %arg11[%get3A_58, %get3A_59] {strides = array<i32>} : memref<1x768xf32, #tpu.memory_space<vmem>>, vector<1x16xf32>,
    %get3A_61 = vector.shape_cast %get3A_60 : vector<1x16xf32> to vector<16xf32>
    %get3A_62 = arith.constant 0 : i32
    %get3A_63 = arith.index_cast %get3A_62 : i32 to index
    %get3A_64 = arith.constant 176 : index
    %get3A_65 = tpu.vector_load %arg11[%get3A_63, %get3A_64] {strides = array<i32>} : memref<1x768xf32, #tpu.memory_space<vmem>>, vector<1x16xf32>,
    %get3A_66 = vector.shape_cast %get3A_65 : vector<1x16xf32> to vector<16xf32>
    %get3A_67 = arith.constant 0 : i32
    %get3A_68 = arith.index_cast %get3A_67 : i32 to index
    %get3A_69 = arith.constant 192 : index
    %get3A_70 = tpu.vector_load %arg11[%get3A_68, %get3A_69] {strides = array<i32>} : memref<1x768xf32, #tpu.memory_space<vmem>>, vector<1x16xf32>,
    %get3A_71 = vector.shape_cast %get3A_70 : vector<1x16xf32> to vector<16xf32>
    %get3A_72 = arith.constant 0 : i32
    %get3A_73 = arith.index_cast %get3A_72 : i32 to index
    %get3A_74 = arith.constant 208 : index
    %get3A_75 = tpu.vector_load %arg11[%get3A_73, %get3A_74] {strides = array<i32>} : memref<1x768xf32, #tpu.memory_space<vmem>>, vector<1x16xf32>,
    %get3A_76 = vector.shape_cast %get3A_75 : vector<1x16xf32> to vector<16xf32>
    %get3A_77 = arith.constant 0 : i32
    %get3A_78 = arith.index_cast %get3A_77 : i32 to index
    %get3A_79 = arith.constant 224 : index
    %get3A_80 = tpu.vector_load %arg11[%get3A_78, %get3A_79] {strides = array<i32>} : memref<1x768xf32, #tpu.memory_space<vmem>>, vector<1x16xf32>,
    %get3A_81 = vector.shape_cast %get3A_80 : vector<1x16xf32> to vector<16xf32>
    %get3A_82 = arith.constant 0 : i32
    %get3A_83 = arith.index_cast %get3A_82 : i32 to index
    %get3A_84 = arith.constant 240 : index
    %get3A_85 = tpu.vector_load %arg11[%get3A_83, %get3A_84] {strides = array<i32>} : memref<1x768xf32, #tpu.memory_space<vmem>>, vector<1x16xf32>,
    %get3A_86 = vector.shape_cast %get3A_85 : vector<1x16xf32> to vector<16xf32>
    %get3A_87 = arith.constant 0 : i32
    %get3A_88 = arith.index_cast %get3A_87 : i32 to index
    %get3A_89 = arith.constant 256 : index
    %get3A_90 = tpu.vector_load %arg11[%get3A_88, %get3A_89] {strides = array<i32>} : memref<1x768xf32, #tpu.memory_space<vmem>>, vector<1x16xf32>,
    %get3A_91 = vector.shape_cast %get3A_90 : vector<1x16xf32> to vector<16xf32>
    %get3A_92 = arith.constant 0 : i32
    %get3A_93 = arith.index_cast %get3A_92 : i32 to index
    %get3A_94 = arith.constant 272 : index
    %get3A_95 = tpu.vector_load %arg11[%get3A_93, %get3A_94] {strides = array<i32>} : memref<1x768xf32, #tpu.memory_space<vmem>>, vector<1x16xf32>,
    %get3A_96 = vector.shape_cast %get3A_95 : vector<1x16xf32> to vector<16xf32>
    %get3A_97 = arith.constant 0 : i32
    %get3A_98 = arith.index_cast %get3A_97 : i32 to index
    %get3A_99 = arith.constant 288 : index
    %get3A_100 = tpu.vector_load %arg11[%get3A_98, %get3A_99] {strides = array<i32>} : memref<1x768xf32, #tpu.memory_space<vmem>>, vector<1x16xf32>,
    %get3A_101 = vector.shape_cast %get3A_100 : vector<1x16xf32> to vector<16xf32>
    %get3A_102 = arith.constant 0 : i32
    %get3A_103 = arith.index_cast %get3A_102 : i32 to index
    %get3A_104 = arith.constant 304 : index
    %get3A_105 = tpu.vector_load %arg11[%get3A_103, %get3A_104] {strides = array<i32>} : memref<1x768xf32, #tpu.memory_space<vmem>>, vector<1x16xf32>,
    %get3A_106 = vector.shape_cast %get3A_105 : vector<1x16xf32> to vector<16xf32>
    %get3A_107 = arith.constant 0 : i32
    %get3A_108 = arith.index_cast %get3A_107 : i32 to index
    %get3A_109 = arith.constant 320 : index
    %get3A_110 = tpu.vector_load %arg11[%get3A_108, %get3A_109] {strides = array<i32>} : memref<1x768xf32, #tpu.memory_space<vmem>>, vector<1x16xf32>,
    %get3A_111 = vector.shape_cast %get3A_110 : vector<1x16xf32> to vector<16xf32>
    %get3A_112 = arith.constant 0 : i32
    %get3A_113 = arith.index_cast %get3A_112 : i32 to index
    %get3A_114 = arith.constant 336 : index
    %get3A_115 = tpu.vector_load %arg11[%get3A_113, %get3A_114] {strides = array<i32>} : memref<1x768xf32, #tpu.memory_space<vmem>>, vector<1x16xf32>,
    %get3A_116 = vector.shape_cast %get3A_115 : vector<1x16xf32> to vector<16xf32>
    %get3A_117 = arith.constant 0 : i32
    %get3A_118 = arith.index_cast %get3A_117 : i32 to index
    %get3A_119 = arith.constant 352 : index
    %get3A_120 = tpu.vector_load %arg11[%get3A_118, %get3A_119] {strides = array<i32>} : memref<1x768xf32, #tpu.memory_space<vmem>>, vector<1x16xf32>,
    %get3A_121 = vector.shape_cast %get3A_120 : vector<1x16xf32> to vector<16xf32>
    %get3A_122 = arith.constant 0 : i32
    %get3A_123 = arith.index_cast %get3A_122 : i32 to index
    %get3A_124 = arith.constant 368 : index
    %get3A_125 = tpu.vector_load %arg11[%get3A_123, %get3A_124] {strides = array<i32>} : memref<1x768xf32, #tpu.memory_space<vmem>>, vector<1x16xf32>,
    %get3A_126 = vector.shape_cast %get3A_125 : vector<1x16xf32> to vector<16xf32>
    %get3A_127 = arith.constant 0 : i32
    %get3A_128 = arith.index_cast %get3A_127 : i32 to index
    %get3A_129 = arith.constant 384 : index
    %get3A_130 = tpu.vector_load %arg11[%get3A_128, %get3A_129] {strides = array<i32>} : memref<1x768xf32, #tpu.memory_space<vmem>>, vector<1x16xf32>,
    %get3A_131 = vector.shape_cast %get3A_130 : vector<1x16xf32> to vector<16xf32>
    %get3A_132 = arith.constant 0 : i32
    %get3A_133 = arith.index_cast %get3A_132 : i32 to index
    %get3A_134 = arith.constant 400 : index
    %get3A_135 = tpu.vector_load %arg11[%get3A_133, %get3A_134] {strides = array<i32>} : memref<1x768xf32, #tpu.memory_space<vmem>>, vector<1x16xf32>,
    %get3A_136 = vector.shape_cast %get3A_135 : vector<1x16xf32> to vector<16xf32>
    %get3A_137 = arith.constant 0 : i32
    %get3A_138 = arith.index_cast %get3A_137 : i32 to index
    %get3A_139 = arith.constant 416 : index
    %get3A_140 = tpu.vector_load %arg11[%get3A_138, %get3A_139] {strides = array<i32>} : memref<1x768xf32, #tpu.memory_space<vmem>>, vector<1x16xf32>,
    %get3A_141 = vector.shape_cast %get3A_140 : vector<1x16xf32> to vector<16xf32>
    %get3A_142 = arith.constant 0 : i32
    %get3A_143 = arith.index_cast %get3A_142 : i32 to index
    %get3A_144 = arith.constant 432 : index
    %get3A_145 = tpu.vector_load %arg11[%get3A_143, %get3A_144] {strides = array<i32>} : memref<1x768xf32, #tpu.memory_space<vmem>>, vector<1x16xf32>,
    %get3A_146 = vector.shape_cast %get3A_145 : vector<1x16xf32> to vector<16xf32>
    %get3A_147 = arith.constant 0 : i32
    %get3A_148 = arith.index_cast %get3A_147 : i32 to index
    %get3A_149 = arith.constant 448 : index
    %get3A_150 = tpu.vector_load %arg11[%get3A_148, %get3A_149] {strides = array<i32>} : memref<1x768xf32, #tpu.memory_space<vmem>>, vector<1x16xf32>,
    %get3A_151 = vector.shape_cast %get3A_150 : vector<1x16xf32> to vector<16xf32>
    %get3A_152 = arith.constant 0 : i32
    %get3A_153 = arith.index_cast %get3A_152 : i32 to index
    %get3A_154 = arith.constant 464 : index
    %get3A_155 = tpu.vector_load %arg11[%get3A_153, %get3A_154] {strides = array<i32>} : memref<1x768xf32, #tpu.memory_space<vmem>>, vector<1x16xf32>,
    %get3A_156 = vector.shape_cast %get3A_155 : vector<1x16xf32> to vector<16xf32>
    %get3A_157 = arith.constant 0 : i32
    %get3A_158 = arith.index_cast %get3A_157 : i32 to index
    %get3A_159 = arith.constant 480 : index
    %get3A_160 = tpu.vector_load %arg11[%get3A_158, %get3A_159] {strides = array<i32>} : memref<1x768xf32, #tpu.memory_space<vmem>>, vector<1x16xf32>,
    %get3A_161 = vector.shape_cast %get3A_160 : vector<1x16xf32> to vector<16xf32>
    %get3A_162 = arith.constant 0 : i32
    %get3A_163 = arith.index_cast %get3A_162 : i32 to index
    %get3A_164 = arith.constant 496 : index
    %get3A_165 = tpu.vector_load %arg11[%get3A_163, %get3A_164] {strides = array<i32>} : memref<1x768xf32, #tpu.memory_space<vmem>>, vector<1x16xf32>,
    %get3A_166 = vector.shape_cast %get3A_165 : vector<1x16xf32> to vector<16xf32>
    %get3A_167 = arith.constant 0 : i32
    %get3A_168 = arith.index_cast %get3A_167 : i32 to index
    %get3A_169 = arith.constant 512 : index
    %get3A_170 = tpu.vector_load %arg11[%get3A_168, %get3A_169] {strides = array<i32>} : memref<1x768xf32, #tpu.memory_space<vmem>>, vector<1x16xf32>,
    %get3A_171 = vector.shape_cast %get3A_170 : vector<1x16xf32> to vector<16xf32>
    %get3A_172 = arith.constant 0 : i32
    %get3A_173 = arith.index_cast %get3A_172 : i32 to index
    %get3A_174 = arith.constant 528 : index
    %get3A_175 = tpu.vector_load %arg11[%get3A_173, %get3A_174] {strides = array<i32>} : memref<1x768xf32, #tpu.memory_space<vmem>>, vector<1x16xf32>,
    %get3A_176 = vector.shape_cast %get3A_175 : vector<1x16xf32> to vector<16xf32>
    %get3A_177 = arith.constant 0 : i32
    %get3A_178 = arith.index_cast %get3A_177 : i32 to index
    %get3A_179 = arith.constant 544 : index
    %get3A_180 = tpu.vector_load %arg11[%get3A_178, %get3A_179] {strides = array<i32>} : memref<1x768xf32, #tpu.memory_space<vmem>>, vector<1x16xf32>,
    %get3A_181 = vector.shape_cast %get3A_180 : vector<1x16xf32> to vector<16xf32>
    %get3A_182 = arith.constant 0 : i32
    %get3A_183 = arith.index_cast %get3A_182 : i32 to index
    %get3A_184 = arith.constant 560 : index
    %get3A_185 = tpu.vector_load %arg11[%get3A_183, %get3A_184] {strides = array<i32>} : memref<1x768xf32, #tpu.memory_space<vmem>>, vector<1x16xf32>,
    %get3A_186 = vector.shape_cast %get3A_185 : vector<1x16xf32> to vector<16xf32>
    %get3A_187 = arith.constant 0 : i32
    %get3A_188 = arith.index_cast %get3A_187 : i32 to index
    %get3A_189 = arith.constant 576 : index
    %get3A_190 = tpu.vector_load %arg11[%get3A_188, %get3A_189] {strides = array<i32>} : memref<1x768xf32, #tpu.memory_space<vmem>>, vector<1x16xf32>,
    %get3A_191 = vector.shape_cast %get3A_190 : vector<1x16xf32> to vector<16xf32>
    %get3A_192 = arith.constant 0 : i32
    %get3A_193 = arith.index_cast %get3A_192 : i32 to index
    %get3A_194 = arith.constant 592 : index
    %get3A_195 = tpu.vector_load %arg11[%get3A_193, %get3A_194] {strides = array<i32>} : memref<1x768xf32, #tpu.memory_space<vmem>>, vector<1x16xf32>,
    %get3A_196 = vector.shape_cast %get3A_195 : vector<1x16xf32> to vector<16xf32>
    %get3A_197 = arith.constant 0 : i32
    %get3A_198 = arith.index_cast %get3A_197 : i32 to index
    %get3A_199 = arith.constant 608 : index
    %get3A_200 = tpu.vector_load %arg11[%get3A_198, %get3A_199] {strides = array<i32>} : memref<1x768xf32, #tpu.memory_space<vmem>>, vector<1x16xf32>,
    %get3A_201 = vector.shape_cast %get3A_200 : vector<1x16xf32> to vector<16xf32>
    %get3A_202 = arith.constant 0 : i32
    %get3A_203 = arith.index_cast %get3A_202 : i32 to index
    %get3A_204 = arith.constant 624 : index
    %get3A_205 = tpu.vector_load %arg11[%get3A_203, %get3A_204] {strides = array<i32>} : memref<1x768xf32, #tpu.memory_space<vmem>>, vector<1x16xf32>,
    %get3A_206 = vector.shape_cast %get3A_205 : vector<1x16xf32> to vector<16xf32>
    %get3A_207 = arith.constant 0 : i32
    %get3A_208 = arith.index_cast %get3A_207 : i32 to index
    %get3A_209 = arith.constant 640 : index
    %get3A_210 = tpu.vector_load %arg11[%get3A_208, %get3A_209] {strides = array<i32>} : memref<1x768xf32, #tpu.memory_space<vmem>>, vector<1x16xf32>,
    %get3A_211 = vector.shape_cast %get3A_210 : vector<1x16xf32> to vector<16xf32>
    %get3A_212 = arith.constant 0 : i32
    %get3A_213 = arith.index_cast %get3A_212 : i32 to index
    %get3A_214 = arith.constant 656 : index
    %get3A_215 = tpu.vector_load %arg11[%get3A_213, %get3A_214] {strides = array<i32>} : memref<1x768xf32, #tpu.memory_space<vmem>>, vector<1x16xf32>,
    %get3A_216 = vector.shape_cast %get3A_215 : vector<1x16xf32> to vector<16xf32>
    %get3A_217 = arith.constant 0 : i32
    %get3A_218 = arith.index_cast %get3A_217 : i32 to index
    %get3A_219 = arith.constant 672 : index
    %get3A_220 = tpu.vector_load %arg11[%get3A_218, %get3A_219] {strides = array<i32>} : memref<1x768xf32, #tpu.memory_space<vmem>>, vector<1x16xf32>,
    %get3A_221 = vector.shape_cast %get3A_220 : vector<1x16xf32> to vector<16xf32>
    %get3A_222 = arith.constant 0 : i32
    %get3A_223 = arith.index_cast %get3A_222 : i32 to index
    %get3A_224 = arith.constant 688 : index
    %get3A_225 = tpu.vector_load %arg11[%get3A_223, %get3A_224] {strides = array<i32>} : memref<1x768xf32, #tpu.memory_space<vmem>>, vector<1x16xf32>,
    %get3A_226 = vector.shape_cast %get3A_225 : vector<1x16xf32> to vector<16xf32>
    %get3A_227 = arith.constant 0 : i32
    %get3A_228 = arith.index_cast %get3A_227 : i32 to index
    %get3A_229 = arith.constant 704 : index
    %get3A_230 = tpu.vector_load %arg11[%get3A_228, %get3A_229] {strides = array<i32>} : memref<1x768xf32, #tpu.memory_space<vmem>>, vector<1x16xf32>,
    %get3A_231 = vector.shape_cast %get3A_230 : vector<1x16xf32> to vector<16xf32>
    %get3A_232 = arith.constant 0 : i32
    %get3A_233 = arith.index_cast %get3A_232 : i32 to index
    %get3A_234 = arith.constant 720 : index
    %get3A_235 = tpu.vector_load %arg11[%get3A_233, %get3A_234] {strides = array<i32>} : memref<1x768xf32, #tpu.memory_space<vmem>>, vector<1x16xf32>,
    %get3A_236 = vector.shape_cast %get3A_235 : vector<1x16xf32> to vector<16xf32>
    %get3A_237 = arith.constant 0 : i32
    %get3A_238 = arith.index_cast %get3A_237 : i32 to index
    %get3A_239 = arith.constant 736 : index
    %get3A_240 = tpu.vector_load %arg11[%get3A_238, %get3A_239] {strides = array<i32>} : memref<1x768xf32, #tpu.memory_space<vmem>>, vector<1x16xf32>,
    %get3A_241 = vector.shape_cast %get3A_240 : vector<1x16xf32> to vector<16xf32>
    %get3A_242 = arith.constant 0 : i32
    %get3A_243 = arith.index_cast %get3A_242 : i32 to index
    %get3A_244 = arith.constant 752 : index
    %get3A_245 = tpu.vector_load %arg11[%get3A_243, %get3A_244] {strides = array<i32>} : memref<1x768xf32, #tpu.memory_space<vmem>>, vector<1x16xf32>,
    %get3A_246 = vector.shape_cast %get3A_245 : vector<1x16xf32> to vector<16xf32>
    %scan3A = arith.constant 0 : i32
    %scan3A_247 = arith.constant 4 : i32
    %scan3A_248 = arith.addi %scan3A, %scan3A_247 : i32
    %scan3A_249 = arith.constant 1 : i32
    scf.for %scan3A_251 = %scan3A to %scan3A_248 step %scan3A_249  : i32 {
      %mul3A_252 = arith.constant 1 : i32
      %mul3A_253 = arith.muli %scan3A_251, %mul3A_252 : i32
      %add3A_254 = arith.constant 0 : i32
      %add3A_255 = arith.addi %add3A_254, %mul3A_253 : i32
      %add3A_256 = arith.constant 0 : i32
      %add3A_257 = vector.broadcast %add3A_256 : i32 to vector<16xi32>
      %add3A_258 = arith.addi %iota3A, %add3A_257 : vector<16xi32>
      %mul3A_259 = arith.constant 4 : i32
      %mul3A_260 = vector.broadcast %mul3A_259 : i32 to vector<16xi32>
      %mul3A_261 = arith.muli %add3A_258, %mul3A_260 : vector<16xi32>
      %add3A_262 = vector.broadcast %mul3A_4 : i32 to vector<16xi32>
      %add3A_263 = arith.addi %add3A_262, %mul3A_261 : vector<16xi32>
      %add3A_264 = vector.broadcast %add3A_255 : i32 to vector<16xi32>
      %add3A_265 = arith.addi %add3A_263, %add3A_264 : vector<16xi32>
      %swap3A = arith.constant 0 : index
      %swap3A_266 = tpu.vector_load %arg7[%swap3A] {strides = array<i32>} : memref<32xi32, #tpu.memory_space<vmem>>, vector<16xi32>,
      %swap3A_267 = vector.shape_cast %swap3A_266 : vector<16xi32> to vector<16xi32>
      %swap3A_268 = vector.shape_cast %add3A_265 : vector<16xi32> to vector<16xi32>
      tpu.vector_store %arg7[%swap3A], %swap3A_268 {strides = array<i32>} : memref<32xi32, #tpu.memory_space<vmem>>, vector<16xi32>,
      %add3A_269 = arith.constant 16 : i32
      %add3A_270 = vector.broadcast %add3A_269 : i32 to vector<16xi32>
      %add3A_271 = arith.addi %iota3A, %add3A_270 : vector<16xi32>
      %mul3A_272 = arith.constant 4 : i32
      %mul3A_273 = vector.broadcast %mul3A_272 : i32 to vector<16xi32>
      %mul3A_274 = arith.muli %add3A_271, %mul3A_273 : vector<16xi32>
      %add3A_275 = vector.broadcast %mul3A_4 : i32 to vector<16xi32>
      %add3A_276 = arith.addi %add3A_275, %mul3A_274 : vector<16xi32>
      %add3A_277 = vector.broadcast %add3A_255 : i32 to vector<16xi32>
      %add3A_278 = arith.addi %add3A_276, %add3A_277 : vector<16xi32>
      %swap3A_279 = arith.constant 16 : index
      %swap3A_280 = tpu.vector_load %arg7[%swap3A_279] {strides = array<i32>} : memref<32xi32, #tpu.memory_space<vmem>>, vector<16xi32>,
      %swap3A_281 = vector.shape_cast %swap3A_280 : vector<16xi32> to vector<16xi32>
      %swap3A_282 = vector.shape_cast %add3A_278 : vector<16xi32> to vector<16xi32>
      tpu.vector_store %arg7[%swap3A_279], %swap3A_282 {strides = array<i32>} : memref<32xi32, #tpu.memory_space<vmem>>, vector<16xi32>,
      %dma_start3A = arith.constant 0 : i32
      %dma_start3A_283 = arith.constant 0 : i32
      %dma_start3A_284 = tpu.memref_slice %arg5[%dma_start3A, %dma_start3A_283] : memref<4096x128xi32, #tpu.memory_space<hbm>> -> memref<4096x128xi32, #tpu.memory_space<hbm>>
      tpu.enqueue_indirect_dma source(%dma_start3A_284 : memref<4096x128xi32, #tpu.memory_space<hbm>>) target(%arg8 : memref<32x128xi32, #tpu.memory_space<vmem>>) offsets(%arg7 : memref<32xi32, #tpu.memory_space<vmem>>) semaphore(%arg16 : memref<!tpu.dma_semaphore, #tpu.memory_space<semaphore_mem>>)
      %dma_wait3A = arith.constant 0 : i32
      %dma_wait3A_285 = arith.constant 0 : i32
      %dma_wait3A_286 = tpu.memref_slice %arg5[%dma_wait3A, %dma_wait3A_285] : memref<4096x128xi32, #tpu.memory_space<hbm>> -> memref<4096x128xi32, #tpu.memory_space<hbm>>
      tpu.wait_indirect_dma semaphore(%arg16 : memref<!tpu.dma_semaphore, #tpu.memory_space<semaphore_mem>>) src(%dma_wait3A_286 : memref<4096x128xi32, #tpu.memory_space<hbm>>) dst(%arg8 : memref<32x128xi32, #tpu.memory_space<vmem>>)
      %scan3A_287 = arith.constant 0 : i32
      %scan3A_288 = arith.constant 4 : i32
      %scan3A_289 = arith.addi %scan3A_287, %scan3A_288 : i32
      %scan3A_290 = arith.constant 1 : i32
      scf.for %scan3A_292 = %scan3A_287 to %scan3A_289 step %scan3A_290  : i32 {
        %mul3A_293 = arith.constant 1 : i32
        %mul3A_294 = arith.muli %scan3A_292, %mul3A_293 : i32
        %add3A_295 = arith.constant 0 : i32
        %add3A_296 = arith.addi %add3A_295, %mul3A_294 : i32
        %mul3A_297 = arith.constant 4 : i32
        %mul3A_298 = arith.muli %add3A_255, %mul3A_297 : i32
        %add3A_299 = arith.addi %mul3A_298, %add3A_296 : i32
        %mul3A_300 = arith.constant 32 : i32
        %mul3A_301 = arith.muli %add3A_299, %mul3A_300 : i32
        "tpu.region"() ({
          %run_scoped3A = tpu.sem_alloc : memref<!tpu.dma_semaphore, #tpu.memory_space<semaphore_mem>>
          %dma_start3A_502 = arith.constant 0 : i32
          %dma_start3A_503 = tpu.memref_slice %arg3[%mul3A_301, %dma_start3A_502] : memref<512x768xf32, #tpu.memory_space<hbm>> -> memref<32x768xf32, #tpu.memory_space<hbm>>
          %dma_start3A_504 = arith.constant 0 : i32
          %dma_start3A_505 = tpu.memref_slice %arg3[%mul3A_301, %dma_start3A_504] : memref<512x768xf32, #tpu.memory_space<hbm>> -> memref<32x768xf32, #tpu.memory_space<hbm>>
          tpu.enqueue_dma source(%dma_start3A_505 : memref<32x768xf32, #tpu.memory_space<hbm>>) target(%arg10 : memref<32x768xf32, #tpu.memory_space<vmem>>) target_semaphore(%run_scoped3A : memref<!tpu.dma_semaphore, #tpu.memory_space<semaphore_mem>>)
          %dma_wait3A_506 = arith.constant 0 : i32
          %dma_wait3A_507 = tpu.memref_slice %arg3[%mul3A_301, %dma_wait3A_506] : memref<512x768xf32, #tpu.memory_space<hbm>> -> memref<32x768xf32, #tpu.memory_space<hbm>>
          %dma_wait3A_508 = arith.constant 0 : i32
          %dma_wait3A_509 = tpu.memref_slice %arg3[%mul3A_301, %dma_wait3A_508] : memref<512x768xf32, #tpu.memory_space<hbm>> -> memref<32x768xf32, #tpu.memory_space<hbm>>
          tpu.wait_dma2 semaphore(%run_scoped3A : memref<!tpu.dma_semaphore, #tpu.memory_space<semaphore_mem>>) src(%dma_wait3A_509 : memref<32x768xf32, #tpu.memory_space<hbm>>) dst(%arg10 : memref<32x768xf32, #tpu.memory_space<vmem>>)
          tpu.yield
        }) : () -> ()
        %mul3A_302 = arith.constant 32 : i32
        %mul3A_303 = arith.muli %add3A_296, %mul3A_302 : i32
        %add3A_304 = arith.constant 0 : i32
        %add3A_305 = arith.addi %mul3A_303, %add3A_304 : i32
        %get3A_306 = arith.constant 0 : i32
        %get3A_307 = arith.index_cast %get3A_306 : i32 to index
        %get3A_308 = arith.index_cast %add3A_305 : i32 to index
        %get3A_309 = tpu.vector_load %arg8[%get3A_307, %get3A_308] {strides = array<i32>} : memref<32x128xi32, #tpu.memory_space<vmem>>, vector<1x16xi32>,
        %get3A_310 = vector.shape_cast %get3A_309 : vector<1x16xi32> to vector<16xi32>
        %shift_right_logical3A = arith.constant 1 : i32
        %shift_right_logical3A_311 = vector.broadcast %shift_right_logical3A : i32 to vector<16xi32>
        %shift_right_logical3A_312 = arith.shrui %get3A_310, %shift_right_logical3A_311 : vector<16xi32>
        %swap3A_313 = arith.constant 0 : i32
        %swap3A_314 = arith.index_cast %swap3A_313 : i32 to index
        %swap3A_315 = arith.constant 0 : index
        %swap3A_316 = tpu.vector_load %arg9[%swap3A_314, %swap3A_315] {strides = array<i32>} : memref<4x32xi32, #tpu.memory_space<vmem>>, vector<1x16xi32>,
        %swap3A_317 = vector.shape_cast %swap3A_316 : vector<1x16xi32> to vector<16xi32>
        %swap3A_318 = vector.shape_cast %shift_right_logical3A_312 : vector<16xi32> to vector<1x16xi32>
        tpu.vector_store %arg9[%swap3A_314, %swap3A_315], %swap3A_318 {strides = array<i32>} : memref<4x32xi32, #tpu.memory_space<vmem>>, vector<1x16xi32>,
        %mul3A_319 = arith.constant 32 : i32
        %mul3A_320 = arith.muli %add3A_296, %mul3A_319 : i32
        %add3A_321 = arith.constant 16 : i32
        %add3A_322 = arith.addi %mul3A_320, %add3A_321 : i32
        %get3A_323 = arith.constant 0 : i32
        %get3A_324 = arith.index_cast %get3A_323 : i32 to index
        %get3A_325 = arith.index_cast %add3A_322 : i32 to index
        %get3A_326 = tpu.vector_load %arg8[%get3A_324, %get3A_325] {strides = array<i32>} : memref<32x128xi32, #tpu.memory_space<vmem>>, vector<1x16xi32>,
        %get3A_327 = vector.shape_cast %get3A_326 : vector<1x16xi32> to vector<16xi32>
        %shift_right_logical3A_328 = arith.constant 1 : i32
        %shift_right_logical3A_329 = vector.broadcast %shift_right_logical3A_328 : i32 to vector<16xi32>
        %shift_right_logical3A_330 = arith.shrui %get3A_327, %shift_right_logical3A_329 : vector<16xi32>
        %swap3A_331 = arith.constant 0 : i32
        %swap3A_332 = arith.index_cast %swap3A_331 : i32 to index
        %swap3A_333 = arith.constant 16 : index
        %swap3A_334 = tpu.vector_load %arg9[%swap3A_332, %swap3A_333] {strides = array<i32>} : memref<4x32xi32, #tpu.memory_space<vmem>>, vector<1x16xi32>,
        %swap3A_335 = vector.shape_cast %swap3A_334 : vector<1x16xi32> to vector<16xi32>
        %swap3A_336 = vector.shape_cast %shift_right_logical3A_330 : vector<16xi32> to vector<1x16xi32>
        tpu.vector_store %arg9[%swap3A_332, %swap3A_333], %swap3A_336 {strides = array<i32>} : memref<4x32xi32, #tpu.memory_space<vmem>>, vector<1x16xi32>,
        %dma_start3A_337 = arith.constant 0 : i32
        %dma_start3A_338 = arith.constant 0 : i32
        %dma_start3A_339 = tpu.memref_slice %arg9[%dma_start3A_337, %dma_start3A_338] : memref<4x32xi32, #tpu.memory_space<vmem>> -> memref<1x32xi32, #tpu.memory_space<vmem>>
        %dma_start3A_340 = tpu.memref_squeeze %dma_start3A_339 : memref<1x32xi32, #tpu.memory_space<vmem>> -> memref<32xi32, #tpu.memory_space<vmem>>
        %dma_start3A_341 = arith.constant 0 : i32
        %dma_start3A_342 = arith.constant 0 : i32
        %dma_start3A_343 = tpu.memref_slice %arg2[%dma_start3A_341, %dma_start3A_342] : memref<100000x768xf32, #tpu.memory_space<hbm>> -> memref<100000x768xf32, #tpu.memory_space<hbm>>
        tpu.enqueue_indirect_dma source(%dma_start3A_343 : memref<100000x768xf32, #tpu.memory_space<hbm>>) target(%arg12 : memref<32x768xf32, #tpu.memory_space<vmem>>) offsets(%dma_start3A_340 : memref<32xi32, #tpu.memory_space<vmem>>) semaphore(%arg17 : memref<!tpu.dma_semaphore, #tpu.memory_space<semaphore_mem>>)
        %mul3A_344 = arith.constant 32 : i32
        %mul3A_345 = arith.muli %add3A_296, %mul3A_344 : i32
        %add3A_346 = arith.constant 0 : i32
        %add3A_347 = arith.addi %mul3A_345, %add3A_346 : i32
        %get3A_348 = arith.constant 1 : i32
        %get3A_349 = arith.index_cast %get3A_348 : i32 to index
        %get3A_350 = arith.index_cast %add3A_347 : i32 to index
        %get3A_351 = tpu.vector_load %arg8[%get3A_349, %get3A_350] {strides = array<i32>} : memref<32x128xi32, #tpu.memory_space<vmem>>, vector<1x16xi32>,
        %get3A_352 = vector.shape_cast %get3A_351 : vector<1x16xi32> to vector<16xi32>
        %shift_right_logical3A_353 = arith.constant 1 : i32
        %shift_right_logical3A_354 = vector.broadcast %shift_right_logical3A_353 : i32 to vector<16xi32>
        %shift_right_logical3A_355 = arith.shrui %get3A_352, %shift_right_logical3A_354 : vector<16xi32>
        %swap3A_356 = arith.constant 1 : i32
        %swap3A_357 = arith.index_cast %swap3A_356 : i32 to index
        %swap3A_358 = arith.constant 0 : index
        %swap3A_359 = tpu.vector_load %arg9[%swap3A_357, %swap3A_358] {strides = array<i32>} : memref<4x32xi32, #tpu.memory_space<vmem>>, vector<1x16xi32>,
        %swap3A_360 = vector.shape_cast %swap3A_359 : vector<1x16xi32> to vector<16xi32>
        %swap3A_361 = vector.shape_cast %shift_right_logical3A_355 : vector<16xi32> to vector<1x16xi32>
        tpu.vector_store %arg9[%swap3A_357, %swap3A_358], %swap3A_361 {strides = array<i32>} : memref<4x32xi32, #tpu.memory_space<vmem>>, vector<1x16xi32>,
        %mul3A_362 = arith.constant 32 : i32
        %mul3A_363 = arith.muli %add3A_296, %mul3A_362 : i32
        %add3A_364 = arith.constant 16 : i32
        %add3A_365 = arith.addi %mul3A_363, %add3A_364 : i32
        %get3A_366 = arith.constant 1 : i32
        %get3A_367 = arith.index_cast %get3A_366 : i32 to index
        %get3A_368 = arith.index_cast %add3A_365 : i32 to index
        %get3A_369 = tpu.vector_load %arg8[%get3A_367, %get3A_368] {strides = array<i32>} : memref<32x128xi32, #tpu.memory_space<vmem>>, vector<1x16xi32>,
        %get3A_370 = vector.shape_cast %get3A_369 : vector<1x16xi32> to vector<16xi32>
        %shift_right_logical3A_371 = arith.constant 1 : i32
        %shift_right_logical3A_372 = vector.broadcast %shift_right_logical3A_371 : i32 to vector<16xi32>
        %shift_right_logical3A_373 = arith.shrui %get3A_370, %shift_right_logical3A_372 : vector<16xi32>
        %swap3A_374 = arith.constant 1 : i32
        %swap3A_375 = arith.index_cast %swap3A_374 : i32 to index
        %swap3A_376 = arith.constant 16 : index
        %swap3A_377 = tpu.vector_load %arg9[%swap3A_375, %swap3A_376] {strides = array<i32>} : memref<4x32xi32, #tpu.memory_space<vmem>>, vector<1x16xi32>,
        %swap3A_378 = vector.shape_cast %swap3A_377 : vector<1x16xi32> to vector<16xi32>
        %swap3A_379 = vector.shape_cast %shift_right_logical3A_373 : vector<16xi32> to vector<1x16xi32>
        tpu.vector_store %arg9[%swap3A_375, %swap3A_376], %swap3A_379 {strides = array<i32>} : memref<4x32xi32, #tpu.memory_space<vmem>>, vector<1x16xi32>,
        %dma_start3A_380 = arith.constant 1 : i32
        %dma_start3A_381 = arith.constant 0 : i32
        %dma_start3A_382 = tpu.memref_slice %arg9[%dma_start3A_380, %dma_start3A_381] : memref<4x32xi32, #tpu.memory_space<vmem>> -> memref<1x32xi32, #tpu.memory_space<vmem>>
        %dma_start3A_383 = tpu.memref_squeeze %dma_start3A_382 : memref<1x32xi32, #tpu.memory_space<vmem>> -> memref<32xi32, #tpu.memory_space<vmem>>
        %dma_start3A_384 = arith.constant 0 : i32
        %dma_start3A_385 = arith.constant 0 : i32
        %dma_start3A_386 = tpu.memref_slice %arg2[%dma_start3A_384, %dma_start3A_385] : memref<100000x768xf32, #tpu.memory_space<hbm>> -> memref<100000x768xf32, #tpu.memory_space<hbm>>
        tpu.enqueue_indirect_dma source(%dma_start3A_386 : memref<100000x768xf32, #tpu.memory_space<hbm>>) target(%arg13 : memref<32x768xf32, #tpu.memory_space<vmem>>) offsets(%dma_start3A_383 : memref<32xi32, #tpu.memory_space<vmem>>) semaphore(%arg18 : memref<!tpu.dma_semaphore, #tpu.memory_space<semaphore_mem>>)
        %mul3A_387 = arith.constant 32 : i32
        %mul3A_388 = arith.muli %add3A_296, %mul3A_387 : i32
        %add3A_389 = arith.constant 0 : i32
        %add3A_390 = arith.addi %mul3A_388, %add3A_389 : i32
        %get3A_391 = arith.constant 2 : i32
        %get3A_392 = arith.index_cast %get3A_391 : i32 to index
        %get3A_393 = arith.index_cast %add3A_390 : i32 to index
        %get3A_394 = tpu.vector_load %arg8[%get3A_392, %get3A_393] {strides = array<i32>} : memref<32x128xi32, #tpu.memory_space<vmem>>, vector<1x16xi32>,
        %get3A_395 = vector.shape_cast %get3A_394 : vector<1x16xi32> to vector<16xi32>
        %shift_right_logical3A_396 = arith.constant 1 : i32
        %shift_right_logical3A_397 = vector.broadcast %shift_right_logical3A_396 : i32 to vector<16xi32>
        %shift_right_logical3A_398 = arith.shrui %get3A_395, %shift_right_logical3A_397 : vector<16xi32>
        %swap3A_399 = arith.constant 2 : i32
        %swap3A_400 = arith.index_cast %swap3A_399 : i32 to index
        %swap3A_401 = arith.constant 0 : index
        %swap3A_402 = tpu.vector_load %arg9[%swap3A_400, %swap3A_401] {strides = array<i32>} : memref<4x32xi32, #tpu.memory_space<vmem>>, vector<1x16xi32>,
        %swap3A_403 = vector.shape_cast %swap3A_402 : vector<1x16xi32> to vector<16xi32>
        %swap3A_404 = vector.shape_cast %shift_right_logical3A_398 : vector<16xi32> to vector<1x16xi32>
        tpu.vector_store %arg9[%swap3A_400, %swap3A_401], %swap3A_404 {strides = array<i32>} : memref<4x32xi32, #tpu.memory_space<vmem>>, vector<1x16xi32>,
        %mul3A_405 = arith.constant 32 : i32
        %mul3A_406 = arith.muli %add3A_296, %mul3A_405 : i32
        %add3A_407 = arith.constant 16 : i32
        %add3A_408 = arith.addi %mul3A_406, %add3A_407 : i32
        %get3A_409 = arith.constant 2 : i32
        %get3A_410 = arith.index_cast %get3A_409 : i32 to index
        %get3A_411 = arith.index_cast %add3A_408 : i32 to index
        %get3A_412 = tpu.vector_load %arg8[%get3A_410, %get3A_411] {strides = array<i32>} : memref<32x128xi32, #tpu.memory_space<vmem>>, vector<1x16xi32>,
        %get3A_413 = vector.shape_cast %get3A_412 : vector<1x16xi32> to vector<16xi32>
        %shift_right_logical3A_414 = arith.constant 1 : i32
        %shift_right_logical3A_415 = vector.broadcast %shift_right_logical3A_414 : i32 to vector<16xi32>
        %shift_right_logical3A_416 = arith.shrui %get3A_413, %shift_right_logical3A_415 : vector<16xi32>
        %swap3A_417 = arith.constant 2 : i32
        %swap3A_418 = arith.index_cast %swap3A_417 : i32 to index
        %swap3A_419 = arith.constant 16 : index
        %swap3A_420 = tpu.vector_load %arg9[%swap3A_418, %swap3A_419] {strides = array<i32>} : memref<4x32xi32, #tpu.memory_space<vmem>>, vector<1x16xi32>,
        %swap3A_421 = vector.shape_cast %swap3A_420 : vector<1x16xi32> to vector<16xi32>
        %swap3A_422 = vector.shape_cast %shift_right_logical3A_416 : vector<16xi32> to vector<1x16xi32>
        tpu.vector_store %arg9[%swap3A_418, %swap3A_419], %swap3A_422 {strides = array<i32>} : memref<4x32xi32, #tpu.memory_space<vmem>>, vector<1x16xi32>,
        %dma_start3A_423 = arith.constant 2 : i32
        %dma_start3A_424 = arith.constant 0 : i32
        %dma_start3A_425 = tpu.memref_slice %arg9[%dma_start3A_423, %dma_start3A_424] : memref<4x32xi32, #tpu.memory_space<vmem>> -> memref<1x32xi32, #tpu.memory_space<vmem>>
        %dma_start3A_426 = tpu.memref_squeeze %dma_start3A_425 : memref<1x32xi32, #tpu.memory_space<vmem>> -> memref<32xi32, #tpu.memory_space<vmem>>
        %dma_start3A_427 = arith.constant 0 : i32
        %dma_start3A_428 = arith.constant 0 : i32
        %dma_start3A_429 = tpu.memref_slice %arg2[%dma_start3A_427, %dma_start3A_428] : memref<100000x768xf32, #tpu.memory_space<hbm>> -> memref<100000x768xf32, #tpu.memory_space<hbm>>
        tpu.enqueue_indirect_dma source(%dma_start3A_429 : memref<100000x768xf32, #tpu.memory_space<hbm>>) target(%arg14 : memref<32x768xf32, #tpu.memory_space<vmem>>) offsets(%dma_start3A_426 : memref<32xi32, #tpu.memory_space<vmem>>) semaphore(%arg19 : memref<!tpu.dma_semaphore, #tpu.memory_space<semaphore_mem>>)
        %mul3A_430 = arith.constant 32 : i32
        %mul3A_431 = arith.muli %add3A_296, %mul3A_430 : i32
        %add3A_432 = arith.constant 0 : i32
        %add3A_433 = arith.addi %mul3A_431, %add3A_432 : i32
        %get3A_434 = arith.constant 3 : i32
        %get3A_435 = arith.index_cast %get3A_434 : i32 to index
        %get3A_436 = arith.index_cast %add3A_433 : i32 to index
        %get3A_437 = tpu.vector_load %arg8[%get3A_435, %get3A_436] {strides = array<i32>} : memref<32x128xi32, #tpu.memory_space<vmem>>, vector<1x16xi32>,
        %get3A_438 = vector.shape_cast %get3A_437 : vector<1x16xi32> to vector<16xi32>
        %shift_right_logical3A_439 = arith.constant 1 : i32
        %shift_right_logical3A_440 = vector.broadcast %shift_right_logical3A_439 : i32 to vector<16xi32>
        %shift_right_logical3A_441 = arith.shrui %get3A_438, %shift_right_logical3A_440 : vector<16xi32>
        %swap3A_442 = arith.constant 3 : i32
        %swap3A_443 = arith.index_cast %swap3A_442 : i32 to index
        %swap3A_444 = arith.constant 0 : index
        %swap3A_445 = tpu.vector_load %arg9[%swap3A_443, %swap3A_444] {strides = array<i32>} : memref<4x32xi32, #tpu.memory_space<vmem>>, vector<1x16xi32>,
        %swap3A_446 = vector.shape_cast %swap3A_445 : vector<1x16xi32> to vector<16xi32>
        %swap3A_447 = vector.shape_cast %shift_right_logical3A_441 : vector<16xi32> to vector<1x16xi32>
        tpu.vector_store %arg9[%swap3A_443, %swap3A_444], %swap3A_447 {strides = array<i32>} : memref<4x32xi32, #tpu.memory_space<vmem>>, vector<1x16xi32>,
        %mul3A_448 = arith.constant 32 : i32
        %mul3A_449 = arith.muli %add3A_296, %mul3A_448 : i32
        %add3A_450 = arith.constant 16 : i32
        %add3A_451 = arith.addi %mul3A_449, %add3A_450 : i32
        %get3A_452 = arith.constant 3 : i32
        %get3A_453 = arith.index_cast %get3A_452 : i32 to index
        %get3A_454 = arith.index_cast %add3A_451 : i32 to index
        %get3A_455 = tpu.vector_load %arg8[%get3A_453, %get3A_454] {strides = array<i32>} : memref<32x128xi32, #tpu.memory_space<vmem>>, vector<1x16xi32>,
        %get3A_456 = vector.shape_cast %get3A_455 : vector<1x16xi32> to vector<16xi32>
        %shift_right_logical3A_457 = arith.constant 1 : i32
        %shift_right_logical3A_458 = vector.broadcast %shift_right_logical3A_457 : i32 to vector<16xi32>
        %shift_right_logical3A_459 = arith.shrui %get3A_456, %shift_right_logical3A_458 : vector<16xi32>
        %swap3A_460 = arith.constant 3 : i32
        %swap3A_461 = arith.index_cast %swap3A_460 : i32 to index
        %swap3A_462 = arith.constant 16 : index
        %swap3A_463 = tpu.vector_load %arg9[%swap3A_461, %swap3A_462] {strides = array<i32>} : memref<4x32xi32, #tpu.memory_space<vmem>>, vector<1x16xi32>,
        %swap3A_464 = vector.shape_cast %swap3A_463 : vector<1x16xi32> to vector<16xi32>
        %swap3A_465 = vector.shape_cast %shift_right_logical3A_459 : vector<16xi32> to vector<1x16xi32>
        tpu.vector_store %arg9[%swap3A_461, %swap3A_462], %swap3A_465 {strides = array<i32>} : memref<4x32xi32, #tpu.memory_space<vmem>>, vector<1x16xi32>,
        %dma_start3A_466 = arith.constant 3 : i32
        %dma_start3A_467 = arith.constant 0 : i32
        %dma_start3A_468 = tpu.memref_slice %arg9[%dma_start3A_466, %dma_start3A_467] : memref<4x32xi32, #tpu.memory_space<vmem>> -> memref<1x32xi32, #tpu.memory_space<vmem>>
        %dma_start3A_469 = tpu.memref_squeeze %dma_start3A_468 : memref<1x32xi32, #tpu.memory_space<vmem>> -> memref<32xi32, #tpu.memory_space<vmem>>
        %dma_start3A_470 = arith.constant 0 : i32
        %dma_start3A_471 = arith.constant 0 : i32
        %dma_start3A_472 = tpu.memref_slice %arg2[%dma_start3A_470, %dma_start3A_471] : memref<100000x768xf32, #tpu.memory_space<hbm>> -> memref<100000x768xf32, #tpu.memory_space<hbm>>
        tpu.enqueue_indirect_dma source(%dma_start3A_472 : memref<100000x768xf32, #tpu.memory_space<hbm>>) target(%arg15 : memref<32x768xf32, #tpu.memory_space<vmem>>) offsets(%dma_start3A_469 : memref<32xi32, #tpu.memory_space<vmem>>) semaphore(%arg20 : memref<!tpu.dma_semaphore, #tpu.memory_space<semaphore_mem>>)
        %scan3A_473 = arith.constant 0 : i32
        %scan3A_474 = arith.constant 8 : i32
        %scan3A_475 = arith.addi %scan3A_473, %scan3A_474 : i32
        %scan3A_476 = arith.constant 1 : i32
        scf.for %scan3A_502 = %scan3A_473 to %scan3A_475 step %scan3A_476  : i32 {
          %mul3A_503 = arith.constant 1 : i32
          %mul3A_504 = arith.muli %scan3A_502, %mul3A_503 : i32
          %add3A_505 = arith.constant 0 : i32
          %add3A_506 = arith.addi %add3A_505, %mul3A_504 : i32
          %mul3A_507 = arith.constant 4 : i32
          %mul3A_508 = arith.muli %add3A_506, %mul3A_507 : i32
          %add3A_509 = arith.constant 0 : i32
          %add3A_510 = arith.addi %mul3A_508, %add3A_509 : i32
          %mul3A_511 = arith.constant 4 : i32
          %mul3A_512 = arith.muli %add3A_506, %mul3A_511 : i32
          %add3A_513 = arith.constant 1 : i32
          %add3A_514 = arith.addi %mul3A_512, %add3A_513 : i32
          %dma_wait3A_515 = arith.constant 0 : i32
          %dma_wait3A_516 = arith.constant 0 : i32
          %dma_wait3A_517 = tpu.memref_slice %arg2[%dma_wait3A_515, %dma_wait3A_516] : memref<100000x768xf32, #tpu.memory_space<hbm>> -> memref<32x768xf32, #tpu.memory_space<hbm>>
          %dma_wait3A_518 = arith.constant 0 : i32
          %dma_wait3A_519 = arith.constant 0 : i32
          %dma_wait3A_520 = tpu.memref_slice %arg2[%dma_wait3A_518, %dma_wait3A_519] : memref<100000x768xf32, #tpu.memory_space<hbm>> -> memref<32x768xf32, #tpu.memory_space<hbm>>
          tpu.wait_dma2 semaphore(%arg17 : memref<!tpu.dma_semaphore, #tpu.memory_space<semaphore_mem>>) src(%dma_wait3A_520 : memref<32x768xf32, #tpu.memory_space<hbm>>) dst(%arg12 : memref<32x768xf32, #tpu.memory_space<vmem>>)
          %dma_wait3A_521 = arith.constant 0 : i32
          %dma_wait3A_522 = arith.constant 0 : i32
          %dma_wait3A_523 = tpu.memref_slice %arg2[%dma_wait3A_521, %dma_wait3A_522] : memref<100000x768xf32, #tpu.memory_space<hbm>> -> memref<32x768xf32, #tpu.memory_space<hbm>>
          %dma_wait3A_524 = arith.constant 0 : i32
          %dma_wait3A_525 = arith.constant 0 : i32
          %dma_wait3A_526 = tpu.memref_slice %arg2[%dma_wait3A_524, %dma_wait3A_525] : memref<100000x768xf32, #tpu.memory_space<hbm>> -> memref<32x768xf32, #tpu.memory_space<hbm>>
          tpu.wait_dma2 semaphore(%arg18 : memref<!tpu.dma_semaphore, #tpu.memory_space<semaphore_mem>>) src(%dma_wait3A_526 : memref<32x768xf32, #tpu.memory_space<hbm>>) dst(%arg13 : memref<32x768xf32, #tpu.memory_space<vmem>>)
          %scan3A_527 = arith.constant 0 : i32
          %scan3A_528 = arith.constant 2 : i32
          %scan3A_529 = arith.addi %scan3A_527, %scan3A_528 : i32
          %scan3A_530 = arith.constant 1 : i32
          scf.for %scan3A_599 = %scan3A_527 to %scan3A_529 step %scan3A_530  : i32 {
            %mul3A_600 = arith.constant 1 : i32
            %mul3A_601 = arith.muli %scan3A_599, %mul3A_600 : i32
            %add3A_602 = arith.constant 0 : i32
            %add3A_603 = arith.addi %add3A_602, %mul3A_601 : i32
            %mul3A_604 = arith.constant 32 : i32
            %mul3A_605 = arith.muli %add3A_296, %mul3A_604 : i32
            %mul3A_606 = arith.constant 16 : i32
            %mul3A_607 = arith.muli %add3A_603, %mul3A_606 : i32
            %add3A_608 = arith.addi %mul3A_605, %mul3A_607 : i32
            %get3A_609 = arith.index_cast %add3A_510 : i32 to index
            %get3A_610 = arith.index_cast %add3A_608 : i32 to index
            %get3A_611 = tpu.vector_load %arg8[%get3A_609, %get3A_610] {strides = array<i32>} : memref<32x128xi32, #tpu.memory_space<vmem>>, vector<1x16xi32>,
            %get3A_612 = vector.shape_cast %get3A_611 : vector<1x16xi32> to vector<16xi32>
            %and3A = arith.constant 1 : i32
            %and3A_613 = vector.broadcast %and3A : i32 to vector<16xi32>
            %and3A_614 = arith.andi %get3A_612, %and3A_613 : vector<16xi32>
            %convert_element_type3A_615 = arith.sitofp %and3A_614 : vector<16xi32> to vector<16xf32>
            %mul3A_616 = arith.constant 32 : i32
            %mul3A_617 = arith.muli %add3A_296, %mul3A_616 : i32
            %mul3A_618 = arith.constant 16 : i32
            %mul3A_619 = arith.muli %add3A_603, %mul3A_618 : i32
            %add3A_620 = arith.addi %mul3A_617, %mul3A_619 : i32
            %get3A_621 = arith.index_cast %add3A_514 : i32 to index
            %get3A_622 = arith.index_cast %add3A_620 : i32 to index
            %get3A_623 = tpu.vector_load %arg8[%get3A_621, %get3A_622] {strides = array<i32>} : memref<32x128xi32, #tpu.memory_space<vmem>>, vector<1x16xi32>,
            %get3A_624 = vector.shape_cast %get3A_623 : vector<1x16xi32> to vector<16xi32>
            %and3A_625 = arith.constant 1 : i32
            %and3A_626 = vector.broadcast %and3A_625 : i32 to vector<16xi32>
            %and3A_627 = arith.andi %get3A_624, %and3A_626 : vector<16xi32>
            %convert_element_type3A_628 = arith.sitofp %and3A_627 : vector<16xi32> to vector<16xf32>
            %scan3A_629 = arith.constant 0 : i32
            %scan3A_630 = arith.constant 16 : i32
            %scan3A_631 = arith.addi %scan3A_629, %scan3A_630 : i32
            %scan3A_632 = arith.constant 1 : i32
            scf.for %scan3A_634 = %scan3A_629 to %scan3A_631 step %scan3A_632  : i32 {
              %mul3A_635 = arith.constant 1 : i32
              %mul3A_636 = arith.muli %scan3A_634, %mul3A_635 : i32
              %add3A_637 = arith.constant 0 : i32
              %add3A_638 = arith.addi %add3A_637, %mul3A_636 : i32
              %mul3A_639 = arith.constant 16 : i32
              %mul3A_640 = arith.muli %add3A_603, %mul3A_639 : i32
              %add3A_641 = arith.addi %mul3A_640, %add3A_638 : i32
              %add3A_642 = vector.broadcast %add3A_638 : i32 to vector<16xi32>
              %add3A_643 = arith.addi %mul3A_7, %add3A_642 : vector<16xi32>
              %broadcast_in_dim3A = vector.shape_cast %add3A_643 : vector<16xi32> to vector<16x1xi32>
              %gather3A = vector.shape_cast %broadcast_in_dim3A : vector<16x1xi32> to vector<16xi32>
              %gather3A_644 = tpu.dynamic_gather %convert_element_type3A_615[%gather3A] in [0] : vector<16xf32>, vector<16xi32> -> vector<16xf32>
              %add3A_645 = vector.broadcast %add3A_638 : i32 to vector<16xi32>
              %add3A_646 = arith.addi %mul3A_7, %add3A_645 : vector<16xi32>
              %broadcast_in_dim3A_647 = vector.shape_cast %add3A_646 : vector<16xi32> to vector<16x1xi32>
              %gather3A_648 = vector.shape_cast %broadcast_in_dim3A_647 : vector<16x1xi32> to vector<16xi32>
              %gather3A_649 = tpu.dynamic_gather %convert_element_type3A_628[%gather3A_648] in [0] : vector<16xf32>, vector<16xi32> -> vector<16xf32>
              %get3A_650 = arith.index_cast %add3A_641 : i32 to index
              %get3A_651 = arith.constant 0 : index
              %get3A_652 = tpu.vector_load %arg10[%get3A_650, %get3A_651] {strides = array<i32>} : memref<32x768xf32, #tpu.memory_space<vmem>>, vector<1x16xf32>,
              %get3A_653 = vector.shape_cast %get3A_652 : vector<1x16xf32> to vector<16xf32>
              %get3A_654 = arith.index_cast %add3A_641 : i32 to index
              %get3A_655 = arith.constant 0 : index
              %get3A_656 = tpu.vector_load %arg12[%get3A_654, %get3A_655] {strides = array<i32>} : memref<32x768xf32, #tpu.memory_space<vmem>>, vector<1x16xf32>,
              %get3A_657 = vector.shape_cast %get3A_656 : vector<1x16xf32> to vector<16xf32>
              %mul3A_658 = arith.mulf %gather3A_644, %get3A_11 : vector<16xf32>
              %add3A_659 = arith.addf %get3A_653, %mul3A_658 : vector<16xf32>
              %add3A_660 = arith.addf %get3A_657, %add3A_659 : vector<16xf32>
              %swap3A_661 = arith.index_cast %add3A_641 : i32 to index
              %swap3A_662 = arith.constant 0 : index
              %swap3A_663 = tpu.vector_load %arg12[%swap3A_661, %swap3A_662] {strides = array<i32>} : memref<32x768xf32, #tpu.memory_space<vmem>>, vector<1x16xf32>,
              %swap3A_664 = vector.shape_cast %swap3A_663 : vector<1x16xf32> to vector<16xf32>
              %swap3A_665 = vector.shape_cast %add3A_660 : vector<16xf32> to vector<1x16xf32>
              tpu.vector_store %arg12[%swap3A_661, %swap3A_662], %swap3A_665 {strides = array<i32>} : memref<32x768xf32, #tpu.memory_space<vmem>>, vector<1x16xf32>,
              %get3A_666 = arith.index_cast %add3A_641 : i32 to index
              %get3A_667 = arith.constant 0 : index
              %get3A_668 = tpu.vector_load %arg13[%get3A_666, %get3A_667] {strides = array<i32>} : memref<32x768xf32, #tpu.memory_space<vmem>>, vector<1x16xf32>,
              %get3A_669 = vector.shape_cast %get3A_668 : vector<1x16xf32> to vector<16xf32>
              %mul3A_670 = arith.mulf %gather3A_649, %get3A_11 : vector<16xf32>
              %add3A_671 = arith.addf %get3A_653, %mul3A_670 : vector<16xf32>
              %add3A_672 = arith.addf %get3A_669, %add3A_671 : vector<16xf32>
              %swap3A_673 = arith.index_cast %add3A_641 : i32 to index
              %swap3A_674 = arith.constant 0 : index
              %swap3A_675 = tpu.vector_load %arg13[%swap3A_673, %swap3A_674] {strides = array<i32>} : memref<32x768xf32, #tpu.memory_space<vmem>>, vector<1x16xf32>,
              %swap3A_676 = vector.shape_cast %swap3A_675 : vector<1x16xf32> to vector<16xf32>
              %swap3A_677 = vector.shape_cast %add3A_672 : vector<16xf32> to vector<1x16xf32>
              tpu.vector_store %arg13[%swap3A_673, %swap3A_674], %swap3A_677 {strides = array<i32>} : memref<32x768xf32, #tpu.memory_space<vmem>>, vector<1x16xf32>,
              %get3A_678 = arith.index_cast %add3A_641 : i32 to index
              %get3A_679 = arith.constant 16 : index
              %get3A_680 = tpu.vector_load %arg10[%get3A_678, %get3A_679] {strides = array<i32>} : memref<32x768xf32, #tpu.memory_space<vmem>>, vector<1x16xf32>,
              %get3A_681 = vector.shape_cast %get3A_680 : vector<1x16xf32> to vector<16xf32>
              %get3A_682 = arith.index_cast %add3A_641 : i32 to index
              %get3A_683 = arith.constant 16 : index
              %get3A_684 = tpu.vector_load %arg12[%get3A_682, %get3A_683] {strides = array<i32>} : memref<32x768xf32, #tpu.memory_space<vmem>>, vector<1x16xf32>,
              %get3A_685 = vector.shape_cast %get3A_684 : vector<1x16xf32> to vector<16xf32>
              %mul3A_686 = arith.mulf %gather3A_644, %get3A_16 : vector<16xf32>
              %add3A_687 = arith.addf %get3A_681, %mul3A_686 : vector<16xf32>
              %add3A_688 = arith.addf %get3A_685, %add3A_687 : vector<16xf32>
              %swap3A_689 = arith.index_cast %add3A_641 : i32 to index
              %swap3A_690 = arith.constant 16 : index
              %swap3A_691 = tpu.vector_load %arg12[%swap3A_689, %swap3A_690] {strides = array<i32>} : memref<32x768xf32, #tpu.memory_space<vmem>>, vector<1x16xf32>,
              %swap3A_692 = vector.shape_cast %swap3A_691 : vector<1x16xf32> to vector<16xf32>
              %swap3A_693 = vector.shape_cast %add3A_688 : vector<16xf32> to vector<1x16xf32>
              tpu.vector_store %arg12[%swap3A_689, %swap3A_690], %swap3A_693 {strides = array<i32>} : memref<32x768xf32, #tpu.memory_space<vmem>>, vector<1x16xf32>,
              %get3A_694 = arith.index_cast %add3A_641 : i32 to index
              %get3A_695 = arith.constant 16 : index
              %get3A_696 = tpu.vector_load %arg13[%get3A_694, %get3A_695] {strides = array<i32>} : memref<32x768xf32, #tpu.memory_space<vmem>>, vector<1x16xf32>,
              %get3A_697 = vector.shape_cast %get3A_696 : vector<1x16xf32> to vector<16xf32>
              %mul3A_698 = arith.mulf %gather3A_649, %get3A_16 : vector<16xf32>
              %add3A_699 = arith.addf %get3A_681, %mul3A_698 : vector<16xf32>
              %add3A_700 = arith.addf %get3A_697, %add3A_699 : vector<16xf32>
              %swap3A_701 = arith.index_cast %add3A_641 : i32 to index
              %swap3A_702 = arith.constant 16 : index
              %swap3A_703 = tpu.vector_load %arg13[%swap3A_701, %swap3A_702] {strides = array<i32>} : memref<32x768xf32, #tpu.memory_space<vmem>>, vector<1x16xf32>,
              %swap3A_704 = vector.shape_cast %swap3A_703 : vector<1x16xf32> to vector<16xf32>
              %swap3A_705 = vector.shape_cast %add3A_700 : vector<16xf32> to vector<1x16xf32>
              tpu.vector_store %arg13[%swap3A_701, %swap3A_702], %swap3A_705 {strides = array<i32>} : memref<32x768xf32, #tpu.memory_space<vmem>>, vector<1x16xf32>,
              %get3A_706 = arith.index_cast %add3A_641 : i32 to index
              %get3A_707 = arith.constant 32 : index
              %get3A_708 = tpu.vector_load %arg10[%get3A_706, %get3A_707] {strides = array<i32>} : memref<32x768xf32, #tpu.memory_space<vmem>>, vector<1x16xf32>,
              %get3A_709 = vector.shape_cast %get3A_708 : vector<1x16xf32> to vector<16xf32>
              %get3A_710 = arith.index_cast %add3A_641 : i32 to index
              %get3A_711 = arith.constant 32 : index
              %get3A_712 = tpu.vector_load %arg12[%get3A_710, %get3A_711] {strides = array<i32>} : memref<32x768xf32, #tpu.memory_space<vmem>>, vector<1x16xf32>,
              %get3A_713 = vector.shape_cast %get3A_712 : vector<1x16xf32> to vector<16xf32>
              %mul3A_714 = arith.mulf %gather3A_644, %get3A_21 : vector<16xf32>
              %add3A_715 = arith.addf %get3A_709, %mul3A_714 : vector<16xf32>
              %add3A_716 = arith.addf %get3A_713, %add3A_715 : vector<16xf32>
              %swap3A_717 = arith.index_cast %add3A_641 : i32 to index
              %swap3A_718 = arith.constant 32 : index
              %swap3A_719 = tpu.vector_load %arg12[%swap3A_717, %swap3A_718] {strides = array<i32>} : memref<32x768xf32, #tpu.memory_space<vmem>>, vector<1x16xf32>,
              %swap3A_720 = vector.shape_cast %swap3A_719 : vector<1x16xf32> to vector<16xf32>
              %swap3A_721 = vector.shape_cast %add3A_716 : vector<16xf32> to vector<1x16xf32>
              tpu.vector_store %arg12[%swap3A_717, %swap3A_718], %swap3A_721 {strides = array<i32>} : memref<32x768xf32, #tpu.memory_space<vmem>>, vector<1x16xf32>,
              %get3A_722 = arith.index_cast %add3A_641 : i32 to index
              %get3A_723 = arith.constant 32 : index
              %get3A_724 = tpu.vector_load %arg13[%get3A_722, %get3A_723] {strides = array<i32>} : memref<32x768xf32, #tpu.memory_space<vmem>>, vector<1x16xf32>,
              %get3A_725 = vector.shape_cast %get3A_724 : vector<1x16xf32> to vector<16xf32>
              %mul3A_726 = arith.mulf %gather3A_649, %get3A_21 : vector<16xf32>
              %add3A_727 = arith.addf %get3A_709, %mul3A_726 : vector<16xf32>
              %add3A_728 = arith.addf %get3A_725, %add3A_727 : vector<16xf32>
              %swap3A_729 = arith.index_cast %add3A_641 : i32 to index
              %swap3A_730 = arith.constant 32 : index
              %swap3A_731 = tpu.vector_load %arg13[%swap3A_729, %swap3A_730] {strides = array<i32>} : memref<32x768xf32, #tpu.memory_space<vmem>>, vector<1x16xf32>,
              %swap3A_732 = vector.shape_cast %swap3A_731 : vector<1x16xf32> to vector<16xf32>
              %swap3A_733 = vector.shape_cast %add3A_728 : vector<16xf32> to vector<1x16xf32>
              tpu.vector_store %arg13[%swap3A_729, %swap3A_730], %swap3A_733 {strides = array<i32>} : memref<32x768xf32, #tpu.memory_space<vmem>>, vector<1x16xf32>,
              %get3A_734 = arith.index_cast %add3A_641 : i32 to index
              %get3A_735 = arith.constant 48 : index
              %get3A_736 = tpu.vector_load %arg10[%get3A_734, %get3A_735] {strides = array<i32>} : memref<32x768xf32, #tpu.memory_space<vmem>>, vector<1x16xf32>,
              %get3A_737 = vector.shape_cast %get3A_736 : vector<1x16xf32> to vector<16xf32>
              %get3A_738 = arith.index_cast %add3A_641 : i32 to index
              %get3A_739 = arith.constant 48 : index
              %get3A_740 = tpu.vector_load %arg12[%get3A_738, %get3A_739] {strides = array<i32>} : memref<32x768xf32, #tpu.memory_space<vmem>>, vector<1x16xf32>,
              %get3A_741 = vector.shape_cast %get3A_740 : vector<1x16xf32> to vector<16xf32>
              %mul3A_742 = arith.mulf %gather3A_644, %get3A_26 : vector<16xf32>
              %add3A_743 = arith.addf %get3A_737, %mul3A_742 : vector<16xf32>
              %add3A_744 = arith.addf %get3A_741, %add3A_743 : vector<16xf32>
              %swap3A_745 = arith.index_cast %add3A_641 : i32 to index
              %swap3A_746 = arith.constant 48 : index
              %swap3A_747 = tpu.vector_load %arg12[%swap3A_745, %swap3A_746] {strides = array<i32>} : memref<32x768xf32, #tpu.memory_space<vmem>>, vector<1x16xf32>,
              %swap3A_748 = vector.shape_cast %swap3A_747 : vector<1x16xf32> to vector<16xf32>
              %swap3A_749 = vector.shape_cast %add3A_744 : vector<16xf32> to vector<1x16xf32>
              tpu.vector_store %arg12[%swap3A_745, %swap3A_746], %swap3A_749 {strides = array<i32>} : memref<32x768xf32, #tpu.memory_space<vmem>>, vector<1x16xf32>,
              %get3A_750 = arith.index_cast %add3A_641 : i32 to index
              %get3A_751 = arith.constant 48 : index
              %get3A_752 = tpu.vector_load %arg13[%get3A_750, %get3A_751] {strides = array<i32>} : memref<32x768xf32, #tpu.memory_space<vmem>>, vector<1x16xf32>,
              %get3A_753 = vector.shape_cast %get3A_752 : vector<1x16xf32> to vector<16xf32>
              %mul3A_754 = arith.mulf %gather3A_649, %get3A_26 : vector<16xf32>
              %add3A_755 = arith.addf %get3A_737, %mul3A_754 : vector<16xf32>
              %add3A_756 = arith.addf %get3A_753, %add3A_755 : vector<16xf32>
              %swap3A_757 = arith.index_cast %add3A_641 : i32 to index
              %swap3A_758 = arith.constant 48 : index
              %swap3A_759 = tpu.vector_load %arg13[%swap3A_757, %swap3A_758] {strides = array<i32>} : memref<32x768xf32, #tpu.memory_space<vmem>>, vector<1x16xf32>,
              %swap3A_760 = vector.shape_cast %swap3A_759 : vector<1x16xf32> to vector<16xf32>
              %swap3A_761 = vector.shape_cast %add3A_756 : vector<16xf32> to vector<1x16xf32>
              tpu.vector_store %arg13[%swap3A_757, %swap3A_758], %swap3A_761 {strides = array<i32>} : memref<32x768xf32, #tpu.memory_space<vmem>>, vector<1x16xf32>,
              %get3A_762 = arith.index_cast %add3A_641 : i32 to index
              %get3A_763 = arith.constant 64 : index
              %get3A_764 = tpu.vector_load %arg10[%get3A_762, %get3A_763] {strides = array<i32>} : memref<32x768xf32, #tpu.memory_space<vmem>>, vector<1x16xf32>,
              %get3A_765 = vector.shape_cast %get3A_764 : vector<1x16xf32> to vector<16xf32>
              %get3A_766 = arith.index_cast %add3A_641 : i32 to index
              %get3A_767 = arith.constant 64 : index
              %get3A_768 = tpu.vector_load %arg12[%get3A_766, %get3A_767] {strides = array<i32>} : memref<32x768xf32, #tpu.memory_space<vmem>>, vector<1x16xf32>,
              %get3A_769 = vector.shape_cast %get3A_768 : vector<1x16xf32> to vector<16xf32>
              %mul3A_770 = arith.mulf %gather3A_644, %get3A_31 : vector<16xf32>
              %add3A_771 = arith.addf %get3A_765, %mul3A_770 : vector<16xf32>
              %add3A_772 = arith.addf %get3A_769, %add3A_771 : vector<16xf32>
              %swap3A_773 = arith.index_cast %add3A_641 : i32 to index
              %swap3A_774 = arith.constant 64 : index
              %swap3A_775 = tpu.vector_load %arg12[%swap3A_773, %swap3A_774] {strides = array<i32>} : memref<32x768xf32, #tpu.memory_space<vmem>>, vector<1x16xf32>,
              %swap3A_776 = vector.shape_cast %swap3A_775 : vector<1x16xf32> to vector<16xf32>
              %swap3A_777 = vector.shape_cast %add3A_772 : vector<16xf32> to vector<1x16xf32>
              tpu.vector_store %arg12[%swap3A_773, %swap3A_774], %swap3A_777 {strides = array<i32>} : memref<32x768xf32, #tpu.memory_space<vmem>>, vector<1x16xf32>,
              %get3A_778 = arith.index_cast %add3A_641 : i32 to index
              %get3A_779 = arith.constant 64 : index
              %get3A_780 = tpu.vector_load %arg13[%get3A_778, %get3A_779] {strides = array<i32>} : memref<32x768xf32, #tpu.memory_space<vmem>>, vector<1x16xf32>,
              %get3A_781 = vector.shape_cast %get3A_780 : vector<1x16xf32> to vector<16xf32>
              %mul3A_782 = arith.mulf %gather3A_649, %get3A_31 : vector<16xf32>
              %add3A_783 = arith.addf %get3A_765, %mul3A_782 : vector<16xf32>
              %add3A_784 = arith.addf %get3A_781, %add3A_783 : vector<16xf32>
              %swap3A_785 = arith.index_cast %add3A_641 : i32 to index
              %swap3A_786 = arith.constant 64 : index
              %swap3A_787 = tpu.vector_load %arg13[%swap3A_785, %swap3A_786] {strides = array<i32>} : memref<32x768xf32, #tpu.memory_space<vmem>>, vector<1x16xf32>,
              %swap3A_788 = vector.shape_cast %swap3A_787 : vector<1x16xf32> to vector<16xf32>
              %swap3A_789 = vector.shape_cast %add3A_784 : vector<16xf32> to vector<1x16xf32>
              tpu.vector_store %arg13[%swap3A_785, %swap3A_786], %swap3A_789 {strides = array<i32>} : memref<32x768xf32, #tpu.memory_space<vmem>>, vector<1x16xf32>,
              %get3A_790 = arith.index_cast %add3A_641 : i32 to index
              %get3A_791 = arith.constant 80 : index
              %get3A_792 = tpu.vector_load %arg10[%get3A_790, %get3A_791] {strides = array<i32>} : memref<32x768xf32, #tpu.memory_space<vmem>>, vector<1x16xf32>,
              %get3A_793 = vector.shape_cast %get3A_792 : vector<1x16xf32> to vector<16xf32>
              %get3A_794 = arith.index_cast %add3A_641 : i32 to index
              %get3A_795 = arith.constant 80 : index
              %get3A_796 = tpu.vector_load %arg12[%get3A_794, %get3A_795] {strides = array<i32>} : memref<32x768xf32, #tpu.memory_space<vmem>>, vector<1x16xf32>,
              %get3A_797 = vector.shape_cast %get3A_796 : vector<1x16xf32> to vector<16xf32>
              %mul3A_798 = arith.mulf %gather3A_644, %get3A_36 : vector<16xf32>
              %add3A_799 = arith.addf %get3A_793, %mul3A_798 : vector<16xf32>
              %add3A_800 = arith.addf %get3A_797, %add3A_799 : vector<16xf32>
              %swap3A_801 = arith.index_cast %add3A_641 : i32 to index
              %swap3A_802 = arith.constant 80 : index
              %swap3A_803 = tpu.vector_load %arg12[%swap3A_801, %swap3A_802] {strides = array<i32>} : memref<32x768xf32, #tpu.memory_space<vmem>>, vector<1x16xf32>,
              %swap3A_804 = vector.shape_cast %swap3A_803 : vector<1x16xf32> to vector<16xf32>
              %swap3A_805 = vector.shape_cast %add3A_800 : vector<16xf32> to vector<1x16xf32>
              tpu.vector_store %arg12[%swap3A_801, %swap3A_802], %swap3A_805 {strides = array<i32>} : memref<32x768xf32, #tpu.memory_space<vmem>>, vector<1x16xf32>,
              %get3A_806 = arith.index_cast %add3A_641 : i32 to index
              %get3A_807 = arith.constant 80 : index
              %get3A_808 = tpu.vector_load %arg13[%get3A_806, %get3A_807] {strides = array<i32>} : memref<32x768xf32, #tpu.memory_space<vmem>>, vector<1x16xf32>,
              %get3A_809 = vector.shape_cast %get3A_808 : vector<1x16xf32> to vector<16xf32>
              %mul3A_810 = arith.mulf %gather3A_649, %get3A_36 : vector<16xf32>
              %add3A_811 = arith.addf %get3A_793, %mul3A_810 : vector<16xf32>
              %add3A_812 = arith.addf %get3A_809, %add3A_811 : vector<16xf32>
              %swap3A_813 = arith.index_cast %add3A_641 : i32 to index
              %swap3A_814 = arith.constant 80 : index
              %swap3A_815 = tpu.vector_load %arg13[%swap3A_813, %swap3A_814] {strides = array<i32>} : memref<32x768xf32, #tpu.memory_space<vmem>>, vector<1x16xf32>,
              %swap3A_816 = vector.shape_cast %swap3A_815 : vector<1x16xf32> to vector<16xf32>
              %swap3A_817 = vector.shape_cast %add3A_812 : vector<16xf32> to vector<1x16xf32>
              tpu.vector_store %arg13[%swap3A_813, %swap3A_814], %swap3A_817 {strides = array<i32>} : memref<32x768xf32, #tpu.memory_space<vmem>>, vector<1x16xf32>,
              %get3A_818 = arith.index_cast %add3A_641 : i32 to index
              %get3A_819 = arith.constant 96 : index
              %get3A_820 = tpu.vector_load %arg10[%get3A_818, %get3A_819] {strides = array<i32>} : memref<32x768xf32, #tpu.memory_space<vmem>>, vector<1x16xf32>,
              %get3A_821 = vector.shape_cast %get3A_820 : vector<1x16xf32> to vector<16xf32>
              %get3A_822 = arith.index_cast %add3A_641 : i32 to index
              %get3A_823 = arith.constant 96 : index
              %get3A_824 = tpu.vector_load %arg12[%get3A_822, %get3A_823] {strides = array<i32>} : memref<32x768xf32, #tpu.memory_space<vmem>>, vector<1x16xf32>,
              %get3A_825 = vector.shape_cast %get3A_824 : vector<1x16xf32> to vector<16xf32>
              %mul3A_826 = arith.mulf %gather3A_644, %get3A_41 : vector<16xf32>
              %add3A_827 = arith.addf %get3A_821, %mul3A_826 : vector<16xf32>
              %add3A_828 = arith.addf %get3A_825, %add3A_827 : vector<16xf32>
              %swap3A_829 = arith.index_cast %add3A_641 : i32 to index
              %swap3A_830 = arith.constant 96 : index
              %swap3A_831 = tpu.vector_load %arg12[%swap3A_829, %swap3A_830] {strides = array<i32>} : memref<32x768xf32, #tpu.memory_space<vmem>>, vector<1x16xf32>,
              %swap3A_832 = vector.shape_cast %swap3A_831 : vector<1x16xf32> to vector<16xf32>
              %swap3A_833 = vector.shape_cast %add3A_828 : vector<16xf32> to vector<1x16xf32>
              tpu.vector_store %arg12[%swap3A_829, %swap3A_830], %swap3A_833 {strides = array<i32>} : memref<32x768xf32, #tpu.memory_space<vmem>>, vector<1x16xf32>,
              %get3A_834 = arith.index_cast %add3A_641 : i32 to index
              %get3A_835 = arith.constant 96 : index
              %get3A_836 = tpu.vector_load %arg13[%get3A_834, %get3A_835] {strides = array<i32>} : memref<32x768xf32, #tpu.memory_space<vmem>>, vector<1x16xf32>,
              %get3A_837 = vector.shape_cast %get3A_836 : vector<1x16xf32> to vector<16xf32>
              %mul3A_838 = arith.mulf %gather3A_649, %get3A_41 : vector<16xf32>
              %add3A_839 = arith.addf %get3A_821, %mul3A_838 : vector<16xf32>
              %add3A_840 = arith.addf %get3A_837, %add3A_839 : vector<16xf32>
              %swap3A_841 = arith.index_cast %add3A_641 : i32 to index
              %swap3A_842 = arith.constant 96 : index
              %swap3A_843 = tpu.vector_load %arg13[%swap3A_841, %swap3A_842] {strides = array<i32>} : memref<32x768xf32, #tpu.memory_space<vmem>>, vector<1x16xf32>,
              %swap3A_844 = vector.shape_cast %swap3A_843 : vector<1x16xf32> to vector<16xf32>
              %swap3A_845 = vector.shape_cast %add3A_840 : vector<16xf32> to vector<1x16xf32>
              tpu.vector_store %arg13[%swap3A_841, %swap3A_842], %swap3A_845 {strides = array<i32>} : memref<32x768xf32, #tpu.memory_space<vmem>>, vector<1x16xf32>,
              %get3A_846 = arith.index_cast %add3A_641 : i32 to index
              %get3A_847 = arith.constant 112 : index
              %get3A_848 = tpu.vector_load %arg10[%get3A_846, %get3A_847] {strides = array<i32>} : memref<32x768xf32, #tpu.memory_space<vmem>>, vector<1x16xf32>,
              %get3A_849 = vector.shape_cast %get3A_848 : vector<1x16xf32> to vector<16xf32>
              %get3A_850 = arith.index_cast %add3A_641 : i32 to index
              %get3A_851 = arith.constant 112 : index
              %get3A_852 = tpu.vector_load %arg12[%get3A_850, %get3A_851] {strides = array<i32>} : memref<32x768xf32, #tpu.memory_space<vmem>>, vector<1x16xf32>,
              %get3A_853 = vector.shape_cast %get3A_852 : vector<1x16xf32> to vector<16xf32>
              %mul3A_854 = arith.mulf %gather3A_644, %get3A_46 : vector<16xf32>
              %add3A_855 = arith.addf %get3A_849, %mul3A_854 : vector<16xf32>
              %add3A_856 = arith.addf %get3A_853, %add3A_855 : vector<16xf32>
              %swap3A_857 = arith.index_cast %add3A_641 : i32 to index
              %swap3A_858 = arith.constant 112 : index
              %swap3A_859 = tpu.vector_load %arg12[%swap3A_857, %swap3A_858] {strides = array<i32>} : memref<32x768xf32, #tpu.memory_space<vmem>>, vector<1x16xf32>,
              %swap3A_860 = vector.shape_cast %swap3A_859 : vector<1x16xf32> to vector<16xf32>
              %swap3A_861 = vector.shape_cast %add3A_856 : vector<16xf32> to vector<1x16xf32>
              tpu.vector_store %arg12[%swap3A_857, %swap3A_858], %swap3A_861 {strides = array<i32>} : memref<32x768xf32, #tpu.memory_space<vmem>>, vector<1x16xf32>,
              %get3A_862 = arith.index_cast %add3A_641 : i32 to index
              %get3A_863 = arith.constant 112 : index
              %get3A_864 = tpu.vector_load %arg13[%get3A_862, %get3A_863] {strides = array<i32>} : memref<32x768xf32, #tpu.memory_space<vmem>>, vector<1x16xf32>,
              %get3A_865 = vector.shape_cast %get3A_864 : vector<1x16xf32> to vector<16xf32>
              %mul3A_866 = arith.mulf %gather3A_649, %get3A_46 : vector<16xf32>
              %add3A_867 = arith.addf %get3A_849, %mul3A_866 : vector<16xf32>
              %add3A_868 = arith.addf %get3A_865, %add3A_867 : vector<16xf32>
              %swap3A_869 = arith.index_cast %add3A_641 : i32 to index
              %swap3A_870 = arith.constant 112 : index
              %swap3A_871 = tpu.vector_load %arg13[%swap3A_869, %swap3A_870] {strides = array<i32>} : memref<32x768xf32, #tpu.memory_space<vmem>>, vector<1x16xf32>,
              %swap3A_872 = vector.shape_cast %swap3A_871 : vector<1x16xf32> to vector<16xf32>
              %swap3A_873 = vector.shape_cast %add3A_868 : vector<16xf32> to vector<1x16xf32>
              tpu.vector_store %arg13[%swap3A_869, %swap3A_870], %swap3A_873 {strides = array<i32>} : memref<32x768xf32, #tpu.memory_space<vmem>>, vector<1x16xf32>,
              %get3A_874 = arith.index_cast %add3A_641 : i32 to index
              %get3A_875 = arith.constant 128 : index
              %get3A_876 = tpu.vector_load %arg10[%get3A_874, %get3A_875] {strides = array<i32>} : memref<32x768xf32, #tpu.memory_space<vmem>>, vector<1x16xf32>,
              %get3A_877 = vector.shape_cast %get3A_876 : vector<1x16xf32> to vector<16xf32>
              %get3A_878 = arith.index_cast %add3A_641 : i32 to index
              %get3A_879 = arith.constant 128 : index
              %get3A_880 = tpu.vector_load %arg12[%get3A_878, %get3A_879] {strides = array<i32>} : memref<32x768xf32, #tpu.memory_space<vmem>>, vector<1x16xf32>,
              %get3A_881 = vector.shape_cast %get3A_880 : vector<1x16xf32> to vector<16xf32>
              %mul3A_882 = arith.mulf %gather3A_644, %get3A_51 : vector<16xf32>
              %add3A_883 = arith.addf %get3A_877, %mul3A_882 : vector<16xf32>
              %add3A_884 = arith.addf %get3A_881, %add3A_883 : vector<16xf32>
              %swap3A_885 = arith.index_cast %add3A_641 : i32 to index
              %swap3A_886 = arith.constant 128 : index
              %swap3A_887 = tpu.vector_load %arg12[%swap3A_885, %swap3A_886] {strides = array<i32>} : memref<32x768xf32, #tpu.memory_space<vmem>>, vector<1x16xf32>,
              %swap3A_888 = vector.shape_cast %swap3A_887 : vector<1x16xf32> to vector<16xf32>
              %swap3A_889 = vector.shape_cast %add3A_884 : vector<16xf32> to vector<1x16xf32>
              tpu.vector_store %arg12[%swap3A_885, %swap3A_886], %swap3A_889 {strides = array<i32>} : memref<32x768xf32, #tpu.memory_space<vmem>>, vector<1x16xf32>,
              %get3A_890 = arith.index_cast %add3A_641 : i32 to index
              %get3A_891 = arith.constant 128 : index
              %get3A_892 = tpu.vector_load %arg13[%get3A_890, %get3A_891] {strides = array<i32>} : memref<32x768xf32, #tpu.memory_space<vmem>>, vector<1x16xf32>,
              %get3A_893 = vector.shape_cast %get3A_892 : vector<1x16xf32> to vector<16xf32>
              %mul3A_894 = arith.mulf %gather3A_649, %get3A_51 : vector<16xf32>
              %add3A_895 = arith.addf %get3A_877, %mul3A_894 : vector<16xf32>
              %add3A_896 = arith.addf %get3A_893, %add3A_895 : vector<16xf32>
              %swap3A_897 = arith.index_cast %add3A_641 : i32 to index
              %swap3A_898 = arith.constant 128 : index
              %swap3A_899 = tpu.vector_load %arg13[%swap3A_897, %swap3A_898] {strides = array<i32>} : memref<32x768xf32, #tpu.memory_space<vmem>>, vector<1x16xf32>,
              %swap3A_900 = vector.shape_cast %swap3A_899 : vector<1x16xf32> to vector<16xf32>
              %swap3A_901 = vector.shape_cast %add3A_896 : vector<16xf32> to vector<1x16xf32>
              tpu.vector_store %arg13[%swap3A_897, %swap3A_898], %swap3A_901 {strides = array<i32>} : memref<32x768xf32, #tpu.memory_space<vmem>>, vector<1x16xf32>,
              %get3A_902 = arith.index_cast %add3A_641 : i32 to index
              %get3A_903 = arith.constant 144 : index
              %get3A_904 = tpu.vector_load %arg10[%get3A_902, %get3A_903] {strides = array<i32>} : memref<32x768xf32, #tpu.memory_space<vmem>>, vector<1x16xf32>,
              %get3A_905 = vector.shape_cast %get3A_904 : vector<1x16xf32> to vector<16xf32>
              %get3A_906 = arith.index_cast %add3A_641 : i32 to index
              %get3A_907 = arith.constant 144 : index
              %get3A_908 = tpu.vector_load %arg12[%get3A_906, %get3A_907] {strides = array<i32>} : memref<32x768xf32, #tpu.memory_space<vmem>>, vector<1x16xf32>,
              %get3A_909 = vector.shape_cast %get3A_908 : vector<1x16xf32> to vector<16xf32>
              %mul3A_910 = arith.mulf %gather3A_644, %get3A_56 : vector<16xf32>
              %add3A_911 = arith.addf %get3A_905, %mul3A_910 : vector<16xf32>
              %add3A_912 = arith.addf %get3A_909, %add3A_911 : vector<16xf32>
              %swap3A_913 = arith.index_cast %add3A_641 : i32 to index
              %swap3A_914 = arith.constant 144 : index
              %swap3A_915 = tpu.vector_load %arg12[%swap3A_913, %swap3A_914] {strides = array<i32>} : memref<32x768xf32, #tpu.memory_space<vmem>>, vector<1x16xf32>,
              %swap3A_916 = vector.shape_cast %swap3A_915 : vector<1x16xf32> to vector<16xf32>
              %swap3A_917 = vector.shape_cast %add3A_912 : vector<16xf32> to vector<1x16xf32>
              tpu.vector_store %arg12[%swap3A_913, %swap3A_914], %swap3A_917 {strides = array<i32>} : memref<32x768xf32, #tpu.memory_space<vmem>>, vector<1x16xf32>,
              %get3A_918 = arith.index_cast %add3A_641 : i32 to index
              %get3A_919 = arith.constant 144 : index
              %get3A_920 = tpu.vector_load %arg13[%get3A_918, %get3A_919] {strides = array<i32>} : memref<32x768xf32, #tpu.memory_space<vmem>>, vector<1x16xf32>,
              %get3A_921 = vector.shape_cast %get3A_920 : vector<1x16xf32> to vector<16xf32>
              %mul3A_922 = arith.mulf %gather3A_649, %get3A_56 : vector<16xf32>
              %add3A_923 = arith.addf %get3A_905, %mul3A_922 : vector<16xf32>
              %add3A_924 = arith.addf %get3A_921, %add3A_923 : vector<16xf32>
              %swap3A_925 = arith.index_cast %add3A_641 : i32 to index
              %swap3A_926 = arith.constant 144 : index
              %swap3A_927 = tpu.vector_load %arg13[%swap3A_925, %swap3A_926] {strides = array<i32>} : memref<32x768xf32, #tpu.memory_space<vmem>>, vector<1x16xf32>,
              %swap3A_928 = vector.shape_cast %swap3A_927 : vector<1x16xf32> to vector<16xf32>
              %swap3A_929 = vector.shape_cast %add3A_924 : vector<16xf32> to vector<1x16xf32>
              tpu.vector_store %arg13[%swap3A_925, %swap3A_926], %swap3A_929 {strides = array<i32>} : memref<32x768xf32, #tpu.memory_space<vmem>>, vector<1x16xf32>,
              %get3A_930 = arith.index_cast %add3A_641 : i32 to index
              %get3A_931 = arith.constant 160 : index
              %get3A_932 = tpu.vector_load %arg10[%get3A_930, %get3A_931] {strides = array<i32>} : memref<32x768xf32, #tpu.memory_space<vmem>>, vector<1x16xf32>,
              %get3A_933 = vector.shape_cast %get3A_932 : vector<1x16xf32> to vector<16xf32>
              %get3A_934 = arith.index_cast %add3A_641 : i32 to index
              %get3A_935 = arith.constant 160 : index
              %get3A_936 = tpu.vector_load %arg12[%get3A_934, %get3A_935] {strides = array<i32>} : memref<32x768xf32, #tpu.memory_space<vmem>>, vector<1x16xf32>,
              %get3A_937 = vector.shape_cast %get3A_936 : vector<1x16xf32> to vector<16xf32>
              %mul3A_938 = arith.mulf %gather3A_644, %get3A_61 : vector<16xf32>
              %add3A_939 = arith.addf %get3A_933, %mul3A_938 : vector<16xf32>
              %add3A_940 = arith.addf %get3A_937, %add3A_939 : vector<16xf32>
              %swap3A_941 = arith.index_cast %add3A_641 : i32 to index
              %swap3A_942 = arith.constant 160 : index
              %swap3A_943 = tpu.vector_load %arg12[%swap3A_941, %swap3A_942] {strides = array<i32>} : memref<32x768xf32, #tpu.memory_space<vmem>>, vector<1x16xf32>,
              %swap3A_944 = vector.shape_cast %swap3A_943 : vector<1x16xf32> to vector<16xf32>
              %swap3A_945 = vector.shape_cast %add3A_940 : vector<16xf32> to vector<1x16xf32>
              tpu.vector_store %arg12[%swap3A_941, %swap3A_942], %swap3A_945 {strides = array<i32>} : memref<32x768xf32, #tpu.memory_space<vmem>>, vector<1x16xf32>,
              %get3A_946 = arith.index_cast %add3A_641 : i32 to index
              %get3A_947 = arith.constant 160 : index
              %get3A_948 = tpu.vector_load %arg13[%get3A_946, %get3A_947] {strides = array<i32>} : memref<32x768xf32, #tpu.memory_space<vmem>>, vector<1x16xf32>,
              %get3A_949 = vector.shape_cast %get3A_948 : vector<1x16xf32> to vector<16xf32>
              %mul3A_950 = arith.mulf %gather3A_649, %get3A_61 : vector<16xf32>
              %add3A_951 = arith.addf %get3A_933, %mul3A_950 : vector<16xf32>
              %add3A_952 = arith.addf %get3A_949, %add3A_951 : vector<16xf32>
              %swap3A_953 = arith.index_cast %add3A_641 : i32 to index
              %swap3A_954 = arith.constant 160 : index
              %swap3A_955 = tpu.vector_load %arg13[%swap3A_953, %swap3A_954] {strides = array<i32>} : memref<32x768xf32, #tpu.memory_space<vmem>>, vector<1x16xf32>,
              %swap3A_956 = vector.shape_cast %swap3A_955 : vector<1x16xf32> to vector<16xf32>
              %swap3A_957 = vector.shape_cast %add3A_952 : vector<16xf32> to vector<1x16xf32>
              tpu.vector_store %arg13[%swap3A_953, %swap3A_954], %swap3A_957 {strides = array<i32>} : memref<32x768xf32, #tpu.memory_space<vmem>>, vector<1x16xf32>,
              %get3A_958 = arith.index_cast %add3A_641 : i32 to index
              %get3A_959 = arith.constant 176 : index
              %get3A_960 = tpu.vector_load %arg10[%get3A_958, %get3A_959] {strides = array<i32>} : memref<32x768xf32, #tpu.memory_space<vmem>>, vector<1x16xf32>,
              %get3A_961 = vector.shape_cast %get3A_960 : vector<1x16xf32> to vector<16xf32>
              %get3A_962 = arith.index_cast %add3A_641 : i32 to index
              %get3A_963 = arith.constant 176 : index
              %get3A_964 = tpu.vector_load %arg12[%get3A_962, %get3A_963] {strides = array<i32>} : memref<32x768xf32, #tpu.memory_space<vmem>>, vector<1x16xf32>,
              %get3A_965 = vector.shape_cast %get3A_964 : vector<1x16xf32> to vector<16xf32>
              %mul3A_966 = arith.mulf %gather3A_644, %get3A_66 : vector<16xf32>
              %add3A_967 = arith.addf %get3A_961, %mul3A_966 : vector<16xf32>
              %add3A_968 = arith.addf %get3A_965, %add3A_967 : vector<16xf32>
              %swap3A_969 = arith.index_cast %add3A_641 : i32 to index
              %swap3A_970 = arith.constant 176 : index
              %swap3A_971 = tpu.vector_load %arg12[%swap3A_969, %swap3A_970] {strides = array<i32>} : memref<32x768xf32, #tpu.memory_space<vmem>>, vector<1x16xf32>,
              %swap3A_972 = vector.shape_cast %swap3A_971 : vector<1x16xf32> to vector<16xf32>
              %swap3A_973 = vector.shape_cast %add3A_968 : vector<16xf32> to vector<1x16xf32>
              tpu.vector_store %arg12[%swap3A_969, %swap3A_970], %swap3A_973 {strides = array<i32>} : memref<32x768xf32, #tpu.memory_space<vmem>>, vector<1x16xf32>,
              %get3A_974 = arith.index_cast %add3A_641 : i32 to index
              %get3A_975 = arith.constant 176 : index
              %get3A_976 = tpu.vector_load %arg13[%get3A_974, %get3A_975] {strides = array<i32>} : memref<32x768xf32, #tpu.memory_space<vmem>>, vector<1x16xf32>,
              %get3A_977 = vector.shape_cast %get3A_976 : vector<1x16xf32> to vector<16xf32>
              %mul3A_978 = arith.mulf %gather3A_649, %get3A_66 : vector<16xf32>
              %add3A_979 = arith.addf %get3A_961, %mul3A_978 : vector<16xf32>
              %add3A_980 = arith.addf %get3A_977, %add3A_979 : vector<16xf32>
              %swap3A_981 = arith.index_cast %add3A_641 : i32 to index
              %swap3A_982 = arith.constant 176 : index
              %swap3A_983 = tpu.vector_load %arg13[%swap3A_981, %swap3A_982] {strides = array<i32>} : memref<32x768xf32, #tpu.memory_space<vmem>>, vector<1x16xf32>,
              %swap3A_984 = vector.shape_cast %swap3A_983 : vector<1x16xf32> to vector<16xf32>
              %swap3A_985 = vector.shape_cast %add3A_980 : vector<16xf32> to vector<1x16xf32>
              tpu.vector_store %arg13[%swap3A_981, %swap3A_982], %swap3A_985 {strides = array<i32>} : memref<32x768xf32, #tpu.memory_space<vmem>>, vector<1x16xf32>,
              %get3A_986 = arith.index_cast %add3A_641 : i32 to index
              %get3A_987 = arith.constant 192 : index
              %get3A_988 = tpu.vector_load %arg10[%get3A_986, %get3A_987] {strides = array<i32>} : memref<32x768xf32, #tpu.memory_space<vmem>>, vector<1x16xf32>,
              %get3A_989 = vector.shape_cast %get3A_988 : vector<1x16xf32> to vector<16xf32>
              %get3A_990 = arith.index_cast %add3A_641 : i32 to index
              %get3A_991 = arith.constant 192 : index
              %get3A_992 = tpu.vector_load %arg12[%get3A_990, %get3A_991] {strides = array<i32>} : memref<32x768xf32, #tpu.memory_space<vmem>>, vector<1x16xf32>,
              %get3A_993 = vector.shape_cast %get3A_992 : vector<1x16xf32> to vector<16xf32>
              %mul3A_994 = arith.mulf %gather3A_644, %get3A_71 : vector<16xf32>
              %add3A_995 = arith.addf %get3A_989, %mul3A_994 : vector<16xf32>
              %add3A_996 = arith.addf %get3A_993, %add3A_995 : vector<16xf32>
              %swap3A_997 = arith.index_cast %add3A_641 : i32 to index
              %swap3A_998 = arith.constant 192 : index
              %swap3A_999 = tpu.vector_load %arg12[%swap3A_997, %swap3A_998] {strides = array<i32>} : memref<32x768xf32, #tpu.memory_space<vmem>>, vector<1x16xf32>,
              %swap3A_1000 = vector.shape_cast %swap3A_999 : vector<1x16xf32> to vector<16xf32>
              %swap3A_1001 = vector.shape_cast %add3A_996 : vector<16xf32> to vector<1x16xf32>
              tpu.vector_store %arg12[%swap3A_997, %swap3A_998], %swap3A_1001 {strides = array<i32>} : memref<32x768xf32, #tpu.memory_space<vmem>>, vector<1x16xf32>,
              %get3A_1002 = arith.index_cast %add3A_641 : i32 to index
              %get3A_1003 = arith.constant 192 : index
              %get3A_1004 = tpu.vector_load %arg13[%get3A_1002, %get3A_1003] {strides = array<i32>} : memref<32x768xf32, #tpu.memory_space<vmem>>, vector<1x16xf32>,
              %get3A_1005 = vector.shape_cast %get3A_1004 : vector<1x16xf32> to vector<16xf32>
              %mul3A_1006 = arith.mulf %gather3A_649, %get3A_71 : vector<16xf32>
              %add3A_1007 = arith.addf %get3A_989, %mul3A_1006 : vector<16xf32>
              %add3A_1008 = arith.addf %get3A_1005, %add3A_1007 : vector<16xf32>
              %swap3A_1009 = arith.index_cast %add3A_641 : i32 to index
              %swap3A_1010 = arith.constant 192 : index
              %swap3A_1011 = tpu.vector_load %arg13[%swap3A_1009, %swap3A_1010] {strides = array<i32>} : memref<32x768xf32, #tpu.memory_space<vmem>>, vector<1x16xf32>,
              %swap3A_1012 = vector.shape_cast %swap3A_1011 : vector<1x16xf32> to vector<16xf32>
              %swap3A_1013 = vector.shape_cast %add3A_1008 : vector<16xf32> to vector<1x16xf32>
              tpu.vector_store %arg13[%swap3A_1009, %swap3A_1010], %swap3A_1013 {strides = array<i32>} : memref<32x768xf32, #tpu.memory_space<vmem>>, vector<1x16xf32>,
              %get3A_1014 = arith.index_cast %add3A_641 : i32 to index
              %get3A_1015 = arith.constant 208 : index
              %get3A_1016 = tpu.vector_load %arg10[%get3A_1014, %get3A_1015] {strides = array<i32>} : memref<32x768xf32, #tpu.memory_space<vmem>>, vector<1x16xf32>,
              %get3A_1017 = vector.shape_cast %get3A_1016 : vector<1x16xf32> to vector<16xf32>
              %get3A_1018 = arith.index_cast %add3A_641 : i32 to index
              %get3A_1019 = arith.constant 208 : index
              %get3A_1020 = tpu.vector_load %arg12[%get3A_1018, %get3A_1019] {strides = array<i32>} : memref<32x768xf32, #tpu.memory_space<vmem>>, vector<1x16xf32>,
              %get3A_1021 = vector.shape_cast %get3A_1020 : vector<1x16xf32> to vector<16xf32>
              %mul3A_1022 = arith.mulf %gather3A_644, %get3A_76 : vector<16xf32>
              %add3A_1023 = arith.addf %get3A_1017, %mul3A_1022 : vector<16xf32>
              %add3A_1024 = arith.addf %get3A_1021, %add3A_1023 : vector<16xf32>
              %swap3A_1025 = arith.index_cast %add3A_641 : i32 to index
              %swap3A_1026 = arith.constant 208 : index
              %swap3A_1027 = tpu.vector_load %arg12[%swap3A_1025, %swap3A_1026] {strides = array<i32>} : memref<32x768xf32, #tpu.memory_space<vmem>>, vector<1x16xf32>,
              %swap3A_1028 = vector.shape_cast %swap3A_1027 : vector<1x16xf32> to vector<16xf32>
              %swap3A_1029 = vector.shape_cast %add3A_1024 : vector<16xf32> to vector<1x16xf32>
              tpu.vector_store %arg12[%swap3A_1025, %swap3A_1026], %swap3A_1029 {strides = array<i32>} : memref<32x768xf32, #tpu.memory_space<vmem>>, vector<1x16xf32>,
              %get3A_1030 = arith.index_cast %add3A_641 : i32 to index
              %get3A_1031 = arith.constant 208 : index
              %get3A_1032 = tpu.vector_load %arg13[%get3A_1030, %get3A_1031] {strides = array<i32>} : memref<32x768xf32, #tpu.memory_space<vmem>>, vector<1x16xf32>,
              %get3A_1033 = vector.shape_cast %get3A_1032 : vector<1x16xf32> to vector<16xf32>
              %mul3A_1034 = arith.mulf %gather3A_649, %get3A_76 : vector<16xf32>
              %add3A_1035 = arith.addf %get3A_1017, %mul3A_1034 : vector<16xf32>
              %add3A_1036 = arith.addf %get3A_1033, %add3A_1035 : vector<16xf32>
              %swap3A_1037 = arith.index_cast %add3A_641 : i32 to index
              %swap3A_1038 = arith.constant 208 : index
              %swap3A_1039 = tpu.vector_load %arg13[%swap3A_1037, %swap3A_1038] {strides = array<i32>} : memref<32x768xf32, #tpu.memory_space<vmem>>, vector<1x16xf32>,
              %swap3A_1040 = vector.shape_cast %swap3A_1039 : vector<1x16xf32> to vector<16xf32>
              %swap3A_1041 = vector.shape_cast %add3A_1036 : vector<16xf32> to vector<1x16xf32>
              tpu.vector_store %arg13[%swap3A_1037, %swap3A_1038], %swap3A_1041 {strides = array<i32>} : memref<32x768xf32, #tpu.memory_space<vmem>>, vector<1x16xf32>,
              %get3A_1042 = arith.index_cast %add3A_641 : i32 to index
              %get3A_1043 = arith.constant 224 : index
              %get3A_1044 = tpu.vector_load %arg10[%get3A_1042, %get3A_1043] {strides = array<i32>} : memref<32x768xf32, #tpu.memory_space<vmem>>, vector<1x16xf32>,
              %get3A_1045 = vector.shape_cast %get3A_1044 : vector<1x16xf32> to vector<16xf32>
              %get3A_1046 = arith.index_cast %add3A_641 : i32 to index
              %get3A_1047 = arith.constant 224 : index
              %get3A_1048 = tpu.vector_load %arg12[%get3A_1046, %get3A_1047] {strides = array<i32>} : memref<32x768xf32, #tpu.memory_space<vmem>>, vector<1x16xf32>,
              %get3A_1049 = vector.shape_cast %get3A_1048 : vector<1x16xf32> to vector<16xf32>
              %mul3A_1050 = arith.mulf %gather3A_644, %get3A_81 : vector<16xf32>
              %add3A_1051 = arith.addf %get3A_1045, %mul3A_1050 : vector<16xf32>
              %add3A_1052 = arith.addf %get3A_1049, %add3A_1051 : vector<16xf32>
              %swap3A_1053 = arith.index_cast %add3A_641 : i32 to index
              %swap3A_1054 = arith.constant 224 : index
              %swap3A_1055 = tpu.vector_load %arg12[%swap3A_1053, %swap3A_1054] {strides = array<i32>} : memref<32x768xf32, #tpu.memory_space<vmem>>, vector<1x16xf32>,
              %swap3A_1056 = vector.shape_cast %swap3A_1055 : vector<1x16xf32> to vector<16xf32>
              %swap3A_1057 = vector.shape_cast %add3A_1052 : vector<16xf32> to vector<1x16xf32>
              tpu.vector_store %arg12[%swap3A_1053, %swap3A_1054], %swap3A_1057 {strides = array<i32>} : memref<32x768xf32, #tpu.memory_space<vmem>>, vector<1x16xf32>,
              %get3A_1058 = arith.index_cast %add3A_641 : i32 to index
              %get3A_1059 = arith.constant 224 : index
              %get3A_1060 = tpu.vector_load %arg13[%get3A_1058, %get3A_1059] {strides = array<i32>} : memref<32x768xf32, #tpu.memory_space<vmem>>, vector<1x16xf32>,
              %get3A_1061 = vector.shape_cast %get3A_1060 : vector<1x16xf32> to vector<16xf32>
              %mul3A_1062 = arith.mulf %gather3A_649, %get3A_81 : vector<16xf32>
              %add3A_1063 = arith.addf %get3A_1045, %mul3A_1062 : vector<16xf32>
              %add3A_1064 = arith.addf %get3A_1061, %add3A_1063 : vector<16xf32>
              %swap3A_1065 = arith.index_cast %add3A_641 : i32 to index
              %swap3A_1066 = arith.constant 224 : index
              %swap3A_1067 = tpu.vector_load %arg13[%swap3A_1065, %swap3A_1066] {strides = array<i32>} : memref<32x768xf32, #tpu.memory_space<vmem>>, vector<1x16xf32>,
              %swap3A_1068 = vector.shape_cast %swap3A_1067 : vector<1x16xf32> to vector<16xf32>
              %swap3A_1069 = vector.shape_cast %add3A_1064 : vector<16xf32> to vector<1x16xf32>
              tpu.vector_store %arg13[%swap3A_1065, %swap3A_1066], %swap3A_1069 {strides = array<i32>} : memref<32x768xf32, #tpu.memory_space<vmem>>, vector<1x16xf32>,
              %get3A_1070 = arith.index_cast %add3A_641 : i32 to index
              %get3A_1071 = arith.constant 240 : index
              %get3A_1072 = tpu.vector_load %arg10[%get3A_1070, %get3A_1071] {strides = array<i32>} : memref<32x768xf32, #tpu.memory_space<vmem>>, vector<1x16xf32>,
              %get3A_1073 = vector.shape_cast %get3A_1072 : vector<1x16xf32> to vector<16xf32>
              %get3A_1074 = arith.index_cast %add3A_641 : i32 to index
              %get3A_1075 = arith.constant 240 : index
              %get3A_1076 = tpu.vector_load %arg12[%get3A_1074, %get3A_1075] {strides = array<i32>} : memref<32x768xf32, #tpu.memory_space<vmem>>, vector<1x16xf32>,
              %get3A_1077 = vector.shape_cast %get3A_1076 : vector<1x16xf32> to vector<16xf32>
              %mul3A_1078 = arith.mulf %gather3A_644, %get3A_86 : vector<16xf32>
              %add3A_1079 = arith.addf %get3A_1073, %mul3A_1078 : vector<16xf32>
              %add3A_1080 = arith.addf %get3A_1077, %add3A_1079 : vector<16xf32>
              %swap3A_1081 = arith.index_cast %add3A_641 : i32 to index
              %swap3A_1082 = arith.constant 240 : index
              %swap3A_1083 = tpu.vector_load %arg12[%swap3A_1081, %swap3A_1082] {strides = array<i32>} : memref<32x768xf32, #tpu.memory_space<vmem>>, vector<1x16xf32>,
              %swap3A_1084 = vector.shape_cast %swap3A_1083 : vector<1x16xf32> to vector<16xf32>
              %swap3A_1085 = vector.shape_cast %add3A_1080 : vector<16xf32> to vector<1x16xf32>
              tpu.vector_store %arg12[%swap3A_1081, %swap3A_1082], %swap3A_1085 {strides = array<i32>} : memref<32x768xf32, #tpu.memory_space<vmem>>, vector<1x16xf32>,
              %get3A_1086 = arith.index_cast %add3A_641 : i32 to index
              %get3A_1087 = arith.constant 240 : index
              %get3A_1088 = tpu.vector_load %arg13[%get3A_1086, %get3A_1087] {strides = array<i32>} : memref<32x768xf32, #tpu.memory_space<vmem>>, vector<1x16xf32>,
              %get3A_1089 = vector.shape_cast %get3A_1088 : vector<1x16xf32> to vector<16xf32>
              %mul3A_1090 = arith.mulf %gather3A_649, %get3A_86 : vector<16xf32>
              %add3A_1091 = arith.addf %get3A_1073, %mul3A_1090 : vector<16xf32>
              %add3A_1092 = arith.addf %get3A_1089, %add3A_1091 : vector<16xf32>
              %swap3A_1093 = arith.index_cast %add3A_641 : i32 to index
              %swap3A_1094 = arith.constant 240 : index
              %swap3A_1095 = tpu.vector_load %arg13[%swap3A_1093, %swap3A_1094] {strides = array<i32>} : memref<32x768xf32, #tpu.memory_space<vmem>>, vector<1x16xf32>,
              %swap3A_1096 = vector.shape_cast %swap3A_1095 : vector<1x16xf32> to vector<16xf32>
              %swap3A_1097 = vector.shape_cast %add3A_1092 : vector<16xf32> to vector<1x16xf32>
              tpu.vector_store %arg13[%swap3A_1093, %swap3A_1094], %swap3A_1097 {strides = array<i32>} : memref<32x768xf32, #tpu.memory_space<vmem>>, vector<1x16xf32>,
              %get3A_1098 = arith.index_cast %add3A_641 : i32 to index
              %get3A_1099 = arith.constant 256 : index
              %get3A_1100 = tpu.vector_load %arg10[%get3A_1098, %get3A_1099] {strides = array<i32>} : memref<32x768xf32, #tpu.memory_space<vmem>>, vector<1x16xf32>,
              %get3A_1101 = vector.shape_cast %get3A_1100 : vector<1x16xf32> to vector<16xf32>
              %get3A_1102 = arith.index_cast %add3A_641 : i32 to index
              %get3A_1103 = arith.constant 256 : index
              %get3A_1104 = tpu.vector_load %arg12[%get3A_1102, %get3A_1103] {strides = array<i32>} : memref<32x768xf32, #tpu.memory_space<vmem>>, vector<1x16xf32>,
              %get3A_1105 = vector.shape_cast %get3A_1104 : vector<1x16xf32> to vector<16xf32>
              %mul3A_1106 = arith.mulf %gather3A_644, %get3A_91 : vector<16xf32>
              %add3A_1107 = arith.addf %get3A_1101, %mul3A_1106 : vector<16xf32>
              %add3A_1108 = arith.addf %get3A_1105, %add3A_1107 : vector<16xf32>
              %swap3A_1109 = arith.index_cast %add3A_641 : i32 to index
              %swap3A_1110 = arith.constant 256 : index
              %swap3A_1111 = tpu.vector_load %arg12[%swap3A_1109, %swap3A_1110] {strides = array<i32>} : memref<32x768xf32, #tpu.memory_space<vmem>>, vector<1x16xf32>,
              %swap3A_1112 = vector.shape_cast %swap3A_1111 : vector<1x16xf32> to vector<16xf32>
              %swap3A_1113 = vector.shape_cast %add3A_1108 : vector<16xf32> to vector<1x16xf32>
              tpu.vector_store %arg12[%swap3A_1109, %swap3A_1110], %swap3A_1113 {strides = array<i32>} : memref<32x768xf32, #tpu.memory_space<vmem>>, vector<1x16xf32>,
              %get3A_1114 = arith.index_cast %add3A_641 : i32 to index
              %get3A_1115 = arith.constant 256 : index
              %get3A_1116 = tpu.vector_load %arg13[%get3A_1114, %get3A_1115] {strides = array<i32>} : memref<32x768xf32, #tpu.memory_space<vmem>>, vector<1x16xf32>,
              %get3A_1117 = vector.shape_cast %get3A_1116 : vector<1x16xf32> to vector<16xf32>
              %mul3A_1118 = arith.mulf %gather3A_649, %get3A_91 : vector<16xf32>
              %add3A_1119 = arith.addf %get3A_1101, %mul3A_1118 : vector<16xf32>
              %add3A_1120 = arith.addf %get3A_1117, %add3A_1119 : vector<16xf32>
              %swap3A_1121 = arith.index_cast %add3A_641 : i32 to index
              %swap3A_1122 = arith.constant 256 : index
              %swap3A_1123 = tpu.vector_load %arg13[%swap3A_1121, %swap3A_1122] {strides = array<i32>} : memref<32x768xf32, #tpu.memory_space<vmem>>, vector<1x16xf32>,
              %swap3A_1124 = vector.shape_cast %swap3A_1123 : vector<1x16xf32> to vector<16xf32>
              %swap3A_1125 = vector.shape_cast %add3A_1120 : vector<16xf32> to vector<1x16xf32>
              tpu.vector_store %arg13[%swap3A_1121, %swap3A_1122], %swap3A_1125 {strides = array<i32>} : memref<32x768xf32, #tpu.memory_space<vmem>>, vector<1x16xf32>,
              %get3A_1126 = arith.index_cast %add3A_641 : i32 to index
              %get3A_1127 = arith.constant 272 : index
              %get3A_1128 = tpu.vector_load %arg10[%get3A_1126, %get3A_1127] {strides = array<i32>} : memref<32x768xf32, #tpu.memory_space<vmem>>, vector<1x16xf32>,
              %get3A_1129 = vector.shape_cast %get3A_1128 : vector<1x16xf32> to vector<16xf32>
              %get3A_1130 = arith.index_cast %add3A_641 : i32 to index
              %get3A_1131 = arith.constant 272 : index
              %get3A_1132 = tpu.vector_load %arg12[%get3A_1130, %get3A_1131] {strides = array<i32>} : memref<32x768xf32, #tpu.memory_space<vmem>>, vector<1x16xf32>,
              %get3A_1133 = vector.shape_cast %get3A_1132 : vector<1x16xf32> to vector<16xf32>
              %mul3A_1134 = arith.mulf %gather3A_644, %get3A_96 : vector<16xf32>
              %add3A_1135 = arith.addf %get3A_1129, %mul3A_1134 : vector<16xf32>
              %add3A_1136 = arith.addf %get3A_1133, %add3A_1135 : vector<16xf32>
              %swap3A_1137 = arith.index_cast %add3A_641 : i32 to index
              %swap3A_1138 = arith.constant 272 : index
              %swap3A_1139 = tpu.vector_load %arg12[%swap3A_1137, %swap3A_1138] {strides = array<i32>} : memref<32x768xf32, #tpu.memory_space<vmem>>, vector<1x16xf32>,
              %swap3A_1140 = vector.shape_cast %swap3A_1139 : vector<1x16xf32> to vector<16xf32>
              %swap3A_1141 = vector.shape_cast %add3A_1136 : vector<16xf32> to vector<1x16xf32>
              tpu.vector_store %arg12[%swap3A_1137, %swap3A_1138], %swap3A_1141 {strides = array<i32>} : memref<32x768xf32, #tpu.memory_space<vmem>>, vector<1x16xf32>,
              %get3A_1142 = arith.index_cast %add3A_641 : i32 to index
              %get3A_1143 = arith.constant 272 : index
              %get3A_1144 = tpu.vector_load %arg13[%get3A_1142, %get3A_1143] {strides = array<i32>} : memref<32x768xf32, #tpu.memory_space<vmem>>, vector<1x16xf32>,
              %get3A_1145 = vector.shape_cast %get3A_1144 : vector<1x16xf32> to vector<16xf32>
              %mul3A_1146 = arith.mulf %gather3A_649, %get3A_96 : vector<16xf32>
              %add3A_1147 = arith.addf %get3A_1129, %mul3A_1146 : vector<16xf32>
              %add3A_1148 = arith.addf %get3A_1145, %add3A_1147 : vector<16xf32>
              %swap3A_1149 = arith.index_cast %add3A_641 : i32 to index
              %swap3A_1150 = arith.constant 272 : index
              %swap3A_1151 = tpu.vector_load %arg13[%swap3A_1149, %swap3A_1150] {strides = array<i32>} : memref<32x768xf32, #tpu.memory_space<vmem>>, vector<1x16xf32>,
              %swap3A_1152 = vector.shape_cast %swap3A_1151 : vector<1x16xf32> to vector<16xf32>
              %swap3A_1153 = vector.shape_cast %add3A_1148 : vector<16xf32> to vector<1x16xf32>
              tpu.vector_store %arg13[%swap3A_1149, %swap3A_1150], %swap3A_1153 {strides = array<i32>} : memref<32x768xf32, #tpu.memory_space<vmem>>, vector<1x16xf32>,
              %get3A_1154 = arith.index_cast %add3A_641 : i32 to index
              %get3A_1155 = arith.constant 288 : index
              %get3A_1156 = tpu.vector_load %arg10[%get3A_1154, %get3A_1155] {strides = array<i32>} : memref<32x768xf32, #tpu.memory_space<vmem>>, vector<1x16xf32>,
              %get3A_1157 = vector.shape_cast %get3A_1156 : vector<1x16xf32> to vector<16xf32>
              %get3A_1158 = arith.index_cast %add3A_641 : i32 to index
              %get3A_1159 = arith.constant 288 : index
              %get3A_1160 = tpu.vector_load %arg12[%get3A_1158, %get3A_1159] {strides = array<i32>} : memref<32x768xf32, #tpu.memory_space<vmem>>, vector<1x16xf32>,
              %get3A_1161 = vector.shape_cast %get3A_1160 : vector<1x16xf32> to vector<16xf32>
              %mul3A_1162 = arith.mulf %gather3A_644, %get3A_101 : vector<16xf32>
              %add3A_1163 = arith.addf %get3A_1157, %mul3A_1162 : vector<16xf32>
              %add3A_1164 = arith.addf %get3A_1161, %add3A_1163 : vector<16xf32>
              %swap3A_1165 = arith.index_cast %add3A_641 : i32 to index
              %swap3A_1166 = arith.constant 288 : index
              %swap3A_1167 = tpu.vector_load %arg12[%swap3A_1165, %swap3A_1166] {strides = array<i32>} : memref<32x768xf32, #tpu.memory_space<vmem>>, vector<1x16xf32>,
              %swap3A_1168 = vector.shape_cast %swap3A_1167 : vector<1x16xf32> to vector<16xf32>
              %swap3A_1169 = vector.shape_cast %add3A_1164 : vector<16xf32> to vector<1x16xf32>
              tpu.vector_store %arg12[%swap3A_1165, %swap3A_1166], %swap3A_1169 {strides = array<i32>} : memref<32x768xf32, #tpu.memory_space<vmem>>, vector<1x16xf32>,
              %get3A_1170 = arith.index_cast %add3A_641 : i32 to index
              %get3A_1171 = arith.constant 288 : index
              %get3A_1172 = tpu.vector_load %arg13[%get3A_1170, %get3A_1171] {strides = array<i32>} : memref<32x768xf32, #tpu.memory_space<vmem>>, vector<1x16xf32>,
              %get3A_1173 = vector.shape_cast %get3A_1172 : vector<1x16xf32> to vector<16xf32>
              %mul3A_1174 = arith.mulf %gather3A_649, %get3A_101 : vector<16xf32>
              %add3A_1175 = arith.addf %get3A_1157, %mul3A_1174 : vector<16xf32>
              %add3A_1176 = arith.addf %get3A_1173, %add3A_1175 : vector<16xf32>
              %swap3A_1177 = arith.index_cast %add3A_641 : i32 to index
              %swap3A_1178 = arith.constant 288 : index
              %swap3A_1179 = tpu.vector_load %arg13[%swap3A_1177, %swap3A_1178] {strides = array<i32>} : memref<32x768xf32, #tpu.memory_space<vmem>>, vector<1x16xf32>,
              %swap3A_1180 = vector.shape_cast %swap3A_1179 : vector<1x16xf32> to vector<16xf32>
              %swap3A_1181 = vector.shape_cast %add3A_1176 : vector<16xf32> to vector<1x16xf32>
              tpu.vector_store %arg13[%swap3A_1177, %swap3A_1178], %swap3A_1181 {strides = array<i32>} : memref<32x768xf32, #tpu.memory_space<vmem>>, vector<1x16xf32>,
              %get3A_1182 = arith.index_cast %add3A_641 : i32 to index
              %get3A_1183 = arith.constant 304 : index
              %get3A_1184 = tpu.vector_load %arg10[%get3A_1182, %get3A_1183] {strides = array<i32>} : memref<32x768xf32, #tpu.memory_space<vmem>>, vector<1x16xf32>,
              %get3A_1185 = vector.shape_cast %get3A_1184 : vector<1x16xf32> to vector<16xf32>
              %get3A_1186 = arith.index_cast %add3A_641 : i32 to index
              %get3A_1187 = arith.constant 304 : index
              %get3A_1188 = tpu.vector_load %arg12[%get3A_1186, %get3A_1187] {strides = array<i32>} : memref<32x768xf32, #tpu.memory_space<vmem>>, vector<1x16xf32>,
              %get3A_1189 = vector.shape_cast %get3A_1188 : vector<1x16xf32> to vector<16xf32>
              %mul3A_1190 = arith.mulf %gather3A_644, %get3A_106 : vector<16xf32>
              %add3A_1191 = arith.addf %get3A_1185, %mul3A_1190 : vector<16xf32>
              %add3A_1192 = arith.addf %get3A_1189, %add3A_1191 : vector<16xf32>
              %swap3A_1193 = arith.index_cast %add3A_641 : i32 to index
              %swap3A_1194 = arith.constant 304 : index
              %swap3A_1195 = tpu.vector_load %arg12[%swap3A_1193, %swap3A_1194] {strides = array<i32>} : memref<32x768xf32, #tpu.memory_space<vmem>>, vector<1x16xf32>,
              %swap3A_1196 = vector.shape_cast %swap3A_1195 : vector<1x16xf32> to vector<16xf32>
              %swap3A_1197 = vector.shape_cast %add3A_1192 : vector<16xf32> to vector<1x16xf32>
              tpu.vector_store %arg12[%swap3A_1193, %swap3A_1194], %swap3A_1197 {strides = array<i32>} : memref<32x768xf32, #tpu.memory_space<vmem>>, vector<1x16xf32>,
              %get3A_1198 = arith.index_cast %add3A_641 : i32 to index
              %get3A_1199 = arith.constant 304 : index
              %get3A_1200 = tpu.vector_load %arg13[%get3A_1198, %get3A_1199] {strides = array<i32>} : memref<32x768xf32, #tpu.memory_space<vmem>>, vector<1x16xf32>,
              %get3A_1201 = vector.shape_cast %get3A_1200 : vector<1x16xf32> to vector<16xf32>
              %mul3A_1202 = arith.mulf %gather3A_649, %get3A_106 : vector<16xf32>
              %add3A_1203 = arith.addf %get3A_1185, %mul3A_1202 : vector<16xf32>
              %add3A_1204 = arith.addf %get3A_1201, %add3A_1203 : vector<16xf32>
              %swap3A_1205 = arith.index_cast %add3A_641 : i32 to index
              %swap3A_1206 = arith.constant 304 : index
              %swap3A_1207 = tpu.vector_load %arg13[%swap3A_1205, %swap3A_1206] {strides = array<i32>} : memref<32x768xf32, #tpu.memory_space<vmem>>, vector<1x16xf32>,
              %swap3A_1208 = vector.shape_cast %swap3A_1207 : vector<1x16xf32> to vector<16xf32>
              %swap3A_1209 = vector.shape_cast %add3A_1204 : vector<16xf32> to vector<1x16xf32>
              tpu.vector_store %arg13[%swap3A_1205, %swap3A_1206], %swap3A_1209 {strides = array<i32>} : memref<32x768xf32, #tpu.memory_space<vmem>>, vector<1x16xf32>,
              %get3A_1210 = arith.index_cast %add3A_641 : i32 to index
              %get3A_1211 = arith.constant 320 : index
              %get3A_1212 = tpu.vector_load %arg10[%get3A_1210, %get3A_1211] {strides = array<i32>} : memref<32x768xf32, #tpu.memory_space<vmem>>, vector<1x16xf32>,
              %get3A_1213 = vector.shape_cast %get3A_1212 : vector<1x16xf32> to vector<16xf32>
              %get3A_1214 = arith.index_cast %add3A_641 : i32 to index
              %get3A_1215 = arith.constant 320 : index
              %get3A_1216 = tpu.vector_load %arg12[%get3A_1214, %get3A_1215] {strides = array<i32>} : memref<32x768xf32, #tpu.memory_space<vmem>>, vector<1x16xf32>,
              %get3A_1217 = vector.shape_cast %get3A_1216 : vector<1x16xf32> to vector<16xf32>
              %mul3A_1218 = arith.mulf %gather3A_644, %get3A_111 : vector<16xf32>
              %add3A_1219 = arith.addf %get3A_1213, %mul3A_1218 : vector<16xf32>
              %add3A_1220 = arith.addf %get3A_1217, %add3A_1219 : vector<16xf32>
              %swap3A_1221 = arith.index_cast %add3A_641 : i32 to index
              %swap3A_1222 = arith.constant 320 : index
              %swap3A_1223 = tpu.vector_load %arg12[%swap3A_1221, %swap3A_1222] {strides = array<i32>} : memref<32x768xf32, #tpu.memory_space<vmem>>, vector<1x16xf32>,
              %swap3A_1224 = vector.shape_cast %swap3A_1223 : vector<1x16xf32> to vector<16xf32>
              %swap3A_1225 = vector.shape_cast %add3A_1220 : vector<16xf32> to vector<1x16xf32>
              tpu.vector_store %arg12[%swap3A_1221, %swap3A_1222], %swap3A_1225 {strides = array<i32>} : memref<32x768xf32, #tpu.memory_space<vmem>>, vector<1x16xf32>,
              %get3A_1226 = arith.index_cast %add3A_641 : i32 to index
              %get3A_1227 = arith.constant 320 : index
              %get3A_1228 = tpu.vector_load %arg13[%get3A_1226, %get3A_1227] {strides = array<i32>} : memref<32x768xf32, #tpu.memory_space<vmem>>, vector<1x16xf32>,
              %get3A_1229 = vector.shape_cast %get3A_1228 : vector<1x16xf32> to vector<16xf32>
              %mul3A_1230 = arith.mulf %gather3A_649, %get3A_111 : vector<16xf32>
              %add3A_1231 = arith.addf %get3A_1213, %mul3A_1230 : vector<16xf32>
              %add3A_1232 = arith.addf %get3A_1229, %add3A_1231 : vector<16xf32>
              %swap3A_1233 = arith.index_cast %add3A_641 : i32 to index
              %swap3A_1234 = arith.constant 320 : index
              %swap3A_1235 = tpu.vector_load %arg13[%swap3A_1233, %swap3A_1234] {strides = array<i32>} : memref<32x768xf32, #tpu.memory_space<vmem>>, vector<1x16xf32>,
              %swap3A_1236 = vector.shape_cast %swap3A_1235 : vector<1x16xf32> to vector<16xf32>
              %swap3A_1237 = vector.shape_cast %add3A_1232 : vector<16xf32> to vector<1x16xf32>
              tpu.vector_store %arg13[%swap3A_1233, %swap3A_1234], %swap3A_1237 {strides = array<i32>} : memref<32x768xf32, #tpu.memory_space<vmem>>, vector<1x16xf32>,
              %get3A_1238 = arith.index_cast %add3A_641 : i32 to index
              %get3A_1239 = arith.constant 336 : index
              %get3A_1240 = tpu.vector_load %arg10[%get3A_1238, %get3A_1239] {strides = array<i32>} : memref<32x768xf32, #tpu.memory_space<vmem>>, vector<1x16xf32>,
              %get3A_1241 = vector.shape_cast %get3A_1240 : vector<1x16xf32> to vector<16xf32>
              %get3A_1242 = arith.index_cast %add3A_641 : i32 to index
              %get3A_1243 = arith.constant 336 : index
              %get3A_1244 = tpu.vector_load %arg12[%get3A_1242, %get3A_1243] {strides = array<i32>} : memref<32x768xf32, #tpu.memory_space<vmem>>, vector<1x16xf32>,
              %get3A_1245 = vector.shape_cast %get3A_1244 : vector<1x16xf32> to vector<16xf32>
              %mul3A_1246 = arith.mulf %gather3A_644, %get3A_116 : vector<16xf32>
              %add3A_1247 = arith.addf %get3A_1241, %mul3A_1246 : vector<16xf32>
              %add3A_1248 = arith.addf %get3A_1245, %add3A_1247 : vector<16xf32>
              %swap3A_1249 = arith.index_cast %add3A_641 : i32 to index
              %swap3A_1250 = arith.constant 336 : index
              %swap3A_1251 = tpu.vector_load %arg12[%swap3A_1249, %swap3A_1250] {strides = array<i32>} : memref<32x768xf32, #tpu.memory_space<vmem>>, vector<1x16xf32>,
              %swap3A_1252 = vector.shape_cast %swap3A_1251 : vector<1x16xf32> to vector<16xf32>
              %swap3A_1253 = vector.shape_cast %add3A_1248 : vector<16xf32> to vector<1x16xf32>
              tpu.vector_store %arg12[%swap3A_1249, %swap3A_1250], %swap3A_1253 {strides = array<i32>} : memref<32x768xf32, #tpu.memory_space<vmem>>, vector<1x16xf32>,
              %get3A_1254 = arith.index_cast %add3A_641 : i32 to index
              %get3A_1255 = arith.constant 336 : index
              %get3A_1256 = tpu.vector_load %arg13[%get3A_1254, %get3A_1255] {strides = array<i32>} : memref<32x768xf32, #tpu.memory_space<vmem>>, vector<1x16xf32>,
              %get3A_1257 = vector.shape_cast %get3A_1256 : vector<1x16xf32> to vector<16xf32>
              %mul3A_1258 = arith.mulf %gather3A_649, %get3A_116 : vector<16xf32>
              %add3A_1259 = arith.addf %get3A_1241, %mul3A_1258 : vector<16xf32>
              %add3A_1260 = arith.addf %get3A_1257, %add3A_1259 : vector<16xf32>
              %swap3A_1261 = arith.index_cast %add3A_641 : i32 to index
              %swap3A_1262 = arith.constant 336 : index
              %swap3A_1263 = tpu.vector_load %arg13[%swap3A_1261, %swap3A_1262] {strides = array<i32>} : memref<32x768xf32, #tpu.memory_space<vmem>>, vector<1x16xf32>,
              %swap3A_1264 = vector.shape_cast %swap3A_1263 : vector<1x16xf32> to vector<16xf32>
              %swap3A_1265 = vector.shape_cast %add3A_1260 : vector<16xf32> to vector<1x16xf32>
              tpu.vector_store %arg13[%swap3A_1261, %swap3A_1262], %swap3A_1265 {strides = array<i32>} : memref<32x768xf32, #tpu.memory_space<vmem>>, vector<1x16xf32>,
              %get3A_1266 = arith.index_cast %add3A_641 : i32 to index
              %get3A_1267 = arith.constant 352 : index
              %get3A_1268 = tpu.vector_load %arg10[%get3A_1266, %get3A_1267] {strides = array<i32>} : memref<32x768xf32, #tpu.memory_space<vmem>>, vector<1x16xf32>,
              %get3A_1269 = vector.shape_cast %get3A_1268 : vector<1x16xf32> to vector<16xf32>
              %get3A_1270 = arith.index_cast %add3A_641 : i32 to index
              %get3A_1271 = arith.constant 352 : index
              %get3A_1272 = tpu.vector_load %arg12[%get3A_1270, %get3A_1271] {strides = array<i32>} : memref<32x768xf32, #tpu.memory_space<vmem>>, vector<1x16xf32>,
              %get3A_1273 = vector.shape_cast %get3A_1272 : vector<1x16xf32> to vector<16xf32>
              %mul3A_1274 = arith.mulf %gather3A_644, %get3A_121 : vector<16xf32>
              %add3A_1275 = arith.addf %get3A_1269, %mul3A_1274 : vector<16xf32>
              %add3A_1276 = arith.addf %get3A_1273, %add3A_1275 : vector<16xf32>
              %swap3A_1277 = arith.index_cast %add3A_641 : i32 to index
              %swap3A_1278 = arith.constant 352 : index
              %swap3A_1279 = tpu.vector_load %arg12[%swap3A_1277, %swap3A_1278] {strides = array<i32>} : memref<32x768xf32, #tpu.memory_space<vmem>>, vector<1x16xf32>,
              %swap3A_1280 = vector.shape_cast %swap3A_1279 : vector<1x16xf32> to vector<16xf32>
              %swap3A_1281 = vector.shape_cast %add3A_1276 : vector<16xf32> to vector<1x16xf32>
              tpu.vector_store %arg12[%swap3A_1277, %swap3A_1278], %swap3A_1281 {strides = array<i32>} : memref<32x768xf32, #tpu.memory_space<vmem>>, vector<1x16xf32>,
              %get3A_1282 = arith.index_cast %add3A_641 : i32 to index
              %get3A_1283 = arith.constant 352 : index
              %get3A_1284 = tpu.vector_load %arg13[%get3A_1282, %get3A_1283] {strides = array<i32>} : memref<32x768xf32, #tpu.memory_space<vmem>>, vector<1x16xf32>,
              %get3A_1285 = vector.shape_cast %get3A_1284 : vector<1x16xf32> to vector<16xf32>
              %mul3A_1286 = arith.mulf %gather3A_649, %get3A_121 : vector<16xf32>
              %add3A_1287 = arith.addf %get3A_1269, %mul3A_1286 : vector<16xf32>
              %add3A_1288 = arith.addf %get3A_1285, %add3A_1287 : vector<16xf32>
              %swap3A_1289 = arith.index_cast %add3A_641 : i32 to index
              %swap3A_1290 = arith.constant 352 : index
              %swap3A_1291 = tpu.vector_load %arg13[%swap3A_1289, %swap3A_1290] {strides = array<i32>} : memref<32x768xf32, #tpu.memory_space<vmem>>, vector<1x16xf32>,
              %swap3A_1292 = vector.shape_cast %swap3A_1291 : vector<1x16xf32> to vector<16xf32>
              %swap3A_1293 = vector.shape_cast %add3A_1288 : vector<16xf32> to vector<1x16xf32>
              tpu.vector_store %arg13[%swap3A_1289, %swap3A_1290], %swap3A_1293 {strides = array<i32>} : memref<32x768xf32, #tpu.memory_space<vmem>>, vector<1x16xf32>,
              %get3A_1294 = arith.index_cast %add3A_641 : i32 to index
              %get3A_1295 = arith.constant 368 : index
              %get3A_1296 = tpu.vector_load %arg10[%get3A_1294, %get3A_1295] {strides = array<i32>} : memref<32x768xf32, #tpu.memory_space<vmem>>, vector<1x16xf32>,
              %get3A_1297 = vector.shape_cast %get3A_1296 : vector<1x16xf32> to vector<16xf32>
              %get3A_1298 = arith.index_cast %add3A_641 : i32 to index
              %get3A_1299 = arith.constant 368 : index
              %get3A_1300 = tpu.vector_load %arg12[%get3A_1298, %get3A_1299] {strides = array<i32>} : memref<32x768xf32, #tpu.memory_space<vmem>>, vector<1x16xf32>,
              %get3A_1301 = vector.shape_cast %get3A_1300 : vector<1x16xf32> to vector<16xf32>
              %mul3A_1302 = arith.mulf %gather3A_644, %get3A_126 : vector<16xf32>
              %add3A_1303 = arith.addf %get3A_1297, %mul3A_1302 : vector<16xf32>
              %add3A_1304 = arith.addf %get3A_1301, %add3A_1303 : vector<16xf32>
              %swap3A_1305 = arith.index_cast %add3A_641 : i32 to index
              %swap3A_1306 = arith.constant 368 : index
              %swap3A_1307 = tpu.vector_load %arg12[%swap3A_1305, %swap3A_1306] {strides = array<i32>} : memref<32x768xf32, #tpu.memory_space<vmem>>, vector<1x16xf32>,
              %swap3A_1308 = vector.shape_cast %swap3A_1307 : vector<1x16xf32> to vector<16xf32>
              %swap3A_1309 = vector.shape_cast %add3A_1304 : vector<16xf32> to vector<1x16xf32>
              tpu.vector_store %arg12[%swap3A_1305, %swap3A_1306], %swap3A_1309 {strides = array<i32>} : memref<32x768xf32, #tpu.memory_space<vmem>>, vector<1x16xf32>,
              %get3A_1310 = arith.index_cast %add3A_641 : i32 to index
              %get3A_1311 = arith.constant 368 : index
              %get3A_1312 = tpu.vector_load %arg13[%get3A_1310, %get3A_1311] {strides = array<i32>} : memref<32x768xf32, #tpu.memory_space<vmem>>, vector<1x16xf32>,
              %get3A_1313 = vector.shape_cast %get3A_1312 : vector<1x16xf32> to vector<16xf32>
              %mul3A_1314 = arith.mulf %gather3A_649, %get3A_126 : vector<16xf32>
              %add3A_1315 = arith.addf %get3A_1297, %mul3A_1314 : vector<16xf32>
              %add3A_1316 = arith.addf %get3A_1313, %add3A_1315 : vector<16xf32>
              %swap3A_1317 = arith.index_cast %add3A_641 : i32 to index
              %swap3A_1318 = arith.constant 368 : index
              %swap3A_1319 = tpu.vector_load %arg13[%swap3A_1317, %swap3A_1318] {strides = array<i32>} : memref<32x768xf32, #tpu.memory_space<vmem>>, vector<1x16xf32>,
              %swap3A_1320 = vector.shape_cast %swap3A_1319 : vector<1x16xf32> to vector<16xf32>
              %swap3A_1321 = vector.shape_cast %add3A_1316 : vector<16xf32> to vector<1x16xf32>
              tpu.vector_store %arg13[%swap3A_1317, %swap3A_1318], %swap3A_1321 {strides = array<i32>} : memref<32x768xf32, #tpu.memory_space<vmem>>, vector<1x16xf32>,
              %get3A_1322 = arith.index_cast %add3A_641 : i32 to index
              %get3A_1323 = arith.constant 384 : index
              %get3A_1324 = tpu.vector_load %arg10[%get3A_1322, %get3A_1323] {strides = array<i32>} : memref<32x768xf32, #tpu.memory_space<vmem>>, vector<1x16xf32>,
              %get3A_1325 = vector.shape_cast %get3A_1324 : vector<1x16xf32> to vector<16xf32>
              %get3A_1326 = arith.index_cast %add3A_641 : i32 to index
              %get3A_1327 = arith.constant 384 : index
              %get3A_1328 = tpu.vector_load %arg12[%get3A_1326, %get3A_1327] {strides = array<i32>} : memref<32x768xf32, #tpu.memory_space<vmem>>, vector<1x16xf32>,
              %get3A_1329 = vector.shape_cast %get3A_1328 : vector<1x16xf32> to vector<16xf32>
              %mul3A_1330 = arith.mulf %gather3A_644, %get3A_131 : vector<16xf32>
              %add3A_1331 = arith.addf %get3A_1325, %mul3A_1330 : vector<16xf32>
              %add3A_1332 = arith.addf %get3A_1329, %add3A_1331 : vector<16xf32>
              %swap3A_1333 = arith.index_cast %add3A_641 : i32 to index
              %swap3A_1334 = arith.constant 384 : index
              %swap3A_1335 = tpu.vector_load %arg12[%swap3A_1333, %swap3A_1334] {strides = array<i32>} : memref<32x768xf32, #tpu.memory_space<vmem>>, vector<1x16xf32>,
              %swap3A_1336 = vector.shape_cast %swap3A_1335 : vector<1x16xf32> to vector<16xf32>
              %swap3A_1337 = vector.shape_cast %add3A_1332 : vector<16xf32> to vector<1x16xf32>
              tpu.vector_store %arg12[%swap3A_1333, %swap3A_1334], %swap3A_1337 {strides = array<i32>} : memref<32x768xf32, #tpu.memory_space<vmem>>, vector<1x16xf32>,
              %get3A_1338 = arith.index_cast %add3A_641 : i32 to index
              %get3A_1339 = arith.constant 384 : index
              %get3A_1340 = tpu.vector_load %arg13[%get3A_1338, %get3A_1339] {strides = array<i32>} : memref<32x768xf32, #tpu.memory_space<vmem>>, vector<1x16xf32>,
              %get3A_1341 = vector.shape_cast %get3A_1340 : vector<1x16xf32> to vector<16xf32>
              %mul3A_1342 = arith.mulf %gather3A_649, %get3A_131 : vector<16xf32>
              %add3A_1343 = arith.addf %get3A_1325, %mul3A_1342 : vector<16xf32>
              %add3A_1344 = arith.addf %get3A_1341, %add3A_1343 : vector<16xf32>
              %swap3A_1345 = arith.index_cast %add3A_641 : i32 to index
              %swap3A_1346 = arith.constant 384 : index
              %swap3A_1347 = tpu.vector_load %arg13[%swap3A_1345, %swap3A_1346] {strides = array<i32>} : memref<32x768xf32, #tpu.memory_space<vmem>>, vector<1x16xf32>,
              %swap3A_1348 = vector.shape_cast %swap3A_1347 : vector<1x16xf32> to vector<16xf32>
              %swap3A_1349 = vector.shape_cast %add3A_1344 : vector<16xf32> to vector<1x16xf32>
              tpu.vector_store %arg13[%swap3A_1345, %swap3A_1346], %swap3A_1349 {strides = array<i32>} : memref<32x768xf32, #tpu.memory_space<vmem>>, vector<1x16xf32>,
              %get3A_1350 = arith.index_cast %add3A_641 : i32 to index
              %get3A_1351 = arith.constant 400 : index
              %get3A_1352 = tpu.vector_load %arg10[%get3A_1350, %get3A_1351] {strides = array<i32>} : memref<32x768xf32, #tpu.memory_space<vmem>>, vector<1x16xf32>,
              %get3A_1353 = vector.shape_cast %get3A_1352 : vector<1x16xf32> to vector<16xf32>
              %get3A_1354 = arith.index_cast %add3A_641 : i32 to index
              %get3A_1355 = arith.constant 400 : index
              %get3A_1356 = tpu.vector_load %arg12[%get3A_1354, %get3A_1355] {strides = array<i32>} : memref<32x768xf32, #tpu.memory_space<vmem>>, vector<1x16xf32>,
              %get3A_1357 = vector.shape_cast %get3A_1356 : vector<1x16xf32> to vector<16xf32>
              %mul3A_1358 = arith.mulf %gather3A_644, %get3A_136 : vector<16xf32>
              %add3A_1359 = arith.addf %get3A_1353, %mul3A_1358 : vector<16xf32>
              %add3A_1360 = arith.addf %get3A_1357, %add3A_1359 : vector<16xf32>
              %swap3A_1361 = arith.index_cast %add3A_641 : i32 to index
              %swap3A_1362 = arith.constant 400 : index
              %swap3A_1363 = tpu.vector_load %arg12[%swap3A_1361, %swap3A_1362] {strides = array<i32>} : memref<32x768xf32, #tpu.memory_space<vmem>>, vector<1x16xf32>,
              %swap3A_1364 = vector.shape_cast %swap3A_1363 : vector<1x16xf32> to vector<16xf32>
              %swap3A_1365 = vector.shape_cast %add3A_1360 : vector<16xf32> to vector<1x16xf32>
              tpu.vector_store %arg12[%swap3A_1361, %swap3A_1362], %swap3A_1365 {strides = array<i32>} : memref<32x768xf32, #tpu.memory_space<vmem>>, vector<1x16xf32>,
              %get3A_1366 = arith.index_cast %add3A_641 : i32 to index
              %get3A_1367 = arith.constant 400 : index
              %get3A_1368 = tpu.vector_load %arg13[%get3A_1366, %get3A_1367] {strides = array<i32>} : memref<32x768xf32, #tpu.memory_space<vmem>>, vector<1x16xf32>,
              %get3A_1369 = vector.shape_cast %get3A_1368 : vector<1x16xf32> to vector<16xf32>
              %mul3A_1370 = arith.mulf %gather3A_649, %get3A_136 : vector<16xf32>
              %add3A_1371 = arith.addf %get3A_1353, %mul3A_1370 : vector<16xf32>
              %add3A_1372 = arith.addf %get3A_1369, %add3A_1371 : vector<16xf32>
              %swap3A_1373 = arith.index_cast %add3A_641 : i32 to index
              %swap3A_1374 = arith.constant 400 : index
              %swap3A_1375 = tpu.vector_load %arg13[%swap3A_1373, %swap3A_1374] {strides = array<i32>} : memref<32x768xf32, #tpu.memory_space<vmem>>, vector<1x16xf32>,
              %swap3A_1376 = vector.shape_cast %swap3A_1375 : vector<1x16xf32> to vector<16xf32>
              %swap3A_1377 = vector.shape_cast %add3A_1372 : vector<16xf32> to vector<1x16xf32>
              tpu.vector_store %arg13[%swap3A_1373, %swap3A_1374], %swap3A_1377 {strides = array<i32>} : memref<32x768xf32, #tpu.memory_space<vmem>>, vector<1x16xf32>,
              %get3A_1378 = arith.index_cast %add3A_641 : i32 to index
              %get3A_1379 = arith.constant 416 : index
              %get3A_1380 = tpu.vector_load %arg10[%get3A_1378, %get3A_1379] {strides = array<i32>} : memref<32x768xf32, #tpu.memory_space<vmem>>, vector<1x16xf32>,
              %get3A_1381 = vector.shape_cast %get3A_1380 : vector<1x16xf32> to vector<16xf32>
              %get3A_1382 = arith.index_cast %add3A_641 : i32 to index
              %get3A_1383 = arith.constant 416 : index
              %get3A_1384 = tpu.vector_load %arg12[%get3A_1382, %get3A_1383] {strides = array<i32>} : memref<32x768xf32, #tpu.memory_space<vmem>>, vector<1x16xf32>,
              %get3A_1385 = vector.shape_cast %get3A_1384 : vector<1x16xf32> to vector<16xf32>
              %mul3A_1386 = arith.mulf %gather3A_644, %get3A_141 : vector<16xf32>
              %add3A_1387 = arith.addf %get3A_1381, %mul3A_1386 : vector<16xf32>
              %add3A_1388 = arith.addf %get3A_1385, %add3A_1387 : vector<16xf32>
              %swap3A_1389 = arith.index_cast %add3A_641 : i32 to index
              %swap3A_1390 = arith.constant 416 : index
              %swap3A_1391 = tpu.vector_load %arg12[%swap3A_1389, %swap3A_1390] {strides = array<i32>} : memref<32x768xf32, #tpu.memory_space<vmem>>, vector<1x16xf32>,
              %swap3A_1392 = vector.shape_cast %swap3A_1391 : vector<1x16xf32> to vector<16xf32>
              %swap3A_1393 = vector.shape_cast %add3A_1388 : vector<16xf32> to vector<1x16xf32>
              tpu.vector_store %arg12[%swap3A_1389, %swap3A_1390], %swap3A_1393 {strides = array<i32>} : memref<32x768xf32, #tpu.memory_space<vmem>>, vector<1x16xf32>,
              %get3A_1394 = arith.index_cast %add3A_641 : i32 to index
              %get3A_1395 = arith.constant 416 : index
              %get3A_1396 = tpu.vector_load %arg13[%get3A_1394, %get3A_1395] {strides = array<i32>} : memref<32x768xf32, #tpu.memory_space<vmem>>, vector<1x16xf32>,
              %get3A_1397 = vector.shape_cast %get3A_1396 : vector<1x16xf32> to vector<16xf32>
              %mul3A_1398 = arith.mulf %gather3A_649, %get3A_141 : vector<16xf32>
              %add3A_1399 = arith.addf %get3A_1381, %mul3A_1398 : vector<16xf32>
              %add3A_1400 = arith.addf %get3A_1397, %add3A_1399 : vector<16xf32>
              %swap3A_1401 = arith.index_cast %add3A_641 : i32 to index
              %swap3A_1402 = arith.constant 416 : index
              %swap3A_1403 = tpu.vector_load %arg13[%swap3A_1401, %swap3A_1402] {strides = array<i32>} : memref<32x768xf32, #tpu.memory_space<vmem>>, vector<1x16xf32>,
              %swap3A_1404 = vector.shape_cast %swap3A_1403 : vector<1x16xf32> to vector<16xf32>
              %swap3A_1405 = vector.shape_cast %add3A_1400 : vector<16xf32> to vector<1x16xf32>
              tpu.vector_store %arg13[%swap3A_1401, %swap3A_1402], %swap3A_1405 {strides = array<i32>} : memref<32x768xf32, #tpu.memory_space<vmem>>, vector<1x16xf32>,
              %get3A_1406 = arith.index_cast %add3A_641 : i32 to index
              %get3A_1407 = arith.constant 432 : index
              %get3A_1408 = tpu.vector_load %arg10[%get3A_1406, %get3A_1407] {strides = array<i32>} : memref<32x768xf32, #tpu.memory_space<vmem>>, vector<1x16xf32>,
              %get3A_1409 = vector.shape_cast %get3A_1408 : vector<1x16xf32> to vector<16xf32>
              %get3A_1410 = arith.index_cast %add3A_641 : i32 to index
              %get3A_1411 = arith.constant 432 : index
              %get3A_1412 = tpu.vector_load %arg12[%get3A_1410, %get3A_1411] {strides = array<i32>} : memref<32x768xf32, #tpu.memory_space<vmem>>, vector<1x16xf32>,
              %get3A_1413 = vector.shape_cast %get3A_1412 : vector<1x16xf32> to vector<16xf32>
              %mul3A_1414 = arith.mulf %gather3A_644, %get3A_146 : vector<16xf32>
              %add3A_1415 = arith.addf %get3A_1409, %mul3A_1414 : vector<16xf32>
              %add3A_1416 = arith.addf %get3A_1413, %add3A_1415 : vector<16xf32>
              %swap3A_1417 = arith.index_cast %add3A_641 : i32 to index
              %swap3A_1418 = arith.constant 432 : index
              %swap3A_1419 = tpu.vector_load %arg12[%swap3A_1417, %swap3A_1418] {strides = array<i32>} : memref<32x768xf32, #tpu.memory_space<vmem>>, vector<1x16xf32>,
              %swap3A_1420 = vector.shape_cast %swap3A_1419 : vector<1x16xf32> to vector<16xf32>
              %swap3A_1421 = vector.shape_cast %add3A_1416 : vector<16xf32> to vector<1x16xf32>
              tpu.vector_store %arg12[%swap3A_1417, %swap3A_1418], %swap3A_1421 {strides = array<i32>} : memref<32x768xf32, #tpu.memory_space<vmem>>, vector<1x16xf32>,
              %get3A_1422 = arith.index_cast %add3A_641 : i32 to index
              %get3A_1423 = arith.constant 432 : index
              %get3A_1424 = tpu.vector_load %arg13[%get3A_1422, %get3A_1423] {strides = array<i32>} : memref<32x768xf32, #tpu.memory_space<vmem>>, vector<1x16xf32>,
              %get3A_1425 = vector.shape_cast %get3A_1424 : vector<1x16xf32> to vector<16xf32>
              %mul3A_1426 = arith.mulf %gather3A_649, %get3A_146 : vector<16xf32>
              %add3A_1427 = arith.addf %get3A_1409, %mul3A_1426 : vector<16xf32>
              %add3A_1428 = arith.addf %get3A_1425, %add3A_1427 : vector<16xf32>
              %swap3A_1429 = arith.index_cast %add3A_641 : i32 to index
              %swap3A_1430 = arith.constant 432 : index
              %swap3A_1431 = tpu.vector_load %arg13[%swap3A_1429, %swap3A_1430] {strides = array<i32>} : memref<32x768xf32, #tpu.memory_space<vmem>>, vector<1x16xf32>,
              %swap3A_1432 = vector.shape_cast %swap3A_1431 : vector<1x16xf32> to vector<16xf32>
              %swap3A_1433 = vector.shape_cast %add3A_1428 : vector<16xf32> to vector<1x16xf32>
              tpu.vector_store %arg13[%swap3A_1429, %swap3A_1430], %swap3A_1433 {strides = array<i32>} : memref<32x768xf32, #tpu.memory_space<vmem>>, vector<1x16xf32>,
              %get3A_1434 = arith.index_cast %add3A_641 : i32 to index
              %get3A_1435 = arith.constant 448 : index
              %get3A_1436 = tpu.vector_load %arg10[%get3A_1434, %get3A_1435] {strides = array<i32>} : memref<32x768xf32, #tpu.memory_space<vmem>>, vector<1x16xf32>,
              %get3A_1437 = vector.shape_cast %get3A_1436 : vector<1x16xf32> to vector<16xf32>
              %get3A_1438 = arith.index_cast %add3A_641 : i32 to index
              %get3A_1439 = arith.constant 448 : index
              %get3A_1440 = tpu.vector_load %arg12[%get3A_1438, %get3A_1439] {strides = array<i32>} : memref<32x768xf32, #tpu.memory_space<vmem>>, vector<1x16xf32>,
              %get3A_1441 = vector.shape_cast %get3A_1440 : vector<1x16xf32> to vector<16xf32>
              %mul3A_1442 = arith.mulf %gather3A_644, %get3A_151 : vector<16xf32>
              %add3A_1443 = arith.addf %get3A_1437, %mul3A_1442 : vector<16xf32>
              %add3A_1444 = arith.addf %get3A_1441, %add3A_1443 : vector<16xf32>
              %swap3A_1445 = arith.index_cast %add3A_641 : i32 to index
              %swap3A_1446 = arith.constant 448 : index
              %swap3A_1447 = tpu.vector_load %arg12[%swap3A_1445, %swap3A_1446] {strides = array<i32>} : memref<32x768xf32, #tpu.memory_space<vmem>>, vector<1x16xf32>,
              %swap3A_1448 = vector.shape_cast %swap3A_1447 : vector<1x16xf32> to vector<16xf32>
              %swap3A_1449 = vector.shape_cast %add3A_1444 : vector<16xf32> to vector<1x16xf32>
              tpu.vector_store %arg12[%swap3A_1445, %swap3A_1446], %swap3A_1449 {strides = array<i32>} : memref<32x768xf32, #tpu.memory_space<vmem>>, vector<1x16xf32>,
              %get3A_1450 = arith.index_cast %add3A_641 : i32 to index
              %get3A_1451 = arith.constant 448 : index
              %get3A_1452 = tpu.vector_load %arg13[%get3A_1450, %get3A_1451] {strides = array<i32>} : memref<32x768xf32, #tpu.memory_space<vmem>>, vector<1x16xf32>,
              %get3A_1453 = vector.shape_cast %get3A_1452 : vector<1x16xf32> to vector<16xf32>
              %mul3A_1454 = arith.mulf %gather3A_649, %get3A_151 : vector<16xf32>
              %add3A_1455 = arith.addf %get3A_1437, %mul3A_1454 : vector<16xf32>
              %add3A_1456 = arith.addf %get3A_1453, %add3A_1455 : vector<16xf32>
              %swap3A_1457 = arith.index_cast %add3A_641 : i32 to index
              %swap3A_1458 = arith.constant 448 : index
              %swap3A_1459 = tpu.vector_load %arg13[%swap3A_1457, %swap3A_1458] {strides = array<i32>} : memref<32x768xf32, #tpu.memory_space<vmem>>, vector<1x16xf32>,
              %swap3A_1460 = vector.shape_cast %swap3A_1459 : vector<1x16xf32> to vector<16xf32>
              %swap3A_1461 = vector.shape_cast %add3A_1456 : vector<16xf32> to vector<1x16xf32>
              tpu.vector_store %arg13[%swap3A_1457, %swap3A_1458], %swap3A_1461 {strides = array<i32>} : memref<32x768xf32, #tpu.memory_space<vmem>>, vector<1x16xf32>,
              %get3A_1462 = arith.index_cast %add3A_641 : i32 to index
              %get3A_1463 = arith.constant 464 : index
              %get3A_1464 = tpu.vector_load %arg10[%get3A_1462, %get3A_1463] {strides = array<i32>} : memref<32x768xf32, #tpu.memory_space<vmem>>, vector<1x16xf32>,
              %get3A_1465 = vector.shape_cast %get3A_1464 : vector<1x16xf32> to vector<16xf32>
              %get3A_1466 = arith.index_cast %add3A_641 : i32 to index
              %get3A_1467 = arith.constant 464 : index
              %get3A_1468 = tpu.vector_load %arg12[%get3A_1466, %get3A_1467] {strides = array<i32>} : memref<32x768xf32, #tpu.memory_space<vmem>>, vector<1x16xf32>,
              %get3A_1469 = vector.shape_cast %get3A_1468 : vector<1x16xf32> to vector<16xf32>
              %mul3A_1470 = arith.mulf %gather3A_644, %get3A_156 : vector<16xf32>
              %add3A_1471 = arith.addf %get3A_1465, %mul3A_1470 : vector<16xf32>
              %add3A_1472 = arith.addf %get3A_1469, %add3A_1471 : vector<16xf32>
              %swap3A_1473 = arith.index_cast %add3A_641 : i32 to index
              %swap3A_1474 = arith.constant 464 : index
              %swap3A_1475 = tpu.vector_load %arg12[%swap3A_1473, %swap3A_1474] {strides = array<i32>} : memref<32x768xf32, #tpu.memory_space<vmem>>, vector<1x16xf32>,
              %swap3A_1476 = vector.shape_cast %swap3A_1475 : vector<1x16xf32> to vector<16xf32>
              %swap3A_1477 = vector.shape_cast %add3A_1472 : vector<16xf32> to vector<1x16xf32>
              tpu.vector_store %arg12[%swap3A_1473, %swap3A_1474], %swap3A_1477 {strides = array<i32>} : memref<32x768xf32, #tpu.memory_space<vmem>>, vector<1x16xf32>,
              %get3A_1478 = arith.index_cast %add3A_641 : i32 to index
              %get3A_1479 = arith.constant 464 : index
              %get3A_1480 = tpu.vector_load %arg13[%get3A_1478, %get3A_1479] {strides = array<i32>} : memref<32x768xf32, #tpu.memory_space<vmem>>, vector<1x16xf32>,
              %get3A_1481 = vector.shape_cast %get3A_1480 : vector<1x16xf32> to vector<16xf32>
              %mul3A_1482 = arith.mulf %gather3A_649, %get3A_156 : vector<16xf32>
              %add3A_1483 = arith.addf %get3A_1465, %mul3A_1482 : vector<16xf32>
              %add3A_1484 = arith.addf %get3A_1481, %add3A_1483 : vector<16xf32>
              %swap3A_1485 = arith.index_cast %add3A_641 : i32 to index
              %swap3A_1486 = arith.constant 464 : index
              %swap3A_1487 = tpu.vector_load %arg13[%swap3A_1485, %swap3A_1486] {strides = array<i32>} : memref<32x768xf32, #tpu.memory_space<vmem>>, vector<1x16xf32>,
              %swap3A_1488 = vector.shape_cast %swap3A_1487 : vector<1x16xf32> to vector<16xf32>
              %swap3A_1489 = vector.shape_cast %add3A_1484 : vector<16xf32> to vector<1x16xf32>
              tpu.vector_store %arg13[%swap3A_1485, %swap3A_1486], %swap3A_1489 {strides = array<i32>} : memref<32x768xf32, #tpu.memory_space<vmem>>, vector<1x16xf32>,
              %get3A_1490 = arith.index_cast %add3A_641 : i32 to index
              %get3A_1491 = arith.constant 480 : index
              %get3A_1492 = tpu.vector_load %arg10[%get3A_1490, %get3A_1491] {strides = array<i32>} : memref<32x768xf32, #tpu.memory_space<vmem>>, vector<1x16xf32>,
              %get3A_1493 = vector.shape_cast %get3A_1492 : vector<1x16xf32> to vector<16xf32>
              %get3A_1494 = arith.index_cast %add3A_641 : i32 to index
              %get3A_1495 = arith.constant 480 : index
              %get3A_1496 = tpu.vector_load %arg12[%get3A_1494, %get3A_1495] {strides = array<i32>} : memref<32x768xf32, #tpu.memory_space<vmem>>, vector<1x16xf32>,
              %get3A_1497 = vector.shape_cast %get3A_1496 : vector<1x16xf32> to vector<16xf32>
              %mul3A_1498 = arith.mulf %gather3A_644, %get3A_161 : vector<16xf32>
              %add3A_1499 = arith.addf %get3A_1493, %mul3A_1498 : vector<16xf32>
              %add3A_1500 = arith.addf %get3A_1497, %add3A_1499 : vector<16xf32>
              %swap3A_1501 = arith.index_cast %add3A_641 : i32 to index
              %swap3A_1502 = arith.constant 480 : index
              %swap3A_1503 = tpu.vector_load %arg12[%swap3A_1501, %swap3A_1502] {strides = array<i32>} : memref<32x768xf32, #tpu.memory_space<vmem>>, vector<1x16xf32>,
              %swap3A_1504 = vector.shape_cast %swap3A_1503 : vector<1x16xf32> to vector<16xf32>
              %swap3A_1505 = vector.shape_cast %add3A_1500 : vector<16xf32> to vector<1x16xf32>
              tpu.vector_store %arg12[%swap3A_1501, %swap3A_1502], %swap3A_1505 {strides = array<i32>} : memref<32x768xf32, #tpu.memory_space<vmem>>, vector<1x16xf32>,
              %get3A_1506 = arith.index_cast %add3A_641 : i32 to index
              %get3A_1507 = arith.constant 480 : index
              %get3A_1508 = tpu.vector_load %arg13[%get3A_1506, %get3A_1507] {strides = array<i32>} : memref<32x768xf32, #tpu.memory_space<vmem>>, vector<1x16xf32>,
              %get3A_1509 = vector.shape_cast %get3A_1508 : vector<1x16xf32> to vector<16xf32>
              %mul3A_1510 = arith.mulf %gather3A_649, %get3A_161 : vector<16xf32>
              %add3A_1511 = arith.addf %get3A_1493, %mul3A_1510 : vector<16xf32>
              %add3A_1512 = arith.addf %get3A_1509, %add3A_1511 : vector<16xf32>
              %swap3A_1513 = arith.index_cast %add3A_641 : i32 to index
              %swap3A_1514 = arith.constant 480 : index
              %swap3A_1515 = tpu.vector_load %arg13[%swap3A_1513, %swap3A_1514] {strides = array<i32>} : memref<32x768xf32, #tpu.memory_space<vmem>>, vector<1x16xf32>,
              %swap3A_1516 = vector.shape_cast %swap3A_1515 : vector<1x16xf32> to vector<16xf32>
              %swap3A_1517 = vector.shape_cast %add3A_1512 : vector<16xf32> to vector<1x16xf32>
              tpu.vector_store %arg13[%swap3A_1513, %swap3A_1514], %swap3A_1517 {strides = array<i32>} : memref<32x768xf32, #tpu.memory_space<vmem>>, vector<1x16xf32>,
              %get3A_1518 = arith.index_cast %add3A_641 : i32 to index
              %get3A_1519 = arith.constant 496 : index
              %get3A_1520 = tpu.vector_load %arg10[%get3A_1518, %get3A_1519] {strides = array<i32>} : memref<32x768xf32, #tpu.memory_space<vmem>>, vector<1x16xf32>,
              %get3A_1521 = vector.shape_cast %get3A_1520 : vector<1x16xf32> to vector<16xf32>
              %get3A_1522 = arith.index_cast %add3A_641 : i32 to index
              %get3A_1523 = arith.constant 496 : index
              %get3A_1524 = tpu.vector_load %arg12[%get3A_1522, %get3A_1523] {strides = array<i32>} : memref<32x768xf32, #tpu.memory_space<vmem>>, vector<1x16xf32>,
              %get3A_1525 = vector.shape_cast %get3A_1524 : vector<1x16xf32> to vector<16xf32>
              %mul3A_1526 = arith.mulf %gather3A_644, %get3A_166 : vector<16xf32>
              %add3A_1527 = arith.addf %get3A_1521, %mul3A_1526 : vector<16xf32>
              %add3A_1528 = arith.addf %get3A_1525, %add3A_1527 : vector<16xf32>
              %swap3A_1529 = arith.index_cast %add3A_641 : i32 to index
              %swap3A_1530 = arith.constant 496 : index
              %swap3A_1531 = tpu.vector_load %arg12[%swap3A_1529, %swap3A_1530] {strides = array<i32>} : memref<32x768xf32, #tpu.memory_space<vmem>>, vector<1x16xf32>,
              %swap3A_1532 = vector.shape_cast %swap3A_1531 : vector<1x16xf32> to vector<16xf32>
              %swap3A_1533 = vector.shape_cast %add3A_1528 : vector<16xf32> to vector<1x16xf32>
              tpu.vector_store %arg12[%swap3A_1529, %swap3A_1530], %swap3A_1533 {strides = array<i32>} : memref<32x768xf32, #tpu.memory_space<vmem>>, vector<1x16xf32>,
              %get3A_1534 = arith.index_cast %add3A_641 : i32 to index
              %get3A_1535 = arith.constant 496 : index
              %get3A_1536 = tpu.vector_load %arg13[%get3A_1534, %get3A_1535] {strides = array<i32>} : memref<32x768xf32, #tpu.memory_space<vmem>>, vector<1x16xf32>,
              %get3A_1537 = vector.shape_cast %get3A_1536 : vector<1x16xf32> to vector<16xf32>
              %mul3A_1538 = arith.mulf %gather3A_649, %get3A_166 : vector<16xf32>
              %add3A_1539 = arith.addf %get3A_1521, %mul3A_1538 : vector<16xf32>
              %add3A_1540 = arith.addf %get3A_1537, %add3A_1539 : vector<16xf32>
              %swap3A_1541 = arith.index_cast %add3A_641 : i32 to index
              %swap3A_1542 = arith.constant 496 : index
              %swap3A_1543 = tpu.vector_load %arg13[%swap3A_1541, %swap3A_1542] {strides = array<i32>} : memref<32x768xf32, #tpu.memory_space<vmem>>, vector<1x16xf32>,
              %swap3A_1544 = vector.shape_cast %swap3A_1543 : vector<1x16xf32> to vector<16xf32>
              %swap3A_1545 = vector.shape_cast %add3A_1540 : vector<16xf32> to vector<1x16xf32>
              tpu.vector_store %arg13[%swap3A_1541, %swap3A_1542], %swap3A_1545 {strides = array<i32>} : memref<32x768xf32, #tpu.memory_space<vmem>>, vector<1x16xf32>,
              %get3A_1546 = arith.index_cast %add3A_641 : i32 to index
              %get3A_1547 = arith.constant 512 : index
              %get3A_1548 = tpu.vector_load %arg10[%get3A_1546, %get3A_1547] {strides = array<i32>} : memref<32x768xf32, #tpu.memory_space<vmem>>, vector<1x16xf32>,
              %get3A_1549 = vector.shape_cast %get3A_1548 : vector<1x16xf32> to vector<16xf32>
              %get3A_1550 = arith.index_cast %add3A_641 : i32 to index
              %get3A_1551 = arith.constant 512 : index
              %get3A_1552 = tpu.vector_load %arg12[%get3A_1550, %get3A_1551] {strides = array<i32>} : memref<32x768xf32, #tpu.memory_space<vmem>>, vector<1x16xf32>,
              %get3A_1553 = vector.shape_cast %get3A_1552 : vector<1x16xf32> to vector<16xf32>
              %mul3A_1554 = arith.mulf %gather3A_644, %get3A_171 : vector<16xf32>
              %add3A_1555 = arith.addf %get3A_1549, %mul3A_1554 : vector<16xf32>
              %add3A_1556 = arith.addf %get3A_1553, %add3A_1555 : vector<16xf32>
              %swap3A_1557 = arith.index_cast %add3A_641 : i32 to index
              %swap3A_1558 = arith.constant 512 : index
              %swap3A_1559 = tpu.vector_load %arg12[%swap3A_1557, %swap3A_1558] {strides = array<i32>} : memref<32x768xf32, #tpu.memory_space<vmem>>, vector<1x16xf32>,
              %swap3A_1560 = vector.shape_cast %swap3A_1559 : vector<1x16xf32> to vector<16xf32>
              %swap3A_1561 = vector.shape_cast %add3A_1556 : vector<16xf32> to vector<1x16xf32>
              tpu.vector_store %arg12[%swap3A_1557, %swap3A_1558], %swap3A_1561 {strides = array<i32>} : memref<32x768xf32, #tpu.memory_space<vmem>>, vector<1x16xf32>,
              %get3A_1562 = arith.index_cast %add3A_641 : i32 to index
              %get3A_1563 = arith.constant 512 : index
              %get3A_1564 = tpu.vector_load %arg13[%get3A_1562, %get3A_1563] {strides = array<i32>} : memref<32x768xf32, #tpu.memory_space<vmem>>, vector<1x16xf32>,
              %get3A_1565 = vector.shape_cast %get3A_1564 : vector<1x16xf32> to vector<16xf32>
              %mul3A_1566 = arith.mulf %gather3A_649, %get3A_171 : vector<16xf32>
              %add3A_1567 = arith.addf %get3A_1549, %mul3A_1566 : vector<16xf32>
              %add3A_1568 = arith.addf %get3A_1565, %add3A_1567 : vector<16xf32>
              %swap3A_1569 = arith.index_cast %add3A_641 : i32 to index
              %swap3A_1570 = arith.constant 512 : index
              %swap3A_1571 = tpu.vector_load %arg13[%swap3A_1569, %swap3A_1570] {strides = array<i32>} : memref<32x768xf32, #tpu.memory_space<vmem>>, vector<1x16xf32>,
              %swap3A_1572 = vector.shape_cast %swap3A_1571 : vector<1x16xf32> to vector<16xf32>
              %swap3A_1573 = vector.shape_cast %add3A_1568 : vector<16xf32> to vector<1x16xf32>
              tpu.vector_store %arg13[%swap3A_1569, %swap3A_1570], %swap3A_1573 {strides = array<i32>} : memref<32x768xf32, #tpu.memory_space<vmem>>, vector<1x16xf32>,
              %get3A_1574 = arith.index_cast %add3A_641 : i32 to index
              %get3A_1575 = arith.constant 528 : index
              %get3A_1576 = tpu.vector_load %arg10[%get3A_1574, %get3A_1575] {strides = array<i32>} : memref<32x768xf32, #tpu.memory_space<vmem>>, vector<1x16xf32>,
              %get3A_1577 = vector.shape_cast %get3A_1576 : vector<1x16xf32> to vector<16xf32>
              %get3A_1578 = arith.index_cast %add3A_641 : i32 to index
              %get3A_1579 = arith.constant 528 : index
              %get3A_1580 = tpu.vector_load %arg12[%get3A_1578, %get3A_1579] {strides = array<i32>} : memref<32x768xf32, #tpu.memory_space<vmem>>, vector<1x16xf32>,
              %get3A_1581 = vector.shape_cast %get3A_1580 : vector<1x16xf32> to vector<16xf32>
              %mul3A_1582 = arith.mulf %gather3A_644, %get3A_176 : vector<16xf32>
              %add3A_1583 = arith.addf %get3A_1577, %mul3A_1582 : vector<16xf32>
              %add3A_1584 = arith.addf %get3A_1581, %add3A_1583 : vector<16xf32>
              %swap3A_1585 = arith.index_cast %add3A_641 : i32 to index
              %swap3A_1586 = arith.constant 528 : index
              %swap3A_1587 = tpu.vector_load %arg12[%swap3A_1585, %swap3A_1586] {strides = array<i32>} : memref<32x768xf32, #tpu.memory_space<vmem>>, vector<1x16xf32>,
              %swap3A_1588 = vector.shape_cast %swap3A_1587 : vector<1x16xf32> to vector<16xf32>
              %swap3A_1589 = vector.shape_cast %add3A_1584 : vector<16xf32> to vector<1x16xf32>
              tpu.vector_store %arg12[%swap3A_1585, %swap3A_1586], %swap3A_1589 {strides = array<i32>} : memref<32x768xf32, #tpu.memory_space<vmem>>, vector<1x16xf32>,
              %get3A_1590 = arith.index_cast %add3A_641 : i32 to index
              %get3A_1591 = arith.constant 528 : index
              %get3A_1592 = tpu.vector_load %arg13[%get3A_1590, %get3A_1591] {strides = array<i32>} : memref<32x768xf32, #tpu.memory_space<vmem>>, vector<1x16xf32>,
              %get3A_1593 = vector.shape_cast %get3A_1592 : vector<1x16xf32> to vector<16xf32>
              %mul3A_1594 = arith.mulf %gather3A_649, %get3A_176 : vector<16xf32>
              %add3A_1595 = arith.addf %get3A_1577, %mul3A_1594 : vector<16xf32>
              %add3A_1596 = arith.addf %get3A_1593, %add3A_1595 : vector<16xf32>
              %swap3A_1597 = arith.index_cast %add3A_641 : i32 to index
              %swap3A_1598 = arith.constant 528 : index
              %swap3A_1599 = tpu.vector_load %arg13[%swap3A_1597, %swap3A_1598] {strides = array<i32>} : memref<32x768xf32, #tpu.memory_space<vmem>>, vector<1x16xf32>,
              %swap3A_1600 = vector.shape_cast %swap3A_1599 : vector<1x16xf32> to vector<16xf32>
              %swap3A_1601 = vector.shape_cast %add3A_1596 : vector<16xf32> to vector<1x16xf32>
              tpu.vector_store %arg13[%swap3A_1597, %swap3A_1598], %swap3A_1601 {strides = array<i32>} : memref<32x768xf32, #tpu.memory_space<vmem>>, vector<1x16xf32>,
              %get3A_1602 = arith.index_cast %add3A_641 : i32 to index
              %get3A_1603 = arith.constant 544 : index
              %get3A_1604 = tpu.vector_load %arg10[%get3A_1602, %get3A_1603] {strides = array<i32>} : memref<32x768xf32, #tpu.memory_space<vmem>>, vector<1x16xf32>,
              %get3A_1605 = vector.shape_cast %get3A_1604 : vector<1x16xf32> to vector<16xf32>
              %get3A_1606 = arith.index_cast %add3A_641 : i32 to index
              %get3A_1607 = arith.constant 544 : index
              %get3A_1608 = tpu.vector_load %arg12[%get3A_1606, %get3A_1607] {strides = array<i32>} : memref<32x768xf32, #tpu.memory_space<vmem>>, vector<1x16xf32>,
              %get3A_1609 = vector.shape_cast %get3A_1608 : vector<1x16xf32> to vector<16xf32>
              %mul3A_1610 = arith.mulf %gather3A_644, %get3A_181 : vector<16xf32>
              %add3A_1611 = arith.addf %get3A_1605, %mul3A_1610 : vector<16xf32>
              %add3A_1612 = arith.addf %get3A_1609, %add3A_1611 : vector<16xf32>
              %swap3A_1613 = arith.index_cast %add3A_641 : i32 to index
              %swap3A_1614 = arith.constant 544 : index
              %swap3A_1615 = tpu.vector_load %arg12[%swap3A_1613, %swap3A_1614] {strides = array<i32>} : memref<32x768xf32, #tpu.memory_space<vmem>>, vector<1x16xf32>,
              %swap3A_1616 = vector.shape_cast %swap3A_1615 : vector<1x16xf32> to vector<16xf32>
              %swap3A_1617 = vector.shape_cast %add3A_1612 : vector<16xf32> to vector<1x16xf32>
              tpu.vector_store %arg12[%swap3A_1613, %swap3A_1614], %swap3A_1617 {strides = array<i32>} : memref<32x768xf32, #tpu.memory_space<vmem>>, vector<1x16xf32>,
              %get3A_1618 = arith.index_cast %add3A_641 : i32 to index
              %get3A_1619 = arith.constant 544 : index
              %get3A_1620 = tpu.vector_load %arg13[%get3A_1618, %get3A_1619] {strides = array<i32>} : memref<32x768xf32, #tpu.memory_space<vmem>>, vector<1x16xf32>,
              %get3A_1621 = vector.shape_cast %get3A_1620 : vector<1x16xf32> to vector<16xf32>
              %mul3A_1622 = arith.mulf %gather3A_649, %get3A_181 : vector<16xf32>
              %add3A_1623 = arith.addf %get3A_1605, %mul3A_1622 : vector<16xf32>
              %add3A_1624 = arith.addf %get3A_1621, %add3A_1623 : vector<16xf32>
              %swap3A_1625 = arith.index_cast %add3A_641 : i32 to index
              %swap3A_1626 = arith.constant 544 : index
              %swap3A_1627 = tpu.vector_load %arg13[%swap3A_1625, %swap3A_1626] {strides = array<i32>} : memref<32x768xf32, #tpu.memory_space<vmem>>, vector<1x16xf32>,
              %swap3A_1628 = vector.shape_cast %swap3A_1627 : vector<1x16xf32> to vector<16xf32>
              %swap3A_1629 = vector.shape_cast %add3A_1624 : vector<16xf32> to vector<1x16xf32>
              tpu.vector_store %arg13[%swap3A_1625, %swap3A_1626], %swap3A_1629 {strides = array<i32>} : memref<32x768xf32, #tpu.memory_space<vmem>>, vector<1x16xf32>,
              %get3A_1630 = arith.index_cast %add3A_641 : i32 to index
              %get3A_1631 = arith.constant 560 : index
              %get3A_1632 = tpu.vector_load %arg10[%get3A_1630, %get3A_1631] {strides = array<i32>} : memref<32x768xf32, #tpu.memory_space<vmem>>, vector<1x16xf32>,
              %get3A_1633 = vector.shape_cast %get3A_1632 : vector<1x16xf32> to vector<16xf32>
              %get3A_1634 = arith.index_cast %add3A_641 : i32 to index
              %get3A_1635 = arith.constant 560 : index
              %get3A_1636 = tpu.vector_load %arg12[%get3A_1634, %get3A_1635] {strides = array<i32>} : memref<32x768xf32, #tpu.memory_space<vmem>>, vector<1x16xf32>,
              %get3A_1637 = vector.shape_cast %get3A_1636 : vector<1x16xf32> to vector<16xf32>
              %mul3A_1638 = arith.mulf %gather3A_644, %get3A_186 : vector<16xf32>
              %add3A_1639 = arith.addf %get3A_1633, %mul3A_1638 : vector<16xf32>
              %add3A_1640 = arith.addf %get3A_1637, %add3A_1639 : vector<16xf32>
              %swap3A_1641 = arith.index_cast %add3A_641 : i32 to index
              %swap3A_1642 = arith.constant 560 : index
              %swap3A_1643 = tpu.vector_load %arg12[%swap3A_1641, %swap3A_1642] {strides = array<i32>} : memref<32x768xf32, #tpu.memory_space<vmem>>, vector<1x16xf32>,
              %swap3A_1644 = vector.shape_cast %swap3A_1643 : vector<1x16xf32> to vector<16xf32>
              %swap3A_1645 = vector.shape_cast %add3A_1640 : vector<16xf32> to vector<1x16xf32>
              tpu.vector_store %arg12[%swap3A_1641, %swap3A_1642], %swap3A_1645 {strides = array<i32>} : memref<32x768xf32, #tpu.memory_space<vmem>>, vector<1x16xf32>,
              %get3A_1646 = arith.index_cast %add3A_641 : i32 to index
              %get3A_1647 = arith.constant 560 : index
              %get3A_1648 = tpu.vector_load %arg13[%get3A_1646, %get3A_1647] {strides = array<i32>} : memref<32x768xf32, #tpu.memory_space<vmem>>, vector<1x16xf32>,
              %get3A_1649 = vector.shape_cast %get3A_1648 : vector<1x16xf32> to vector<16xf32>
              %mul3A_1650 = arith.mulf %gather3A_649, %get3A_186 : vector<16xf32>
              %add3A_1651 = arith.addf %get3A_1633, %mul3A_1650 : vector<16xf32>
              %add3A_1652 = arith.addf %get3A_1649, %add3A_1651 : vector<16xf32>
              %swap3A_1653 = arith.index_cast %add3A_641 : i32 to index
              %swap3A_1654 = arith.constant 560 : index
              %swap3A_1655 = tpu.vector_load %arg13[%swap3A_1653, %swap3A_1654] {strides = array<i32>} : memref<32x768xf32, #tpu.memory_space<vmem>>, vector<1x16xf32>,
              %swap3A_1656 = vector.shape_cast %swap3A_1655 : vector<1x16xf32> to vector<16xf32>
              %swap3A_1657 = vector.shape_cast %add3A_1652 : vector<16xf32> to vector<1x16xf32>
              tpu.vector_store %arg13[%swap3A_1653, %swap3A_1654], %swap3A_1657 {strides = array<i32>} : memref<32x768xf32, #tpu.memory_space<vmem>>, vector<1x16xf32>,
              %get3A_1658 = arith.index_cast %add3A_641 : i32 to index
              %get3A_1659 = arith.constant 576 : index
              %get3A_1660 = tpu.vector_load %arg10[%get3A_1658, %get3A_1659] {strides = array<i32>} : memref<32x768xf32, #tpu.memory_space<vmem>>, vector<1x16xf32>,
              %get3A_1661 = vector.shape_cast %get3A_1660 : vector<1x16xf32> to vector<16xf32>
              %get3A_1662 = arith.index_cast %add3A_641 : i32 to index
              %get3A_1663 = arith.constant 576 : index
              %get3A_1664 = tpu.vector_load %arg12[%get3A_1662, %get3A_1663] {strides = array<i32>} : memref<32x768xf32, #tpu.memory_space<vmem>>, vector<1x16xf32>,
              %get3A_1665 = vector.shape_cast %get3A_1664 : vector<1x16xf32> to vector<16xf32>
              %mul3A_1666 = arith.mulf %gather3A_644, %get3A_191 : vector<16xf32>
              %add3A_1667 = arith.addf %get3A_1661, %mul3A_1666 : vector<16xf32>
              %add3A_1668 = arith.addf %get3A_1665, %add3A_1667 : vector<16xf32>
              %swap3A_1669 = arith.index_cast %add3A_641 : i32 to index
              %swap3A_1670 = arith.constant 576 : index
              %swap3A_1671 = tpu.vector_load %arg12[%swap3A_1669, %swap3A_1670] {strides = array<i32>} : memref<32x768xf32, #tpu.memory_space<vmem>>, vector<1x16xf32>,
              %swap3A_1672 = vector.shape_cast %swap3A_1671 : vector<1x16xf32> to vector<16xf32>
              %swap3A_1673 = vector.shape_cast %add3A_1668 : vector<16xf32> to vector<1x16xf32>
              tpu.vector_store %arg12[%swap3A_1669, %swap3A_1670], %swap3A_1673 {strides = array<i32>} : memref<32x768xf32, #tpu.memory_space<vmem>>, vector<1x16xf32>,
              %get3A_1674 = arith.index_cast %add3A_641 : i32 to index
              %get3A_1675 = arith.constant 576 : index
              %get3A_1676 = tpu.vector_load %arg13[%get3A_1674, %get3A_1675] {strides = array<i32>} : memref<32x768xf32, #tpu.memory_space<vmem>>, vector<1x16xf32>,
              %get3A_1677 = vector.shape_cast %get3A_1676 : vector<1x16xf32> to vector<16xf32>
              %mul3A_1678 = arith.mulf %gather3A_649, %get3A_191 : vector<16xf32>
              %add3A_1679 = arith.addf %get3A_1661, %mul3A_1678 : vector<16xf32>
              %add3A_1680 = arith.addf %get3A_1677, %add3A_1679 : vector<16xf32>
              %swap3A_1681 = arith.index_cast %add3A_641 : i32 to index
              %swap3A_1682 = arith.constant 576 : index
              %swap3A_1683 = tpu.vector_load %arg13[%swap3A_1681, %swap3A_1682] {strides = array<i32>} : memref<32x768xf32, #tpu.memory_space<vmem>>, vector<1x16xf32>,
              %swap3A_1684 = vector.shape_cast %swap3A_1683 : vector<1x16xf32> to vector<16xf32>
              %swap3A_1685 = vector.shape_cast %add3A_1680 : vector<16xf32> to vector<1x16xf32>
              tpu.vector_store %arg13[%swap3A_1681, %swap3A_1682], %swap3A_1685 {strides = array<i32>} : memref<32x768xf32, #tpu.memory_space<vmem>>, vector<1x16xf32>,
              %get3A_1686 = arith.index_cast %add3A_641 : i32 to index
              %get3A_1687 = arith.constant 592 : index
              %get3A_1688 = tpu.vector_load %arg10[%get3A_1686, %get3A_1687] {strides = array<i32>} : memref<32x768xf32, #tpu.memory_space<vmem>>, vector<1x16xf32>,
              %get3A_1689 = vector.shape_cast %get3A_1688 : vector<1x16xf32> to vector<16xf32>
              %get3A_1690 = arith.index_cast %add3A_641 : i32 to index
              %get3A_1691 = arith.constant 592 : index
              %get3A_1692 = tpu.vector_load %arg12[%get3A_1690, %get3A_1691] {strides = array<i32>} : memref<32x768xf32, #tpu.memory_space<vmem>>, vector<1x16xf32>,
              %get3A_1693 = vector.shape_cast %get3A_1692 : vector<1x16xf32> to vector<16xf32>
              %mul3A_1694 = arith.mulf %gather3A_644, %get3A_196 : vector<16xf32>
              %add3A_1695 = arith.addf %get3A_1689, %mul3A_1694 : vector<16xf32>
              %add3A_1696 = arith.addf %get3A_1693, %add3A_1695 : vector<16xf32>
              %swap3A_1697 = arith.index_cast %add3A_641 : i32 to index
              %swap3A_1698 = arith.constant 592 : index
              %swap3A_1699 = tpu.vector_load %arg12[%swap3A_1697, %swap3A_1698] {strides = array<i32>} : memref<32x768xf32, #tpu.memory_space<vmem>>, vector<1x16xf32>,
              %swap3A_1700 = vector.shape_cast %swap3A_1699 : vector<1x16xf32> to vector<16xf32>
              %swap3A_1701 = vector.shape_cast %add3A_1696 : vector<16xf32> to vector<1x16xf32>
              tpu.vector_store %arg12[%swap3A_1697, %swap3A_1698], %swap3A_1701 {strides = array<i32>} : memref<32x768xf32, #tpu.memory_space<vmem>>, vector<1x16xf32>,
              %get3A_1702 = arith.index_cast %add3A_641 : i32 to index
              %get3A_1703 = arith.constant 592 : index
              %get3A_1704 = tpu.vector_load %arg13[%get3A_1702, %get3A_1703] {strides = array<i32>} : memref<32x768xf32, #tpu.memory_space<vmem>>, vector<1x16xf32>,
              %get3A_1705 = vector.shape_cast %get3A_1704 : vector<1x16xf32> to vector<16xf32>
              %mul3A_1706 = arith.mulf %gather3A_649, %get3A_196 : vector<16xf32>
              %add3A_1707 = arith.addf %get3A_1689, %mul3A_1706 : vector<16xf32>
              %add3A_1708 = arith.addf %get3A_1705, %add3A_1707 : vector<16xf32>
              %swap3A_1709 = arith.index_cast %add3A_641 : i32 to index
              %swap3A_1710 = arith.constant 592 : index
              %swap3A_1711 = tpu.vector_load %arg13[%swap3A_1709, %swap3A_1710] {strides = array<i32>} : memref<32x768xf32, #tpu.memory_space<vmem>>, vector<1x16xf32>,
              %swap3A_1712 = vector.shape_cast %swap3A_1711 : vector<1x16xf32> to vector<16xf32>
              %swap3A_1713 = vector.shape_cast %add3A_1708 : vector<16xf32> to vector<1x16xf32>
              tpu.vector_store %arg13[%swap3A_1709, %swap3A_1710], %swap3A_1713 {strides = array<i32>} : memref<32x768xf32, #tpu.memory_space<vmem>>, vector<1x16xf32>,
              %get3A_1714 = arith.index_cast %add3A_641 : i32 to index
              %get3A_1715 = arith.constant 608 : index
              %get3A_1716 = tpu.vector_load %arg10[%get3A_1714, %get3A_1715] {strides = array<i32>} : memref<32x768xf32, #tpu.memory_space<vmem>>, vector<1x16xf32>,
              %get3A_1717 = vector.shape_cast %get3A_1716 : vector<1x16xf32> to vector<16xf32>
              %get3A_1718 = arith.index_cast %add3A_641 : i32 to index
              %get3A_1719 = arith.constant 608 : index
              %get3A_1720 = tpu.vector_load %arg12[%get3A_1718, %get3A_1719] {strides = array<i32>} : memref<32x768xf32, #tpu.memory_space<vmem>>, vector<1x16xf32>,
              %get3A_1721 = vector.shape_cast %get3A_1720 : vector<1x16xf32> to vector<16xf32>
              %mul3A_1722 = arith.mulf %gather3A_644, %get3A_201 : vector<16xf32>
              %add3A_1723 = arith.addf %get3A_1717, %mul3A_1722 : vector<16xf32>
              %add3A_1724 = arith.addf %get3A_1721, %add3A_1723 : vector<16xf32>
              %swap3A_1725 = arith.index_cast %add3A_641 : i32 to index
              %swap3A_1726 = arith.constant 608 : index
              %swap3A_1727 = tpu.vector_load %arg12[%swap3A_1725, %swap3A_1726] {strides = array<i32>} : memref<32x768xf32, #tpu.memory_space<vmem>>, vector<1x16xf32>,
              %swap3A_1728 = vector.shape_cast %swap3A_1727 : vector<1x16xf32> to vector<16xf32>
              %swap3A_1729 = vector.shape_cast %add3A_1724 : vector<16xf32> to vector<1x16xf32>
              tpu.vector_store %arg12[%swap3A_1725, %swap3A_1726], %swap3A_1729 {strides = array<i32>} : memref<32x768xf32, #tpu.memory_space<vmem>>, vector<1x16xf32>,
              %get3A_1730 = arith.index_cast %add3A_641 : i32 to index
              %get3A_1731 = arith.constant 608 : index
              %get3A_1732 = tpu.vector_load %arg13[%get3A_1730, %get3A_1731] {strides = array<i32>} : memref<32x768xf32, #tpu.memory_space<vmem>>, vector<1x16xf32>,
              %get3A_1733 = vector.shape_cast %get3A_1732 : vector<1x16xf32> to vector<16xf32>
              %mul3A_1734 = arith.mulf %gather3A_649, %get3A_201 : vector<16xf32>
              %add3A_1735 = arith.addf %get3A_1717, %mul3A_1734 : vector<16xf32>
              %add3A_1736 = arith.addf %get3A_1733, %add3A_1735 : vector<16xf32>
              %swap3A_1737 = arith.index_cast %add3A_641 : i32 to index
              %swap3A_1738 = arith.constant 608 : index
              %swap3A_1739 = tpu.vector_load %arg13[%swap3A_1737, %swap3A_1738] {strides = array<i32>} : memref<32x768xf32, #tpu.memory_space<vmem>>, vector<1x16xf32>,
              %swap3A_1740 = vector.shape_cast %swap3A_1739 : vector<1x16xf32> to vector<16xf32>
              %swap3A_1741 = vector.shape_cast %add3A_1736 : vector<16xf32> to vector<1x16xf32>
              tpu.vector_store %arg13[%swap3A_1737, %swap3A_1738], %swap3A_1741 {strides = array<i32>} : memref<32x768xf32, #tpu.memory_space<vmem>>, vector<1x16xf32>,
              %get3A_1742 = arith.index_cast %add3A_641 : i32 to index
              %get3A_1743 = arith.constant 624 : index
              %get3A_1744 = tpu.vector_load %arg10[%get3A_1742, %get3A_1743] {strides = array<i32>} : memref<32x768xf32, #tpu.memory_space<vmem>>, vector<1x16xf32>,
              %get3A_1745 = vector.shape_cast %get3A_1744 : vector<1x16xf32> to vector<16xf32>
              %get3A_1746 = arith.index_cast %add3A_641 : i32 to index
              %get3A_1747 = arith.constant 624 : index
              %get3A_1748 = tpu.vector_load %arg12[%get3A_1746, %get3A_1747] {strides = array<i32>} : memref<32x768xf32, #tpu.memory_space<vmem>>, vector<1x16xf32>,
              %get3A_1749 = vector.shape_cast %get3A_1748 : vector<1x16xf32> to vector<16xf32>
              %mul3A_1750 = arith.mulf %gather3A_644, %get3A_206 : vector<16xf32>
              %add3A_1751 = arith.addf %get3A_1745, %mul3A_1750 : vector<16xf32>
              %add3A_1752 = arith.addf %get3A_1749, %add3A_1751 : vector<16xf32>
              %swap3A_1753 = arith.index_cast %add3A_641 : i32 to index
              %swap3A_1754 = arith.constant 624 : index
              %swap3A_1755 = tpu.vector_load %arg12[%swap3A_1753, %swap3A_1754] {strides = array<i32>} : memref<32x768xf32, #tpu.memory_space<vmem>>, vector<1x16xf32>,
              %swap3A_1756 = vector.shape_cast %swap3A_1755 : vector<1x16xf32> to vector<16xf32>
              %swap3A_1757 = vector.shape_cast %add3A_1752 : vector<16xf32> to vector<1x16xf32>
              tpu.vector_store %arg12[%swap3A_1753, %swap3A_1754], %swap3A_1757 {strides = array<i32>} : memref<32x768xf32, #tpu.memory_space<vmem>>, vector<1x16xf32>,
              %get3A_1758 = arith.index_cast %add3A_641 : i32 to index
              %get3A_1759 = arith.constant 624 : index
              %get3A_1760 = tpu.vector_load %arg13[%get3A_1758, %get3A_1759] {strides = array<i32>} : memref<32x768xf32, #tpu.memory_space<vmem>>, vector<1x16xf32>,
              %get3A_1761 = vector.shape_cast %get3A_1760 : vector<1x16xf32> to vector<16xf32>
              %mul3A_1762 = arith.mulf %gather3A_649, %get3A_206 : vector<16xf32>
              %add3A_1763 = arith.addf %get3A_1745, %mul3A_1762 : vector<16xf32>
              %add3A_1764 = arith.addf %get3A_1761, %add3A_1763 : vector<16xf32>
              %swap3A_1765 = arith.index_cast %add3A_641 : i32 to index
              %swap3A_1766 = arith.constant 624 : index
              %swap3A_1767 = tpu.vector_load %arg13[%swap3A_1765, %swap3A_1766] {strides = array<i32>} : memref<32x768xf32, #tpu.memory_space<vmem>>, vector<1x16xf32>,
              %swap3A_1768 = vector.shape_cast %swap3A_1767 : vector<1x16xf32> to vector<16xf32>
              %swap3A_1769 = vector.shape_cast %add3A_1764 : vector<16xf32> to vector<1x16xf32>
              tpu.vector_store %arg13[%swap3A_1765, %swap3A_1766], %swap3A_1769 {strides = array<i32>} : memref<32x768xf32, #tpu.memory_space<vmem>>, vector<1x16xf32>,
              %get3A_1770 = arith.index_cast %add3A_641 : i32 to index
              %get3A_1771 = arith.constant 640 : index
              %get3A_1772 = tpu.vector_load %arg10[%get3A_1770, %get3A_1771] {strides = array<i32>} : memref<32x768xf32, #tpu.memory_space<vmem>>, vector<1x16xf32>,
              %get3A_1773 = vector.shape_cast %get3A_1772 : vector<1x16xf32> to vector<16xf32>
              %get3A_1774 = arith.index_cast %add3A_641 : i32 to index
              %get3A_1775 = arith.constant 640 : index
              %get3A_1776 = tpu.vector_load %arg12[%get3A_1774, %get3A_1775] {strides = array<i32>} : memref<32x768xf32, #tpu.memory_space<vmem>>, vector<1x16xf32>,
              %get3A_1777 = vector.shape_cast %get3A_1776 : vector<1x16xf32> to vector<16xf32>
              %mul3A_1778 = arith.mulf %gather3A_644, %get3A_211 : vector<16xf32>
              %add3A_1779 = arith.addf %get3A_1773, %mul3A_1778 : vector<16xf32>
              %add3A_1780 = arith.addf %get3A_1777, %add3A_1779 : vector<16xf32>
              %swap3A_1781 = arith.index_cast %add3A_641 : i32 to index
              %swap3A_1782 = arith.constant 640 : index
              %swap3A_1783 = tpu.vector_load %arg12[%swap3A_1781, %swap3A_1782] {strides = array<i32>} : memref<32x768xf32, #tpu.memory_space<vmem>>, vector<1x16xf32>,
              %swap3A_1784 = vector.shape_cast %swap3A_1783 : vector<1x16xf32> to vector<16xf32>
              %swap3A_1785 = vector.shape_cast %add3A_1780 : vector<16xf32> to vector<1x16xf32>
              tpu.vector_store %arg12[%swap3A_1781, %swap3A_1782], %swap3A_1785 {strides = array<i32>} : memref<32x768xf32, #tpu.memory_space<vmem>>, vector<1x16xf32>,
              %get3A_1786 = arith.index_cast %add3A_641 : i32 to index
              %get3A_1787 = arith.constant 640 : index
              %get3A_1788 = tpu.vector_load %arg13[%get3A_1786, %get3A_1787] {strides = array<i32>} : memref<32x768xf32, #tpu.memory_space<vmem>>, vector<1x16xf32>,
              %get3A_1789 = vector.shape_cast %get3A_1788 : vector<1x16xf32> to vector<16xf32>
              %mul3A_1790 = arith.mulf %gather3A_649, %get3A_211 : vector<16xf32>
              %add3A_1791 = arith.addf %get3A_1773, %mul3A_1790 : vector<16xf32>
              %add3A_1792 = arith.addf %get3A_1789, %add3A_1791 : vector<16xf32>
              %swap3A_1793 = arith.index_cast %add3A_641 : i32 to index
              %swap3A_1794 = arith.constant 640 : index
              %swap3A_1795 = tpu.vector_load %arg13[%swap3A_1793, %swap3A_1794] {strides = array<i32>} : memref<32x768xf32, #tpu.memory_space<vmem>>, vector<1x16xf32>,
              %swap3A_1796 = vector.shape_cast %swap3A_1795 : vector<1x16xf32> to vector<16xf32>
              %swap3A_1797 = vector.shape_cast %add3A_1792 : vector<16xf32> to vector<1x16xf32>
              tpu.vector_store %arg13[%swap3A_1793, %swap3A_1794], %swap3A_1797 {strides = array<i32>} : memref<32x768xf32, #tpu.memory_space<vmem>>, vector<1x16xf32>,
              %get3A_1798 = arith.index_cast %add3A_641 : i32 to index
              %get3A_1799 = arith.constant 656 : index
              %get3A_1800 = tpu.vector_load %arg10[%get3A_1798, %get3A_1799] {strides = array<i32>} : memref<32x768xf32, #tpu.memory_space<vmem>>, vector<1x16xf32>,
              %get3A_1801 = vector.shape_cast %get3A_1800 : vector<1x16xf32> to vector<16xf32>
              %get3A_1802 = arith.index_cast %add3A_641 : i32 to index
              %get3A_1803 = arith.constant 656 : index
              %get3A_1804 = tpu.vector_load %arg12[%get3A_1802, %get3A_1803] {strides = array<i32>} : memref<32x768xf32, #tpu.memory_space<vmem>>, vector<1x16xf32>,
              %get3A_1805 = vector.shape_cast %get3A_1804 : vector<1x16xf32> to vector<16xf32>
              %mul3A_1806 = arith.mulf %gather3A_644, %get3A_216 : vector<16xf32>
              %add3A_1807 = arith.addf %get3A_1801, %mul3A_1806 : vector<16xf32>
              %add3A_1808 = arith.addf %get3A_1805, %add3A_1807 : vector<16xf32>
              %swap3A_1809 = arith.index_cast %add3A_641 : i32 to index
              %swap3A_1810 = arith.constant 656 : index
              %swap3A_1811 = tpu.vector_load %arg12[%swap3A_1809, %swap3A_1810] {strides = array<i32>} : memref<32x768xf32, #tpu.memory_space<vmem>>, vector<1x16xf32>,
              %swap3A_1812 = vector.shape_cast %swap3A_1811 : vector<1x16xf32> to vector<16xf32>
              %swap3A_1813 = vector.shape_cast %add3A_1808 : vector<16xf32> to vector<1x16xf32>
              tpu.vector_store %arg12[%swap3A_1809, %swap3A_1810], %swap3A_1813 {strides = array<i32>} : memref<32x768xf32, #tpu.memory_space<vmem>>, vector<1x16xf32>,
              %get3A_1814 = arith.index_cast %add3A_641 : i32 to index
              %get3A_1815 = arith.constant 656 : index
              %get3A_1816 = tpu.vector_load %arg13[%get3A_1814, %get3A_1815] {strides = array<i32>} : memref<32x768xf32, #tpu.memory_space<vmem>>, vector<1x16xf32>,
              %get3A_1817 = vector.shape_cast %get3A_1816 : vector<1x16xf32> to vector<16xf32>
              %mul3A_1818 = arith.mulf %gather3A_649, %get3A_216 : vector<16xf32>
              %add3A_1819 = arith.addf %get3A_1801, %mul3A_1818 : vector<16xf32>
              %add3A_1820 = arith.addf %get3A_1817, %add3A_1819 : vector<16xf32>
              %swap3A_1821 = arith.index_cast %add3A_641 : i32 to index
              %swap3A_1822 = arith.constant 656 : index
              %swap3A_1823 = tpu.vector_load %arg13[%swap3A_1821, %swap3A_1822] {strides = array<i32>} : memref<32x768xf32, #tpu.memory_space<vmem>>, vector<1x16xf32>,
              %swap3A_1824 = vector.shape_cast %swap3A_1823 : vector<1x16xf32> to vector<16xf32>
              %swap3A_1825 = vector.shape_cast %add3A_1820 : vector<16xf32> to vector<1x16xf32>
              tpu.vector_store %arg13[%swap3A_1821, %swap3A_1822], %swap3A_1825 {strides = array<i32>} : memref<32x768xf32, #tpu.memory_space<vmem>>, vector<1x16xf32>,
              %get3A_1826 = arith.index_cast %add3A_641 : i32 to index
              %get3A_1827 = arith.constant 672 : index
              %get3A_1828 = tpu.vector_load %arg10[%get3A_1826, %get3A_1827] {strides = array<i32>} : memref<32x768xf32, #tpu.memory_space<vmem>>, vector<1x16xf32>,
              %get3A_1829 = vector.shape_cast %get3A_1828 : vector<1x16xf32> to vector<16xf32>
              %get3A_1830 = arith.index_cast %add3A_641 : i32 to index
              %get3A_1831 = arith.constant 672 : index
              %get3A_1832 = tpu.vector_load %arg12[%get3A_1830, %get3A_1831] {strides = array<i32>} : memref<32x768xf32, #tpu.memory_space<vmem>>, vector<1x16xf32>,
              %get3A_1833 = vector.shape_cast %get3A_1832 : vector<1x16xf32> to vector<16xf32>
              %mul3A_1834 = arith.mulf %gather3A_644, %get3A_221 : vector<16xf32>
              %add3A_1835 = arith.addf %get3A_1829, %mul3A_1834 : vector<16xf32>
              %add3A_1836 = arith.addf %get3A_1833, %add3A_1835 : vector<16xf32>
              %swap3A_1837 = arith.index_cast %add3A_641 : i32 to index
              %swap3A_1838 = arith.constant 672 : index
              %swap3A_1839 = tpu.vector_load %arg12[%swap3A_1837, %swap3A_1838] {strides = array<i32>} : memref<32x768xf32, #tpu.memory_space<vmem>>, vector<1x16xf32>,
              %swap3A_1840 = vector.shape_cast %swap3A_1839 : vector<1x16xf32> to vector<16xf32>
              %swap3A_1841 = vector.shape_cast %add3A_1836 : vector<16xf32> to vector<1x16xf32>
              tpu.vector_store %arg12[%swap3A_1837, %swap3A_1838], %swap3A_1841 {strides = array<i32>} : memref<32x768xf32, #tpu.memory_space<vmem>>, vector<1x16xf32>,
              %get3A_1842 = arith.index_cast %add3A_641 : i32 to index
              %get3A_1843 = arith.constant 672 : index
              %get3A_1844 = tpu.vector_load %arg13[%get3A_1842, %get3A_1843] {strides = array<i32>} : memref<32x768xf32, #tpu.memory_space<vmem>>, vector<1x16xf32>,
              %get3A_1845 = vector.shape_cast %get3A_1844 : vector<1x16xf32> to vector<16xf32>
              %mul3A_1846 = arith.mulf %gather3A_649, %get3A_221 : vector<16xf32>
              %add3A_1847 = arith.addf %get3A_1829, %mul3A_1846 : vector<16xf32>
              %add3A_1848 = arith.addf %get3A_1845, %add3A_1847 : vector<16xf32>
              %swap3A_1849 = arith.index_cast %add3A_641 : i32 to index
              %swap3A_1850 = arith.constant 672 : index
              %swap3A_1851 = tpu.vector_load %arg13[%swap3A_1849, %swap3A_1850] {strides = array<i32>} : memref<32x768xf32, #tpu.memory_space<vmem>>, vector<1x16xf32>,
              %swap3A_1852 = vector.shape_cast %swap3A_1851 : vector<1x16xf32> to vector<16xf32>
              %swap3A_1853 = vector.shape_cast %add3A_1848 : vector<16xf32> to vector<1x16xf32>
              tpu.vector_store %arg13[%swap3A_1849, %swap3A_1850], %swap3A_1853 {strides = array<i32>} : memref<32x768xf32, #tpu.memory_space<vmem>>, vector<1x16xf32>,
              %get3A_1854 = arith.index_cast %add3A_641 : i32 to index
              %get3A_1855 = arith.constant 688 : index
              %get3A_1856 = tpu.vector_load %arg10[%get3A_1854, %get3A_1855] {strides = array<i32>} : memref<32x768xf32, #tpu.memory_space<vmem>>, vector<1x16xf32>,
              %get3A_1857 = vector.shape_cast %get3A_1856 : vector<1x16xf32> to vector<16xf32>
              %get3A_1858 = arith.index_cast %add3A_641 : i32 to index
              %get3A_1859 = arith.constant 688 : index
              %get3A_1860 = tpu.vector_load %arg12[%get3A_1858, %get3A_1859] {strides = array<i32>} : memref<32x768xf32, #tpu.memory_space<vmem>>, vector<1x16xf32>,
              %get3A_1861 = vector.shape_cast %get3A_1860 : vector<1x16xf32> to vector<16xf32>
              %mul3A_1862 = arith.mulf %gather3A_644, %get3A_226 : vector<16xf32>
              %add3A_1863 = arith.addf %get3A_1857, %mul3A_1862 : vector<16xf32>
              %add3A_1864 = arith.addf %get3A_1861, %add3A_1863 : vector<16xf32>
              %swap3A_1865 = arith.index_cast %add3A_641 : i32 to index
              %swap3A_1866 = arith.constant 688 : index
              %swap3A_1867 = tpu.vector_load %arg12[%swap3A_1865, %swap3A_1866] {strides = array<i32>} : memref<32x768xf32, #tpu.memory_space<vmem>>, vector<1x16xf32>,
              %swap3A_1868 = vector.shape_cast %swap3A_1867 : vector<1x16xf32> to vector<16xf32>
              %swap3A_1869 = vector.shape_cast %add3A_1864 : vector<16xf32> to vector<1x16xf32>
              tpu.vector_store %arg12[%swap3A_1865, %swap3A_1866], %swap3A_1869 {strides = array<i32>} : memref<32x768xf32, #tpu.memory_space<vmem>>, vector<1x16xf32>,
              %get3A_1870 = arith.index_cast %add3A_641 : i32 to index
              %get3A_1871 = arith.constant 688 : index
              %get3A_1872 = tpu.vector_load %arg13[%get3A_1870, %get3A_1871] {strides = array<i32>} : memref<32x768xf32, #tpu.memory_space<vmem>>, vector<1x16xf32>,
              %get3A_1873 = vector.shape_cast %get3A_1872 : vector<1x16xf32> to vector<16xf32>
              %mul3A_1874 = arith.mulf %gather3A_649, %get3A_226 : vector<16xf32>
              %add3A_1875 = arith.addf %get3A_1857, %mul3A_1874 : vector<16xf32>
              %add3A_1876 = arith.addf %get3A_1873, %add3A_1875 : vector<16xf32>
              %swap3A_1877 = arith.index_cast %add3A_641 : i32 to index
              %swap3A_1878 = arith.constant 688 : index
              %swap3A_1879 = tpu.vector_load %arg13[%swap3A_1877, %swap3A_1878] {strides = array<i32>} : memref<32x768xf32, #tpu.memory_space<vmem>>, vector<1x16xf32>,
              %swap3A_1880 = vector.shape_cast %swap3A_1879 : vector<1x16xf32> to vector<16xf32>
              %swap3A_1881 = vector.shape_cast %add3A_1876 : vector<16xf32> to vector<1x16xf32>
              tpu.vector_store %arg13[%swap3A_1877, %swap3A_1878], %swap3A_1881 {strides = array<i32>} : memref<32x768xf32, #tpu.memory_space<vmem>>, vector<1x16xf32>,
              %get3A_1882 = arith.index_cast %add3A_641 : i32 to index
              %get3A_1883 = arith.constant 704 : index
              %get3A_1884 = tpu.vector_load %arg10[%get3A_1882, %get3A_1883] {strides = array<i32>} : memref<32x768xf32, #tpu.memory_space<vmem>>, vector<1x16xf32>,
              %get3A_1885 = vector.shape_cast %get3A_1884 : vector<1x16xf32> to vector<16xf32>
              %get3A_1886 = arith.index_cast %add3A_641 : i32 to index
              %get3A_1887 = arith.constant 704 : index
              %get3A_1888 = tpu.vector_load %arg12[%get3A_1886, %get3A_1887] {strides = array<i32>} : memref<32x768xf32, #tpu.memory_space<vmem>>, vector<1x16xf32>,
              %get3A_1889 = vector.shape_cast %get3A_1888 : vector<1x16xf32> to vector<16xf32>
              %mul3A_1890 = arith.mulf %gather3A_644, %get3A_231 : vector<16xf32>
              %add3A_1891 = arith.addf %get3A_1885, %mul3A_1890 : vector<16xf32>
              %add3A_1892 = arith.addf %get3A_1889, %add3A_1891 : vector<16xf32>
              %swap3A_1893 = arith.index_cast %add3A_641 : i32 to index
              %swap3A_1894 = arith.constant 704 : index
              %swap3A_1895 = tpu.vector_load %arg12[%swap3A_1893, %swap3A_1894] {strides = array<i32>} : memref<32x768xf32, #tpu.memory_space<vmem>>, vector<1x16xf32>,
              %swap3A_1896 = vector.shape_cast %swap3A_1895 : vector<1x16xf32> to vector<16xf32>
              %swap3A_1897 = vector.shape_cast %add3A_1892 : vector<16xf32> to vector<1x16xf32>
              tpu.vector_store %arg12[%swap3A_1893, %swap3A_1894], %swap3A_1897 {strides = array<i32>} : memref<32x768xf32, #tpu.memory_space<vmem>>, vector<1x16xf32>,
              %get3A_1898 = arith.index_cast %add3A_641 : i32 to index
              %get3A_1899 = arith.constant 704 : index
              %get3A_1900 = tpu.vector_load %arg13[%get3A_1898, %get3A_1899] {strides = array<i32>} : memref<32x768xf32, #tpu.memory_space<vmem>>, vector<1x16xf32>,
              %get3A_1901 = vector.shape_cast %get3A_1900 : vector<1x16xf32> to vector<16xf32>
              %mul3A_1902 = arith.mulf %gather3A_649, %get3A_231 : vector<16xf32>
              %add3A_1903 = arith.addf %get3A_1885, %mul3A_1902 : vector<16xf32>
              %add3A_1904 = arith.addf %get3A_1901, %add3A_1903 : vector<16xf32>
              %swap3A_1905 = arith.index_cast %add3A_641 : i32 to index
              %swap3A_1906 = arith.constant 704 : index
              %swap3A_1907 = tpu.vector_load %arg13[%swap3A_1905, %swap3A_1906] {strides = array<i32>} : memref<32x768xf32, #tpu.memory_space<vmem>>, vector<1x16xf32>,
              %swap3A_1908 = vector.shape_cast %swap3A_1907 : vector<1x16xf32> to vector<16xf32>
              %swap3A_1909 = vector.shape_cast %add3A_1904 : vector<16xf32> to vector<1x16xf32>
              tpu.vector_store %arg13[%swap3A_1905, %swap3A_1906], %swap3A_1909 {strides = array<i32>} : memref<32x768xf32, #tpu.memory_space<vmem>>, vector<1x16xf32>,
              %get3A_1910 = arith.index_cast %add3A_641 : i32 to index
              %get3A_1911 = arith.constant 720 : index
              %get3A_1912 = tpu.vector_load %arg10[%get3A_1910, %get3A_1911] {strides = array<i32>} : memref<32x768xf32, #tpu.memory_space<vmem>>, vector<1x16xf32>,
              %get3A_1913 = vector.shape_cast %get3A_1912 : vector<1x16xf32> to vector<16xf32>
              %get3A_1914 = arith.index_cast %add3A_641 : i32 to index
              %get3A_1915 = arith.constant 720 : index
              %get3A_1916 = tpu.vector_load %arg12[%get3A_1914, %get3A_1915] {strides = array<i32>} : memref<32x768xf32, #tpu.memory_space<vmem>>, vector<1x16xf32>,
              %get3A_1917 = vector.shape_cast %get3A_1916 : vector<1x16xf32> to vector<16xf32>
              %mul3A_1918 = arith.mulf %gather3A_644, %get3A_236 : vector<16xf32>
              %add3A_1919 = arith.addf %get3A_1913, %mul3A_1918 : vector<16xf32>
              %add3A_1920 = arith.addf %get3A_1917, %add3A_1919 : vector<16xf32>
              %swap3A_1921 = arith.index_cast %add3A_641 : i32 to index
              %swap3A_1922 = arith.constant 720 : index
              %swap3A_1923 = tpu.vector_load %arg12[%swap3A_1921, %swap3A_1922] {strides = array<i32>} : memref<32x768xf32, #tpu.memory_space<vmem>>, vector<1x16xf32>,
              %swap3A_1924 = vector.shape_cast %swap3A_1923 : vector<1x16xf32> to vector<16xf32>
              %swap3A_1925 = vector.shape_cast %add3A_1920 : vector<16xf32> to vector<1x16xf32>
              tpu.vector_store %arg12[%swap3A_1921, %swap3A_1922], %swap3A_1925 {strides = array<i32>} : memref<32x768xf32, #tpu.memory_space<vmem>>, vector<1x16xf32>,
              %get3A_1926 = arith.index_cast %add3A_641 : i32 to index
              %get3A_1927 = arith.constant 720 : index
              %get3A_1928 = tpu.vector_load %arg13[%get3A_1926, %get3A_1927] {strides = array<i32>} : memref<32x768xf32, #tpu.memory_space<vmem>>, vector<1x16xf32>,
              %get3A_1929 = vector.shape_cast %get3A_1928 : vector<1x16xf32> to vector<16xf32>
              %mul3A_1930 = arith.mulf %gather3A_649, %get3A_236 : vector<16xf32>
              %add3A_1931 = arith.addf %get3A_1913, %mul3A_1930 : vector<16xf32>
              %add3A_1932 = arith.addf %get3A_1929, %add3A_1931 : vector<16xf32>
              %swap3A_1933 = arith.index_cast %add3A_641 : i32 to index
              %swap3A_1934 = arith.constant 720 : index
              %swap3A_1935 = tpu.vector_load %arg13[%swap3A_1933, %swap3A_1934] {strides = array<i32>} : memref<32x768xf32, #tpu.memory_space<vmem>>, vector<1x16xf32>,
              %swap3A_1936 = vector.shape_cast %swap3A_1935 : vector<1x16xf32> to vector<16xf32>
              %swap3A_1937 = vector.shape_cast %add3A_1932 : vector<16xf32> to vector<1x16xf32>
              tpu.vector_store %arg13[%swap3A_1933, %swap3A_1934], %swap3A_1937 {strides = array<i32>} : memref<32x768xf32, #tpu.memory_space<vmem>>, vector<1x16xf32>,
              %get3A_1938 = arith.index_cast %add3A_641 : i32 to index
              %get3A_1939 = arith.constant 736 : index
              %get3A_1940 = tpu.vector_load %arg10[%get3A_1938, %get3A_1939] {strides = array<i32>} : memref<32x768xf32, #tpu.memory_space<vmem>>, vector<1x16xf32>,
              %get3A_1941 = vector.shape_cast %get3A_1940 : vector<1x16xf32> to vector<16xf32>
              %get3A_1942 = arith.index_cast %add3A_641 : i32 to index
              %get3A_1943 = arith.constant 736 : index
              %get3A_1944 = tpu.vector_load %arg12[%get3A_1942, %get3A_1943] {strides = array<i32>} : memref<32x768xf32, #tpu.memory_space<vmem>>, vector<1x16xf32>,
              %get3A_1945 = vector.shape_cast %get3A_1944 : vector<1x16xf32> to vector<16xf32>
              %mul3A_1946 = arith.mulf %gather3A_644, %get3A_241 : vector<16xf32>
              %add3A_1947 = arith.addf %get3A_1941, %mul3A_1946 : vector<16xf32>
              %add3A_1948 = arith.addf %get3A_1945, %add3A_1947 : vector<16xf32>
              %swap3A_1949 = arith.index_cast %add3A_641 : i32 to index
              %swap3A_1950 = arith.constant 736 : index
              %swap3A_1951 = tpu.vector_load %arg12[%swap3A_1949, %swap3A_1950] {strides = array<i32>} : memref<32x768xf32, #tpu.memory_space<vmem>>, vector<1x16xf32>,
              %swap3A_1952 = vector.shape_cast %swap3A_1951 : vector<1x16xf32> to vector<16xf32>
              %swap3A_1953 = vector.shape_cast %add3A_1948 : vector<16xf32> to vector<1x16xf32>
              tpu.vector_store %arg12[%swap3A_1949, %swap3A_1950], %swap3A_1953 {strides = array<i32>} : memref<32x768xf32, #tpu.memory_space<vmem>>, vector<1x16xf32>,
              %get3A_1954 = arith.index_cast %add3A_641 : i32 to index
              %get3A_1955 = arith.constant 736 : index
              %get3A_1956 = tpu.vector_load %arg13[%get3A_1954, %get3A_1955] {strides = array<i32>} : memref<32x768xf32, #tpu.memory_space<vmem>>, vector<1x16xf32>,
              %get3A_1957 = vector.shape_cast %get3A_1956 : vector<1x16xf32> to vector<16xf32>
              %mul3A_1958 = arith.mulf %gather3A_649, %get3A_241 : vector<16xf32>
              %add3A_1959 = arith.addf %get3A_1941, %mul3A_1958 : vector<16xf32>
              %add3A_1960 = arith.addf %get3A_1957, %add3A_1959 : vector<16xf32>
              %swap3A_1961 = arith.index_cast %add3A_641 : i32 to index
              %swap3A_1962 = arith.constant 736 : index
              %swap3A_1963 = tpu.vector_load %arg13[%swap3A_1961, %swap3A_1962] {strides = array<i32>} : memref<32x768xf32, #tpu.memory_space<vmem>>, vector<1x16xf32>,
              %swap3A_1964 = vector.shape_cast %swap3A_1963 : vector<1x16xf32> to vector<16xf32>
              %swap3A_1965 = vector.shape_cast %add3A_1960 : vector<16xf32> to vector<1x16xf32>
              tpu.vector_store %arg13[%swap3A_1961, %swap3A_1962], %swap3A_1965 {strides = array<i32>} : memref<32x768xf32, #tpu.memory_space<vmem>>, vector<1x16xf32>,
              %get3A_1966 = arith.index_cast %add3A_641 : i32 to index
              %get3A_1967 = arith.constant 752 : index
              %get3A_1968 = tpu.vector_load %arg10[%get3A_1966, %get3A_1967] {strides = array<i32>} : memref<32x768xf32, #tpu.memory_space<vmem>>, vector<1x16xf32>,
              %get3A_1969 = vector.shape_cast %get3A_1968 : vector<1x16xf32> to vector<16xf32>
              %get3A_1970 = arith.index_cast %add3A_641 : i32 to index
              %get3A_1971 = arith.constant 752 : index
              %get3A_1972 = tpu.vector_load %arg12[%get3A_1970, %get3A_1971] {strides = array<i32>} : memref<32x768xf32, #tpu.memory_space<vmem>>, vector<1x16xf32>,
              %get3A_1973 = vector.shape_cast %get3A_1972 : vector<1x16xf32> to vector<16xf32>
              %mul3A_1974 = arith.mulf %gather3A_644, %get3A_246 : vector<16xf32>
              %add3A_1975 = arith.addf %get3A_1969, %mul3A_1974 : vector<16xf32>
              %add3A_1976 = arith.addf %get3A_1973, %add3A_1975 : vector<16xf32>
              %swap3A_1977 = arith.index_cast %add3A_641 : i32 to index
              %swap3A_1978 = arith.constant 752 : index
              %swap3A_1979 = tpu.vector_load %arg12[%swap3A_1977, %swap3A_1978] {strides = array<i32>} : memref<32x768xf32, #tpu.memory_space<vmem>>, vector<1x16xf32>,
              %swap3A_1980 = vector.shape_cast %swap3A_1979 : vector<1x16xf32> to vector<16xf32>
              %swap3A_1981 = vector.shape_cast %add3A_1976 : vector<16xf32> to vector<1x16xf32>
              tpu.vector_store %arg12[%swap3A_1977, %swap3A_1978], %swap3A_1981 {strides = array<i32>} : memref<32x768xf32, #tpu.memory_space<vmem>>, vector<1x16xf32>,
              %get3A_1982 = arith.index_cast %add3A_641 : i32 to index
              %get3A_1983 = arith.constant 752 : index
              %get3A_1984 = tpu.vector_load %arg13[%get3A_1982, %get3A_1983] {strides = array<i32>} : memref<32x768xf32, #tpu.memory_space<vmem>>, vector<1x16xf32>,
              %get3A_1985 = vector.shape_cast %get3A_1984 : vector<1x16xf32> to vector<16xf32>
              %mul3A_1986 = arith.mulf %gather3A_649, %get3A_246 : vector<16xf32>
              %add3A_1987 = arith.addf %get3A_1969, %mul3A_1986 : vector<16xf32>
              %add3A_1988 = arith.addf %get3A_1985, %add3A_1987 : vector<16xf32>
              %swap3A_1989 = arith.index_cast %add3A_641 : i32 to index
              %swap3A_1990 = arith.constant 752 : index
              %swap3A_1991 = tpu.vector_load %arg13[%swap3A_1989, %swap3A_1990] {strides = array<i32>} : memref<32x768xf32, #tpu.memory_space<vmem>>, vector<1x16xf32>,
              %swap3A_1992 = vector.shape_cast %swap3A_1991 : vector<1x16xf32> to vector<16xf32>
              %swap3A_1993 = vector.shape_cast %add3A_1988 : vector<16xf32> to vector<1x16xf32>
              tpu.vector_store %arg13[%swap3A_1989, %swap3A_1990], %swap3A_1993 {strides = array<i32>} : memref<32x768xf32, #tpu.memory_space<vmem>>, vector<1x16xf32>,
            }
            %scan3A_633 = arith.constant 16 : i32
          }
          %scan3A_531 = arith.constant 2 : i32
          %mul3A_532 = arith.constant 512 : i32
          %mul3A_533 = arith.muli %add3A_510, %mul3A_532 : i32
          %add3A_534 = arith.addi %mul3A_2, %mul3A_533 : i32
          %mul3A_535 = arith.constant 32 : i32
          %mul3A_536 = arith.muli %add3A_299, %mul3A_535 : i32
          %add3A_537 = arith.addi %add3A_534, %mul3A_536 : i32
          %dma_start3A_538 = arith.constant 0 : i32
          %dma_start3A_539 = tpu.memref_slice %arg6[%add3A_537, %dma_start3A_538] : memref<524288x768xf32, #tpu.memory_space<hbm>> -> memref<32x768xf32, #tpu.memory_space<hbm>>
          %dma_start3A_540 = arith.constant 0 : i32
          %dma_start3A_541 = tpu.memref_slice %arg6[%add3A_537, %dma_start3A_540] : memref<524288x768xf32, #tpu.memory_space<hbm>> -> memref<32x768xf32, #tpu.memory_space<hbm>>
          tpu.enqueue_dma source(%arg12 : memref<32x768xf32, #tpu.memory_space<vmem>>) target(%dma_start3A_541 : memref<32x768xf32, #tpu.memory_space<hbm>>) target_semaphore(%arg21 : memref<!tpu.dma_semaphore, #tpu.memory_space<semaphore_mem>>)
          %mul3A_542 = arith.constant 512 : i32
          %mul3A_543 = arith.muli %add3A_514, %mul3A_542 : i32
          %add3A_544 = arith.addi %mul3A_2, %mul3A_543 : i32
          %mul3A_545 = arith.constant 32 : i32
          %mul3A_546 = arith.muli %add3A_299, %mul3A_545 : i32
          %add3A_547 = arith.addi %add3A_544, %mul3A_546 : i32
          %dma_start3A_548 = arith.constant 0 : i32
          %dma_start3A_549 = tpu.memref_slice %arg6[%add3A_547, %dma_start3A_548] : memref<524288x768xf32, #tpu.memory_space<hbm>> -> memref<32x768xf32, #tpu.memory_space<hbm>>
          %dma_start3A_550 = arith.constant 0 : i32
          %dma_start3A_551 = tpu.memref_slice %arg6[%add3A_547, %dma_start3A_550] : memref<524288x768xf32, #tpu.memory_space<hbm>> -> memref<32x768xf32, #tpu.memory_space<hbm>>
          tpu.enqueue_dma source(%arg13 : memref<32x768xf32, #tpu.memory_space<vmem>>) target(%dma_start3A_551 : memref<32x768xf32, #tpu.memory_space<hbm>>) target_semaphore(%arg22 : memref<!tpu.dma_semaphore, #tpu.memory_space<semaphore_mem>>)
          %mul3A_552 = arith.constant 4 : i32
          %mul3A_553 = arith.muli %add3A_506, %mul3A_552 : i32
          %add3A_554 = arith.constant 2 : i32
          %add3A_555 = arith.addi %mul3A_553, %add3A_554 : i32
          %mul3A_556 = arith.constant 4 : i32
          %mul3A_557 = arith.muli %add3A_506, %mul3A_556 : i32
          %add3A_558 = arith.constant 3 : i32
          %add3A_559 = arith.addi %mul3A_557, %add3A_558 : i32
          %dma_wait3A_560 = arith.constant 0 : i32
          %dma_wait3A_561 = arith.constant 0 : i32
          %dma_wait3A_562 = tpu.memref_slice %arg2[%dma_wait3A_560, %dma_wait3A_561] : memref<100000x768xf32, #tpu.memory_space<hbm>> -> memref<32x768xf32, #tpu.memory_space<hbm>>
          %dma_wait3A_563 = arith.constant 0 : i32
          %dma_wait3A_564 = arith.constant 0 : i32
          %dma_wait3A_565 = tpu.memref_slice %arg2[%dma_wait3A_563, %dma_wait3A_564] : memref<100000x768xf32, #tpu.memory_space<hbm>> -> memref<32x768xf32, #tpu.memory_space<hbm>>
          tpu.wait_dma2 semaphore(%arg19 : memref<!tpu.dma_semaphore, #tpu.memory_space<semaphore_mem>>) src(%dma_wait3A_565 : memref<32x768xf32, #tpu.memory_space<hbm>>) dst(%arg14 : memref<32x768xf32, #tpu.memory_space<vmem>>)
          %dma_wait3A_566 = arith.constant 0 : i32
          %dma_wait3A_567 = arith.constant 0 : i32
          %dma_wait3A_568 = tpu.memref_slice %arg2[%dma_wait3A_566, %dma_wait3A_567] : memref<100000x768xf32, #tpu.memory_space<hbm>> -> memref<32x768xf32, #tpu.memory_space<hbm>>
          %dma_wait3A_569 = arith.constant 0 : i32
          %dma_wait3A_570 = arith.constant 0 : i32
          %dma_wait3A_571 = tpu.memref_slice %arg2[%dma_wait3A_569, %dma_wait3A_570] : memref<100000x768xf32, #tpu.memory_space<hbm>> -> memref<32x768xf32, #tpu.memory_space<hbm>>
          tpu.wait_dma2 semaphore(%arg20 : memref<!tpu.dma_semaphore, #tpu.memory_space<semaphore_mem>>) src(%dma_wait3A_571 : memref<32x768xf32, #tpu.memory_space<hbm>>) dst(%arg15 : memref<32x768xf32, #tpu.memory_space<vmem>>)
          %scan3A_572 = arith.constant 0 : i32
          %scan3A_573 = arith.constant 2 : i32
          %scan3A_574 = arith.addi %scan3A_572, %scan3A_573 : i32
          %scan3A_575 = arith.constant 1 : i32
          scf.for %scan3A_599 = %scan3A_572 to %scan3A_574 step %scan3A_575  : i32 {
            %mul3A_600 = arith.constant 1 : i32
            %mul3A_601 = arith.muli %scan3A_599, %mul3A_600 : i32
            %add3A_602 = arith.constant 0 : i32
            %add3A_603 = arith.addi %add3A_602, %mul3A_601 : i32
            %mul3A_604 = arith.constant 32 : i32
            %mul3A_605 = arith.muli %add3A_296, %mul3A_604 : i32
            %mul3A_606 = arith.constant 16 : i32
            %mul3A_607 = arith.muli %add3A_603, %mul3A_606 : i32
            %add3A_608 = arith.addi %mul3A_605, %mul3A_607 : i32
            %get3A_609 = arith.index_cast %add3A_555 : i32 to index
            %get3A_610 = arith.index_cast %add3A_608 : i32 to index
            %get3A_611 = tpu.vector_load %arg8[%get3A_609, %get3A_610] {strides = array<i32>} : memref<32x128xi32, #tpu.memory_space<vmem>>, vector<1x16xi32>,
            %get3A_612 = vector.shape_cast %get3A_611 : vector<1x16xi32> to vector<16xi32>
            %and3A = arith.constant 1 : i32
            %and3A_613 = vector.broadcast %and3A : i32 to vector<16xi32>
            %and3A_614 = arith.andi %get3A_612, %and3A_613 : vector<16xi32>
            %convert_element_type3A_615 = arith.sitofp %and3A_614 : vector<16xi32> to vector<16xf32>
            %mul3A_616 = arith.constant 32 : i32
            %mul3A_617 = arith.muli %add3A_296, %mul3A_616 : i32
            %mul3A_618 = arith.constant 16 : i32
            %mul3A_619 = arith.muli %add3A_603, %mul3A_618 : i32
            %add3A_620 = arith.addi %mul3A_617, %mul3A_619 : i32
            %get3A_621 = arith.index_cast %add3A_559 : i32 to index
            %get3A_622 = arith.index_cast %add3A_620 : i32 to index
            %get3A_623 = tpu.vector_load %arg8[%get3A_621, %get3A_622] {strides = array<i32>} : memref<32x128xi32, #tpu.memory_space<vmem>>, vector<1x16xi32>,
            %get3A_624 = vector.shape_cast %get3A_623 : vector<1x16xi32> to vector<16xi32>
            %and3A_625 = arith.constant 1 : i32
            %and3A_626 = vector.broadcast %and3A_625 : i32 to vector<16xi32>
            %and3A_627 = arith.andi %get3A_624, %and3A_626 : vector<16xi32>
            %convert_element_type3A_628 = arith.sitofp %and3A_627 : vector<16xi32> to vector<16xf32>
            %scan3A_629 = arith.constant 0 : i32
            %scan3A_630 = arith.constant 16 : i32
            %scan3A_631 = arith.addi %scan3A_629, %scan3A_630 : i32
            %scan3A_632 = arith.constant 1 : i32
            scf.for %scan3A_634 = %scan3A_629 to %scan3A_631 step %scan3A_632  : i32 {
              %mul3A_635 = arith.constant 1 : i32
              %mul3A_636 = arith.muli %scan3A_634, %mul3A_635 : i32
              %add3A_637 = arith.constant 0 : i32
              %add3A_638 = arith.addi %add3A_637, %mul3A_636 : i32
              %mul3A_639 = arith.constant 16 : i32
              %mul3A_640 = arith.muli %add3A_603, %mul3A_639 : i32
              %add3A_641 = arith.addi %mul3A_640, %add3A_638 : i32
              %add3A_642 = vector.broadcast %add3A_638 : i32 to vector<16xi32>
              %add3A_643 = arith.addi %mul3A_7, %add3A_642 : vector<16xi32>
              %broadcast_in_dim3A = vector.shape_cast %add3A_643 : vector<16xi32> to vector<16x1xi32>
              %gather3A = vector.shape_cast %broadcast_in_dim3A : vector<16x1xi32> to vector<16xi32>
              %gather3A_644 = tpu.dynamic_gather %convert_element_type3A_615[%gather3A] in [0] : vector<16xf32>, vector<16xi32> -> vector<16xf32>
              %add3A_645 = vector.broadcast %add3A_638 : i32 to vector<16xi32>
              %add3A_646 = arith.addi %mul3A_7, %add3A_645 : vector<16xi32>
              %broadcast_in_dim3A_647 = vector.shape_cast %add3A_646 : vector<16xi32> to vector<16x1xi32>
              %gather3A_648 = vector.shape_cast %broadcast_in_dim3A_647 : vector<16x1xi32> to vector<16xi32>
              %gather3A_649 = tpu.dynamic_gather %convert_element_type3A_628[%gather3A_648] in [0] : vector<16xf32>, vector<16xi32> -> vector<16xf32>
              %get3A_650 = arith.index_cast %add3A_641 : i32 to index
              %get3A_651 = arith.constant 0 : index
              %get3A_652 = tpu.vector_load %arg10[%get3A_650, %get3A_651] {strides = array<i32>} : memref<32x768xf32, #tpu.memory_space<vmem>>, vector<1x16xf32>,
              %get3A_653 = vector.shape_cast %get3A_652 : vector<1x16xf32> to vector<16xf32>
              %get3A_654 = arith.index_cast %add3A_641 : i32 to index
              %get3A_655 = arith.constant 0 : index
              %get3A_656 = tpu.vector_load %arg14[%get3A_654, %get3A_655] {strides = array<i32>} : memref<32x768xf32, #tpu.memory_space<vmem>>, vector<1x16xf32>,
              %get3A_657 = vector.shape_cast %get3A_656 : vector<1x16xf32> to vector<16xf32>
              %mul3A_658 = arith.mulf %gather3A_644, %get3A_11 : vector<16xf32>
              %add3A_659 = arith.addf %get3A_653, %mul3A_658 : vector<16xf32>
              %add3A_660 = arith.addf %get3A_657, %add3A_659 : vector<16xf32>
              %swap3A_661 = arith.index_cast %add3A_641 : i32 to index
              %swap3A_662 = arith.constant 0 : index
              %swap3A_663 = tpu.vector_load %arg14[%swap3A_661, %swap3A_662] {strides = array<i32>} : memref<32x768xf32, #tpu.memory_space<vmem>>, vector<1x16xf32>,
              %swap3A_664 = vector.shape_cast %swap3A_663 : vector<1x16xf32> to vector<16xf32>
              %swap3A_665 = vector.shape_cast %add3A_660 : vector<16xf32> to vector<1x16xf32>
              tpu.vector_store %arg14[%swap3A_661, %swap3A_662], %swap3A_665 {strides = array<i32>} : memref<32x768xf32, #tpu.memory_space<vmem>>, vector<1x16xf32>,
              %get3A_666 = arith.index_cast %add3A_641 : i32 to index
              %get3A_667 = arith.constant 0 : index
              %get3A_668 = tpu.vector_load %arg15[%get3A_666, %get3A_667] {strides = array<i32>} : memref<32x768xf32, #tpu.memory_space<vmem>>, vector<1x16xf32>,
              %get3A_669 = vector.shape_cast %get3A_668 : vector<1x16xf32> to vector<16xf32>
              %mul3A_670 = arith.mulf %gather3A_649, %get3A_11 : vector<16xf32>
              %add3A_671 = arith.addf %get3A_653, %mul3A_670 : vector<16xf32>
              %add3A_672 = arith.addf %get3A_669, %add3A_671 : vector<16xf32>
              %swap3A_673 = arith.index_cast %add3A_641 : i32 to index
              %swap3A_674 = arith.constant 0 : index
              %swap3A_675 = tpu.vector_load %arg15[%swap3A_673, %swap3A_674] {strides = array<i32>} : memref<32x768xf32, #tpu.memory_space<vmem>>, vector<1x16xf32>,
              %swap3A_676 = vector.shape_cast %swap3A_675 : vector<1x16xf32> to vector<16xf32>
              %swap3A_677 = vector.shape_cast %add3A_672 : vector<16xf32> to vector<1x16xf32>
              tpu.vector_store %arg15[%swap3A_673, %swap3A_674], %swap3A_677 {strides = array<i32>} : memref<32x768xf32, #tpu.memory_space<vmem>>, vector<1x16xf32>,
              %get3A_678 = arith.index_cast %add3A_641 : i32 to index
              %get3A_679 = arith.constant 16 : index
              %get3A_680 = tpu.vector_load %arg10[%get3A_678, %get3A_679] {strides = array<i32>} : memref<32x768xf32, #tpu.memory_space<vmem>>, vector<1x16xf32>,
              %get3A_681 = vector.shape_cast %get3A_680 : vector<1x16xf32> to vector<16xf32>
              %get3A_682 = arith.index_cast %add3A_641 : i32 to index
              %get3A_683 = arith.constant 16 : index
              %get3A_684 = tpu.vector_load %arg14[%get3A_682, %get3A_683] {strides = array<i32>} : memref<32x768xf32, #tpu.memory_space<vmem>>, vector<1x16xf32>,
              %get3A_685 = vector.shape_cast %get3A_684 : vector<1x16xf32> to vector<16xf32>
              %mul3A_686 = arith.mulf %gather3A_644, %get3A_16 : vector<16xf32>
              %add3A_687 = arith.addf %get3A_681, %mul3A_686 : vector<16xf32>
              %add3A_688 = arith.addf %get3A_685, %add3A_687 : vector<16xf32>
              %swap3A_689 = arith.index_cast %add3A_641 : i32 to index
              %swap3A_690 = arith.constant 16 : index
              %swap3A_691 = tpu.vector_load %arg14[%swap3A_689, %swap3A_690] {strides = array<i32>} : memref<32x768xf32, #tpu.memory_space<vmem>>, vector<1x16xf32>,
              %swap3A_692 = vector.shape_cast %swap3A_691 : vector<1x16xf32> to vector<16xf32>
              %swap3A_693 = vector.shape_cast %add3A_688 : vector<16xf32> to vector<1x16xf32>
              tpu.vector_store %arg14[%swap3A_689, %swap3A_690], %swap3A_693 {strides = array<i32>} : memref<32x768xf32, #tpu.memory_space<vmem>>, vector<1x16xf32>,
              %get3A_694 = arith.index_cast %add3A_641 : i32 to index
              %get3A_695 = arith.constant 16 : index
              %get3A_696 = tpu.vector_load %arg15[%get3A_694, %get3A_695] {strides = array<i32>} : memref<32x768xf32, #tpu.memory_space<vmem>>, vector<1x16xf32>,
              %get3A_697 = vector.shape_cast %get3A_696 : vector<1x16xf32> to vector<16xf32>
              %mul3A_698 = arith.mulf %gather3A_649, %get3A_16 : vector<16xf32>
              %add3A_699 = arith.addf %get3A_681, %mul3A_698 : vector<16xf32>
              %add3A_700 = arith.addf %get3A_697, %add3A_699 : vector<16xf32>
              %swap3A_701 = arith.index_cast %add3A_641 : i32 to index
              %swap3A_702 = arith.constant 16 : index
              %swap3A_703 = tpu.vector_load %arg15[%swap3A_701, %swap3A_702] {strides = array<i32>} : memref<32x768xf32, #tpu.memory_space<vmem>>, vector<1x16xf32>,
              %swap3A_704 = vector.shape_cast %swap3A_703 : vector<1x16xf32> to vector<16xf32>
              %swap3A_705 = vector.shape_cast %add3A_700 : vector<16xf32> to vector<1x16xf32>
              tpu.vector_store %arg15[%swap3A_701, %swap3A_702], %swap3A_705 {strides = array<i32>} : memref<32x768xf32, #tpu.memory_space<vmem>>, vector<1x16xf32>,
              %get3A_706 = arith.index_cast %add3A_641 : i32 to index
              %get3A_707 = arith.constant 32 : index
              %get3A_708 = tpu.vector_load %arg10[%get3A_706, %get3A_707] {strides = array<i32>} : memref<32x768xf32, #tpu.memory_space<vmem>>, vector<1x16xf32>,
              %get3A_709 = vector.shape_cast %get3A_708 : vector<1x16xf32> to vector<16xf32>
              %get3A_710 = arith.index_cast %add3A_641 : i32 to index
              %get3A_711 = arith.constant 32 : index
              %get3A_712 = tpu.vector_load %arg14[%get3A_710, %get3A_711] {strides = array<i32>} : memref<32x768xf32, #tpu.memory_space<vmem>>, vector<1x16xf32>,
              %get3A_713 = vector.shape_cast %get3A_712 : vector<1x16xf32> to vector<16xf32>
              %mul3A_714 = arith.mulf %gather3A_644, %get3A_21 : vector<16xf32>
              %add3A_715 = arith.addf %get3A_709, %mul3A_714 : vector<16xf32>
              %add3A_716 = arith.addf %get3A_713, %add3A_715 : vector<16xf32>
              %swap3A_717 = arith.index_cast %add3A_641 : i32 to index
              %swap3A_718 = arith.constant 32 : index
              %swap3A_719 = tpu.vector_load %arg14[%swap3A_717, %swap3A_718] {strides = array<i32>} : memref<32x768xf32, #tpu.memory_space<vmem>>, vector<1x16xf32>,
              %swap3A_720 = vector.shape_cast %swap3A_719 : vector<1x16xf32> to vector<16xf32>
              %swap3A_721 = vector.shape_cast %add3A_716 : vector<16xf32> to vector<1x16xf32>
              tpu.vector_store %arg14[%swap3A_717, %swap3A_718], %swap3A_721 {strides = array<i32>} : memref<32x768xf32, #tpu.memory_space<vmem>>, vector<1x16xf32>,
              %get3A_722 = arith.index_cast %add3A_641 : i32 to index
              %get3A_723 = arith.constant 32 : index
              %get3A_724 = tpu.vector_load %arg15[%get3A_722, %get3A_723] {strides = array<i32>} : memref<32x768xf32, #tpu.memory_space<vmem>>, vector<1x16xf32>,
              %get3A_725 = vector.shape_cast %get3A_724 : vector<1x16xf32> to vector<16xf32>
              %mul3A_726 = arith.mulf %gather3A_649, %get3A_21 : vector<16xf32>
              %add3A_727 = arith.addf %get3A_709, %mul3A_726 : vector<16xf32>
              %add3A_728 = arith.addf %get3A_725, %add3A_727 : vector<16xf32>
              %swap3A_729 = arith.index_cast %add3A_641 : i32 to index
              %swap3A_730 = arith.constant 32 : index
              %swap3A_731 = tpu.vector_load %arg15[%swap3A_729, %swap3A_730] {strides = array<i32>} : memref<32x768xf32, #tpu.memory_space<vmem>>, vector<1x16xf32>,
              %swap3A_732 = vector.shape_cast %swap3A_731 : vector<1x16xf32> to vector<16xf32>
              %swap3A_733 = vector.shape_cast %add3A_728 : vector<16xf32> to vector<1x16xf32>
              tpu.vector_store %arg15[%swap3A_729, %swap3A_730], %swap3A_733 {strides = array<i32>} : memref<32x768xf32, #tpu.memory_space<vmem>>, vector<1x16xf32>,
              %get3A_734 = arith.index_cast %add3A_641 : i32 to index
              %get3A_735 = arith.constant 48 : index
              %get3A_736 = tpu.vector_load %arg10[%get3A_734, %get3A_735] {strides = array<i32>} : memref<32x768xf32, #tpu.memory_space<vmem>>, vector<1x16xf32>,
              %get3A_737 = vector.shape_cast %get3A_736 : vector<1x16xf32> to vector<16xf32>
              %get3A_738 = arith.index_cast %add3A_641 : i32 to index
              %get3A_739 = arith.constant 48 : index
              %get3A_740 = tpu.vector_load %arg14[%get3A_738, %get3A_739] {strides = array<i32>} : memref<32x768xf32, #tpu.memory_space<vmem>>, vector<1x16xf32>,
              %get3A_741 = vector.shape_cast %get3A_740 : vector<1x16xf32> to vector<16xf32>
              %mul3A_742 = arith.mulf %gather3A_644, %get3A_26 : vector<16xf32>
              %add3A_743 = arith.addf %get3A_737, %mul3A_742 : vector<16xf32>
              %add3A_744 = arith.addf %get3A_741, %add3A_743 : vector<16xf32>
              %swap3A_745 = arith.index_cast %add3A_641 : i32 to index
              %swap3A_746 = arith.constant 48 : index
              %swap3A_747 = tpu.vector_load %arg14[%swap3A_745, %swap3A_746] {strides = array<i32>} : memref<32x768xf32, #tpu.memory_space<vmem>>, vector<1x16xf32>,
              %swap3A_748 = vector.shape_cast %swap3A_747 : vector<1x16xf32> to vector<16xf32>
              %swap3A_749 = vector.shape_cast %add3A_744 : vector<16xf32> to vector<1x16xf32>
              tpu.vector_store %arg14[%swap3A_745, %swap3A_746], %swap3A_749 {strides = array<i32>} : memref<32x768xf32, #tpu.memory_space<vmem>>, vector<1x16xf32>,
              %get3A_750 = arith.index_cast %add3A_641 : i32 to index
              %get3A_751 = arith.constant 48 : index
              %get3A_752 = tpu.vector_load %arg15[%get3A_750, %get3A_751] {strides = array<i32>} : memref<32x768xf32, #tpu.memory_space<vmem>>, vector<1x16xf32>,
              %get3A_753 = vector.shape_cast %get3A_752 : vector<1x16xf32> to vector<16xf32>
              %mul3A_754 = arith.mulf %gather3A_649, %get3A_26 : vector<16xf32>
              %add3A_755 = arith.addf %get3A_737, %mul3A_754 : vector<16xf32>
              %add3A_756 = arith.addf %get3A_753, %add3A_755 : vector<16xf32>
              %swap3A_757 = arith.index_cast %add3A_641 : i32 to index
              %swap3A_758 = arith.constant 48 : index
              %swap3A_759 = tpu.vector_load %arg15[%swap3A_757, %swap3A_758] {strides = array<i32>} : memref<32x768xf32, #tpu.memory_space<vmem>>, vector<1x16xf32>,
              %swap3A_760 = vector.shape_cast %swap3A_759 : vector<1x16xf32> to vector<16xf32>
              %swap3A_761 = vector.shape_cast %add3A_756 : vector<16xf32> to vector<1x16xf32>
              tpu.vector_store %arg15[%swap3A_757, %swap3A_758], %swap3A_761 {strides = array<i32>} : memref<32x768xf32, #tpu.memory_space<vmem>>, vector<1x16xf32>,
              %get3A_762 = arith.index_cast %add3A_641 : i32 to index
              %get3A_763 = arith.constant 64 : index
              %get3A_764 = tpu.vector_load %arg10[%get3A_762, %get3A_763] {strides = array<i32>} : memref<32x768xf32, #tpu.memory_space<vmem>>, vector<1x16xf32>,
              %get3A_765 = vector.shape_cast %get3A_764 : vector<1x16xf32> to vector<16xf32>
              %get3A_766 = arith.index_cast %add3A_641 : i32 to index
              %get3A_767 = arith.constant 64 : index
              %get3A_768 = tpu.vector_load %arg14[%get3A_766, %get3A_767] {strides = array<i32>} : memref<32x768xf32, #tpu.memory_space<vmem>>, vector<1x16xf32>,
              %get3A_769 = vector.shape_cast %get3A_768 : vector<1x16xf32> to vector<16xf32>
              %mul3A_770 = arith.mulf %gather3A_644, %get3A_31 : vector<16xf32>
              %add3A_771 = arith.addf %get3A_765, %mul3A_770 : vector<16xf32>
              %add3A_772 = arith.addf %get3A_769, %add3A_771 : vector<16xf32>
              %swap3A_773 = arith.index_cast %add3A_641 : i32 to index
              %swap3A_774 = arith.constant 64 : index
              %swap3A_775 = tpu.vector_load %arg14[%swap3A_773, %swap3A_774] {strides = array<i32>} : memref<32x768xf32, #tpu.memory_space<vmem>>, vector<1x16xf32>,
              %swap3A_776 = vector.shape_cast %swap3A_775 : vector<1x16xf32> to vector<16xf32>
              %swap3A_777 = vector.shape_cast %add3A_772 : vector<16xf32> to vector<1x16xf32>
              tpu.vector_store %arg14[%swap3A_773, %swap3A_774], %swap3A_777 {strides = array<i32>} : memref<32x768xf32, #tpu.memory_space<vmem>>, vector<1x16xf32>,
              %get3A_778 = arith.index_cast %add3A_641 : i32 to index
              %get3A_779 = arith.constant 64 : index
              %get3A_780 = tpu.vector_load %arg15[%get3A_778, %get3A_779] {strides = array<i32>} : memref<32x768xf32, #tpu.memory_space<vmem>>, vector<1x16xf32>,
              %get3A_781 = vector.shape_cast %get3A_780 : vector<1x16xf32> to vector<16xf32>
              %mul3A_782 = arith.mulf %gather3A_649, %get3A_31 : vector<16xf32>
              %add3A_783 = arith.addf %get3A_765, %mul3A_782 : vector<16xf32>
              %add3A_784 = arith.addf %get3A_781, %add3A_783 : vector<16xf32>
              %swap3A_785 = arith.index_cast %add3A_641 : i32 to index
              %swap3A_786 = arith.constant 64 : index
              %swap3A_787 = tpu.vector_load %arg15[%swap3A_785, %swap3A_786] {strides = array<i32>} : memref<32x768xf32, #tpu.memory_space<vmem>>, vector<1x16xf32>,
              %swap3A_788 = vector.shape_cast %swap3A_787 : vector<1x16xf32> to vector<16xf32>
              %swap3A_789 = vector.shape_cast %add3A_784 : vector<16xf32> to vector<1x16xf32>
              tpu.vector_store %arg15[%swap3A_785, %swap3A_786], %swap3A_789 {strides = array<i32>} : memref<32x768xf32, #tpu.memory_space<vmem>>, vector<1x16xf32>,
              %get3A_790 = arith.index_cast %add3A_641 : i32 to index
              %get3A_791 = arith.constant 80 : index
              %get3A_792 = tpu.vector_load %arg10[%get3A_790, %get3A_791] {strides = array<i32>} : memref<32x768xf32, #tpu.memory_space<vmem>>, vector<1x16xf32>,
              %get3A_793 = vector.shape_cast %get3A_792 : vector<1x16xf32> to vector<16xf32>
              %get3A_794 = arith.index_cast %add3A_641 : i32 to index
              %get3A_795 = arith.constant 80 : index
              %get3A_796 = tpu.vector_load %arg14[%get3A_794, %get3A_795] {strides = array<i32>} : memref<32x768xf32, #tpu.memory_space<vmem>>, vector<1x16xf32>,
              %get3A_797 = vector.shape_cast %get3A_796 : vector<1x16xf32> to vector<16xf32>
              %mul3A_798 = arith.mulf %gather3A_644, %get3A_36 : vector<16xf32>
              %add3A_799 = arith.addf %get3A_793, %mul3A_798 : vector<16xf32>
              %add3A_800 = arith.addf %get3A_797, %add3A_799 : vector<16xf32>
              %swap3A_801 = arith.index_cast %add3A_641 : i32 to index
              %swap3A_802 = arith.constant 80 : index
              %swap3A_803 = tpu.vector_load %arg14[%swap3A_801, %swap3A_802] {strides = array<i32>} : memref<32x768xf32, #tpu.memory_space<vmem>>, vector<1x16xf32>,
              %swap3A_804 = vector.shape_cast %swap3A_803 : vector<1x16xf32> to vector<16xf32>
              %swap3A_805 = vector.shape_cast %add3A_800 : vector<16xf32> to vector<1x16xf32>
              tpu.vector_store %arg14[%swap3A_801, %swap3A_802], %swap3A_805 {strides = array<i32>} : memref<32x768xf32, #tpu.memory_space<vmem>>, vector<1x16xf32>,
              %get3A_806 = arith.index_cast %add3A_641 : i32 to index
              %get3A_807 = arith.constant 80 : index
              %get3A_808 = tpu.vector_load %arg15[%get3A_806, %get3A_807] {strides = array<i32>} : memref<32x768xf32, #tpu.memory_space<vmem>>, vector<1x16xf32>,
              %get3A_809 = vector.shape_cast %get3A_808 : vector<1x16xf32> to vector<16xf32>
              %mul3A_810 = arith.mulf %gather3A_649, %get3A_36 : vector<16xf32>
              %add3A_811 = arith.addf %get3A_793, %mul3A_810 : vector<16xf32>
              %add3A_812 = arith.addf %get3A_809, %add3A_811 : vector<16xf32>
              %swap3A_813 = arith.index_cast %add3A_641 : i32 to index
              %swap3A_814 = arith.constant 80 : index
              %swap3A_815 = tpu.vector_load %arg15[%swap3A_813, %swap3A_814] {strides = array<i32>} : memref<32x768xf32, #tpu.memory_space<vmem>>, vector<1x16xf32>,
              %swap3A_816 = vector.shape_cast %swap3A_815 : vector<1x16xf32> to vector<16xf32>
              %swap3A_817 = vector.shape_cast %add3A_812 : vector<16xf32> to vector<1x16xf32>
              tpu.vector_store %arg15[%swap3A_813, %swap3A_814], %swap3A_817 {strides = array<i32>} : memref<32x768xf32, #tpu.memory_space<vmem>>, vector<1x16xf32>,
              %get3A_818 = arith.index_cast %add3A_641 : i32 to index
              %get3A_819 = arith.constant 96 : index
              %get3A_820 = tpu.vector_load %arg10[%get3A_818, %get3A_819] {strides = array<i32>} : memref<32x768xf32, #tpu.memory_space<vmem>>, vector<1x16xf32>,
              %get3A_821 = vector.shape_cast %get3A_820 : vector<1x16xf32> to vector<16xf32>
              %get3A_822 = arith.index_cast %add3A_641 : i32 to index
              %get3A_823 = arith.constant 96 : index
              %get3A_824 = tpu.vector_load %arg14[%get3A_822, %get3A_823] {strides = array<i32>} : memref<32x768xf32, #tpu.memory_space<vmem>>, vector<1x16xf32>,
              %get3A_825 = vector.shape_cast %get3A_824 : vector<1x16xf32> to vector<16xf32>
              %mul3A_826 = arith.mulf %gather3A_644, %get3A_41 : vector<16xf32>
              %add3A_827 = arith.addf %get3A_821, %mul3A_826 : vector<16xf32>
              %add3A_828 = arith.addf %get3A_825, %add3A_827 : vector<16xf32>
              %swap3A_829 = arith.index_cast %add3A_641 : i32 to index
              %swap3A_830 = arith.constant 96 : index
              %swap3A_831 = tpu.vector_load %arg14[%swap3A_829, %swap3A_830] {strides = array<i32>} : memref<32x768xf32, #tpu.memory_space<vmem>>, vector<1x16xf32>,
              %swap3A_832 = vector.shape_cast %swap3A_831 : vector<1x16xf32> to vector<16xf32>
              %swap3A_833 = vector.shape_cast %add3A_828 : vector<16xf32> to vector<1x16xf32>
              tpu.vector_store %arg14[%swap3A_829, %swap3A_830], %swap3A_833 {strides = array<i32>} : memref<32x768xf32, #tpu.memory_space<vmem>>, vector<1x16xf32>,
              %get3A_834 = arith.index_cast %add3A_641 : i32 to index
              %get3A_835 = arith.constant 96 : index
              %get3A_836 = tpu.vector_load %arg15[%get3A_834, %get3A_835] {strides = array<i32>} : memref<32x768xf32, #tpu.memory_space<vmem>>, vector<1x16xf32>,
              %get3A_837 = vector.shape_cast %get3A_836 : vector<1x16xf32> to vector<16xf32>
              %mul3A_838 = arith.mulf %gather3A_649, %get3A_41 : vector<16xf32>
              %add3A_839 = arith.addf %get3A_821, %mul3A_838 : vector<16xf32>
              %add3A_840 = arith.addf %get3A_837, %add3A_839 : vector<16xf32>
              %swap3A_841 = arith.index_cast %add3A_641 : i32 to index
              %swap3A_842 = arith.constant 96 : index
              %swap3A_843 = tpu.vector_load %arg15[%swap3A_841, %swap3A_842] {strides = array<i32>} : memref<32x768xf32, #tpu.memory_space<vmem>>, vector<1x16xf32>,
              %swap3A_844 = vector.shape_cast %swap3A_843 : vector<1x16xf32> to vector<16xf32>
              %swap3A_845 = vector.shape_cast %add3A_840 : vector<16xf32> to vector<1x16xf32>
              tpu.vector_store %arg15[%swap3A_841, %swap3A_842], %swap3A_845 {strides = array<i32>} : memref<32x768xf32, #tpu.memory_space<vmem>>, vector<1x16xf32>,
              %get3A_846 = arith.index_cast %add3A_641 : i32 to index
              %get3A_847 = arith.constant 112 : index
              %get3A_848 = tpu.vector_load %arg10[%get3A_846, %get3A_847] {strides = array<i32>} : memref<32x768xf32, #tpu.memory_space<vmem>>, vector<1x16xf32>,
              %get3A_849 = vector.shape_cast %get3A_848 : vector<1x16xf32> to vector<16xf32>
              %get3A_850 = arith.index_cast %add3A_641 : i32 to index
              %get3A_851 = arith.constant 112 : index
              %get3A_852 = tpu.vector_load %arg14[%get3A_850, %get3A_851] {strides = array<i32>} : memref<32x768xf32, #tpu.memory_space<vmem>>, vector<1x16xf32>,
              %get3A_853 = vector.shape_cast %get3A_852 : vector<1x16xf32> to vector<16xf32>
              %mul3A_854 = arith.mulf %gather3A_644, %get3A_46 : vector<16xf32>
              %add3A_855 = arith.addf %get3A_849, %mul3A_854 : vector<16xf32>
              %add3A_856 = arith.addf %get3A_853, %add3A_855 : vector<16xf32>
              %swap3A_857 = arith.index_cast %add3A_641 : i32 to index
              %swap3A_858 = arith.constant 112 : index
              %swap3A_859 = tpu.vector_load %arg14[%swap3A_857, %swap3A_858] {strides = array<i32>} : memref<32x768xf32, #tpu.memory_space<vmem>>, vector<1x16xf32>,
              %swap3A_860 = vector.shape_cast %swap3A_859 : vector<1x16xf32> to vector<16xf32>
              %swap3A_861 = vector.shape_cast %add3A_856 : vector<16xf32> to vector<1x16xf32>
              tpu.vector_store %arg14[%swap3A_857, %swap3A_858], %swap3A_861 {strides = array<i32>} : memref<32x768xf32, #tpu.memory_space<vmem>>, vector<1x16xf32>,
              %get3A_862 = arith.index_cast %add3A_641 : i32 to index
              %get3A_863 = arith.constant 112 : index
              %get3A_864 = tpu.vector_load %arg15[%get3A_862, %get3A_863] {strides = array<i32>} : memref<32x768xf32, #tpu.memory_space<vmem>>, vector<1x16xf32>,
              %get3A_865 = vector.shape_cast %get3A_864 : vector<1x16xf32> to vector<16xf32>
              %mul3A_866 = arith.mulf %gather3A_649, %get3A_46 : vector<16xf32>
              %add3A_867 = arith.addf %get3A_849, %mul3A_866 : vector<16xf32>
              %add3A_868 = arith.addf %get3A_865, %add3A_867 : vector<16xf32>
              %swap3A_869 = arith.index_cast %add3A_641 : i32 to index
              %swap3A_870 = arith.constant 112 : index
              %swap3A_871 = tpu.vector_load %arg15[%swap3A_869, %swap3A_870] {strides = array<i32>} : memref<32x768xf32, #tpu.memory_space<vmem>>, vector<1x16xf32>,
              %swap3A_872 = vector.shape_cast %swap3A_871 : vector<1x16xf32> to vector<16xf32>
              %swap3A_873 = vector.shape_cast %add3A_868 : vector<16xf32> to vector<1x16xf32>
              tpu.vector_store %arg15[%swap3A_869, %swap3A_870], %swap3A_873 {strides = array<i32>} : memref<32x768xf32, #tpu.memory_space<vmem>>, vector<1x16xf32>,
              %get3A_874 = arith.index_cast %add3A_641 : i32 to index
              %get3A_875 = arith.constant 128 : index
              %get3A_876 = tpu.vector_load %arg10[%get3A_874, %get3A_875] {strides = array<i32>} : memref<32x768xf32, #tpu.memory_space<vmem>>, vector<1x16xf32>,
              %get3A_877 = vector.shape_cast %get3A_876 : vector<1x16xf32> to vector<16xf32>
              %get3A_878 = arith.index_cast %add3A_641 : i32 to index
              %get3A_879 = arith.constant 128 : index
              %get3A_880 = tpu.vector_load %arg14[%get3A_878, %get3A_879] {strides = array<i32>} : memref<32x768xf32, #tpu.memory_space<vmem>>, vector<1x16xf32>,
              %get3A_881 = vector.shape_cast %get3A_880 : vector<1x16xf32> to vector<16xf32>
              %mul3A_882 = arith.mulf %gather3A_644, %get3A_51 : vector<16xf32>
              %add3A_883 = arith.addf %get3A_877, %mul3A_882 : vector<16xf32>
              %add3A_884 = arith.addf %get3A_881, %add3A_883 : vector<16xf32>
              %swap3A_885 = arith.index_cast %add3A_641 : i32 to index
              %swap3A_886 = arith.constant 128 : index
              %swap3A_887 = tpu.vector_load %arg14[%swap3A_885, %swap3A_886] {strides = array<i32>} : memref<32x768xf32, #tpu.memory_space<vmem>>, vector<1x16xf32>,
              %swap3A_888 = vector.shape_cast %swap3A_887 : vector<1x16xf32> to vector<16xf32>
              %swap3A_889 = vector.shape_cast %add3A_884 : vector<16xf32> to vector<1x16xf32>
              tpu.vector_store %arg14[%swap3A_885, %swap3A_886], %swap3A_889 {strides = array<i32>} : memref<32x768xf32, #tpu.memory_space<vmem>>, vector<1x16xf32>,
              %get3A_890 = arith.index_cast %add3A_641 : i32 to index
              %get3A_891 = arith.constant 128 : index
              %get3A_892 = tpu.vector_load %arg15[%get3A_890, %get3A_891] {strides = array<i32>} : memref<32x768xf32, #tpu.memory_space<vmem>>, vector<1x16xf32>,
              %get3A_893 = vector.shape_cast %get3A_892 : vector<1x16xf32> to vector<16xf32>
              %mul3A_894 = arith.mulf %gather3A_649, %get3A_51 : vector<16xf32>
              %add3A_895 = arith.addf %get3A_877, %mul3A_894 : vector<16xf32>
              %add3A_896 = arith.addf %get3A_893, %add3A_895 : vector<16xf32>
              %swap3A_897 = arith.index_cast %add3A_641 : i32 to index
              %swap3A_898 = arith.constant 128 : index
              %swap3A_899 = tpu.vector_load %arg15[%swap3A_897, %swap3A_898] {strides = array<i32>} : memref<32x768xf32, #tpu.memory_space<vmem>>, vector<1x16xf32>,
              %swap3A_900 = vector.shape_cast %swap3A_899 : vector<1x16xf32> to vector<16xf32>
              %swap3A_901 = vector.shape_cast %add3A_896 : vector<16xf32> to vector<1x16xf32>
              tpu.vector_store %arg15[%swap3A_897, %swap3A_898], %swap3A_901 {strides = array<i32>} : memref<32x768xf32, #tpu.memory_space<vmem>>, vector<1x16xf32>,
              %get3A_902 = arith.index_cast %add3A_641 : i32 to index
              %get3A_903 = arith.constant 144 : index
              %get3A_904 = tpu.vector_load %arg10[%get3A_902, %get3A_903] {strides = array<i32>} : memref<32x768xf32, #tpu.memory_space<vmem>>, vector<1x16xf32>,
              %get3A_905 = vector.shape_cast %get3A_904 : vector<1x16xf32> to vector<16xf32>
              %get3A_906 = arith.index_cast %add3A_641 : i32 to index
              %get3A_907 = arith.constant 144 : index
              %get3A_908 = tpu.vector_load %arg14[%get3A_906, %get3A_907] {strides = array<i32>} : memref<32x768xf32, #tpu.memory_space<vmem>>, vector<1x16xf32>,
              %get3A_909 = vector.shape_cast %get3A_908 : vector<1x16xf32> to vector<16xf32>
              %mul3A_910 = arith.mulf %gather3A_644, %get3A_56 : vector<16xf32>
              %add3A_911 = arith.addf %get3A_905, %mul3A_910 : vector<16xf32>
              %add3A_912 = arith.addf %get3A_909, %add3A_911 : vector<16xf32>
              %swap3A_913 = arith.index_cast %add3A_641 : i32 to index
              %swap3A_914 = arith.constant 144 : index
              %swap3A_915 = tpu.vector_load %arg14[%swap3A_913, %swap3A_914] {strides = array<i32>} : memref<32x768xf32, #tpu.memory_space<vmem>>, vector<1x16xf32>,
              %swap3A_916 = vector.shape_cast %swap3A_915 : vector<1x16xf32> to vector<16xf32>
              %swap3A_917 = vector.shape_cast %add3A_912 : vector<16xf32> to vector<1x16xf32>
              tpu.vector_store %arg14[%swap3A_913, %swap3A_914], %swap3A_917 {strides = array<i32>} : memref<32x768xf32, #tpu.memory_space<vmem>>, vector<1x16xf32>,
              %get3A_918 = arith.index_cast %add3A_641 : i32 to index
              %get3A_919 = arith.constant 144 : index
              %get3A_920 = tpu.vector_load %arg15[%get3A_918, %get3A_919] {strides = array<i32>} : memref<32x768xf32, #tpu.memory_space<vmem>>, vector<1x16xf32>,
              %get3A_921 = vector.shape_cast %get3A_920 : vector<1x16xf32> to vector<16xf32>
              %mul3A_922 = arith.mulf %gather3A_649, %get3A_56 : vector<16xf32>
              %add3A_923 = arith.addf %get3A_905, %mul3A_922 : vector<16xf32>
              %add3A_924 = arith.addf %get3A_921, %add3A_923 : vector<16xf32>
              %swap3A_925 = arith.index_cast %add3A_641 : i32 to index
              %swap3A_926 = arith.constant 144 : index
              %swap3A_927 = tpu.vector_load %arg15[%swap3A_925, %swap3A_926] {strides = array<i32>} : memref<32x768xf32, #tpu.memory_space<vmem>>, vector<1x16xf32>,
              %swap3A_928 = vector.shape_cast %swap3A_927 : vector<1x16xf32> to vector<16xf32>
              %swap3A_929 = vector.shape_cast %add3A_924 : vector<16xf32> to vector<1x16xf32>
              tpu.vector_store %arg15[%swap3A_925, %swap3A_926], %swap3A_929 {strides = array<i32>} : memref<32x768xf32, #tpu.memory_space<vmem>>, vector<1x16xf32>,
              %get3A_930 = arith.index_cast %add3A_641 : i32 to index
              %get3A_931 = arith.constant 160 : index
              %get3A_932 = tpu.vector_load %arg10[%get3A_930, %get3A_931] {strides = array<i32>} : memref<32x768xf32, #tpu.memory_space<vmem>>, vector<1x16xf32>,
              %get3A_933 = vector.shape_cast %get3A_932 : vector<1x16xf32> to vector<16xf32>
              %get3A_934 = arith.index_cast %add3A_641 : i32 to index
              %get3A_935 = arith.constant 160 : index
              %get3A_936 = tpu.vector_load %arg14[%get3A_934, %get3A_935] {strides = array<i32>} : memref<32x768xf32, #tpu.memory_space<vmem>>, vector<1x16xf32>,
              %get3A_937 = vector.shape_cast %get3A_936 : vector<1x16xf32> to vector<16xf32>
              %mul3A_938 = arith.mulf %gather3A_644, %get3A_61 : vector<16xf32>
              %add3A_939 = arith.addf %get3A_933, %mul3A_938 : vector<16xf32>
              %add3A_940 = arith.addf %get3A_937, %add3A_939 : vector<16xf32>
              %swap3A_941 = arith.index_cast %add3A_641 : i32 to index
              %swap3A_942 = arith.constant 160 : index
              %swap3A_943 = tpu.vector_load %arg14[%swap3A_941, %swap3A_942] {strides = array<i32>} : memref<32x768xf32, #tpu.memory_space<vmem>>, vector<1x16xf32>,
              %swap3A_944 = vector.shape_cast %swap3A_943 : vector<1x16xf32> to vector<16xf32>
              %swap3A_945 = vector.shape_cast %add3A_940 : vector<16xf32> to vector<1x16xf32>
              tpu.vector_store %arg14[%swap3A_941, %swap3A_942], %swap3A_945 {strides = array<i32>} : memref<32x768xf32, #tpu.memory_space<vmem>>, vector<1x16xf32>,
              %get3A_946 = arith.index_cast %add3A_641 : i32 to index
              %get3A_947 = arith.constant 160 : index
              %get3A_948 = tpu.vector_load %arg15[%get3A_946, %get3A_947] {strides = array<i32>} : memref<32x768xf32, #tpu.memory_space<vmem>>, vector<1x16xf32>,
              %get3A_949 = vector.shape_cast %get3A_948 : vector<1x16xf32> to vector<16xf32>
              %mul3A_950 = arith.mulf %gather3A_649, %get3A_61 : vector<16xf32>
              %add3A_951 = arith.addf %get3A_933, %mul3A_950 : vector<16xf32>
              %add3A_952 = arith.addf %get3A_949, %add3A_951 : vector<16xf32>
              %swap3A_953 = arith.index_cast %add3A_641 : i32 to index
              %swap3A_954 = arith.constant 160 : index
              %swap3A_955 = tpu.vector_load %arg15[%swap3A_953, %swap3A_954] {strides = array<i32>} : memref<32x768xf32, #tpu.memory_space<vmem>>, vector<1x16xf32>,
              %swap3A_956 = vector.shape_cast %swap3A_955 : vector<1x16xf32> to vector<16xf32>
              %swap3A_957 = vector.shape_cast %add3A_952 : vector<16xf32> to vector<1x16xf32>
              tpu.vector_store %arg15[%swap3A_953, %swap3A_954], %swap3A_957 {strides = array<i32>} : memref<32x768xf32, #tpu.memory_space<vmem>>, vector<1x16xf32>,
              %get3A_958 = arith.index_cast %add3A_641 : i32 to index
              %get3A_959 = arith.constant 176 : index
              %get3A_960 = tpu.vector_load %arg10[%get3A_958, %get3A_959] {strides = array<i32>} : memref<32x768xf32, #tpu.memory_space<vmem>>, vector<1x16xf32>,
              %get3A_961 = vector.shape_cast %get3A_960 : vector<1x16xf32> to vector<16xf32>
              %get3A_962 = arith.index_cast %add3A_641 : i32 to index
              %get3A_963 = arith.constant 176 : index
              %get3A_964 = tpu.vector_load %arg14[%get3A_962, %get3A_963] {strides = array<i32>} : memref<32x768xf32, #tpu.memory_space<vmem>>, vector<1x16xf32>,
              %get3A_965 = vector.shape_cast %get3A_964 : vector<1x16xf32> to vector<16xf32>
              %mul3A_966 = arith.mulf %gather3A_644, %get3A_66 : vector<16xf32>
              %add3A_967 = arith.addf %get3A_961, %mul3A_966 : vector<16xf32>
              %add3A_968 = arith.addf %get3A_965, %add3A_967 : vector<16xf32>
              %swap3A_969 = arith.index_cast %add3A_641 : i32 to index
              %swap3A_970 = arith.constant 176 : index
              %swap3A_971 = tpu.vector_load %arg14[%swap3A_969, %swap3A_970] {strides = array<i32>} : memref<32x768xf32, #tpu.memory_space<vmem>>, vector<1x16xf32>,
              %swap3A_972 = vector.shape_cast %swap3A_971 : vector<1x16xf32> to vector<16xf32>
              %swap3A_973 = vector.shape_cast %add3A_968 : vector<16xf32> to vector<1x16xf32>
              tpu.vector_store %arg14[%swap3A_969, %swap3A_970], %swap3A_973 {strides = array<i32>} : memref<32x768xf32, #tpu.memory_space<vmem>>, vector<1x16xf32>,
              %get3A_974 = arith.index_cast %add3A_641 : i32 to index
              %get3A_975 = arith.constant 176 : index
              %get3A_976 = tpu.vector_load %arg15[%get3A_974, %get3A_975] {strides = array<i32>} : memref<32x768xf32, #tpu.memory_space<vmem>>, vector<1x16xf32>,
              %get3A_977 = vector.shape_cast %get3A_976 : vector<1x16xf32> to vector<16xf32>
              %mul3A_978 = arith.mulf %gather3A_649, %get3A_66 : vector<16xf32>
              %add3A_979 = arith.addf %get3A_961, %mul3A_978 : vector<16xf32>
              %add3A_980 = arith.addf %get3A_977, %add3A_979 : vector<16xf32>
              %swap3A_981 = arith.index_cast %add3A_641 : i32 to index
              %swap3A_982 = arith.constant 176 : index
              %swap3A_983 = tpu.vector_load %arg15[%swap3A_981, %swap3A_982] {strides = array<i32>} : memref<32x768xf32, #tpu.memory_space<vmem>>, vector<1x16xf32>,
              %swap3A_984 = vector.shape_cast %swap3A_983 : vector<1x16xf32> to vector<16xf32>
              %swap3A_985 = vector.shape_cast %add3A_980 : vector<16xf32> to vector<1x16xf32>
              tpu.vector_store %arg15[%swap3A_981, %swap3A_982], %swap3A_985 {strides = array<i32>} : memref<32x768xf32, #tpu.memory_space<vmem>>, vector<1x16xf32>,
              %get3A_986 = arith.index_cast %add3A_641 : i32 to index
              %get3A_987 = arith.constant 192 : index
              %get3A_988 = tpu.vector_load %arg10[%get3A_986, %get3A_987] {strides = array<i32>} : memref<32x768xf32, #tpu.memory_space<vmem>>, vector<1x16xf32>,
              %get3A_989 = vector.shape_cast %get3A_988 : vector<1x16xf32> to vector<16xf32>
              %get3A_990 = arith.index_cast %add3A_641 : i32 to index
              %get3A_991 = arith.constant 192 : index
              %get3A_992 = tpu.vector_load %arg14[%get3A_990, %get3A_991] {strides = array<i32>} : memref<32x768xf32, #tpu.memory_space<vmem>>, vector<1x16xf32>,
              %get3A_993 = vector.shape_cast %get3A_992 : vector<1x16xf32> to vector<16xf32>
              %mul3A_994 = arith.mulf %gather3A_644, %get3A_71 : vector<16xf32>
              %add3A_995 = arith.addf %get3A_989, %mul3A_994 : vector<16xf32>
              %add3A_996 = arith.addf %get3A_993, %add3A_995 : vector<16xf32>
              %swap3A_997 = arith.index_cast %add3A_641 : i32 to index
              %swap3A_998 = arith.constant 192 : index
              %swap3A_999 = tpu.vector_load %arg14[%swap3A_997, %swap3A_998] {strides = array<i32>} : memref<32x768xf32, #tpu.memory_space<vmem>>, vector<1x16xf32>,
              %swap3A_1000 = vector.shape_cast %swap3A_999 : vector<1x16xf32> to vector<16xf32>
              %swap3A_1001 = vector.shape_cast %add3A_996 : vector<16xf32> to vector<1x16xf32>
              tpu.vector_store %arg14[%swap3A_997, %swap3A_998], %swap3A_1001 {strides = array<i32>} : memref<32x768xf32, #tpu.memory_space<vmem>>, vector<1x16xf32>,
              %get3A_1002 = arith.index_cast %add3A_641 : i32 to index
              %get3A_1003 = arith.constant 192 : index
              %get3A_1004 = tpu.vector_load %arg15[%get3A_1002, %get3A_1003] {strides = array<i32>} : memref<32x768xf32, #tpu.memory_space<vmem>>, vector<1x16xf32>,
              %get3A_1005 = vector.shape_cast %get3A_1004 : vector<1x16xf32> to vector<16xf32>
              %mul3A_1006 = arith.mulf %gather3A_649, %get3A_71 : vector<16xf32>
              %add3A_1007 = arith.addf %get3A_989, %mul3A_1006 : vector<16xf32>
              %add3A_1008 = arith.addf %get3A_1005, %add3A_1007 : vector<16xf32>
              %swap3A_1009 = arith.index_cast %add3A_641 : i32 to index
              %swap3A_1010 = arith.constant 192 : index
              %swap3A_1011 = tpu.vector_load %arg15[%swap3A_1009, %swap3A_1010] {strides = array<i32>} : memref<32x768xf32, #tpu.memory_space<vmem>>, vector<1x16xf32>,
              %swap3A_1012 = vector.shape_cast %swap3A_1011 : vector<1x16xf32> to vector<16xf32>
              %swap3A_1013 = vector.shape_cast %add3A_1008 : vector<16xf32> to vector<1x16xf32>
              tpu.vector_store %arg15[%swap3A_1009, %swap3A_1010], %swap3A_1013 {strides = array<i32>} : memref<32x768xf32, #tpu.memory_space<vmem>>, vector<1x16xf32>,
              %get3A_1014 = arith.index_cast %add3A_641 : i32 to index
              %get3A_1015 = arith.constant 208 : index
              %get3A_1016 = tpu.vector_load %arg10[%get3A_1014, %get3A_1015] {strides = array<i32>} : memref<32x768xf32, #tpu.memory_space<vmem>>, vector<1x16xf32>,
              %get3A_1017 = vector.shape_cast %get3A_1016 : vector<1x16xf32> to vector<16xf32>
              %get3A_1018 = arith.index_cast %add3A_641 : i32 to index
              %get3A_1019 = arith.constant 208 : index
              %get3A_1020 = tpu.vector_load %arg14[%get3A_1018, %get3A_1019] {strides = array<i32>} : memref<32x768xf32, #tpu.memory_space<vmem>>, vector<1x16xf32>,
              %get3A_1021 = vector.shape_cast %get3A_1020 : vector<1x16xf32> to vector<16xf32>
              %mul3A_1022 = arith.mulf %gather3A_644, %get3A_76 : vector<16xf32>
              %add3A_1023 = arith.addf %get3A_1017, %mul3A_1022 : vector<16xf32>
              %add3A_1024 = arith.addf %get3A_1021, %add3A_1023 : vector<16xf32>
              %swap3A_1025 = arith.index_cast %add3A_641 : i32 to index
              %swap3A_1026 = arith.constant 208 : index
              %swap3A_1027 = tpu.vector_load %arg14[%swap3A_1025, %swap3A_1026] {strides = array<i32>} : memref<32x768xf32, #tpu.memory_space<vmem>>, vector<1x16xf32>,
              %swap3A_1028 = vector.shape_cast %swap3A_1027 : vector<1x16xf32> to vector<16xf32>
              %swap3A_1029 = vector.shape_cast %add3A_1024 : vector<16xf32> to vector<1x16xf32>
              tpu.vector_store %arg14[%swap3A_1025, %swap3A_1026], %swap3A_1029 {strides = array<i32>} : memref<32x768xf32, #tpu.memory_space<vmem>>, vector<1x16xf32>,
              %get3A_1030 = arith.index_cast %add3A_641 : i32 to index
              %get3A_1031 = arith.constant 208 : index
              %get3A_1032 = tpu.vector_load %arg15[%get3A_1030, %get3A_1031] {strides = array<i32>} : memref<32x768xf32, #tpu.memory_space<vmem>>, vector<1x16xf32>,
              %get3A_1033 = vector.shape_cast %get3A_1032 : vector<1x16xf32> to vector<16xf32>
              %mul3A_1034 = arith.mulf %gather3A_649, %get3A_76 : vector<16xf32>
              %add3A_1035 = arith.addf %get3A_1017, %mul3A_1034 : vector<16xf32>
              %add3A_1036 = arith.addf %get3A_1033, %add3A_1035 : vector<16xf32>
              %swap3A_1037 = arith.index_cast %add3A_641 : i32 to index
              %swap3A_1038 = arith.constant 208 : index
              %swap3A_1039 = tpu.vector_load %arg15[%swap3A_1037, %swap3A_1038] {strides = array<i32>} : memref<32x768xf32, #tpu.memory_space<vmem>>, vector<1x16xf32>,
              %swap3A_1040 = vector.shape_cast %swap3A_1039 : vector<1x16xf32> to vector<16xf32>
              %swap3A_1041 = vector.shape_cast %add3A_1036 : vector<16xf32> to vector<1x16xf32>
              tpu.vector_store %arg15[%swap3A_1037, %swap3A_1038], %swap3A_1041 {strides = array<i32>} : memref<32x768xf32, #tpu.memory_space<vmem>>, vector<1x16xf32>,
              %get3A_1042 = arith.index_cast %add3A_641 : i32 to index
              %get3A_1043 = arith.constant 224 : index
              %get3A_1044 = tpu.vector_load %arg10[%get3A_1042, %get3A_1043] {strides = array<i32>} : memref<32x768xf32, #tpu.memory_space<vmem>>, vector<1x16xf32>,
              %get3A_1045 = vector.shape_cast %get3A_1044 : vector<1x16xf32> to vector<16xf32>
              %get3A_1046 = arith.index_cast %add3A_641 : i32 to index
              %get3A_1047 = arith.constant 224 : index
              %get3A_1048 = tpu.vector_load %arg14[%get3A_1046, %get3A_1047] {strides = array<i32>} : memref<32x768xf32, #tpu.memory_space<vmem>>, vector<1x16xf32>,
              %get3A_1049 = vector.shape_cast %get3A_1048 : vector<1x16xf32> to vector<16xf32>
              %mul3A_1050 = arith.mulf %gather3A_644, %get3A_81 : vector<16xf32>
              %add3A_1051 = arith.addf %get3A_1045, %mul3A_1050 : vector<16xf32>
              %add3A_1052 = arith.addf %get3A_1049, %add3A_1051 : vector<16xf32>
              %swap3A_1053 = arith.index_cast %add3A_641 : i32 to index
              %swap3A_1054 = arith.constant 224 : index
              %swap3A_1055 = tpu.vector_load %arg14[%swap3A_1053, %swap3A_1054] {strides = array<i32>} : memref<32x768xf32, #tpu.memory_space<vmem>>, vector<1x16xf32>,
              %swap3A_1056 = vector.shape_cast %swap3A_1055 : vector<1x16xf32> to vector<16xf32>
              %swap3A_1057 = vector.shape_cast %add3A_1052 : vector<16xf32> to vector<1x16xf32>
              tpu.vector_store %arg14[%swap3A_1053, %swap3A_1054], %swap3A_1057 {strides = array<i32>} : memref<32x768xf32, #tpu.memory_space<vmem>>, vector<1x16xf32>,
              %get3A_1058 = arith.index_cast %add3A_641 : i32 to index
              %get3A_1059 = arith.constant 224 : index
              %get3A_1060 = tpu.vector_load %arg15[%get3A_1058, %get3A_1059] {strides = array<i32>} : memref<32x768xf32, #tpu.memory_space<vmem>>, vector<1x16xf32>,
              %get3A_1061 = vector.shape_cast %get3A_1060 : vector<1x16xf32> to vector<16xf32>
              %mul3A_1062 = arith.mulf %gather3A_649, %get3A_81 : vector<16xf32>
              %add3A_1063 = arith.addf %get3A_1045, %mul3A_1062 : vector<16xf32>
              %add3A_1064 = arith.addf %get3A_1061, %add3A_1063 : vector<16xf32>
              %swap3A_1065 = arith.index_cast %add3A_641 : i32 to index
              %swap3A_1066 = arith.constant 224 : index
              %swap3A_1067 = tpu.vector_load %arg15[%swap3A_1065, %swap3A_1066] {strides = array<i32>} : memref<32x768xf32, #tpu.memory_space<vmem>>, vector<1x16xf32>,
              %swap3A_1068 = vector.shape_cast %swap3A_1067 : vector<1x16xf32> to vector<16xf32>
              %swap3A_1069 = vector.shape_cast %add3A_1064 : vector<16xf32> to vector<1x16xf32>
              tpu.vector_store %arg15[%swap3A_1065, %swap3A_1066], %swap3A_1069 {strides = array<i32>} : memref<32x768xf32, #tpu.memory_space<vmem>>, vector<1x16xf32>,
              %get3A_1070 = arith.index_cast %add3A_641 : i32 to index
              %get3A_1071 = arith.constant 240 : index
              %get3A_1072 = tpu.vector_load %arg10[%get3A_1070, %get3A_1071] {strides = array<i32>} : memref<32x768xf32, #tpu.memory_space<vmem>>, vector<1x16xf32>,
              %get3A_1073 = vector.shape_cast %get3A_1072 : vector<1x16xf32> to vector<16xf32>
              %get3A_1074 = arith.index_cast %add3A_641 : i32 to index
              %get3A_1075 = arith.constant 240 : index
              %get3A_1076 = tpu.vector_load %arg14[%get3A_1074, %get3A_1075] {strides = array<i32>} : memref<32x768xf32, #tpu.memory_space<vmem>>, vector<1x16xf32>,
              %get3A_1077 = vector.shape_cast %get3A_1076 : vector<1x16xf32> to vector<16xf32>
              %mul3A_1078 = arith.mulf %gather3A_644, %get3A_86 : vector<16xf32>
              %add3A_1079 = arith.addf %get3A_1073, %mul3A_1078 : vector<16xf32>
              %add3A_1080 = arith.addf %get3A_1077, %add3A_1079 : vector<16xf32>
              %swap3A_1081 = arith.index_cast %add3A_641 : i32 to index
              %swap3A_1082 = arith.constant 240 : index
              %swap3A_1083 = tpu.vector_load %arg14[%swap3A_1081, %swap3A_1082] {strides = array<i32>} : memref<32x768xf32, #tpu.memory_space<vmem>>, vector<1x16xf32>,
              %swap3A_1084 = vector.shape_cast %swap3A_1083 : vector<1x16xf32> to vector<16xf32>
              %swap3A_1085 = vector.shape_cast %add3A_1080 : vector<16xf32> to vector<1x16xf32>
              tpu.vector_store %arg14[%swap3A_1081, %swap3A_1082], %swap3A_1085 {strides = array<i32>} : memref<32x768xf32, #tpu.memory_space<vmem>>, vector<1x16xf32>,
              %get3A_1086 = arith.index_cast %add3A_641 : i32 to index
              %get3A_1087 = arith.constant 240 : index
              %get3A_1088 = tpu.vector_load %arg15[%get3A_1086, %get3A_1087] {strides = array<i32>} : memref<32x768xf32, #tpu.memory_space<vmem>>, vector<1x16xf32>,
              %get3A_1089 = vector.shape_cast %get3A_1088 : vector<1x16xf32> to vector<16xf32>
              %mul3A_1090 = arith.mulf %gather3A_649, %get3A_86 : vector<16xf32>
              %add3A_1091 = arith.addf %get3A_1073, %mul3A_1090 : vector<16xf32>
              %add3A_1092 = arith.addf %get3A_1089, %add3A_1091 : vector<16xf32>
              %swap3A_1093 = arith.index_cast %add3A_641 : i32 to index
              %swap3A_1094 = arith.constant 240 : index
              %swap3A_1095 = tpu.vector_load %arg15[%swap3A_1093, %swap3A_1094] {strides = array<i32>} : memref<32x768xf32, #tpu.memory_space<vmem>>, vector<1x16xf32>,
              %swap3A_1096 = vector.shape_cast %swap3A_1095 : vector<1x16xf32> to vector<16xf32>
              %swap3A_1097 = vector.shape_cast %add3A_1092 : vector<16xf32> to vector<1x16xf32>
              tpu.vector_store %arg15[%swap3A_1093, %swap3A_1094], %swap3A_1097 {strides = array<i32>} : memref<32x768xf32, #tpu.memory_space<vmem>>, vector<1x16xf32>,
              %get3A_1098 = arith.index_cast %add3A_641 : i32 to index
              %get3A_1099 = arith.constant 256 : index
              %get3A_1100 = tpu.vector_load %arg10[%get3A_1098, %get3A_1099] {strides = array<i32>} : memref<32x768xf32, #tpu.memory_space<vmem>>, vector<1x16xf32>,
              %get3A_1101 = vector.shape_cast %get3A_1100 : vector<1x16xf32> to vector<16xf32>
              %get3A_1102 = arith.index_cast %add3A_641 : i32 to index
              %get3A_1103 = arith.constant 256 : index
              %get3A_1104 = tpu.vector_load %arg14[%get3A_1102, %get3A_1103] {strides = array<i32>} : memref<32x768xf32, #tpu.memory_space<vmem>>, vector<1x16xf32>,
              %get3A_1105 = vector.shape_cast %get3A_1104 : vector<1x16xf32> to vector<16xf32>
              %mul3A_1106 = arith.mulf %gather3A_644, %get3A_91 : vector<16xf32>
              %add3A_1107 = arith.addf %get3A_1101, %mul3A_1106 : vector<16xf32>
              %add3A_1108 = arith.addf %get3A_1105, %add3A_1107 : vector<16xf32>
              %swap3A_1109 = arith.index_cast %add3A_641 : i32 to index
              %swap3A_1110 = arith.constant 256 : index
              %swap3A_1111 = tpu.vector_load %arg14[%swap3A_1109, %swap3A_1110] {strides = array<i32>} : memref<32x768xf32, #tpu.memory_space<vmem>>, vector<1x16xf32>,
              %swap3A_1112 = vector.shape_cast %swap3A_1111 : vector<1x16xf32> to vector<16xf32>
              %swap3A_1113 = vector.shape_cast %add3A_1108 : vector<16xf32> to vector<1x16xf32>
              tpu.vector_store %arg14[%swap3A_1109, %swap3A_1110], %swap3A_1113 {strides = array<i32>} : memref<32x768xf32, #tpu.memory_space<vmem>>, vector<1x16xf32>,
              %get3A_1114 = arith.index_cast %add3A_641 : i32 to index
              %get3A_1115 = arith.constant 256 : index
              %get3A_1116 = tpu.vector_load %arg15[%get3A_1114, %get3A_1115] {strides = array<i32>} : memref<32x768xf32, #tpu.memory_space<vmem>>, vector<1x16xf32>,
              %get3A_1117 = vector.shape_cast %get3A_1116 : vector<1x16xf32> to vector<16xf32>
              %mul3A_1118 = arith.mulf %gather3A_649, %get3A_91 : vector<16xf32>
              %add3A_1119 = arith.addf %get3A_1101, %mul3A_1118 : vector<16xf32>
              %add3A_1120 = arith.addf %get3A_1117, %add3A_1119 : vector<16xf32>
              %swap3A_1121 = arith.index_cast %add3A_641 : i32 to index
              %swap3A_1122 = arith.constant 256 : index
              %swap3A_1123 = tpu.vector_load %arg15[%swap3A_1121, %swap3A_1122] {strides = array<i32>} : memref<32x768xf32, #tpu.memory_space<vmem>>, vector<1x16xf32>,
              %swap3A_1124 = vector.shape_cast %swap3A_1123 : vector<1x16xf32> to vector<16xf32>
              %swap3A_1125 = vector.shape_cast %add3A_1120 : vector<16xf32> to vector<1x16xf32>
              tpu.vector_store %arg15[%swap3A_1121, %swap3A_1122], %swap3A_1125 {strides = array<i32>} : memref<32x768xf32, #tpu.memory_space<vmem>>, vector<1x16xf32>,
              %get3A_1126 = arith.index_cast %add3A_641 : i32 to index
              %get3A_1127 = arith.constant 272 : index
              %get3A_1128 = tpu.vector_load %arg10[%get3A_1126, %get3A_1127] {strides = array<i32>} : memref<32x768xf32, #tpu.memory_space<vmem>>, vector<1x16xf32>,
              %get3A_1129 = vector.shape_cast %get3A_1128 : vector<1x16xf32> to vector<16xf32>
              %get3A_1130 = arith.index_cast %add3A_641 : i32 to index
              %get3A_1131 = arith.constant 272 : index
              %get3A_1132 = tpu.vector_load %arg14[%get3A_1130, %get3A_1131] {strides = array<i32>} : memref<32x768xf32, #tpu.memory_space<vmem>>, vector<1x16xf32>,
              %get3A_1133 = vector.shape_cast %get3A_1132 : vector<1x16xf32> to vector<16xf32>
              %mul3A_1134 = arith.mulf %gather3A_644, %get3A_96 : vector<16xf32>
              %add3A_1135 = arith.addf %get3A_1129, %mul3A_1134 : vector<16xf32>
              %add3A_1136 = arith.addf %get3A_1133, %add3A_1135 : vector<16xf32>
              %swap3A_1137 = arith.index_cast %add3A_641 : i32 to index
              %swap3A_1138 = arith.constant 272 : index
              %swap3A_1139 = tpu.vector_load %arg14[%swap3A_1137, %swap3A_1138] {strides = array<i32>} : memref<32x768xf32, #tpu.memory_space<vmem>>, vector<1x16xf32>,
              %swap3A_1140 = vector.shape_cast %swap3A_1139 : vector<1x16xf32> to vector<16xf32>
              %swap3A_1141 = vector.shape_cast %add3A_1136 : vector<16xf32> to vector<1x16xf32>
              tpu.vector_store %arg14[%swap3A_1137, %swap3A_1138], %swap3A_1141 {strides = array<i32>} : memref<32x768xf32, #tpu.memory_space<vmem>>, vector<1x16xf32>,
              %get3A_1142 = arith.index_cast %add3A_641 : i32 to index
              %get3A_1143 = arith.constant 272 : index
              %get3A_1144 = tpu.vector_load %arg15[%get3A_1142, %get3A_1143] {strides = array<i32>} : memref<32x768xf32, #tpu.memory_space<vmem>>, vector<1x16xf32>,
              %get3A_1145 = vector.shape_cast %get3A_1144 : vector<1x16xf32> to vector<16xf32>
              %mul3A_1146 = arith.mulf %gather3A_649, %get3A_96 : vector<16xf32>
              %add3A_1147 = arith.addf %get3A_1129, %mul3A_1146 : vector<16xf32>
              %add3A_1148 = arith.addf %get3A_1145, %add3A_1147 : vector<16xf32>
              %swap3A_1149 = arith.index_cast %add3A_641 : i32 to index
              %swap3A_1150 = arith.constant 272 : index
              %swap3A_1151 = tpu.vector_load %arg15[%swap3A_1149, %swap3A_1150] {strides = array<i32>} : memref<32x768xf32, #tpu.memory_space<vmem>>, vector<1x16xf32>,
              %swap3A_1152 = vector.shape_cast %swap3A_1151 : vector<1x16xf32> to vector<16xf32>
              %swap3A_1153 = vector.shape_cast %add3A_1148 : vector<16xf32> to vector<1x16xf32>
              tpu.vector_store %arg15[%swap3A_1149, %swap3A_1150], %swap3A_1153 {strides = array<i32>} : memref<32x768xf32, #tpu.memory_space<vmem>>, vector<1x16xf32>,
              %get3A_1154 = arith.index_cast %add3A_641 : i32 to index
              %get3A_1155 = arith.constant 288 : index
              %get3A_1156 = tpu.vector_load %arg10[%get3A_1154, %get3A_1155] {strides = array<i32>} : memref<32x768xf32, #tpu.memory_space<vmem>>, vector<1x16xf32>,
              %get3A_1157 = vector.shape_cast %get3A_1156 : vector<1x16xf32> to vector<16xf32>
              %get3A_1158 = arith.index_cast %add3A_641 : i32 to index
              %get3A_1159 = arith.constant 288 : index
              %get3A_1160 = tpu.vector_load %arg14[%get3A_1158, %get3A_1159] {strides = array<i32>} : memref<32x768xf32, #tpu.memory_space<vmem>>, vector<1x16xf32>,
              %get3A_1161 = vector.shape_cast %get3A_1160 : vector<1x16xf32> to vector<16xf32>
              %mul3A_1162 = arith.mulf %gather3A_644, %get3A_101 : vector<16xf32>
              %add3A_1163 = arith.addf %get3A_1157, %mul3A_1162 : vector<16xf32>
              %add3A_1164 = arith.addf %get3A_1161, %add3A_1163 : vector<16xf32>
              %swap3A_1165 = arith.index_cast %add3A_641 : i32 to index
              %swap3A_1166 = arith.constant 288 : index
              %swap3A_1167 = tpu.vector_load %arg14[%swap3A_1165, %swap3A_1166] {strides = array<i32>} : memref<32x768xf32, #tpu.memory_space<vmem>>, vector<1x16xf32>,
              %swap3A_1168 = vector.shape_cast %swap3A_1167 : vector<1x16xf32> to vector<16xf32>
              %swap3A_1169 = vector.shape_cast %add3A_1164 : vector<16xf32> to vector<1x16xf32>
              tpu.vector_store %arg14[%swap3A_1165, %swap3A_1166], %swap3A_1169 {strides = array<i32>} : memref<32x768xf32, #tpu.memory_space<vmem>>, vector<1x16xf32>,
              %get3A_1170 = arith.index_cast %add3A_641 : i32 to index
              %get3A_1171 = arith.constant 288 : index
              %get3A_1172 = tpu.vector_load %arg15[%get3A_1170, %get3A_1171] {strides = array<i32>} : memref<32x768xf32, #tpu.memory_space<vmem>>, vector<1x16xf32>,
              %get3A_1173 = vector.shape_cast %get3A_1172 : vector<1x16xf32> to vector<16xf32>
              %mul3A_1174 = arith.mulf %gather3A_649, %get3A_101 : vector<16xf32>
              %add3A_1175 = arith.addf %get3A_1157, %mul3A_1174 : vector<16xf32>
              %add3A_1176 = arith.addf %get3A_1173, %add3A_1175 : vector<16xf32>
              %swap3A_1177 = arith.index_cast %add3A_641 : i32 to index
              %swap3A_1178 = arith.constant 288 : index
              %swap3A_1179 = tpu.vector_load %arg15[%swap3A_1177, %swap3A_1178] {strides = array<i32>} : memref<32x768xf32, #tpu.memory_space<vmem>>, vector<1x16xf32>,
              %swap3A_1180 = vector.shape_cast %swap3A_1179 : vector<1x16xf32> to vector<16xf32>
              %swap3A_1181 = vector.shape_cast %add3A_1176 : vector<16xf32> to vector<1x16xf32>
              tpu.vector_store %arg15[%swap3A_1177, %swap3A_1178], %swap3A_1181 {strides = array<i32>} : memref<32x768xf32, #tpu.memory_space<vmem>>, vector<1x16xf32>,
              %get3A_1182 = arith.index_cast %add3A_641 : i32 to index
              %get3A_1183 = arith.constant 304 : index
              %get3A_1184 = tpu.vector_load %arg10[%get3A_1182, %get3A_1183] {strides = array<i32>} : memref<32x768xf32, #tpu.memory_space<vmem>>, vector<1x16xf32>,
              %get3A_1185 = vector.shape_cast %get3A_1184 : vector<1x16xf32> to vector<16xf32>
              %get3A_1186 = arith.index_cast %add3A_641 : i32 to index
              %get3A_1187 = arith.constant 304 : index
              %get3A_1188 = tpu.vector_load %arg14[%get3A_1186, %get3A_1187] {strides = array<i32>} : memref<32x768xf32, #tpu.memory_space<vmem>>, vector<1x16xf32>,
              %get3A_1189 = vector.shape_cast %get3A_1188 : vector<1x16xf32> to vector<16xf32>
              %mul3A_1190 = arith.mulf %gather3A_644, %get3A_106 : vector<16xf32>
              %add3A_1191 = arith.addf %get3A_1185, %mul3A_1190 : vector<16xf32>
              %add3A_1192 = arith.addf %get3A_1189, %add3A_1191 : vector<16xf32>
              %swap3A_1193 = arith.index_cast %add3A_641 : i32 to index
              %swap3A_1194 = arith.constant 304 : index
              %swap3A_1195 = tpu.vector_load %arg14[%swap3A_1193, %swap3A_1194] {strides = array<i32>} : memref<32x768xf32, #tpu.memory_space<vmem>>, vector<1x16xf32>,
              %swap3A_1196 = vector.shape_cast %swap3A_1195 : vector<1x16xf32> to vector<16xf32>
              %swap3A_1197 = vector.shape_cast %add3A_1192 : vector<16xf32> to vector<1x16xf32>
              tpu.vector_store %arg14[%swap3A_1193, %swap3A_1194], %swap3A_1197 {strides = array<i32>} : memref<32x768xf32, #tpu.memory_space<vmem>>, vector<1x16xf32>,
              %get3A_1198 = arith.index_cast %add3A_641 : i32 to index
              %get3A_1199 = arith.constant 304 : index
              %get3A_1200 = tpu.vector_load %arg15[%get3A_1198, %get3A_1199] {strides = array<i32>} : memref<32x768xf32, #tpu.memory_space<vmem>>, vector<1x16xf32>,
              %get3A_1201 = vector.shape_cast %get3A_1200 : vector<1x16xf32> to vector<16xf32>
              %mul3A_1202 = arith.mulf %gather3A_649, %get3A_106 : vector<16xf32>
              %add3A_1203 = arith.addf %get3A_1185, %mul3A_1202 : vector<16xf32>
              %add3A_1204 = arith.addf %get3A_1201, %add3A_1203 : vector<16xf32>
              %swap3A_1205 = arith.index_cast %add3A_641 : i32 to index
              %swap3A_1206 = arith.constant 304 : index
              %swap3A_1207 = tpu.vector_load %arg15[%swap3A_1205, %swap3A_1206] {strides = array<i32>} : memref<32x768xf32, #tpu.memory_space<vmem>>, vector<1x16xf32>,
              %swap3A_1208 = vector.shape_cast %swap3A_1207 : vector<1x16xf32> to vector<16xf32>
              %swap3A_1209 = vector.shape_cast %add3A_1204 : vector<16xf32> to vector<1x16xf32>
              tpu.vector_store %arg15[%swap3A_1205, %swap3A_1206], %swap3A_1209 {strides = array<i32>} : memref<32x768xf32, #tpu.memory_space<vmem>>, vector<1x16xf32>,
              %get3A_1210 = arith.index_cast %add3A_641 : i32 to index
              %get3A_1211 = arith.constant 320 : index
              %get3A_1212 = tpu.vector_load %arg10[%get3A_1210, %get3A_1211] {strides = array<i32>} : memref<32x768xf32, #tpu.memory_space<vmem>>, vector<1x16xf32>,
              %get3A_1213 = vector.shape_cast %get3A_1212 : vector<1x16xf32> to vector<16xf32>
              %get3A_1214 = arith.index_cast %add3A_641 : i32 to index
              %get3A_1215 = arith.constant 320 : index
              %get3A_1216 = tpu.vector_load %arg14[%get3A_1214, %get3A_1215] {strides = array<i32>} : memref<32x768xf32, #tpu.memory_space<vmem>>, vector<1x16xf32>,
              %get3A_1217 = vector.shape_cast %get3A_1216 : vector<1x16xf32> to vector<16xf32>
              %mul3A_1218 = arith.mulf %gather3A_644, %get3A_111 : vector<16xf32>
              %add3A_1219 = arith.addf %get3A_1213, %mul3A_1218 : vector<16xf32>
              %add3A_1220 = arith.addf %get3A_1217, %add3A_1219 : vector<16xf32>
              %swap3A_1221 = arith.index_cast %add3A_641 : i32 to index
              %swap3A_1222 = arith.constant 320 : index
              %swap3A_1223 = tpu.vector_load %arg14[%swap3A_1221, %swap3A_1222] {strides = array<i32>} : memref<32x768xf32, #tpu.memory_space<vmem>>, vector<1x16xf32>,
              %swap3A_1224 = vector.shape_cast %swap3A_1223 : vector<1x16xf32> to vector<16xf32>
              %swap3A_1225 = vector.shape_cast %add3A_1220 : vector<16xf32> to vector<1x16xf32>
              tpu.vector_store %arg14[%swap3A_1221, %swap3A_1222], %swap3A_1225 {strides = array<i32>} : memref<32x768xf32, #tpu.memory_space<vmem>>, vector<1x16xf32>,
              %get3A_1226 = arith.index_cast %add3A_641 : i32 to index
              %get3A_1227 = arith.constant 320 : index
              %get3A_1228 = tpu.vector_load %arg15[%get3A_1226, %get3A_1227] {strides = array<i32>} : memref<32x768xf32, #tpu.memory_space<vmem>>, vector<1x16xf32>,
              %get3A_1229 = vector.shape_cast %get3A_1228 : vector<1x16xf32> to vector<16xf32>
              %mul3A_1230 = arith.mulf %gather3A_649, %get3A_111 : vector<16xf32>
              %add3A_1231 = arith.addf %get3A_1213, %mul3A_1230 : vector<16xf32>
              %add3A_1232 = arith.addf %get3A_1229, %add3A_1231 : vector<16xf32>
              %swap3A_1233 = arith.index_cast %add3A_641 : i32 to index
              %swap3A_1234 = arith.constant 320 : index
              %swap3A_1235 = tpu.vector_load %arg15[%swap3A_1233, %swap3A_1234] {strides = array<i32>} : memref<32x768xf32, #tpu.memory_space<vmem>>, vector<1x16xf32>,
              %swap3A_1236 = vector.shape_cast %swap3A_1235 : vector<1x16xf32> to vector<16xf32>
              %swap3A_1237 = vector.shape_cast %add3A_1232 : vector<16xf32> to vector<1x16xf32>
              tpu.vector_store %arg15[%swap3A_1233, %swap3A_1234], %swap3A_1237 {strides = array<i32>} : memref<32x768xf32, #tpu.memory_space<vmem>>, vector<1x16xf32>,
              %get3A_1238 = arith.index_cast %add3A_641 : i32 to index
              %get3A_1239 = arith.constant 336 : index
              %get3A_1240 = tpu.vector_load %arg10[%get3A_1238, %get3A_1239] {strides = array<i32>} : memref<32x768xf32, #tpu.memory_space<vmem>>, vector<1x16xf32>,
              %get3A_1241 = vector.shape_cast %get3A_1240 : vector<1x16xf32> to vector<16xf32>
              %get3A_1242 = arith.index_cast %add3A_641 : i32 to index
              %get3A_1243 = arith.constant 336 : index
              %get3A_1244 = tpu.vector_load %arg14[%get3A_1242, %get3A_1243] {strides = array<i32>} : memref<32x768xf32, #tpu.memory_space<vmem>>, vector<1x16xf32>,
              %get3A_1245 = vector.shape_cast %get3A_1244 : vector<1x16xf32> to vector<16xf32>
              %mul3A_1246 = arith.mulf %gather3A_644, %get3A_116 : vector<16xf32>
              %add3A_1247 = arith.addf %get3A_1241, %mul3A_1246 : vector<16xf32>
              %add3A_1248 = arith.addf %get3A_1245, %add3A_1247 : vector<16xf32>
              %swap3A_1249 = arith.index_cast %add3A_641 : i32 to index
              %swap3A_1250 = arith.constant 336 : index
              %swap3A_1251 = tpu.vector_load %arg14[%swap3A_1249, %swap3A_1250] {strides = array<i32>} : memref<32x768xf32, #tpu.memory_space<vmem>>, vector<1x16xf32>,
              %swap3A_1252 = vector.shape_cast %swap3A_1251 : vector<1x16xf32> to vector<16xf32>
              %swap3A_1253 = vector.shape_cast %add3A_1248 : vector<16xf32> to vector<1x16xf32>
              tpu.vector_store %arg14[%swap3A_1249, %swap3A_1250], %swap3A_1253 {strides = array<i32>} : memref<32x768xf32, #tpu.memory_space<vmem>>, vector<1x16xf32>,
              %get3A_1254 = arith.index_cast %add3A_641 : i32 to index
              %get3A_1255 = arith.constant 336 : index
              %get3A_1256 = tpu.vector_load %arg15[%get3A_1254, %get3A_1255] {strides = array<i32>} : memref<32x768xf32, #tpu.memory_space<vmem>>, vector<1x16xf32>,
              %get3A_1257 = vector.shape_cast %get3A_1256 : vector<1x16xf32> to vector<16xf32>
              %mul3A_1258 = arith.mulf %gather3A_649, %get3A_116 : vector<16xf32>
              %add3A_1259 = arith.addf %get3A_1241, %mul3A_1258 : vector<16xf32>
              %add3A_1260 = arith.addf %get3A_1257, %add3A_1259 : vector<16xf32>
              %swap3A_1261 = arith.index_cast %add3A_641 : i32 to index
              %swap3A_1262 = arith.constant 336 : index
              %swap3A_1263 = tpu.vector_load %arg15[%swap3A_1261, %swap3A_1262] {strides = array<i32>} : memref<32x768xf32, #tpu.memory_space<vmem>>, vector<1x16xf32>,
              %swap3A_1264 = vector.shape_cast %swap3A_1263 : vector<1x16xf32> to vector<16xf32>
              %swap3A_1265 = vector.shape_cast %add3A_1260 : vector<16xf32> to vector<1x16xf32>
              tpu.vector_store %arg15[%swap3A_1261, %swap3A_1262], %swap3A_1265 {strides = array<i32>} : memref<32x768xf32, #tpu.memory_space<vmem>>, vector<1x16xf32>,
              %get3A_1266 = arith.index_cast %add3A_641 : i32 to index
              %get3A_1267 = arith.constant 352 : index
              %get3A_1268 = tpu.vector_load %arg10[%get3A_1266, %get3A_1267] {strides = array<i32>} : memref<32x768xf32, #tpu.memory_space<vmem>>, vector<1x16xf32>,
              %get3A_1269 = vector.shape_cast %get3A_1268 : vector<1x16xf32> to vector<16xf32>
              %get3A_1270 = arith.index_cast %add3A_641 : i32 to index
              %get3A_1271 = arith.constant 352 : index
              %get3A_1272 = tpu.vector_load %arg14[%get3A_1270, %get3A_1271] {strides = array<i32>} : memref<32x768xf32, #tpu.memory_space<vmem>>, vector<1x16xf32>,
              %get3A_1273 = vector.shape_cast %get3A_1272 : vector<1x16xf32> to vector<16xf32>
              %mul3A_1274 = arith.mulf %gather3A_644, %get3A_121 : vector<16xf32>
              %add3A_1275 = arith.addf %get3A_1269, %mul3A_1274 : vector<16xf32>
              %add3A_1276 = arith.addf %get3A_1273, %add3A_1275 : vector<16xf32>
              %swap3A_1277 = arith.index_cast %add3A_641 : i32 to index
              %swap3A_1278 = arith.constant 352 : index
              %swap3A_1279 = tpu.vector_load %arg14[%swap3A_1277, %swap3A_1278] {strides = array<i32>} : memref<32x768xf32, #tpu.memory_space<vmem>>, vector<1x16xf32>,
              %swap3A_1280 = vector.shape_cast %swap3A_1279 : vector<1x16xf32> to vector<16xf32>
              %swap3A_1281 = vector.shape_cast %add3A_1276 : vector<16xf32> to vector<1x16xf32>
              tpu.vector_store %arg14[%swap3A_1277, %swap3A_1278], %swap3A_1281 {strides = array<i32>} : memref<32x768xf32, #tpu.memory_space<vmem>>, vector<1x16xf32>,
              %get3A_1282 = arith.index_cast %add3A_641 : i32 to index
              %get3A_1283 = arith.constant 352 : index
              %get3A_1284 = tpu.vector_load %arg15[%get3A_1282, %get3A_1283] {strides = array<i32>} : memref<32x768xf32, #tpu.memory_space<vmem>>, vector<1x16xf32>,
              %get3A_1285 = vector.shape_cast %get3A_1284 : vector<1x16xf32> to vector<16xf32>
              %mul3A_1286 = arith.mulf %gather3A_649, %get3A_121 : vector<16xf32>
              %add3A_1287 = arith.addf %get3A_1269, %mul3A_1286 : vector<16xf32>
              %add3A_1288 = arith.addf %get3A_1285, %add3A_1287 : vector<16xf32>
              %swap3A_1289 = arith.index_cast %add3A_641 : i32 to index
              %swap3A_1290 = arith.constant 352 : index
              %swap3A_1291 = tpu.vector_load %arg15[%swap3A_1289, %swap3A_1290] {strides = array<i32>} : memref<32x768xf32, #tpu.memory_space<vmem>>, vector<1x16xf32>,
              %swap3A_1292 = vector.shape_cast %swap3A_1291 : vector<1x16xf32> to vector<16xf32>
              %swap3A_1293 = vector.shape_cast %add3A_1288 : vector<16xf32> to vector<1x16xf32>
              tpu.vector_store %arg15[%swap3A_1289, %swap3A_1290], %swap3A_1293 {strides = array<i32>} : memref<32x768xf32, #tpu.memory_space<vmem>>, vector<1x16xf32>,
              %get3A_1294 = arith.index_cast %add3A_641 : i32 to index
              %get3A_1295 = arith.constant 368 : index
              %get3A_1296 = tpu.vector_load %arg10[%get3A_1294, %get3A_1295] {strides = array<i32>} : memref<32x768xf32, #tpu.memory_space<vmem>>, vector<1x16xf32>,
              %get3A_1297 = vector.shape_cast %get3A_1296 : vector<1x16xf32> to vector<16xf32>
              %get3A_1298 = arith.index_cast %add3A_641 : i32 to index
              %get3A_1299 = arith.constant 368 : index
              %get3A_1300 = tpu.vector_load %arg14[%get3A_1298, %get3A_1299] {strides = array<i32>} : memref<32x768xf32, #tpu.memory_space<vmem>>, vector<1x16xf32>,
              %get3A_1301 = vector.shape_cast %get3A_1300 : vector<1x16xf32> to vector<16xf32>
              %mul3A_1302 = arith.mulf %gather3A_644, %get3A_126 : vector<16xf32>
              %add3A_1303 = arith.addf %get3A_1297, %mul3A_1302 : vector<16xf32>
              %add3A_1304 = arith.addf %get3A_1301, %add3A_1303 : vector<16xf32>
              %swap3A_1305 = arith.index_cast %add3A_641 : i32 to index
              %swap3A_1306 = arith.constant 368 : index
              %swap3A_1307 = tpu.vector_load %arg14[%swap3A_1305, %swap3A_1306] {strides = array<i32>} : memref<32x768xf32, #tpu.memory_space<vmem>>, vector<1x16xf32>,
              %swap3A_1308 = vector.shape_cast %swap3A_1307 : vector<1x16xf32> to vector<16xf32>
              %swap3A_1309 = vector.shape_cast %add3A_1304 : vector<16xf32> to vector<1x16xf32>
              tpu.vector_store %arg14[%swap3A_1305, %swap3A_1306], %swap3A_1309 {strides = array<i32>} : memref<32x768xf32, #tpu.memory_space<vmem>>, vector<1x16xf32>,
              %get3A_1310 = arith.index_cast %add3A_641 : i32 to index
              %get3A_1311 = arith.constant 368 : index
              %get3A_1312 = tpu.vector_load %arg15[%get3A_1310, %get3A_1311] {strides = array<i32>} : memref<32x768xf32, #tpu.memory_space<vmem>>, vector<1x16xf32>,
              %get3A_1313 = vector.shape_cast %get3A_1312 : vector<1x16xf32> to vector<16xf32>
              %mul3A_1314 = arith.mulf %gather3A_649, %get3A_126 : vector<16xf32>
              %add3A_1315 = arith.addf %get3A_1297, %mul3A_1314 : vector<16xf32>
              %add3A_1316 = arith.addf %get3A_1313, %add3A_1315 : vector<16xf32>
              %swap3A_1317 = arith.index_cast %add3A_641 : i32 to index
              %swap3A_1318 = arith.constant 368 : index
              %swap3A_1319 = tpu.vector_load %arg15[%swap3A_1317, %swap3A_1318] {strides = array<i32>} : memref<32x768xf32, #tpu.memory_space<vmem>>, vector<1x16xf32>,
              %swap3A_1320 = vector.shape_cast %swap3A_1319 : vector<1x16xf32> to vector<16xf32>
              %swap3A_1321 = vector.shape_cast %add3A_1316 : vector<16xf32> to vector<1x16xf32>
              tpu.vector_store %arg15[%swap3A_1317, %swap3A_1318], %swap3A_1321 {strides = array<i32>} : memref<32x768xf32, #tpu.memory_space<vmem>>, vector<1x16xf32>,
              %get3A_1322 = arith.index_cast %add3A_641 : i32 to index
              %get3A_1323 = arith.constant 384 : index
              %get3A_1324 = tpu.vector_load %arg10[%get3A_1322, %get3A_1323] {strides = array<i32>} : memref<32x768xf32, #tpu.memory_space<vmem>>, vector<1x16xf32>,
              %get3A_1325 = vector.shape_cast %get3A_1324 : vector<1x16xf32> to vector<16xf32>
              %get3A_1326 = arith.index_cast %add3A_641 : i32 to index
              %get3A_1327 = arith.constant 384 : index
              %get3A_1328 = tpu.vector_load %arg14[%get3A_1326, %get3A_1327] {strides = array<i32>} : memref<32x768xf32, #tpu.memory_space<vmem>>, vector<1x16xf32>,
              %get3A_1329 = vector.shape_cast %get3A_1328 : vector<1x16xf32> to vector<16xf32>
              %mul3A_1330 = arith.mulf %gather3A_644, %get3A_131 : vector<16xf32>
              %add3A_1331 = arith.addf %get3A_1325, %mul3A_1330 : vector<16xf32>
              %add3A_1332 = arith.addf %get3A_1329, %add3A_1331 : vector<16xf32>
              %swap3A_1333 = arith.index_cast %add3A_641 : i32 to index
              %swap3A_1334 = arith.constant 384 : index
              %swap3A_1335 = tpu.vector_load %arg14[%swap3A_1333, %swap3A_1334] {strides = array<i32>} : memref<32x768xf32, #tpu.memory_space<vmem>>, vector<1x16xf32>,
              %swap3A_1336 = vector.shape_cast %swap3A_1335 : vector<1x16xf32> to vector<16xf32>
              %swap3A_1337 = vector.shape_cast %add3A_1332 : vector<16xf32> to vector<1x16xf32>
              tpu.vector_store %arg14[%swap3A_1333, %swap3A_1334], %swap3A_1337 {strides = array<i32>} : memref<32x768xf32, #tpu.memory_space<vmem>>, vector<1x16xf32>,
              %get3A_1338 = arith.index_cast %add3A_641 : i32 to index
              %get3A_1339 = arith.constant 384 : index
              %get3A_1340 = tpu.vector_load %arg15[%get3A_1338, %get3A_1339] {strides = array<i32>} : memref<32x768xf32, #tpu.memory_space<vmem>>, vector<1x16xf32>,
              %get3A_1341 = vector.shape_cast %get3A_1340 : vector<1x16xf32> to vector<16xf32>
              %mul3A_1342 = arith.mulf %gather3A_649, %get3A_131 : vector<16xf32>
              %add3A_1343 = arith.addf %get3A_1325, %mul3A_1342 : vector<16xf32>
              %add3A_1344 = arith.addf %get3A_1341, %add3A_1343 : vector<16xf32>
              %swap3A_1345 = arith.index_cast %add3A_641 : i32 to index
              %swap3A_1346 = arith.constant 384 : index
              %swap3A_1347 = tpu.vector_load %arg15[%swap3A_1345, %swap3A_1346] {strides = array<i32>} : memref<32x768xf32, #tpu.memory_space<vmem>>, vector<1x16xf32>,
              %swap3A_1348 = vector.shape_cast %swap3A_1347 : vector<1x16xf32> to vector<16xf32>
              %swap3A_1349 = vector.shape_cast %add3A_1344 : vector<16xf32> to vector<1x16xf32>
              tpu.vector_store %arg15[%swap3A_1345, %swap3A_1346], %swap3A_1349 {strides = array<i32>} : memref<32x768xf32, #tpu.memory_space<vmem>>, vector<1x16xf32>,
              %get3A_1350 = arith.index_cast %add3A_641 : i32 to index
              %get3A_1351 = arith.constant 400 : index
              %get3A_1352 = tpu.vector_load %arg10[%get3A_1350, %get3A_1351] {strides = array<i32>} : memref<32x768xf32, #tpu.memory_space<vmem>>, vector<1x16xf32>,
              %get3A_1353 = vector.shape_cast %get3A_1352 : vector<1x16xf32> to vector<16xf32>
              %get3A_1354 = arith.index_cast %add3A_641 : i32 to index
              %get3A_1355 = arith.constant 400 : index
              %get3A_1356 = tpu.vector_load %arg14[%get3A_1354, %get3A_1355] {strides = array<i32>} : memref<32x768xf32, #tpu.memory_space<vmem>>, vector<1x16xf32>,
              %get3A_1357 = vector.shape_cast %get3A_1356 : vector<1x16xf32> to vector<16xf32>
              %mul3A_1358 = arith.mulf %gather3A_644, %get3A_136 : vector<16xf32>
              %add3A_1359 = arith.addf %get3A_1353, %mul3A_1358 : vector<16xf32>
              %add3A_1360 = arith.addf %get3A_1357, %add3A_1359 : vector<16xf32>
              %swap3A_1361 = arith.index_cast %add3A_641 : i32 to index
              %swap3A_1362 = arith.constant 400 : index
              %swap3A_1363 = tpu.vector_load %arg14[%swap3A_1361, %swap3A_1362] {strides = array<i32>} : memref<32x768xf32, #tpu.memory_space<vmem>>, vector<1x16xf32>,
              %swap3A_1364 = vector.shape_cast %swap3A_1363 : vector<1x16xf32> to vector<16xf32>
              %swap3A_1365 = vector.shape_cast %add3A_1360 : vector<16xf32> to vector<1x16xf32>
              tpu.vector_store %arg14[%swap3A_1361, %swap3A_1362], %swap3A_1365 {strides = array<i32>} : memref<32x768xf32, #tpu.memory_space<vmem>>, vector<1x16xf32>,
              %get3A_1366 = arith.index_cast %add3A_641 : i32 to index
              %get3A_1367 = arith.constant 400 : index
              %get3A_1368 = tpu.vector_load %arg15[%get3A_1366, %get3A_1367] {strides = array<i32>} : memref<32x768xf32, #tpu.memory_space<vmem>>, vector<1x16xf32>,
              %get3A_1369 = vector.shape_cast %get3A_1368 : vector<1x16xf32> to vector<16xf32>
              %mul3A_1370 = arith.mulf %gather3A_649, %get3A_136 : vector<16xf32>
              %add3A_1371 = arith.addf %get3A_1353, %mul3A_1370 : vector<16xf32>
              %add3A_1372 = arith.addf %get3A_1369, %add3A_1371 : vector<16xf32>
              %swap3A_1373 = arith.index_cast %add3A_641 : i32 to index
              %swap3A_1374 = arith.constant 400 : index
              %swap3A_1375 = tpu.vector_load %arg15[%swap3A_1373, %swap3A_1374] {strides = array<i32>} : memref<32x768xf32, #tpu.memory_space<vmem>>, vector<1x16xf32>,
              %swap3A_1376 = vector.shape_cast %swap3A_1375 : vector<1x16xf32> to vector<16xf32>
              %swap3A_1377 = vector.shape_cast %add3A_1372 : vector<16xf32> to vector<1x16xf32>
              tpu.vector_store %arg15[%swap3A_1373, %swap3A_1374], %swap3A_1377 {strides = array<i32>} : memref<32x768xf32, #tpu.memory_space<vmem>>, vector<1x16xf32>,
              %get3A_1378 = arith.index_cast %add3A_641 : i32 to index
              %get3A_1379 = arith.constant 416 : index
              %get3A_1380 = tpu.vector_load %arg10[%get3A_1378, %get3A_1379] {strides = array<i32>} : memref<32x768xf32, #tpu.memory_space<vmem>>, vector<1x16xf32>,
              %get3A_1381 = vector.shape_cast %get3A_1380 : vector<1x16xf32> to vector<16xf32>
              %get3A_1382 = arith.index_cast %add3A_641 : i32 to index
              %get3A_1383 = arith.constant 416 : index
              %get3A_1384 = tpu.vector_load %arg14[%get3A_1382, %get3A_1383] {strides = array<i32>} : memref<32x768xf32, #tpu.memory_space<vmem>>, vector<1x16xf32>,
              %get3A_1385 = vector.shape_cast %get3A_1384 : vector<1x16xf32> to vector<16xf32>
              %mul3A_1386 = arith.mulf %gather3A_644, %get3A_141 : vector<16xf32>
              %add3A_1387 = arith.addf %get3A_1381, %mul3A_1386 : vector<16xf32>
              %add3A_1388 = arith.addf %get3A_1385, %add3A_1387 : vector<16xf32>
              %swap3A_1389 = arith.index_cast %add3A_641 : i32 to index
              %swap3A_1390 = arith.constant 416 : index
              %swap3A_1391 = tpu.vector_load %arg14[%swap3A_1389, %swap3A_1390] {strides = array<i32>} : memref<32x768xf32, #tpu.memory_space<vmem>>, vector<1x16xf32>,
              %swap3A_1392 = vector.shape_cast %swap3A_1391 : vector<1x16xf32> to vector<16xf32>
              %swap3A_1393 = vector.shape_cast %add3A_1388 : vector<16xf32> to vector<1x16xf32>
              tpu.vector_store %arg14[%swap3A_1389, %swap3A_1390], %swap3A_1393 {strides = array<i32>} : memref<32x768xf32, #tpu.memory_space<vmem>>, vector<1x16xf32>,
              %get3A_1394 = arith.index_cast %add3A_641 : i32 to index
              %get3A_1395 = arith.constant 416 : index
              %get3A_1396 = tpu.vector_load %arg15[%get3A_1394, %get3A_1395] {strides = array<i32>} : memref<32x768xf32, #tpu.memory_space<vmem>>, vector<1x16xf32>,
              %get3A_1397 = vector.shape_cast %get3A_1396 : vector<1x16xf32> to vector<16xf32>
              %mul3A_1398 = arith.mulf %gather3A_649, %get3A_141 : vector<16xf32>
              %add3A_1399 = arith.addf %get3A_1381, %mul3A_1398 : vector<16xf32>
              %add3A_1400 = arith.addf %get3A_1397, %add3A_1399 : vector<16xf32>
              %swap3A_1401 = arith.index_cast %add3A_641 : i32 to index
              %swap3A_1402 = arith.constant 416 : index
              %swap3A_1403 = tpu.vector_load %arg15[%swap3A_1401, %swap3A_1402] {strides = array<i32>} : memref<32x768xf32, #tpu.memory_space<vmem>>, vector<1x16xf32>,
              %swap3A_1404 = vector.shape_cast %swap3A_1403 : vector<1x16xf32> to vector<16xf32>
              %swap3A_1405 = vector.shape_cast %add3A_1400 : vector<16xf32> to vector<1x16xf32>
              tpu.vector_store %arg15[%swap3A_1401, %swap3A_1402], %swap3A_1405 {strides = array<i32>} : memref<32x768xf32, #tpu.memory_space<vmem>>, vector<1x16xf32>,
              %get3A_1406 = arith.index_cast %add3A_641 : i32 to index
              %get3A_1407 = arith.constant 432 : index
              %get3A_1408 = tpu.vector_load %arg10[%get3A_1406, %get3A_1407] {strides = array<i32>} : memref<32x768xf32, #tpu.memory_space<vmem>>, vector<1x16xf32>,
              %get3A_1409 = vector.shape_cast %get3A_1408 : vector<1x16xf32> to vector<16xf32>
              %get3A_1410 = arith.index_cast %add3A_641 : i32 to index
              %get3A_1411 = arith.constant 432 : index
              %get3A_1412 = tpu.vector_load %arg14[%get3A_1410, %get3A_1411] {strides = array<i32>} : memref<32x768xf32, #tpu.memory_space<vmem>>, vector<1x16xf32>,
              %get3A_1413 = vector.shape_cast %get3A_1412 : vector<1x16xf32> to vector<16xf32>
              %mul3A_1414 = arith.mulf %gather3A_644, %get3A_146 : vector<16xf32>
              %add3A_1415 = arith.addf %get3A_1409, %mul3A_1414 : vector<16xf32>
              %add3A_1416 = arith.addf %get3A_1413, %add3A_1415 : vector<16xf32>
              %swap3A_1417 = arith.index_cast %add3A_641 : i32 to index
              %swap3A_1418 = arith.constant 432 : index
              %swap3A_1419 = tpu.vector_load %arg14[%swap3A_1417, %swap3A_1418] {strides = array<i32>} : memref<32x768xf32, #tpu.memory_space<vmem>>, vector<1x16xf32>,
              %swap3A_1420 = vector.shape_cast %swap3A_1419 : vector<1x16xf32> to vector<16xf32>
              %swap3A_1421 = vector.shape_cast %add3A_1416 : vector<16xf32> to vector<1x16xf32>
              tpu.vector_store %arg14[%swap3A_1417, %swap3A_1418], %swap3A_1421 {strides = array<i32>} : memref<32x768xf32, #tpu.memory_space<vmem>>, vector<1x16xf32>,
              %get3A_1422 = arith.index_cast %add3A_641 : i32 to index
              %get3A_1423 = arith.constant 432 : index
              %get3A_1424 = tpu.vector_load %arg15[%get3A_1422, %get3A_1423] {strides = array<i32>} : memref<32x768xf32, #tpu.memory_space<vmem>>, vector<1x16xf32>,
              %get3A_1425 = vector.shape_cast %get3A_1424 : vector<1x16xf32> to vector<16xf32>
              %mul3A_1426 = arith.mulf %gather3A_649, %get3A_146 : vector<16xf32>
              %add3A_1427 = arith.addf %get3A_1409, %mul3A_1426 : vector<16xf32>
              %add3A_1428 = arith.addf %get3A_1425, %add3A_1427 : vector<16xf32>
              %swap3A_1429 = arith.index_cast %add3A_641 : i32 to index
              %swap3A_1430 = arith.constant 432 : index
              %swap3A_1431 = tpu.vector_load %arg15[%swap3A_1429, %swap3A_1430] {strides = array<i32>} : memref<32x768xf32, #tpu.memory_space<vmem>>, vector<1x16xf32>,
              %swap3A_1432 = vector.shape_cast %swap3A_1431 : vector<1x16xf32> to vector<16xf32>
              %swap3A_1433 = vector.shape_cast %add3A_1428 : vector<16xf32> to vector<1x16xf32>
              tpu.vector_store %arg15[%swap3A_1429, %swap3A_1430], %swap3A_1433 {strides = array<i32>} : memref<32x768xf32, #tpu.memory_space<vmem>>, vector<1x16xf32>,
              %get3A_1434 = arith.index_cast %add3A_641 : i32 to index
              %get3A_1435 = arith.constant 448 : index
              %get3A_1436 = tpu.vector_load %arg10[%get3A_1434, %get3A_1435] {strides = array<i32>} : memref<32x768xf32, #tpu.memory_space<vmem>>, vector<1x16xf32>,
              %get3A_1437 = vector.shape_cast %get3A_1436 : vector<1x16xf32> to vector<16xf32>
              %get3A_1438 = arith.index_cast %add3A_641 : i32 to index
              %get3A_1439 = arith.constant 448 : index
              %get3A_1440 = tpu.vector_load %arg14[%get3A_1438, %get3A_1439] {strides = array<i32>} : memref<32x768xf32, #tpu.memory_space<vmem>>, vector<1x16xf32>,
              %get3A_1441 = vector.shape_cast %get3A_1440 : vector<1x16xf32> to vector<16xf32>
              %mul3A_1442 = arith.mulf %gather3A_644, %get3A_151 : vector<16xf32>
              %add3A_1443 = arith.addf %get3A_1437, %mul3A_1442 : vector<16xf32>
              %add3A_1444 = arith.addf %get3A_1441, %add3A_1443 : vector<16xf32>
              %swap3A_1445 = arith.index_cast %add3A_641 : i32 to index
              %swap3A_1446 = arith.constant 448 : index
              %swap3A_1447 = tpu.vector_load %arg14[%swap3A_1445, %swap3A_1446] {strides = array<i32>} : memref<32x768xf32, #tpu.memory_space<vmem>>, vector<1x16xf32>,
              %swap3A_1448 = vector.shape_cast %swap3A_1447 : vector<1x16xf32> to vector<16xf32>
              %swap3A_1449 = vector.shape_cast %add3A_1444 : vector<16xf32> to vector<1x16xf32>
              tpu.vector_store %arg14[%swap3A_1445, %swap3A_1446], %swap3A_1449 {strides = array<i32>} : memref<32x768xf32, #tpu.memory_space<vmem>>, vector<1x16xf32>,
              %get3A_1450 = arith.index_cast %add3A_641 : i32 to index
              %get3A_1451 = arith.constant 448 : index
              %get3A_1452 = tpu.vector_load %arg15[%get3A_1450, %get3A_1451] {strides = array<i32>} : memref<32x768xf32, #tpu.memory_space<vmem>>, vector<1x16xf32>,
              %get3A_1453 = vector.shape_cast %get3A_1452 : vector<1x16xf32> to vector<16xf32>
              %mul3A_1454 = arith.mulf %gather3A_649, %get3A_151 : vector<16xf32>
              %add3A_1455 = arith.addf %get3A_1437, %mul3A_1454 : vector<16xf32>
              %add3A_1456 = arith.addf %get3A_1453, %add3A_1455 : vector<16xf32>
              %swap3A_1457 = arith.index_cast %add3A_641 : i32 to index
              %swap3A_1458 = arith.constant 448 : index
              %swap3A_1459 = tpu.vector_load %arg15[%swap3A_1457, %swap3A_1458] {strides = array<i32>} : memref<32x768xf32, #tpu.memory_space<vmem>>, vector<1x16xf32>,
              %swap3A_1460 = vector.shape_cast %swap3A_1459 : vector<1x16xf32> to vector<16xf32>
              %swap3A_1461 = vector.shape_cast %add3A_1456 : vector<16xf32> to vector<1x16xf32>
              tpu.vector_store %arg15[%swap3A_1457, %swap3A_1458], %swap3A_1461 {strides = array<i32>} : memref<32x768xf32, #tpu.memory_space<vmem>>, vector<1x16xf32>,
              %get3A_1462 = arith.index_cast %add3A_641 : i32 to index
              %get3A_1463 = arith.constant 464 : index
              %get3A_1464 = tpu.vector_load %arg10[%get3A_1462, %get3A_1463] {strides = array<i32>} : memref<32x768xf32, #tpu.memory_space<vmem>>, vector<1x16xf32>,
              %get3A_1465 = vector.shape_cast %get3A_1464 : vector<1x16xf32> to vector<16xf32>
              %get3A_1466 = arith.index_cast %add3A_641 : i32 to index
              %get3A_1467 = arith.constant 464 : index
              %get3A_1468 = tpu.vector_load %arg14[%get3A_1466, %get3A_1467] {strides = array<i32>} : memref<32x768xf32, #tpu.memory_space<vmem>>, vector<1x16xf32>,
              %get3A_1469 = vector.shape_cast %get3A_1468 : vector<1x16xf32> to vector<16xf32>
              %mul3A_1470 = arith.mulf %gather3A_644, %get3A_156 : vector<16xf32>
              %add3A_1471 = arith.addf %get3A_1465, %mul3A_1470 : vector<16xf32>
              %add3A_1472 = arith.addf %get3A_1469, %add3A_1471 : vector<16xf32>
              %swap3A_1473 = arith.index_cast %add3A_641 : i32 to index
              %swap3A_1474 = arith.constant 464 : index
              %swap3A_1475 = tpu.vector_load %arg14[%swap3A_1473, %swap3A_1474] {strides = array<i32>} : memref<32x768xf32, #tpu.memory_space<vmem>>, vector<1x16xf32>,
              %swap3A_1476 = vector.shape_cast %swap3A_1475 : vector<1x16xf32> to vector<16xf32>
              %swap3A_1477 = vector.shape_cast %add3A_1472 : vector<16xf32> to vector<1x16xf32>
              tpu.vector_store %arg14[%swap3A_1473, %swap3A_1474], %swap3A_1477 {strides = array<i32>} : memref<32x768xf32, #tpu.memory_space<vmem>>, vector<1x16xf32>,
              %get3A_1478 = arith.index_cast %add3A_641 : i32 to index
              %get3A_1479 = arith.constant 464 : index
              %get3A_1480 = tpu.vector_load %arg15[%get3A_1478, %get3A_1479] {strides = array<i32>} : memref<32x768xf32, #tpu.memory_space<vmem>>, vector<1x16xf32>,
              %get3A_1481 = vector.shape_cast %get3A_1480 : vector<1x16xf32> to vector<16xf32>
              %mul3A_1482 = arith.mulf %gather3A_649, %get3A_156 : vector<16xf32>
              %add3A_1483 = arith.addf %get3A_1465, %mul3A_1482 : vector<16xf32>
              %add3A_1484 = arith.addf %get3A_1481, %add3A_1483 : vector<16xf32>
              %swap3A_1485 = arith.index_cast %add3A_641 : i32 to index
              %swap3A_1486 = arith.constant 464 : index
              %swap3A_1487 = tpu.vector_load %arg15[%swap3A_1485, %swap3A_1486] {strides = array<i32>} : memref<32x768xf32, #tpu.memory_space<vmem>>, vector<1x16xf32>,
              %swap3A_1488 = vector.shape_cast %swap3A_1487 : vector<1x16xf32> to vector<16xf32>
              %swap3A_1489 = vector.shape_cast %add3A_1484 : vector<16xf32> to vector<1x16xf32>
              tpu.vector_store %arg15[%swap3A_1485, %swap3A_1486], %swap3A_1489 {strides = array<i32>} : memref<32x768xf32, #tpu.memory_space<vmem>>, vector<1x16xf32>,
              %get3A_1490 = arith.index_cast %add3A_641 : i32 to index
              %get3A_1491 = arith.constant 480 : index
              %get3A_1492 = tpu.vector_load %arg10[%get3A_1490, %get3A_1491] {strides = array<i32>} : memref<32x768xf32, #tpu.memory_space<vmem>>, vector<1x16xf32>,
              %get3A_1493 = vector.shape_cast %get3A_1492 : vector<1x16xf32> to vector<16xf32>
              %get3A_1494 = arith.index_cast %add3A_641 : i32 to index
              %get3A_1495 = arith.constant 480 : index
              %get3A_1496 = tpu.vector_load %arg14[%get3A_1494, %get3A_1495] {strides = array<i32>} : memref<32x768xf32, #tpu.memory_space<vmem>>, vector<1x16xf32>,
              %get3A_1497 = vector.shape_cast %get3A_1496 : vector<1x16xf32> to vector<16xf32>
              %mul3A_1498 = arith.mulf %gather3A_644, %get3A_161 : vector<16xf32>
              %add3A_1499 = arith.addf %get3A_1493, %mul3A_1498 : vector<16xf32>
              %add3A_1500 = arith.addf %get3A_1497, %add3A_1499 : vector<16xf32>
              %swap3A_1501 = arith.index_cast %add3A_641 : i32 to index
              %swap3A_1502 = arith.constant 480 : index
              %swap3A_1503 = tpu.vector_load %arg14[%swap3A_1501, %swap3A_1502] {strides = array<i32>} : memref<32x768xf32, #tpu.memory_space<vmem>>, vector<1x16xf32>,
              %swap3A_1504 = vector.shape_cast %swap3A_1503 : vector<1x16xf32> to vector<16xf32>
              %swap3A_1505 = vector.shape_cast %add3A_1500 : vector<16xf32> to vector<1x16xf32>
              tpu.vector_store %arg14[%swap3A_1501, %swap3A_1502], %swap3A_1505 {strides = array<i32>} : memref<32x768xf32, #tpu.memory_space<vmem>>, vector<1x16xf32>,
              %get3A_1506 = arith.index_cast %add3A_641 : i32 to index
              %get3A_1507 = arith.constant 480 : index
              %get3A_1508 = tpu.vector_load %arg15[%get3A_1506, %get3A_1507] {strides = array<i32>} : memref<32x768xf32, #tpu.memory_space<vmem>>, vector<1x16xf32>,
              %get3A_1509 = vector.shape_cast %get3A_1508 : vector<1x16xf32> to vector<16xf32>
              %mul3A_1510 = arith.mulf %gather3A_649, %get3A_161 : vector<16xf32>
              %add3A_1511 = arith.addf %get3A_1493, %mul3A_1510 : vector<16xf32>
              %add3A_1512 = arith.addf %get3A_1509, %add3A_1511 : vector<16xf32>
              %swap3A_1513 = arith.index_cast %add3A_641 : i32 to index
              %swap3A_1514 = arith.constant 480 : index
              %swap3A_1515 = tpu.vector_load %arg15[%swap3A_1513, %swap3A_1514] {strides = array<i32>} : memref<32x768xf32, #tpu.memory_space<vmem>>, vector<1x16xf32>,
              %swap3A_1516 = vector.shape_cast %swap3A_1515 : vector<1x16xf32> to vector<16xf32>
              %swap3A_1517 = vector.shape_cast %add3A_1512 : vector<16xf32> to vector<1x16xf32>
              tpu.vector_store %arg15[%swap3A_1513, %swap3A_1514], %swap3A_1517 {strides = array<i32>} : memref<32x768xf32, #tpu.memory_space<vmem>>, vector<1x16xf32>,
              %get3A_1518 = arith.index_cast %add3A_641 : i32 to index
              %get3A_1519 = arith.constant 496 : index
              %get3A_1520 = tpu.vector_load %arg10[%get3A_1518, %get3A_1519] {strides = array<i32>} : memref<32x768xf32, #tpu.memory_space<vmem>>, vector<1x16xf32>,
              %get3A_1521 = vector.shape_cast %get3A_1520 : vector<1x16xf32> to vector<16xf32>
              %get3A_1522 = arith.index_cast %add3A_641 : i32 to index
              %get3A_1523 = arith.constant 496 : index
              %get3A_1524 = tpu.vector_load %arg14[%get3A_1522, %get3A_1523] {strides = array<i32>} : memref<32x768xf32, #tpu.memory_space<vmem>>, vector<1x16xf32>,
              %get3A_1525 = vector.shape_cast %get3A_1524 : vector<1x16xf32> to vector<16xf32>
              %mul3A_1526 = arith.mulf %gather3A_644, %get3A_166 : vector<16xf32>
              %add3A_1527 = arith.addf %get3A_1521, %mul3A_1526 : vector<16xf32>
              %add3A_1528 = arith.addf %get3A_1525, %add3A_1527 : vector<16xf32>
              %swap3A_1529 = arith.index_cast %add3A_641 : i32 to index
              %swap3A_1530 = arith.constant 496 : index
              %swap3A_1531 = tpu.vector_load %arg14[%swap3A_1529, %swap3A_1530] {strides = array<i32>} : memref<32x768xf32, #tpu.memory_space<vmem>>, vector<1x16xf32>,
              %swap3A_1532 = vector.shape_cast %swap3A_1531 : vector<1x16xf32> to vector<16xf32>
              %swap3A_1533 = vector.shape_cast %add3A_1528 : vector<16xf32> to vector<1x16xf32>
              tpu.vector_store %arg14[%swap3A_1529, %swap3A_1530], %swap3A_1533 {strides = array<i32>} : memref<32x768xf32, #tpu.memory_space<vmem>>, vector<1x16xf32>,
              %get3A_1534 = arith.index_cast %add3A_641 : i32 to index
              %get3A_1535 = arith.constant 496 : index
              %get3A_1536 = tpu.vector_load %arg15[%get3A_1534, %get3A_1535] {strides = array<i32>} : memref<32x768xf32, #tpu.memory_space<vmem>>, vector<1x16xf32>,
              %get3A_1537 = vector.shape_cast %get3A_1536 : vector<1x16xf32> to vector<16xf32>
              %mul3A_1538 = arith.mulf %gather3A_649, %get3A_166 : vector<16xf32>
              %add3A_1539 = arith.addf %get3A_1521, %mul3A_1538 : vector<16xf32>
              %add3A_1540 = arith.addf %get3A_1537, %add3A_1539 : vector<16xf32>
              %swap3A_1541 = arith.index_cast %add3A_641 : i32 to index
              %swap3A_1542 = arith.constant 496 : index
              %swap3A_1543 = tpu.vector_load %arg15[%swap3A_1541, %swap3A_1542] {strides = array<i32>} : memref<32x768xf32, #tpu.memory_space<vmem>>, vector<1x16xf32>,
              %swap3A_1544 = vector.shape_cast %swap3A_1543 : vector<1x16xf32> to vector<16xf32>
              %swap3A_1545 = vector.shape_cast %add3A_1540 : vector<16xf32> to vector<1x16xf32>
              tpu.vector_store %arg15[%swap3A_1541, %swap3A_1542], %swap3A_1545 {strides = array<i32>} : memref<32x768xf32, #tpu.memory_space<vmem>>, vector<1x16xf32>,
              %get3A_1546 = arith.index_cast %add3A_641 : i32 to index
              %get3A_1547 = arith.constant 512 : index
              %get3A_1548 = tpu.vector_load %arg10[%get3A_1546, %get3A_1547] {strides = array<i32>} : memref<32x768xf32, #tpu.memory_space<vmem>>, vector<1x16xf32>,
              %get3A_1549 = vector.shape_cast %get3A_1548 : vector<1x16xf32> to vector<16xf32>
              %get3A_1550 = arith.index_cast %add3A_641 : i32 to index
              %get3A_1551 = arith.constant 512 : index
              %get3A_1552 = tpu.vector_load %arg14[%get3A_1550, %get3A_1551] {strides = array<i32>} : memref<32x768xf32, #tpu.memory_space<vmem>>, vector<1x16xf32>,
              %get3A_1553 = vector.shape_cast %get3A_1552 : vector<1x16xf32> to vector<16xf32>
              %mul3A_1554 = arith.mulf %gather3A_644, %get3A_171 : vector<16xf32>
              %add3A_1555 = arith.addf %get3A_1549, %mul3A_1554 : vector<16xf32>
              %add3A_1556 = arith.addf %get3A_1553, %add3A_1555 : vector<16xf32>
              %swap3A_1557 = arith.index_cast %add3A_641 : i32 to index
              %swap3A_1558 = arith.constant 512 : index
              %swap3A_1559 = tpu.vector_load %arg14[%swap3A_1557, %swap3A_1558] {strides = array<i32>} : memref<32x768xf32, #tpu.memory_space<vmem>>, vector<1x16xf32>,
              %swap3A_1560 = vector.shape_cast %swap3A_1559 : vector<1x16xf32> to vector<16xf32>
              %swap3A_1561 = vector.shape_cast %add3A_1556 : vector<16xf32> to vector<1x16xf32>
              tpu.vector_store %arg14[%swap3A_1557, %swap3A_1558], %swap3A_1561 {strides = array<i32>} : memref<32x768xf32, #tpu.memory_space<vmem>>, vector<1x16xf32>,
              %get3A_1562 = arith.index_cast %add3A_641 : i32 to index
              %get3A_1563 = arith.constant 512 : index
              %get3A_1564 = tpu.vector_load %arg15[%get3A_1562, %get3A_1563] {strides = array<i32>} : memref<32x768xf32, #tpu.memory_space<vmem>>, vector<1x16xf32>,
              %get3A_1565 = vector.shape_cast %get3A_1564 : vector<1x16xf32> to vector<16xf32>
              %mul3A_1566 = arith.mulf %gather3A_649, %get3A_171 : vector<16xf32>
              %add3A_1567 = arith.addf %get3A_1549, %mul3A_1566 : vector<16xf32>
              %add3A_1568 = arith.addf %get3A_1565, %add3A_1567 : vector<16xf32>
              %swap3A_1569 = arith.index_cast %add3A_641 : i32 to index
              %swap3A_1570 = arith.constant 512 : index
              %swap3A_1571 = tpu.vector_load %arg15[%swap3A_1569, %swap3A_1570] {strides = array<i32>} : memref<32x768xf32, #tpu.memory_space<vmem>>, vector<1x16xf32>,
              %swap3A_1572 = vector.shape_cast %swap3A_1571 : vector<1x16xf32> to vector<16xf32>
              %swap3A_1573 = vector.shape_cast %add3A_1568 : vector<16xf32> to vector<1x16xf32>
              tpu.vector_store %arg15[%swap3A_1569, %swap3A_1570], %swap3A_1573 {strides = array<i32>} : memref<32x768xf32, #tpu.memory_space<vmem>>, vector<1x16xf32>,
              %get3A_1574 = arith.index_cast %add3A_641 : i32 to index
              %get3A_1575 = arith.constant 528 : index
              %get3A_1576 = tpu.vector_load %arg10[%get3A_1574, %get3A_1575] {strides = array<i32>} : memref<32x768xf32, #tpu.memory_space<vmem>>, vector<1x16xf32>,
              %get3A_1577 = vector.shape_cast %get3A_1576 : vector<1x16xf32> to vector<16xf32>
              %get3A_1578 = arith.index_cast %add3A_641 : i32 to index
              %get3A_1579 = arith.constant 528 : index
              %get3A_1580 = tpu.vector_load %arg14[%get3A_1578, %get3A_1579] {strides = array<i32>} : memref<32x768xf32, #tpu.memory_space<vmem>>, vector<1x16xf32>,
              %get3A_1581 = vector.shape_cast %get3A_1580 : vector<1x16xf32> to vector<16xf32>
              %mul3A_1582 = arith.mulf %gather3A_644, %get3A_176 : vector<16xf32>
              %add3A_1583 = arith.addf %get3A_1577, %mul3A_1582 : vector<16xf32>
              %add3A_1584 = arith.addf %get3A_1581, %add3A_1583 : vector<16xf32>
              %swap3A_1585 = arith.index_cast %add3A_641 : i32 to index
              %swap3A_1586 = arith.constant 528 : index
              %swap3A_1587 = tpu.vector_load %arg14[%swap3A_1585, %swap3A_1586] {strides = array<i32>} : memref<32x768xf32, #tpu.memory_space<vmem>>, vector<1x16xf32>,
              %swap3A_1588 = vector.shape_cast %swap3A_1587 : vector<1x16xf32> to vector<16xf32>
              %swap3A_1589 = vector.shape_cast %add3A_1584 : vector<16xf32> to vector<1x16xf32>
              tpu.vector_store %arg14[%swap3A_1585, %swap3A_1586], %swap3A_1589 {strides = array<i32>} : memref<32x768xf32, #tpu.memory_space<vmem>>, vector<1x16xf32>,
              %get3A_1590 = arith.index_cast %add3A_641 : i32 to index
              %get3A_1591 = arith.constant 528 : index
              %get3A_1592 = tpu.vector_load %arg15[%get3A_1590, %get3A_1591] {strides = array<i32>} : memref<32x768xf32, #tpu.memory_space<vmem>>, vector<1x16xf32>,
              %get3A_1593 = vector.shape_cast %get3A_1592 : vector<1x16xf32> to vector<16xf32>
              %mul3A_1594 = arith.mulf %gather3A_649, %get3A_176 : vector<16xf32>
              %add3A_1595 = arith.addf %get3A_1577, %mul3A_1594 : vector<16xf32>
              %add3A_1596 = arith.addf %get3A_1593, %add3A_1595 : vector<16xf32>
              %swap3A_1597 = arith.index_cast %add3A_641 : i32 to index
              %swap3A_1598 = arith.constant 528 : index
              %swap3A_1599 = tpu.vector_load %arg15[%swap3A_1597, %swap3A_1598] {strides = array<i32>} : memref<32x768xf32, #tpu.memory_space<vmem>>, vector<1x16xf32>,
              %swap3A_1600 = vector.shape_cast %swap3A_1599 : vector<1x16xf32> to vector<16xf32>
              %swap3A_1601 = vector.shape_cast %add3A_1596 : vector<16xf32> to vector<1x16xf32>
              tpu.vector_store %arg15[%swap3A_1597, %swap3A_1598], %swap3A_1601 {strides = array<i32>} : memref<32x768xf32, #tpu.memory_space<vmem>>, vector<1x16xf32>,
              %get3A_1602 = arith.index_cast %add3A_641 : i32 to index
              %get3A_1603 = arith.constant 544 : index
              %get3A_1604 = tpu.vector_load %arg10[%get3A_1602, %get3A_1603] {strides = array<i32>} : memref<32x768xf32, #tpu.memory_space<vmem>>, vector<1x16xf32>,
              %get3A_1605 = vector.shape_cast %get3A_1604 : vector<1x16xf32> to vector<16xf32>
              %get3A_1606 = arith.index_cast %add3A_641 : i32 to index
              %get3A_1607 = arith.constant 544 : index
              %get3A_1608 = tpu.vector_load %arg14[%get3A_1606, %get3A_1607] {strides = array<i32>} : memref<32x768xf32, #tpu.memory_space<vmem>>, vector<1x16xf32>,
              %get3A_1609 = vector.shape_cast %get3A_1608 : vector<1x16xf32> to vector<16xf32>
              %mul3A_1610 = arith.mulf %gather3A_644, %get3A_181 : vector<16xf32>
              %add3A_1611 = arith.addf %get3A_1605, %mul3A_1610 : vector<16xf32>
              %add3A_1612 = arith.addf %get3A_1609, %add3A_1611 : vector<16xf32>
              %swap3A_1613 = arith.index_cast %add3A_641 : i32 to index
              %swap3A_1614 = arith.constant 544 : index
              %swap3A_1615 = tpu.vector_load %arg14[%swap3A_1613, %swap3A_1614] {strides = array<i32>} : memref<32x768xf32, #tpu.memory_space<vmem>>, vector<1x16xf32>,
              %swap3A_1616 = vector.shape_cast %swap3A_1615 : vector<1x16xf32> to vector<16xf32>
              %swap3A_1617 = vector.shape_cast %add3A_1612 : vector<16xf32> to vector<1x16xf32>
              tpu.vector_store %arg14[%swap3A_1613, %swap3A_1614], %swap3A_1617 {strides = array<i32>} : memref<32x768xf32, #tpu.memory_space<vmem>>, vector<1x16xf32>,
              %get3A_1618 = arith.index_cast %add3A_641 : i32 to index
              %get3A_1619 = arith.constant 544 : index
              %get3A_1620 = tpu.vector_load %arg15[%get3A_1618, %get3A_1619] {strides = array<i32>} : memref<32x768xf32, #tpu.memory_space<vmem>>, vector<1x16xf32>,
              %get3A_1621 = vector.shape_cast %get3A_1620 : vector<1x16xf32> to vector<16xf32>
              %mul3A_1622 = arith.mulf %gather3A_649, %get3A_181 : vector<16xf32>
              %add3A_1623 = arith.addf %get3A_1605, %mul3A_1622 : vector<16xf32>
              %add3A_1624 = arith.addf %get3A_1621, %add3A_1623 : vector<16xf32>
              %swap3A_1625 = arith.index_cast %add3A_641 : i32 to index
              %swap3A_1626 = arith.constant 544 : index
              %swap3A_1627 = tpu.vector_load %arg15[%swap3A_1625, %swap3A_1626] {strides = array<i32>} : memref<32x768xf32, #tpu.memory_space<vmem>>, vector<1x16xf32>,
              %swap3A_1628 = vector.shape_cast %swap3A_1627 : vector<1x16xf32> to vector<16xf32>
              %swap3A_1629 = vector.shape_cast %add3A_1624 : vector<16xf32> to vector<1x16xf32>
              tpu.vector_store %arg15[%swap3A_1625, %swap3A_1626], %swap3A_1629 {strides = array<i32>} : memref<32x768xf32, #tpu.memory_space<vmem>>, vector<1x16xf32>,
              %get3A_1630 = arith.index_cast %add3A_641 : i32 to index
              %get3A_1631 = arith.constant 560 : index
              %get3A_1632 = tpu.vector_load %arg10[%get3A_1630, %get3A_1631] {strides = array<i32>} : memref<32x768xf32, #tpu.memory_space<vmem>>, vector<1x16xf32>,
              %get3A_1633 = vector.shape_cast %get3A_1632 : vector<1x16xf32> to vector<16xf32>
              %get3A_1634 = arith.index_cast %add3A_641 : i32 to index
              %get3A_1635 = arith.constant 560 : index
              %get3A_1636 = tpu.vector_load %arg14[%get3A_1634, %get3A_1635] {strides = array<i32>} : memref<32x768xf32, #tpu.memory_space<vmem>>, vector<1x16xf32>,
              %get3A_1637 = vector.shape_cast %get3A_1636 : vector<1x16xf32> to vector<16xf32>
              %mul3A_1638 = arith.mulf %gather3A_644, %get3A_186 : vector<16xf32>
              %add3A_1639 = arith.addf %get3A_1633, %mul3A_1638 : vector<16xf32>
              %add3A_1640 = arith.addf %get3A_1637, %add3A_1639 : vector<16xf32>
              %swap3A_1641 = arith.index_cast %add3A_641 : i32 to index
              %swap3A_1642 = arith.constant 560 : index
              %swap3A_1643 = tpu.vector_load %arg14[%swap3A_1641, %swap3A_1642] {strides = array<i32>} : memref<32x768xf32, #tpu.memory_space<vmem>>, vector<1x16xf32>,
              %swap3A_1644 = vector.shape_cast %swap3A_1643 : vector<1x16xf32> to vector<16xf32>
              %swap3A_1645 = vector.shape_cast %add3A_1640 : vector<16xf32> to vector<1x16xf32>
              tpu.vector_store %arg14[%swap3A_1641, %swap3A_1642], %swap3A_1645 {strides = array<i32>} : memref<32x768xf32, #tpu.memory_space<vmem>>, vector<1x16xf32>,
              %get3A_1646 = arith.index_cast %add3A_641 : i32 to index
              %get3A_1647 = arith.constant 560 : index
              %get3A_1648 = tpu.vector_load %arg15[%get3A_1646, %get3A_1647] {strides = array<i32>} : memref<32x768xf32, #tpu.memory_space<vmem>>, vector<1x16xf32>,
              %get3A_1649 = vector.shape_cast %get3A_1648 : vector<1x16xf32> to vector<16xf32>
              %mul3A_1650 = arith.mulf %gather3A_649, %get3A_186 : vector<16xf32>
              %add3A_1651 = arith.addf %get3A_1633, %mul3A_1650 : vector<16xf32>
              %add3A_1652 = arith.addf %get3A_1649, %add3A_1651 : vector<16xf32>
              %swap3A_1653 = arith.index_cast %add3A_641 : i32 to index
              %swap3A_1654 = arith.constant 560 : index
              %swap3A_1655 = tpu.vector_load %arg15[%swap3A_1653, %swap3A_1654] {strides = array<i32>} : memref<32x768xf32, #tpu.memory_space<vmem>>, vector<1x16xf32>,
              %swap3A_1656 = vector.shape_cast %swap3A_1655 : vector<1x16xf32> to vector<16xf32>
              %swap3A_1657 = vector.shape_cast %add3A_1652 : vector<16xf32> to vector<1x16xf32>
              tpu.vector_store %arg15[%swap3A_1653, %swap3A_1654], %swap3A_1657 {strides = array<i32>} : memref<32x768xf32, #tpu.memory_space<vmem>>, vector<1x16xf32>,
              %get3A_1658 = arith.index_cast %add3A_641 : i32 to index
              %get3A_1659 = arith.constant 576 : index
              %get3A_1660 = tpu.vector_load %arg10[%get3A_1658, %get3A_1659] {strides = array<i32>} : memref<32x768xf32, #tpu.memory_space<vmem>>, vector<1x16xf32>,
              %get3A_1661 = vector.shape_cast %get3A_1660 : vector<1x16xf32> to vector<16xf32>
              %get3A_1662 = arith.index_cast %add3A_641 : i32 to index
              %get3A_1663 = arith.constant 576 : index
              %get3A_1664 = tpu.vector_load %arg14[%get3A_1662, %get3A_1663] {strides = array<i32>} : memref<32x768xf32, #tpu.memory_space<vmem>>, vector<1x16xf32>,
              %get3A_1665 = vector.shape_cast %get3A_1664 : vector<1x16xf32> to vector<16xf32>
              %mul3A_1666 = arith.mulf %gather3A_644, %get3A_191 : vector<16xf32>
              %add3A_1667 = arith.addf %get3A_1661, %mul3A_1666 : vector<16xf32>
              %add3A_1668 = arith.addf %get3A_1665, %add3A_1667 : vector<16xf32>
              %swap3A_1669 = arith.index_cast %add3A_641 : i32 to index
              %swap3A_1670 = arith.constant 576 : index
              %swap3A_1671 = tpu.vector_load %arg14[%swap3A_1669, %swap3A_1670] {strides = array<i32>} : memref<32x768xf32, #tpu.memory_space<vmem>>, vector<1x16xf32>,
              %swap3A_1672 = vector.shape_cast %swap3A_1671 : vector<1x16xf32> to vector<16xf32>
              %swap3A_1673 = vector.shape_cast %add3A_1668 : vector<16xf32> to vector<1x16xf32>
              tpu.vector_store %arg14[%swap3A_1669, %swap3A_1670], %swap3A_1673 {strides = array<i32>} : memref<32x768xf32, #tpu.memory_space<vmem>>, vector<1x16xf32>,
              %get3A_1674 = arith.index_cast %add3A_641 : i32 to index
              %get3A_1675 = arith.constant 576 : index
              %get3A_1676 = tpu.vector_load %arg15[%get3A_1674, %get3A_1675] {strides = array<i32>} : memref<32x768xf32, #tpu.memory_space<vmem>>, vector<1x16xf32>,
              %get3A_1677 = vector.shape_cast %get3A_1676 : vector<1x16xf32> to vector<16xf32>
              %mul3A_1678 = arith.mulf %gather3A_649, %get3A_191 : vector<16xf32>
              %add3A_1679 = arith.addf %get3A_1661, %mul3A_1678 : vector<16xf32>
              %add3A_1680 = arith.addf %get3A_1677, %add3A_1679 : vector<16xf32>
              %swap3A_1681 = arith.index_cast %add3A_641 : i32 to index
              %swap3A_1682 = arith.constant 576 : index
              %swap3A_1683 = tpu.vector_load %arg15[%swap3A_1681, %swap3A_1682] {strides = array<i32>} : memref<32x768xf32, #tpu.memory_space<vmem>>, vector<1x16xf32>,
              %swap3A_1684 = vector.shape_cast %swap3A_1683 : vector<1x16xf32> to vector<16xf32>
              %swap3A_1685 = vector.shape_cast %add3A_1680 : vector<16xf32> to vector<1x16xf32>
              tpu.vector_store %arg15[%swap3A_1681, %swap3A_1682], %swap3A_1685 {strides = array<i32>} : memref<32x768xf32, #tpu.memory_space<vmem>>, vector<1x16xf32>,
              %get3A_1686 = arith.index_cast %add3A_641 : i32 to index
              %get3A_1687 = arith.constant 592 : index
              %get3A_1688 = tpu.vector_load %arg10[%get3A_1686, %get3A_1687] {strides = array<i32>} : memref<32x768xf32, #tpu.memory_space<vmem>>, vector<1x16xf32>,
              %get3A_1689 = vector.shape_cast %get3A_1688 : vector<1x16xf32> to vector<16xf32>
              %get3A_1690 = arith.index_cast %add3A_641 : i32 to index
              %get3A_1691 = arith.constant 592 : index
              %get3A_1692 = tpu.vector_load %arg14[%get3A_1690, %get3A_1691] {strides = array<i32>} : memref<32x768xf32, #tpu.memory_space<vmem>>, vector<1x16xf32>,
              %get3A_1693 = vector.shape_cast %get3A_1692 : vector<1x16xf32> to vector<16xf32>
              %mul3A_1694 = arith.mulf %gather3A_644, %get3A_196 : vector<16xf32>
              %add3A_1695 = arith.addf %get3A_1689, %mul3A_1694 : vector<16xf32>
              %add3A_1696 = arith.addf %get3A_1693, %add3A_1695 : vector<16xf32>
              %swap3A_1697 = arith.index_cast %add3A_641 : i32 to index
              %swap3A_1698 = arith.constant 592 : index
              %swap3A_1699 = tpu.vector_load %arg14[%swap3A_1697, %swap3A_1698] {strides = array<i32>} : memref<32x768xf32, #tpu.memory_space<vmem>>, vector<1x16xf32>,
              %swap3A_1700 = vector.shape_cast %swap3A_1699 : vector<1x16xf32> to vector<16xf32>
              %swap3A_1701 = vector.shape_cast %add3A_1696 : vector<16xf32> to vector<1x16xf32>
              tpu.vector_store %arg14[%swap3A_1697, %swap3A_1698], %swap3A_1701 {strides = array<i32>} : memref<32x768xf32, #tpu.memory_space<vmem>>, vector<1x16xf32>,
              %get3A_1702 = arith.index_cast %add3A_641 : i32 to index
              %get3A_1703 = arith.constant 592 : index
              %get3A_1704 = tpu.vector_load %arg15[%get3A_1702, %get3A_1703] {strides = array<i32>} : memref<32x768xf32, #tpu.memory_space<vmem>>, vector<1x16xf32>,
              %get3A_1705 = vector.shape_cast %get3A_1704 : vector<1x16xf32> to vector<16xf32>
              %mul3A_1706 = arith.mulf %gather3A_649, %get3A_196 : vector<16xf32>
              %add3A_1707 = arith.addf %get3A_1689, %mul3A_1706 : vector<16xf32>
              %add3A_1708 = arith.addf %get3A_1705, %add3A_1707 : vector<16xf32>
              %swap3A_1709 = arith.index_cast %add3A_641 : i32 to index
              %swap3A_1710 = arith.constant 592 : index
              %swap3A_1711 = tpu.vector_load %arg15[%swap3A_1709, %swap3A_1710] {strides = array<i32>} : memref<32x768xf32, #tpu.memory_space<vmem>>, vector<1x16xf32>,
              %swap3A_1712 = vector.shape_cast %swap3A_1711 : vector<1x16xf32> to vector<16xf32>
              %swap3A_1713 = vector.shape_cast %add3A_1708 : vector<16xf32> to vector<1x16xf32>
              tpu.vector_store %arg15[%swap3A_1709, %swap3A_1710], %swap3A_1713 {strides = array<i32>} : memref<32x768xf32, #tpu.memory_space<vmem>>, vector<1x16xf32>,
              %get3A_1714 = arith.index_cast %add3A_641 : i32 to index
              %get3A_1715 = arith.constant 608 : index
              %get3A_1716 = tpu.vector_load %arg10[%get3A_1714, %get3A_1715] {strides = array<i32>} : memref<32x768xf32, #tpu.memory_space<vmem>>, vector<1x16xf32>,
              %get3A_1717 = vector.shape_cast %get3A_1716 : vector<1x16xf32> to vector<16xf32>
              %get3A_1718 = arith.index_cast %add3A_641 : i32 to index
              %get3A_1719 = arith.constant 608 : index
              %get3A_1720 = tpu.vector_load %arg14[%get3A_1718, %get3A_1719] {strides = array<i32>} : memref<32x768xf32, #tpu.memory_space<vmem>>, vector<1x16xf32>,
              %get3A_1721 = vector.shape_cast %get3A_1720 : vector<1x16xf32> to vector<16xf32>
              %mul3A_1722 = arith.mulf %gather3A_644, %get3A_201 : vector<16xf32>
              %add3A_1723 = arith.addf %get3A_1717, %mul3A_1722 : vector<16xf32>
              %add3A_1724 = arith.addf %get3A_1721, %add3A_1723 : vector<16xf32>
              %swap3A_1725 = arith.index_cast %add3A_641 : i32 to index
              %swap3A_1726 = arith.constant 608 : index
              %swap3A_1727 = tpu.vector_load %arg14[%swap3A_1725, %swap3A_1726] {strides = array<i32>} : memref<32x768xf32, #tpu.memory_space<vmem>>, vector<1x16xf32>,
              %swap3A_1728 = vector.shape_cast %swap3A_1727 : vector<1x16xf32> to vector<16xf32>
              %swap3A_1729 = vector.shape_cast %add3A_1724 : vector<16xf32> to vector<1x16xf32>
              tpu.vector_store %arg14[%swap3A_1725, %swap3A_1726], %swap3A_1729 {strides = array<i32>} : memref<32x768xf32, #tpu.memory_space<vmem>>, vector<1x16xf32>,
              %get3A_1730 = arith.index_cast %add3A_641 : i32 to index
              %get3A_1731 = arith.constant 608 : index
              %get3A_1732 = tpu.vector_load %arg15[%get3A_1730, %get3A_1731] {strides = array<i32>} : memref<32x768xf32, #tpu.memory_space<vmem>>, vector<1x16xf32>,
              %get3A_1733 = vector.shape_cast %get3A_1732 : vector<1x16xf32> to vector<16xf32>
              %mul3A_1734 = arith.mulf %gather3A_649, %get3A_201 : vector<16xf32>
              %add3A_1735 = arith.addf %get3A_1717, %mul3A_1734 : vector<16xf32>
              %add3A_1736 = arith.addf %get3A_1733, %add3A_1735 : vector<16xf32>
              %swap3A_1737 = arith.index_cast %add3A_641 : i32 to index
              %swap3A_1738 = arith.constant 608 : index
              %swap3A_1739 = tpu.vector_load %arg15[%swap3A_1737, %swap3A_1738] {strides = array<i32>} : memref<32x768xf32, #tpu.memory_space<vmem>>, vector<1x16xf32>,
              %swap3A_1740 = vector.shape_cast %swap3A_1739 : vector<1x16xf32> to vector<16xf32>
              %swap3A_1741 = vector.shape_cast %add3A_1736 : vector<16xf32> to vector<1x16xf32>
              tpu.vector_store %arg15[%swap3A_1737, %swap3A_1738], %swap3A_1741 {strides = array<i32>} : memref<32x768xf32, #tpu.memory_space<vmem>>, vector<1x16xf32>,
              %get3A_1742 = arith.index_cast %add3A_641 : i32 to index
              %get3A_1743 = arith.constant 624 : index
              %get3A_1744 = tpu.vector_load %arg10[%get3A_1742, %get3A_1743] {strides = array<i32>} : memref<32x768xf32, #tpu.memory_space<vmem>>, vector<1x16xf32>,
              %get3A_1745 = vector.shape_cast %get3A_1744 : vector<1x16xf32> to vector<16xf32>
              %get3A_1746 = arith.index_cast %add3A_641 : i32 to index
              %get3A_1747 = arith.constant 624 : index
              %get3A_1748 = tpu.vector_load %arg14[%get3A_1746, %get3A_1747] {strides = array<i32>} : memref<32x768xf32, #tpu.memory_space<vmem>>, vector<1x16xf32>,
              %get3A_1749 = vector.shape_cast %get3A_1748 : vector<1x16xf32> to vector<16xf32>
              %mul3A_1750 = arith.mulf %gather3A_644, %get3A_206 : vector<16xf32>
              %add3A_1751 = arith.addf %get3A_1745, %mul3A_1750 : vector<16xf32>
              %add3A_1752 = arith.addf %get3A_1749, %add3A_1751 : vector<16xf32>
              %swap3A_1753 = arith.index_cast %add3A_641 : i32 to index
              %swap3A_1754 = arith.constant 624 : index
              %swap3A_1755 = tpu.vector_load %arg14[%swap3A_1753, %swap3A_1754] {strides = array<i32>} : memref<32x768xf32, #tpu.memory_space<vmem>>, vector<1x16xf32>,
              %swap3A_1756 = vector.shape_cast %swap3A_1755 : vector<1x16xf32> to vector<16xf32>
              %swap3A_1757 = vector.shape_cast %add3A_1752 : vector<16xf32> to vector<1x16xf32>
              tpu.vector_store %arg14[%swap3A_1753, %swap3A_1754], %swap3A_1757 {strides = array<i32>} : memref<32x768xf32, #tpu.memory_space<vmem>>, vector<1x16xf32>,
              %get3A_1758 = arith.index_cast %add3A_641 : i32 to index
              %get3A_1759 = arith.constant 624 : index
              %get3A_1760 = tpu.vector_load %arg15[%get3A_1758, %get3A_1759] {strides = array<i32>} : memref<32x768xf32, #tpu.memory_space<vmem>>, vector<1x16xf32>,
              %get3A_1761 = vector.shape_cast %get3A_1760 : vector<1x16xf32> to vector<16xf32>
              %mul3A_1762 = arith.mulf %gather3A_649, %get3A_206 : vector<16xf32>
              %add3A_1763 = arith.addf %get3A_1745, %mul3A_1762 : vector<16xf32>
              %add3A_1764 = arith.addf %get3A_1761, %add3A_1763 : vector<16xf32>
              %swap3A_1765 = arith.index_cast %add3A_641 : i32 to index
              %swap3A_1766 = arith.constant 624 : index
              %swap3A_1767 = tpu.vector_load %arg15[%swap3A_1765, %swap3A_1766] {strides = array<i32>} : memref<32x768xf32, #tpu.memory_space<vmem>>, vector<1x16xf32>,
              %swap3A_1768 = vector.shape_cast %swap3A_1767 : vector<1x16xf32> to vector<16xf32>
              %swap3A_1769 = vector.shape_cast %add3A_1764 : vector<16xf32> to vector<1x16xf32>
              tpu.vector_store %arg15[%swap3A_1765, %swap3A_1766], %swap3A_1769 {strides = array<i32>} : memref<32x768xf32, #tpu.memory_space<vmem>>, vector<1x16xf32>,
              %get3A_1770 = arith.index_cast %add3A_641 : i32 to index
              %get3A_1771 = arith.constant 640 : index
              %get3A_1772 = tpu.vector_load %arg10[%get3A_1770, %get3A_1771] {strides = array<i32>} : memref<32x768xf32, #tpu.memory_space<vmem>>, vector<1x16xf32>,
              %get3A_1773 = vector.shape_cast %get3A_1772 : vector<1x16xf32> to vector<16xf32>
              %get3A_1774 = arith.index_cast %add3A_641 : i32 to index
              %get3A_1775 = arith.constant 640 : index
              %get3A_1776 = tpu.vector_load %arg14[%get3A_1774, %get3A_1775] {strides = array<i32>} : memref<32x768xf32, #tpu.memory_space<vmem>>, vector<1x16xf32>,
              %get3A_1777 = vector.shape_cast %get3A_1776 : vector<1x16xf32> to vector<16xf32>
              %mul3A_1778 = arith.mulf %gather3A_644, %get3A_211 : vector<16xf32>
              %add3A_1779 = arith.addf %get3A_1773, %mul3A_1778 : vector<16xf32>
              %add3A_1780 = arith.addf %get3A_1777, %add3A_1779 : vector<16xf32>
              %swap3A_1781 = arith.index_cast %add3A_641 : i32 to index
              %swap3A_1782 = arith.constant 640 : index
              %swap3A_1783 = tpu.vector_load %arg14[%swap3A_1781, %swap3A_1782] {strides = array<i32>} : memref<32x768xf32, #tpu.memory_space<vmem>>, vector<1x16xf32>,
              %swap3A_1784 = vector.shape_cast %swap3A_1783 : vector<1x16xf32> to vector<16xf32>
              %swap3A_1785 = vector.shape_cast %add3A_1780 : vector<16xf32> to vector<1x16xf32>
              tpu.vector_store %arg14[%swap3A_1781, %swap3A_1782], %swap3A_1785 {strides = array<i32>} : memref<32x768xf32, #tpu.memory_space<vmem>>, vector<1x16xf32>,
              %get3A_1786 = arith.index_cast %add3A_641 : i32 to index
              %get3A_1787 = arith.constant 640 : index
              %get3A_1788 = tpu.vector_load %arg15[%get3A_1786, %get3A_1787] {strides = array<i32>} : memref<32x768xf32, #tpu.memory_space<vmem>>, vector<1x16xf32>,
              %get3A_1789 = vector.shape_cast %get3A_1788 : vector<1x16xf32> to vector<16xf32>
              %mul3A_1790 = arith.mulf %gather3A_649, %get3A_211 : vector<16xf32>
              %add3A_1791 = arith.addf %get3A_1773, %mul3A_1790 : vector<16xf32>
              %add3A_1792 = arith.addf %get3A_1789, %add3A_1791 : vector<16xf32>
              %swap3A_1793 = arith.index_cast %add3A_641 : i32 to index
              %swap3A_1794 = arith.constant 640 : index
              %swap3A_1795 = tpu.vector_load %arg15[%swap3A_1793, %swap3A_1794] {strides = array<i32>} : memref<32x768xf32, #tpu.memory_space<vmem>>, vector<1x16xf32>,
              %swap3A_1796 = vector.shape_cast %swap3A_1795 : vector<1x16xf32> to vector<16xf32>
              %swap3A_1797 = vector.shape_cast %add3A_1792 : vector<16xf32> to vector<1x16xf32>
              tpu.vector_store %arg15[%swap3A_1793, %swap3A_1794], %swap3A_1797 {strides = array<i32>} : memref<32x768xf32, #tpu.memory_space<vmem>>, vector<1x16xf32>,
              %get3A_1798 = arith.index_cast %add3A_641 : i32 to index
              %get3A_1799 = arith.constant 656 : index
              %get3A_1800 = tpu.vector_load %arg10[%get3A_1798, %get3A_1799] {strides = array<i32>} : memref<32x768xf32, #tpu.memory_space<vmem>>, vector<1x16xf32>,
              %get3A_1801 = vector.shape_cast %get3A_1800 : vector<1x16xf32> to vector<16xf32>
              %get3A_1802 = arith.index_cast %add3A_641 : i32 to index
              %get3A_1803 = arith.constant 656 : index
              %get3A_1804 = tpu.vector_load %arg14[%get3A_1802, %get3A_1803] {strides = array<i32>} : memref<32x768xf32, #tpu.memory_space<vmem>>, vector<1x16xf32>,
              %get3A_1805 = vector.shape_cast %get3A_1804 : vector<1x16xf32> to vector<16xf32>
              %mul3A_1806 = arith.mulf %gather3A_644, %get3A_216 : vector<16xf32>
              %add3A_1807 = arith.addf %get3A_1801, %mul3A_1806 : vector<16xf32>
              %add3A_1808 = arith.addf %get3A_1805, %add3A_1807 : vector<16xf32>
              %swap3A_1809 = arith.index_cast %add3A_641 : i32 to index
              %swap3A_1810 = arith.constant 656 : index
              %swap3A_1811 = tpu.vector_load %arg14[%swap3A_1809, %swap3A_1810] {strides = array<i32>} : memref<32x768xf32, #tpu.memory_space<vmem>>, vector<1x16xf32>,
              %swap3A_1812 = vector.shape_cast %swap3A_1811 : vector<1x16xf32> to vector<16xf32>
              %swap3A_1813 = vector.shape_cast %add3A_1808 : vector<16xf32> to vector<1x16xf32>
              tpu.vector_store %arg14[%swap3A_1809, %swap3A_1810], %swap3A_1813 {strides = array<i32>} : memref<32x768xf32, #tpu.memory_space<vmem>>, vector<1x16xf32>,
              %get3A_1814 = arith.index_cast %add3A_641 : i32 to index
              %get3A_1815 = arith.constant 656 : index
              %get3A_1816 = tpu.vector_load %arg15[%get3A_1814, %get3A_1815] {strides = array<i32>} : memref<32x768xf32, #tpu.memory_space<vmem>>, vector<1x16xf32>,
              %get3A_1817 = vector.shape_cast %get3A_1816 : vector<1x16xf32> to vector<16xf32>
              %mul3A_1818 = arith.mulf %gather3A_649, %get3A_216 : vector<16xf32>
              %add3A_1819 = arith.addf %get3A_1801, %mul3A_1818 : vector<16xf32>
              %add3A_1820 = arith.addf %get3A_1817, %add3A_1819 : vector<16xf32>
              %swap3A_1821 = arith.index_cast %add3A_641 : i32 to index
              %swap3A_1822 = arith.constant 656 : index
              %swap3A_1823 = tpu.vector_load %arg15[%swap3A_1821, %swap3A_1822] {strides = array<i32>} : memref<32x768xf32, #tpu.memory_space<vmem>>, vector<1x16xf32>,
              %swap3A_1824 = vector.shape_cast %swap3A_1823 : vector<1x16xf32> to vector<16xf32>
              %swap3A_1825 = vector.shape_cast %add3A_1820 : vector<16xf32> to vector<1x16xf32>
              tpu.vector_store %arg15[%swap3A_1821, %swap3A_1822], %swap3A_1825 {strides = array<i32>} : memref<32x768xf32, #tpu.memory_space<vmem>>, vector<1x16xf32>,
              %get3A_1826 = arith.index_cast %add3A_641 : i32 to index
              %get3A_1827 = arith.constant 672 : index
              %get3A_1828 = tpu.vector_load %arg10[%get3A_1826, %get3A_1827] {strides = array<i32>} : memref<32x768xf32, #tpu.memory_space<vmem>>, vector<1x16xf32>,
              %get3A_1829 = vector.shape_cast %get3A_1828 : vector<1x16xf32> to vector<16xf32>
              %get3A_1830 = arith.index_cast %add3A_641 : i32 to index
              %get3A_1831 = arith.constant 672 : index
              %get3A_1832 = tpu.vector_load %arg14[%get3A_1830, %get3A_1831] {strides = array<i32>} : memref<32x768xf32, #tpu.memory_space<vmem>>, vector<1x16xf32>,
              %get3A_1833 = vector.shape_cast %get3A_1832 : vector<1x16xf32> to vector<16xf32>
              %mul3A_1834 = arith.mulf %gather3A_644, %get3A_221 : vector<16xf32>
              %add3A_1835 = arith.addf %get3A_1829, %mul3A_1834 : vector<16xf32>
              %add3A_1836 = arith.addf %get3A_1833, %add3A_1835 : vector<16xf32>
              %swap3A_1837 = arith.index_cast %add3A_641 : i32 to index
              %swap3A_1838 = arith.constant 672 : index
              %swap3A_1839 = tpu.vector_load %arg14[%swap3A_1837, %swap3A_1838] {strides = array<i32>} : memref<32x768xf32, #tpu.memory_space<vmem>>, vector<1x16xf32>,
              %swap3A_1840 = vector.shape_cast %swap3A_1839 : vector<1x16xf32> to vector<16xf32>
              %swap3A_1841 = vector.shape_cast %add3A_1836 : vector<16xf32> to vector<1x16xf32>
              tpu.vector_store %arg14[%swap3A_1837, %swap3A_1838], %swap3A_1841 {strides = array<i32>} : memref<32x768xf32, #tpu.memory_space<vmem>>, vector<1x16xf32>,
              %get3A_1842 = arith.index_cast %add3A_641 : i32 to index
              %get3A_1843 = arith.constant 672 : index
              %get3A_1844 = tpu.vector_load %arg15[%get3A_1842, %get3A_1843] {strides = array<i32>} : memref<32x768xf32, #tpu.memory_space<vmem>>, vector<1x16xf32>,
              %get3A_1845 = vector.shape_cast %get3A_1844 : vector<1x16xf32> to vector<16xf32>
              %mul3A_1846 = arith.mulf %gather3A_649, %get3A_221 : vector<16xf32>
              %add3A_1847 = arith.addf %get3A_1829, %mul3A_1846 : vector<16xf32>
              %add3A_1848 = arith.addf %get3A_1845, %add3A_1847 : vector<16xf32>
              %swap3A_1849 = arith.index_cast %add3A_641 : i32 to index
              %swap3A_1850 = arith.constant 672 : index
              %swap3A_1851 = tpu.vector_load %arg15[%swap3A_1849, %swap3A_1850] {strides = array<i32>} : memref<32x768xf32, #tpu.memory_space<vmem>>, vector<1x16xf32>,
              %swap3A_1852 = vector.shape_cast %swap3A_1851 : vector<1x16xf32> to vector<16xf32>
              %swap3A_1853 = vector.shape_cast %add3A_1848 : vector<16xf32> to vector<1x16xf32>
              tpu.vector_store %arg15[%swap3A_1849, %swap3A_1850], %swap3A_1853 {strides = array<i32>} : memref<32x768xf32, #tpu.memory_space<vmem>>, vector<1x16xf32>,
              %get3A_1854 = arith.index_cast %add3A_641 : i32 to index
              %get3A_1855 = arith.constant 688 : index
              %get3A_1856 = tpu.vector_load %arg10[%get3A_1854, %get3A_1855] {strides = array<i32>} : memref<32x768xf32, #tpu.memory_space<vmem>>, vector<1x16xf32>,
              %get3A_1857 = vector.shape_cast %get3A_1856 : vector<1x16xf32> to vector<16xf32>
              %get3A_1858 = arith.index_cast %add3A_641 : i32 to index
              %get3A_1859 = arith.constant 688 : index
              %get3A_1860 = tpu.vector_load %arg14[%get3A_1858, %get3A_1859] {strides = array<i32>} : memref<32x768xf32, #tpu.memory_space<vmem>>, vector<1x16xf32>,
              %get3A_1861 = vector.shape_cast %get3A_1860 : vector<1x16xf32> to vector<16xf32>
              %mul3A_1862 = arith.mulf %gather3A_644, %get3A_226 : vector<16xf32>
              %add3A_1863 = arith.addf %get3A_1857, %mul3A_1862 : vector<16xf32>
              %add3A_1864 = arith.addf %get3A_1861, %add3A_1863 : vector<16xf32>
              %swap3A_1865 = arith.index_cast %add3A_641 : i32 to index
              %swap3A_1866 = arith.constant 688 : index
              %swap3A_1867 = tpu.vector_load %arg14[%swap3A_1865, %swap3A_1866] {strides = array<i32>} : memref<32x768xf32, #tpu.memory_space<vmem>>, vector<1x16xf32>,
              %swap3A_1868 = vector.shape_cast %swap3A_1867 : vector<1x16xf32> to vector<16xf32>
              %swap3A_1869 = vector.shape_cast %add3A_1864 : vector<16xf32> to vector<1x16xf32>
              tpu.vector_store %arg14[%swap3A_1865, %swap3A_1866], %swap3A_1869 {strides = array<i32>} : memref<32x768xf32, #tpu.memory_space<vmem>>, vector<1x16xf32>,
              %get3A_1870 = arith.index_cast %add3A_641 : i32 to index
              %get3A_1871 = arith.constant 688 : index
              %get3A_1872 = tpu.vector_load %arg15[%get3A_1870, %get3A_1871] {strides = array<i32>} : memref<32x768xf32, #tpu.memory_space<vmem>>, vector<1x16xf32>,
              %get3A_1873 = vector.shape_cast %get3A_1872 : vector<1x16xf32> to vector<16xf32>
              %mul3A_1874 = arith.mulf %gather3A_649, %get3A_226 : vector<16xf32>
              %add3A_1875 = arith.addf %get3A_1857, %mul3A_1874 : vector<16xf32>
              %add3A_1876 = arith.addf %get3A_1873, %add3A_1875 : vector<16xf32>
              %swap3A_1877 = arith.index_cast %add3A_641 : i32 to index
              %swap3A_1878 = arith.constant 688 : index
              %swap3A_1879 = tpu.vector_load %arg15[%swap3A_1877, %swap3A_1878] {strides = array<i32>} : memref<32x768xf32, #tpu.memory_space<vmem>>, vector<1x16xf32>,
              %swap3A_1880 = vector.shape_cast %swap3A_1879 : vector<1x16xf32> to vector<16xf32>
              %swap3A_1881 = vector.shape_cast %add3A_1876 : vector<16xf32> to vector<1x16xf32>
              tpu.vector_store %arg15[%swap3A_1877, %swap3A_1878], %swap3A_1881 {strides = array<i32>} : memref<32x768xf32, #tpu.memory_space<vmem>>, vector<1x16xf32>,
              %get3A_1882 = arith.index_cast %add3A_641 : i32 to index
              %get3A_1883 = arith.constant 704 : index
              %get3A_1884 = tpu.vector_load %arg10[%get3A_1882, %get3A_1883] {strides = array<i32>} : memref<32x768xf32, #tpu.memory_space<vmem>>, vector<1x16xf32>,
              %get3A_1885 = vector.shape_cast %get3A_1884 : vector<1x16xf32> to vector<16xf32>
              %get3A_1886 = arith.index_cast %add3A_641 : i32 to index
              %get3A_1887 = arith.constant 704 : index
              %get3A_1888 = tpu.vector_load %arg14[%get3A_1886, %get3A_1887] {strides = array<i32>} : memref<32x768xf32, #tpu.memory_space<vmem>>, vector<1x16xf32>,
              %get3A_1889 = vector.shape_cast %get3A_1888 : vector<1x16xf32> to vector<16xf32>
              %mul3A_1890 = arith.mulf %gather3A_644, %get3A_231 : vector<16xf32>
              %add3A_1891 = arith.addf %get3A_1885, %mul3A_1890 : vector<16xf32>
              %add3A_1892 = arith.addf %get3A_1889, %add3A_1891 : vector<16xf32>
              %swap3A_1893 = arith.index_cast %add3A_641 : i32 to index
              %swap3A_1894 = arith.constant 704 : index
              %swap3A_1895 = tpu.vector_load %arg14[%swap3A_1893, %swap3A_1894] {strides = array<i32>} : memref<32x768xf32, #tpu.memory_space<vmem>>, vector<1x16xf32>,
              %swap3A_1896 = vector.shape_cast %swap3A_1895 : vector<1x16xf32> to vector<16xf32>
              %swap3A_1897 = vector.shape_cast %add3A_1892 : vector<16xf32> to vector<1x16xf32>
              tpu.vector_store %arg14[%swap3A_1893, %swap3A_1894], %swap3A_1897 {strides = array<i32>} : memref<32x768xf32, #tpu.memory_space<vmem>>, vector<1x16xf32>,
              %get3A_1898 = arith.index_cast %add3A_641 : i32 to index
              %get3A_1899 = arith.constant 704 : index
              %get3A_1900 = tpu.vector_load %arg15[%get3A_1898, %get3A_1899] {strides = array<i32>} : memref<32x768xf32, #tpu.memory_space<vmem>>, vector<1x16xf32>,
              %get3A_1901 = vector.shape_cast %get3A_1900 : vector<1x16xf32> to vector<16xf32>
              %mul3A_1902 = arith.mulf %gather3A_649, %get3A_231 : vector<16xf32>
              %add3A_1903 = arith.addf %get3A_1885, %mul3A_1902 : vector<16xf32>
              %add3A_1904 = arith.addf %get3A_1901, %add3A_1903 : vector<16xf32>
              %swap3A_1905 = arith.index_cast %add3A_641 : i32 to index
              %swap3A_1906 = arith.constant 704 : index
              %swap3A_1907 = tpu.vector_load %arg15[%swap3A_1905, %swap3A_1906] {strides = array<i32>} : memref<32x768xf32, #tpu.memory_space<vmem>>, vector<1x16xf32>,
              %swap3A_1908 = vector.shape_cast %swap3A_1907 : vector<1x16xf32> to vector<16xf32>
              %swap3A_1909 = vector.shape_cast %add3A_1904 : vector<16xf32> to vector<1x16xf32>
              tpu.vector_store %arg15[%swap3A_1905, %swap3A_1906], %swap3A_1909 {strides = array<i32>} : memref<32x768xf32, #tpu.memory_space<vmem>>, vector<1x16xf32>,
              %get3A_1910 = arith.index_cast %add3A_641 : i32 to index
              %get3A_1911 = arith.constant 720 : index
              %get3A_1912 = tpu.vector_load %arg10[%get3A_1910, %get3A_1911] {strides = array<i32>} : memref<32x768xf32, #tpu.memory_space<vmem>>, vector<1x16xf32>,
              %get3A_1913 = vector.shape_cast %get3A_1912 : vector<1x16xf32> to vector<16xf32>
              %get3A_1914 = arith.index_cast %add3A_641 : i32 to index
              %get3A_1915 = arith.constant 720 : index
              %get3A_1916 = tpu.vector_load %arg14[%get3A_1914, %get3A_1915] {strides = array<i32>} : memref<32x768xf32, #tpu.memory_space<vmem>>, vector<1x16xf32>,
              %get3A_1917 = vector.shape_cast %get3A_1916 : vector<1x16xf32> to vector<16xf32>
              %mul3A_1918 = arith.mulf %gather3A_644, %get3A_236 : vector<16xf32>
              %add3A_1919 = arith.addf %get3A_1913, %mul3A_1918 : vector<16xf32>
              %add3A_1920 = arith.addf %get3A_1917, %add3A_1919 : vector<16xf32>
              %swap3A_1921 = arith.index_cast %add3A_641 : i32 to index
              %swap3A_1922 = arith.constant 720 : index
              %swap3A_1923 = tpu.vector_load %arg14[%swap3A_1921, %swap3A_1922] {strides = array<i32>} : memref<32x768xf32, #tpu.memory_space<vmem>>, vector<1x16xf32>,
              %swap3A_1924 = vector.shape_cast %swap3A_1923 : vector<1x16xf32> to vector<16xf32>
              %swap3A_1925 = vector.shape_cast %add3A_1920 : vector<16xf32> to vector<1x16xf32>
              tpu.vector_store %arg14[%swap3A_1921, %swap3A_1922], %swap3A_1925 {strides = array<i32>} : memref<32x768xf32, #tpu.memory_space<vmem>>, vector<1x16xf32>,
              %get3A_1926 = arith.index_cast %add3A_641 : i32 to index
              %get3A_1927 = arith.constant 720 : index
              %get3A_1928 = tpu.vector_load %arg15[%get3A_1926, %get3A_1927] {strides = array<i32>} : memref<32x768xf32, #tpu.memory_space<vmem>>, vector<1x16xf32>,
              %get3A_1929 = vector.shape_cast %get3A_1928 : vector<1x16xf32> to vector<16xf32>
              %mul3A_1930 = arith.mulf %gather3A_649, %get3A_236 : vector<16xf32>
              %add3A_1931 = arith.addf %get3A_1913, %mul3A_1930 : vector<16xf32>
              %add3A_1932 = arith.addf %get3A_1929, %add3A_1931 : vector<16xf32>
              %swap3A_1933 = arith.index_cast %add3A_641 : i32 to index
              %swap3A_1934 = arith.constant 720 : index
              %swap3A_1935 = tpu.vector_load %arg15[%swap3A_1933, %swap3A_1934] {strides = array<i32>} : memref<32x768xf32, #tpu.memory_space<vmem>>, vector<1x16xf32>,
              %swap3A_1936 = vector.shape_cast %swap3A_1935 : vector<1x16xf32> to vector<16xf32>
              %swap3A_1937 = vector.shape_cast %add3A_1932 : vector<16xf32> to vector<1x16xf32>
              tpu.vector_store %arg15[%swap3A_1933, %swap3A_1934], %swap3A_1937 {strides = array<i32>} : memref<32x768xf32, #tpu.memory_space<vmem>>, vector<1x16xf32>,
              %get3A_1938 = arith.index_cast %add3A_641 : i32 to index
              %get3A_1939 = arith.constant 736 : index
              %get3A_1940 = tpu.vector_load %arg10[%get3A_1938, %get3A_1939] {strides = array<i32>} : memref<32x768xf32, #tpu.memory_space<vmem>>, vector<1x16xf32>,
              %get3A_1941 = vector.shape_cast %get3A_1940 : vector<1x16xf32> to vector<16xf32>
              %get3A_1942 = arith.index_cast %add3A_641 : i32 to index
              %get3A_1943 = arith.constant 736 : index
              %get3A_1944 = tpu.vector_load %arg14[%get3A_1942, %get3A_1943] {strides = array<i32>} : memref<32x768xf32, #tpu.memory_space<vmem>>, vector<1x16xf32>,
              %get3A_1945 = vector.shape_cast %get3A_1944 : vector<1x16xf32> to vector<16xf32>
              %mul3A_1946 = arith.mulf %gather3A_644, %get3A_241 : vector<16xf32>
              %add3A_1947 = arith.addf %get3A_1941, %mul3A_1946 : vector<16xf32>
              %add3A_1948 = arith.addf %get3A_1945, %add3A_1947 : vector<16xf32>
              %swap3A_1949 = arith.index_cast %add3A_641 : i32 to index
              %swap3A_1950 = arith.constant 736 : index
              %swap3A_1951 = tpu.vector_load %arg14[%swap3A_1949, %swap3A_1950] {strides = array<i32>} : memref<32x768xf32, #tpu.memory_space<vmem>>, vector<1x16xf32>,
              %swap3A_1952 = vector.shape_cast %swap3A_1951 : vector<1x16xf32> to vector<16xf32>
              %swap3A_1953 = vector.shape_cast %add3A_1948 : vector<16xf32> to vector<1x16xf32>
              tpu.vector_store %arg14[%swap3A_1949, %swap3A_1950], %swap3A_1953 {strides = array<i32>} : memref<32x768xf32, #tpu.memory_space<vmem>>, vector<1x16xf32>,
              %get3A_1954 = arith.index_cast %add3A_641 : i32 to index
              %get3A_1955 = arith.constant 736 : index
              %get3A_1956 = tpu.vector_load %arg15[%get3A_1954, %get3A_1955] {strides = array<i32>} : memref<32x768xf32, #tpu.memory_space<vmem>>, vector<1x16xf32>,
              %get3A_1957 = vector.shape_cast %get3A_1956 : vector<1x16xf32> to vector<16xf32>
              %mul3A_1958 = arith.mulf %gather3A_649, %get3A_241 : vector<16xf32>
              %add3A_1959 = arith.addf %get3A_1941, %mul3A_1958 : vector<16xf32>
              %add3A_1960 = arith.addf %get3A_1957, %add3A_1959 : vector<16xf32>
              %swap3A_1961 = arith.index_cast %add3A_641 : i32 to index
              %swap3A_1962 = arith.constant 736 : index
              %swap3A_1963 = tpu.vector_load %arg15[%swap3A_1961, %swap3A_1962] {strides = array<i32>} : memref<32x768xf32, #tpu.memory_space<vmem>>, vector<1x16xf32>,
              %swap3A_1964 = vector.shape_cast %swap3A_1963 : vector<1x16xf32> to vector<16xf32>
              %swap3A_1965 = vector.shape_cast %add3A_1960 : vector<16xf32> to vector<1x16xf32>
              tpu.vector_store %arg15[%swap3A_1961, %swap3A_1962], %swap3A_1965 {strides = array<i32>} : memref<32x768xf32, #tpu.memory_space<vmem>>, vector<1x16xf32>,
              %get3A_1966 = arith.index_cast %add3A_641 : i32 to index
              %get3A_1967 = arith.constant 752 : index
              %get3A_1968 = tpu.vector_load %arg10[%get3A_1966, %get3A_1967] {strides = array<i32>} : memref<32x768xf32, #tpu.memory_space<vmem>>, vector<1x16xf32>,
              %get3A_1969 = vector.shape_cast %get3A_1968 : vector<1x16xf32> to vector<16xf32>
              %get3A_1970 = arith.index_cast %add3A_641 : i32 to index
              %get3A_1971 = arith.constant 752 : index
              %get3A_1972 = tpu.vector_load %arg14[%get3A_1970, %get3A_1971] {strides = array<i32>} : memref<32x768xf32, #tpu.memory_space<vmem>>, vector<1x16xf32>,
              %get3A_1973 = vector.shape_cast %get3A_1972 : vector<1x16xf32> to vector<16xf32>
              %mul3A_1974 = arith.mulf %gather3A_644, %get3A_246 : vector<16xf32>
              %add3A_1975 = arith.addf %get3A_1969, %mul3A_1974 : vector<16xf32>
              %add3A_1976 = arith.addf %get3A_1973, %add3A_1975 : vector<16xf32>
              %swap3A_1977 = arith.index_cast %add3A_641 : i32 to index
              %swap3A_1978 = arith.constant 752 : index
              %swap3A_1979 = tpu.vector_load %arg14[%swap3A_1977, %swap3A_1978] {strides = array<i32>} : memref<32x768xf32, #tpu.memory_space<vmem>>, vector<1x16xf32>,
              %swap3A_1980 = vector.shape_cast %swap3A_1979 : vector<1x16xf32> to vector<16xf32>
              %swap3A_1981 = vector.shape_cast %add3A_1976 : vector<16xf32> to vector<1x16xf32>
              tpu.vector_store %arg14[%swap3A_1977, %swap3A_1978], %swap3A_1981 {strides = array<i32>} : memref<32x768xf32, #tpu.memory_space<vmem>>, vector<1x16xf32>,
              %get3A_1982 = arith.index_cast %add3A_641 : i32 to index
              %get3A_1983 = arith.constant 752 : index
              %get3A_1984 = tpu.vector_load %arg15[%get3A_1982, %get3A_1983] {strides = array<i32>} : memref<32x768xf32, #tpu.memory_space<vmem>>, vector<1x16xf32>,
              %get3A_1985 = vector.shape_cast %get3A_1984 : vector<1x16xf32> to vector<16xf32>
              %mul3A_1986 = arith.mulf %gather3A_649, %get3A_246 : vector<16xf32>
              %add3A_1987 = arith.addf %get3A_1969, %mul3A_1986 : vector<16xf32>
              %add3A_1988 = arith.addf %get3A_1985, %add3A_1987 : vector<16xf32>
              %swap3A_1989 = arith.index_cast %add3A_641 : i32 to index
              %swap3A_1990 = arith.constant 752 : index
              %swap3A_1991 = tpu.vector_load %arg15[%swap3A_1989, %swap3A_1990] {strides = array<i32>} : memref<32x768xf32, #tpu.memory_space<vmem>>, vector<1x16xf32>,
              %swap3A_1992 = vector.shape_cast %swap3A_1991 : vector<1x16xf32> to vector<16xf32>
              %swap3A_1993 = vector.shape_cast %add3A_1988 : vector<16xf32> to vector<1x16xf32>
              tpu.vector_store %arg15[%swap3A_1989, %swap3A_1990], %swap3A_1993 {strides = array<i32>} : memref<32x768xf32, #tpu.memory_space<vmem>>, vector<1x16xf32>,
            }
            %scan3A_633 = arith.constant 16 : i32
          }
          %scan3A_576 = arith.constant 2 : i32
          %mul3A_577 = arith.constant 512 : i32
          %mul3A_578 = arith.muli %add3A_555, %mul3A_577 : i32
          %add3A_579 = arith.addi %mul3A_2, %mul3A_578 : i32
          %mul3A_580 = arith.constant 32 : i32
          %mul3A_581 = arith.muli %add3A_299, %mul3A_580 : i32
          %add3A_582 = arith.addi %add3A_579, %mul3A_581 : i32
          %dma_start3A_583 = arith.constant 0 : i32
          %dma_start3A_584 = tpu.memref_slice %arg6[%add3A_582, %dma_start3A_583] : memref<524288x768xf32, #tpu.memory_space<hbm>> -> memref<32x768xf32, #tpu.memory_space<hbm>>
          %dma_start3A_585 = arith.constant 0 : i32
          %dma_start3A_586 = tpu.memref_slice %arg6[%add3A_582, %dma_start3A_585] : memref<524288x768xf32, #tpu.memory_space<hbm>> -> memref<32x768xf32, #tpu.memory_space<hbm>>
          tpu.enqueue_dma source(%arg14 : memref<32x768xf32, #tpu.memory_space<vmem>>) target(%dma_start3A_586 : memref<32x768xf32, #tpu.memory_space<hbm>>) target_semaphore(%arg23 : memref<!tpu.dma_semaphore, #tpu.memory_space<semaphore_mem>>)
          %mul3A_587 = arith.constant 512 : i32
          %mul3A_588 = arith.muli %add3A_559, %mul3A_587 : i32
          %add3A_589 = arith.addi %mul3A_2, %mul3A_588 : i32
          %mul3A_590 = arith.constant 32 : i32
          %mul3A_591 = arith.muli %add3A_299, %mul3A_590 : i32
          %add3A_592 = arith.addi %add3A_589, %mul3A_591 : i32
          %dma_start3A_593 = arith.constant 0 : i32
          %dma_start3A_594 = tpu.memref_slice %arg6[%add3A_592, %dma_start3A_593] : memref<524288x768xf32, #tpu.memory_space<hbm>> -> memref<32x768xf32, #tpu.memory_space<hbm>>
          %dma_start3A_595 = arith.constant 0 : i32
          %dma_start3A_596 = tpu.memref_slice %arg6[%add3A_592, %dma_start3A_595] : memref<524288x768xf32, #tpu.memory_space<hbm>> -> memref<32x768xf32, #tpu.memory_space<hbm>>
          tpu.enqueue_dma source(%arg15 : memref<32x768xf32, #tpu.memory_space<vmem>>) target(%dma_start3A_596 : memref<32x768xf32, #tpu.memory_space<hbm>>) target_semaphore(%arg24 : memref<!tpu.dma_semaphore, #tpu.memory_space<semaphore_mem>>)
          %lt3A = arith.constant 7 : i32
          %lt3A_597 = arith.cmpi slt, %add3A_506, %lt3A : i32
          %convert_element_type3A = arith.extui %lt3A_597 : i1 to i32
          %cond3A = arith.constant 0 : i32
          %cond3A_598 = arith.cmpi ne, %convert_element_type3A, %cond3A : i32
          scf.if %cond3A_598 {
            %dma_wait3A_599 = arith.constant 0 : i32
            %dma_wait3A_600 = arith.constant 0 : i32
            %dma_wait3A_601 = tpu.memref_slice %arg6[%dma_wait3A_599, %dma_wait3A_600] : memref<524288x768xf32, #tpu.memory_space<hbm>> -> memref<32x768xf32, #tpu.memory_space<hbm>>
            %dma_wait3A_602 = arith.constant 0 : i32
            %dma_wait3A_603 = arith.constant 0 : i32
            %dma_wait3A_604 = tpu.memref_slice %arg6[%dma_wait3A_602, %dma_wait3A_603] : memref<524288x768xf32, #tpu.memory_space<hbm>> -> memref<32x768xf32, #tpu.memory_space<hbm>>
            tpu.wait_dma2 semaphore(%arg21 : memref<!tpu.dma_semaphore, #tpu.memory_space<semaphore_mem>>) src(%arg12 : memref<32x768xf32, #tpu.memory_space<vmem>>) dst(%dma_wait3A_604 : memref<32x768xf32, #tpu.memory_space<hbm>>)
            %add3A_605 = arith.constant 1 : i32
            %add3A_606 = arith.addi %add3A_506, %add3A_605 : i32
            %mul3A_607 = arith.constant 4 : i32
            %mul3A_608 = arith.muli %add3A_606, %mul3A_607 : i32
            %add3A_609 = arith.constant 0 : i32
            %add3A_610 = arith.addi %mul3A_608, %add3A_609 : i32
            %mul3A_611 = arith.constant 32 : i32
            %mul3A_612 = arith.muli %add3A_296, %mul3A_611 : i32
            %add3A_613 = arith.constant 0 : i32
            %add3A_614 = arith.addi %mul3A_612, %add3A_613 : i32
            %get3A_615 = arith.index_cast %add3A_610 : i32 to index
            %get3A_616 = arith.index_cast %add3A_614 : i32 to index
            %get3A_617 = tpu.vector_load %arg8[%get3A_615, %get3A_616] {strides = array<i32>} : memref<32x128xi32, #tpu.memory_space<vmem>>, vector<1x16xi32>,
            %get3A_618 = vector.shape_cast %get3A_617 : vector<1x16xi32> to vector<16xi32>
            %shift_right_logical3A_619 = arith.constant 1 : i32
            %shift_right_logical3A_620 = vector.broadcast %shift_right_logical3A_619 : i32 to vector<16xi32>
            %shift_right_logical3A_621 = arith.shrui %get3A_618, %shift_right_logical3A_620 : vector<16xi32>
            %swap3A_622 = arith.constant 0 : i32
            %swap3A_623 = arith.index_cast %swap3A_622 : i32 to index
            %swap3A_624 = arith.constant 0 : index
            %swap3A_625 = tpu.vector_load %arg9[%swap3A_623, %swap3A_624] {strides = array<i32>} : memref<4x32xi32, #tpu.memory_space<vmem>>, vector<1x16xi32>,
            %swap3A_626 = vector.shape_cast %swap3A_625 : vector<1x16xi32> to vector<16xi32>
            %swap3A_627 = vector.shape_cast %shift_right_logical3A_621 : vector<16xi32> to vector<1x16xi32>
            tpu.vector_store %arg9[%swap3A_623, %swap3A_624], %swap3A_627 {strides = array<i32>} : memref<4x32xi32, #tpu.memory_space<vmem>>, vector<1x16xi32>,
            %mul3A_628 = arith.constant 32 : i32
            %mul3A_629 = arith.muli %add3A_296, %mul3A_628 : i32
            %add3A_630 = arith.constant 16 : i32
            %add3A_631 = arith.addi %mul3A_629, %add3A_630 : i32
            %get3A_632 = arith.index_cast %add3A_610 : i32 to index
            %get3A_633 = arith.index_cast %add3A_631 : i32 to index
            %get3A_634 = tpu.vector_load %arg8[%get3A_632, %get3A_633] {strides = array<i32>} : memref<32x128xi32, #tpu.memory_space<vmem>>, vector<1x16xi32>,
            %get3A_635 = vector.shape_cast %get3A_634 : vector<1x16xi32> to vector<16xi32>
            %shift_right_logical3A_636 = arith.constant 1 : i32
            %shift_right_logical3A_637 = vector.broadcast %shift_right_logical3A_636 : i32 to vector<16xi32>
            %shift_right_logical3A_638 = arith.shrui %get3A_635, %shift_right_logical3A_637 : vector<16xi32>
            %swap3A_639 = arith.constant 0 : i32
            %swap3A_640 = arith.index_cast %swap3A_639 : i32 to index
            %swap3A_641 = arith.constant 16 : index
            %swap3A_642 = tpu.vector_load %arg9[%swap3A_640, %swap3A_641] {strides = array<i32>} : memref<4x32xi32, #tpu.memory_space<vmem>>, vector<1x16xi32>,
            %swap3A_643 = vector.shape_cast %swap3A_642 : vector<1x16xi32> to vector<16xi32>
            %swap3A_644 = vector.shape_cast %shift_right_logical3A_638 : vector<16xi32> to vector<1x16xi32>
            tpu.vector_store %arg9[%swap3A_640, %swap3A_641], %swap3A_644 {strides = array<i32>} : memref<4x32xi32, #tpu.memory_space<vmem>>, vector<1x16xi32>,
            %dma_start3A_645 = arith.constant 0 : i32
            %dma_start3A_646 = arith.constant 0 : i32
            %dma_start3A_647 = tpu.memref_slice %arg9[%dma_start3A_645, %dma_start3A_646] : memref<4x32xi32, #tpu.memory_space<vmem>> -> memref<1x32xi32, #tpu.memory_space<vmem>>
            %dma_start3A_648 = tpu.memref_squeeze %dma_start3A_647 : memref<1x32xi32, #tpu.memory_space<vmem>> -> memref<32xi32, #tpu.memory_space<vmem>>
            %dma_start3A_649 = arith.constant 0 : i32
            %dma_start3A_650 = arith.constant 0 : i32
            %dma_start3A_651 = tpu.memref_slice %arg2[%dma_start3A_649, %dma_start3A_650] : memref<100000x768xf32, #tpu.memory_space<hbm>> -> memref<100000x768xf32, #tpu.memory_space<hbm>>
            tpu.enqueue_indirect_dma source(%dma_start3A_651 : memref<100000x768xf32, #tpu.memory_space<hbm>>) target(%arg12 : memref<32x768xf32, #tpu.memory_space<vmem>>) offsets(%dma_start3A_648 : memref<32xi32, #tpu.memory_space<vmem>>) semaphore(%arg17 : memref<!tpu.dma_semaphore, #tpu.memory_space<semaphore_mem>>)
            %dma_wait3A_652 = arith.constant 0 : i32
            %dma_wait3A_653 = arith.constant 0 : i32
            %dma_wait3A_654 = tpu.memref_slice %arg6[%dma_wait3A_652, %dma_wait3A_653] : memref<524288x768xf32, #tpu.memory_space<hbm>> -> memref<32x768xf32, #tpu.memory_space<hbm>>
            %dma_wait3A_655 = arith.constant 0 : i32
            %dma_wait3A_656 = arith.constant 0 : i32
            %dma_wait3A_657 = tpu.memref_slice %arg6[%dma_wait3A_655, %dma_wait3A_656] : memref<524288x768xf32, #tpu.memory_space<hbm>> -> memref<32x768xf32, #tpu.memory_space<hbm>>
            tpu.wait_dma2 semaphore(%arg22 : memref<!tpu.dma_semaphore, #tpu.memory_space<semaphore_mem>>) src(%arg13 : memref<32x768xf32, #tpu.memory_space<vmem>>) dst(%dma_wait3A_657 : memref<32x768xf32, #tpu.memory_space<hbm>>)
            %add3A_658 = arith.constant 1 : i32
            %add3A_659 = arith.addi %add3A_506, %add3A_658 : i32
            %mul3A_660 = arith.constant 4 : i32
            %mul3A_661 = arith.muli %add3A_659, %mul3A_660 : i32
            %add3A_662 = arith.constant 1 : i32
            %add3A_663 = arith.addi %mul3A_661, %add3A_662 : i32
            %mul3A_664 = arith.constant 32 : i32
            %mul3A_665 = arith.muli %add3A_296, %mul3A_664 : i32
            %add3A_666 = arith.constant 0 : i32
            %add3A_667 = arith.addi %mul3A_665, %add3A_666 : i32
            %get3A_668 = arith.index_cast %add3A_663 : i32 to index
            %get3A_669 = arith.index_cast %add3A_667 : i32 to index
            %get3A_670 = tpu.vector_load %arg8[%get3A_668, %get3A_669] {strides = array<i32>} : memref<32x128xi32, #tpu.memory_space<vmem>>, vector<1x16xi32>,
            %get3A_671 = vector.shape_cast %get3A_670 : vector<1x16xi32> to vector<16xi32>
            %shift_right_logical3A_672 = arith.constant 1 : i32
            %shift_right_logical3A_673 = vector.broadcast %shift_right_logical3A_672 : i32 to vector<16xi32>
            %shift_right_logical3A_674 = arith.shrui %get3A_671, %shift_right_logical3A_673 : vector<16xi32>
            %swap3A_675 = arith.constant 1 : i32
            %swap3A_676 = arith.index_cast %swap3A_675 : i32 to index
            %swap3A_677 = arith.constant 0 : index
            %swap3A_678 = tpu.vector_load %arg9[%swap3A_676, %swap3A_677] {strides = array<i32>} : memref<4x32xi32, #tpu.memory_space<vmem>>, vector<1x16xi32>,
            %swap3A_679 = vector.shape_cast %swap3A_678 : vector<1x16xi32> to vector<16xi32>
            %swap3A_680 = vector.shape_cast %shift_right_logical3A_674 : vector<16xi32> to vector<1x16xi32>
            tpu.vector_store %arg9[%swap3A_676, %swap3A_677], %swap3A_680 {strides = array<i32>} : memref<4x32xi32, #tpu.memory_space<vmem>>, vector<1x16xi32>,
            %mul3A_681 = arith.constant 32 : i32
            %mul3A_682 = arith.muli %add3A_296, %mul3A_681 : i32
            %add3A_683 = arith.constant 16 : i32
            %add3A_684 = arith.addi %mul3A_682, %add3A_683 : i32
            %get3A_685 = arith.index_cast %add3A_663 : i32 to index
            %get3A_686 = arith.index_cast %add3A_684 : i32 to index
            %get3A_687 = tpu.vector_load %arg8[%get3A_685, %get3A_686] {strides = array<i32>} : memref<32x128xi32, #tpu.memory_space<vmem>>, vector<1x16xi32>,
            %get3A_688 = vector.shape_cast %get3A_687 : vector<1x16xi32> to vector<16xi32>
            %shift_right_logical3A_689 = arith.constant 1 : i32
            %shift_right_logical3A_690 = vector.broadcast %shift_right_logical3A_689 : i32 to vector<16xi32>
            %shift_right_logical3A_691 = arith.shrui %get3A_688, %shift_right_logical3A_690 : vector<16xi32>
            %swap3A_692 = arith.constant 1 : i32
            %swap3A_693 = arith.index_cast %swap3A_692 : i32 to index
            %swap3A_694 = arith.constant 16 : index
            %swap3A_695 = tpu.vector_load %arg9[%swap3A_693, %swap3A_694] {strides = array<i32>} : memref<4x32xi32, #tpu.memory_space<vmem>>, vector<1x16xi32>,
            %swap3A_696 = vector.shape_cast %swap3A_695 : vector<1x16xi32> to vector<16xi32>
            %swap3A_697 = vector.shape_cast %shift_right_logical3A_691 : vector<16xi32> to vector<1x16xi32>
            tpu.vector_store %arg9[%swap3A_693, %swap3A_694], %swap3A_697 {strides = array<i32>} : memref<4x32xi32, #tpu.memory_space<vmem>>, vector<1x16xi32>,
            %dma_start3A_698 = arith.constant 1 : i32
            %dma_start3A_699 = arith.constant 0 : i32
            %dma_start3A_700 = tpu.memref_slice %arg9[%dma_start3A_698, %dma_start3A_699] : memref<4x32xi32, #tpu.memory_space<vmem>> -> memref<1x32xi32, #tpu.memory_space<vmem>>
            %dma_start3A_701 = tpu.memref_squeeze %dma_start3A_700 : memref<1x32xi32, #tpu.memory_space<vmem>> -> memref<32xi32, #tpu.memory_space<vmem>>
            %dma_start3A_702 = arith.constant 0 : i32
            %dma_start3A_703 = arith.constant 0 : i32
            %dma_start3A_704 = tpu.memref_slice %arg2[%dma_start3A_702, %dma_start3A_703] : memref<100000x768xf32, #tpu.memory_space<hbm>> -> memref<100000x768xf32, #tpu.memory_space<hbm>>
            tpu.enqueue_indirect_dma source(%dma_start3A_704 : memref<100000x768xf32, #tpu.memory_space<hbm>>) target(%arg13 : memref<32x768xf32, #tpu.memory_space<vmem>>) offsets(%dma_start3A_701 : memref<32xi32, #tpu.memory_space<vmem>>) semaphore(%arg18 : memref<!tpu.dma_semaphore, #tpu.memory_space<semaphore_mem>>)
            %dma_wait3A_705 = arith.constant 0 : i32
            %dma_wait3A_706 = arith.constant 0 : i32
            %dma_wait3A_707 = tpu.memref_slice %arg6[%dma_wait3A_705, %dma_wait3A_706] : memref<524288x768xf32, #tpu.memory_space<hbm>> -> memref<32x768xf32, #tpu.memory_space<hbm>>
            %dma_wait3A_708 = arith.constant 0 : i32
            %dma_wait3A_709 = arith.constant 0 : i32
            %dma_wait3A_710 = tpu.memref_slice %arg6[%dma_wait3A_708, %dma_wait3A_709] : memref<524288x768xf32, #tpu.memory_space<hbm>> -> memref<32x768xf32, #tpu.memory_space<hbm>>
            tpu.wait_dma2 semaphore(%arg23 : memref<!tpu.dma_semaphore, #tpu.memory_space<semaphore_mem>>) src(%arg14 : memref<32x768xf32, #tpu.memory_space<vmem>>) dst(%dma_wait3A_710 : memref<32x768xf32, #tpu.memory_space<hbm>>)
            %add3A_711 = arith.constant 1 : i32
            %add3A_712 = arith.addi %add3A_506, %add3A_711 : i32
            %mul3A_713 = arith.constant 4 : i32
            %mul3A_714 = arith.muli %add3A_712, %mul3A_713 : i32
            %add3A_715 = arith.constant 2 : i32
            %add3A_716 = arith.addi %mul3A_714, %add3A_715 : i32
            %mul3A_717 = arith.constant 32 : i32
            %mul3A_718 = arith.muli %add3A_296, %mul3A_717 : i32
            %add3A_719 = arith.constant 0 : i32
            %add3A_720 = arith.addi %mul3A_718, %add3A_719 : i32
            %get3A_721 = arith.index_cast %add3A_716 : i32 to index
            %get3A_722 = arith.index_cast %add3A_720 : i32 to index
            %get3A_723 = tpu.vector_load %arg8[%get3A_721, %get3A_722] {strides = array<i32>} : memref<32x128xi32, #tpu.memory_space<vmem>>, vector<1x16xi32>,
            %get3A_724 = vector.shape_cast %get3A_723 : vector<1x16xi32> to vector<16xi32>
            %shift_right_logical3A_725 = arith.constant 1 : i32
            %shift_right_logical3A_726 = vector.broadcast %shift_right_logical3A_725 : i32 to vector<16xi32>
            %shift_right_logical3A_727 = arith.shrui %get3A_724, %shift_right_logical3A_726 : vector<16xi32>
            %swap3A_728 = arith.constant 2 : i32
            %swap3A_729 = arith.index_cast %swap3A_728 : i32 to index
            %swap3A_730 = arith.constant 0 : index
            %swap3A_731 = tpu.vector_load %arg9[%swap3A_729, %swap3A_730] {strides = array<i32>} : memref<4x32xi32, #tpu.memory_space<vmem>>, vector<1x16xi32>,
            %swap3A_732 = vector.shape_cast %swap3A_731 : vector<1x16xi32> to vector<16xi32>
            %swap3A_733 = vector.shape_cast %shift_right_logical3A_727 : vector<16xi32> to vector<1x16xi32>
            tpu.vector_store %arg9[%swap3A_729, %swap3A_730], %swap3A_733 {strides = array<i32>} : memref<4x32xi32, #tpu.memory_space<vmem>>, vector<1x16xi32>,
            %mul3A_734 = arith.constant 32 : i32
            %mul3A_735 = arith.muli %add3A_296, %mul3A_734 : i32
            %add3A_736 = arith.constant 16 : i32
            %add3A_737 = arith.addi %mul3A_735, %add3A_736 : i32
            %get3A_738 = arith.index_cast %add3A_716 : i32 to index
            %get3A_739 = arith.index_cast %add3A_737 : i32 to index
            %get3A_740 = tpu.vector_load %arg8[%get3A_738, %get3A_739] {strides = array<i32>} : memref<32x128xi32, #tpu.memory_space<vmem>>, vector<1x16xi32>,
            %get3A_741 = vector.shape_cast %get3A_740 : vector<1x16xi32> to vector<16xi32>
            %shift_right_logical3A_742 = arith.constant 1 : i32
            %shift_right_logical3A_743 = vector.broadcast %shift_right_logical3A_742 : i32 to vector<16xi32>
            %shift_right_logical3A_744 = arith.shrui %get3A_741, %shift_right_logical3A_743 : vector<16xi32>
            %swap3A_745 = arith.constant 2 : i32
            %swap3A_746 = arith.index_cast %swap3A_745 : i32 to index
            %swap3A_747 = arith.constant 16 : index
            %swap3A_748 = tpu.vector_load %arg9[%swap3A_746, %swap3A_747] {strides = array<i32>} : memref<4x32xi32, #tpu.memory_space<vmem>>, vector<1x16xi32>,
            %swap3A_749 = vector.shape_cast %swap3A_748 : vector<1x16xi32> to vector<16xi32>
            %swap3A_750 = vector.shape_cast %shift_right_logical3A_744 : vector<16xi32> to vector<1x16xi32>
            tpu.vector_store %arg9[%swap3A_746, %swap3A_747], %swap3A_750 {strides = array<i32>} : memref<4x32xi32, #tpu.memory_space<vmem>>, vector<1x16xi32>,
            %dma_start3A_751 = arith.constant 2 : i32
            %dma_start3A_752 = arith.constant 0 : i32
            %dma_start3A_753 = tpu.memref_slice %arg9[%dma_start3A_751, %dma_start3A_752] : memref<4x32xi32, #tpu.memory_space<vmem>> -> memref<1x32xi32, #tpu.memory_space<vmem>>
            %dma_start3A_754 = tpu.memref_squeeze %dma_start3A_753 : memref<1x32xi32, #tpu.memory_space<vmem>> -> memref<32xi32, #tpu.memory_space<vmem>>
            %dma_start3A_755 = arith.constant 0 : i32
            %dma_start3A_756 = arith.constant 0 : i32
            %dma_start3A_757 = tpu.memref_slice %arg2[%dma_start3A_755, %dma_start3A_756] : memref<100000x768xf32, #tpu.memory_space<hbm>> -> memref<100000x768xf32, #tpu.memory_space<hbm>>
            tpu.enqueue_indirect_dma source(%dma_start3A_757 : memref<100000x768xf32, #tpu.memory_space<hbm>>) target(%arg14 : memref<32x768xf32, #tpu.memory_space<vmem>>) offsets(%dma_start3A_754 : memref<32xi32, #tpu.memory_space<vmem>>) semaphore(%arg19 : memref<!tpu.dma_semaphore, #tpu.memory_space<semaphore_mem>>)
            %dma_wait3A_758 = arith.constant 0 : i32
            %dma_wait3A_759 = arith.constant 0 : i32
            %dma_wait3A_760 = tpu.memref_slice %arg6[%dma_wait3A_758, %dma_wait3A_759] : memref<524288x768xf32, #tpu.memory_space<hbm>> -> memref<32x768xf32, #tpu.memory_space<hbm>>
            %dma_wait3A_761 = arith.constant 0 : i32
            %dma_wait3A_762 = arith.constant 0 : i32
            %dma_wait3A_763 = tpu.memref_slice %arg6[%dma_wait3A_761, %dma_wait3A_762] : memref<524288x768xf32, #tpu.memory_space<hbm>> -> memref<32x768xf32, #tpu.memory_space<hbm>>
            tpu.wait_dma2 semaphore(%arg24 : memref<!tpu.dma_semaphore, #tpu.memory_space<semaphore_mem>>) src(%arg15 : memref<32x768xf32, #tpu.memory_space<vmem>>) dst(%dma_wait3A_763 : memref<32x768xf32, #tpu.memory_space<hbm>>)
            %add3A_764 = arith.constant 1 : i32
            %add3A_765 = arith.addi %add3A_506, %add3A_764 : i32
            %mul3A_766 = arith.constant 4 : i32
            %mul3A_767 = arith.muli %add3A_765, %mul3A_766 : i32
            %add3A_768 = arith.constant 3 : i32
            %add3A_769 = arith.addi %mul3A_767, %add3A_768 : i32
            %mul3A_770 = arith.constant 32 : i32
            %mul3A_771 = arith.muli %add3A_296, %mul3A_770 : i32
            %add3A_772 = arith.constant 0 : i32
            %add3A_773 = arith.addi %mul3A_771, %add3A_772 : i32
            %get3A_774 = arith.index_cast %add3A_769 : i32 to index
            %get3A_775 = arith.index_cast %add3A_773 : i32 to index
            %get3A_776 = tpu.vector_load %arg8[%get3A_774, %get3A_775] {strides = array<i32>} : memref<32x128xi32, #tpu.memory_space<vmem>>, vector<1x16xi32>,
            %get3A_777 = vector.shape_cast %get3A_776 : vector<1x16xi32> to vector<16xi32>
            %shift_right_logical3A_778 = arith.constant 1 : i32
            %shift_right_logical3A_779 = vector.broadcast %shift_right_logical3A_778 : i32 to vector<16xi32>
            %shift_right_logical3A_780 = arith.shrui %get3A_777, %shift_right_logical3A_779 : vector<16xi32>
            %swap3A_781 = arith.constant 3 : i32
            %swap3A_782 = arith.index_cast %swap3A_781 : i32 to index
            %swap3A_783 = arith.constant 0 : index
            %swap3A_784 = tpu.vector_load %arg9[%swap3A_782, %swap3A_783] {strides = array<i32>} : memref<4x32xi32, #tpu.memory_space<vmem>>, vector<1x16xi32>,
            %swap3A_785 = vector.shape_cast %swap3A_784 : vector<1x16xi32> to vector<16xi32>
            %swap3A_786 = vector.shape_cast %shift_right_logical3A_780 : vector<16xi32> to vector<1x16xi32>
            tpu.vector_store %arg9[%swap3A_782, %swap3A_783], %swap3A_786 {strides = array<i32>} : memref<4x32xi32, #tpu.memory_space<vmem>>, vector<1x16xi32>,
            %mul3A_787 = arith.constant 32 : i32
            %mul3A_788 = arith.muli %add3A_296, %mul3A_787 : i32
            %add3A_789 = arith.constant 16 : i32
            %add3A_790 = arith.addi %mul3A_788, %add3A_789 : i32
            %get3A_791 = arith.index_cast %add3A_769 : i32 to index
            %get3A_792 = arith.index_cast %add3A_790 : i32 to index
            %get3A_793 = tpu.vector_load %arg8[%get3A_791, %get3A_792] {strides = array<i32>} : memref<32x128xi32, #tpu.memory_space<vmem>>, vector<1x16xi32>,
            %get3A_794 = vector.shape_cast %get3A_793 : vector<1x16xi32> to vector<16xi32>
            %shift_right_logical3A_795 = arith.constant 1 : i32
            %shift_right_logical3A_796 = vector.broadcast %shift_right_logical3A_795 : i32 to vector<16xi32>
            %shift_right_logical3A_797 = arith.shrui %get3A_794, %shift_right_logical3A_796 : vector<16xi32>
            %swap3A_798 = arith.constant 3 : i32
            %swap3A_799 = arith.index_cast %swap3A_798 : i32 to index
            %swap3A_800 = arith.constant 16 : index
            %swap3A_801 = tpu.vector_load %arg9[%swap3A_799, %swap3A_800] {strides = array<i32>} : memref<4x32xi32, #tpu.memory_space<vmem>>, vector<1x16xi32>,
            %swap3A_802 = vector.shape_cast %swap3A_801 : vector<1x16xi32> to vector<16xi32>
            %swap3A_803 = vector.shape_cast %shift_right_logical3A_797 : vector<16xi32> to vector<1x16xi32>
            tpu.vector_store %arg9[%swap3A_799, %swap3A_800], %swap3A_803 {strides = array<i32>} : memref<4x32xi32, #tpu.memory_space<vmem>>, vector<1x16xi32>,
            %dma_start3A_804 = arith.constant 3 : i32
            %dma_start3A_805 = arith.constant 0 : i32
            %dma_start3A_806 = tpu.memref_slice %arg9[%dma_start3A_804, %dma_start3A_805] : memref<4x32xi32, #tpu.memory_space<vmem>> -> memref<1x32xi32, #tpu.memory_space<vmem>>
            %dma_start3A_807 = tpu.memref_squeeze %dma_start3A_806 : memref<1x32xi32, #tpu.memory_space<vmem>> -> memref<32xi32, #tpu.memory_space<vmem>>
            %dma_start3A_808 = arith.constant 0 : i32
            %dma_start3A_809 = arith.constant 0 : i32
            %dma_start3A_810 = tpu.memref_slice %arg2[%dma_start3A_808, %dma_start3A_809] : memref<100000x768xf32, #tpu.memory_space<hbm>> -> memref<100000x768xf32, #tpu.memory_space<hbm>>
            tpu.enqueue_indirect_dma source(%dma_start3A_810 : memref<100000x768xf32, #tpu.memory_space<hbm>>) target(%arg15 : memref<32x768xf32, #tpu.memory_space<vmem>>) offsets(%dma_start3A_807 : memref<32xi32, #tpu.memory_space<vmem>>) semaphore(%arg20 : memref<!tpu.dma_semaphore, #tpu.memory_space<semaphore_mem>>)
          } else {
          }
        }
        %scan3A_477 = arith.constant 8 : i32
        %dma_wait3A_478 = arith.constant 0 : i32
        %dma_wait3A_479 = arith.constant 0 : i32
        %dma_wait3A_480 = tpu.memref_slice %arg6[%dma_wait3A_478, %dma_wait3A_479] : memref<524288x768xf32, #tpu.memory_space<hbm>> -> memref<32x768xf32, #tpu.memory_space<hbm>>
        %dma_wait3A_481 = arith.constant 0 : i32
        %dma_wait3A_482 = arith.constant 0 : i32
        %dma_wait3A_483 = tpu.memref_slice %arg6[%dma_wait3A_481, %dma_wait3A_482] : memref<524288x768xf32, #tpu.memory_space<hbm>> -> memref<32x768xf32, #tpu.memory_space<hbm>>
        tpu.wait_dma2 semaphore(%arg21 : memref<!tpu.dma_semaphore, #tpu.memory_space<semaphore_mem>>) src(%arg12 : memref<32x768xf32, #tpu.memory_space<vmem>>) dst(%dma_wait3A_483 : memref<32x768xf32, #tpu.memory_space<hbm>>)
        %dma_wait3A_484 = arith.constant 0 : i32
        %dma_wait3A_485 = arith.constant 0 : i32
        %dma_wait3A_486 = tpu.memref_slice %arg6[%dma_wait3A_484, %dma_wait3A_485] : memref<524288x768xf32, #tpu.memory_space<hbm>> -> memref<32x768xf32, #tpu.memory_space<hbm>>
        %dma_wait3A_487 = arith.constant 0 : i32
        %dma_wait3A_488 = arith.constant 0 : i32
        %dma_wait3A_489 = tpu.memref_slice %arg6[%dma_wait3A_487, %dma_wait3A_488] : memref<524288x768xf32, #tpu.memory_space<hbm>> -> memref<32x768xf32, #tpu.memory_space<hbm>>
        tpu.wait_dma2 semaphore(%arg22 : memref<!tpu.dma_semaphore, #tpu.memory_space<semaphore_mem>>) src(%arg13 : memref<32x768xf32, #tpu.memory_space<vmem>>) dst(%dma_wait3A_489 : memref<32x768xf32, #tpu.memory_space<hbm>>)
        %dma_wait3A_490 = arith.constant 0 : i32
        %dma_wait3A_491 = arith.constant 0 : i32
        %dma_wait3A_492 = tpu.memref_slice %arg6[%dma_wait3A_490, %dma_wait3A_491] : memref<524288x768xf32, #tpu.memory_space<hbm>> -> memref<32x768xf32, #tpu.memory_space<hbm>>
        %dma_wait3A_493 = arith.constant 0 : i32
        %dma_wait3A_494 = arith.constant 0 : i32
        %dma_wait3A_495 = tpu.memref_slice %arg6[%dma_wait3A_493, %dma_wait3A_494] : memref<524288x768xf32, #tpu.memory_space<hbm>> -> memref<32x768xf32, #tpu.memory_space<hbm>>
        tpu.wait_dma2 semaphore(%arg23 : memref<!tpu.dma_semaphore, #tpu.memory_space<semaphore_mem>>) src(%arg14 : memref<32x768xf32, #tpu.memory_space<vmem>>) dst(%dma_wait3A_495 : memref<32x768xf32, #tpu.memory_space<hbm>>)
        %dma_wait3A_496 = arith.constant 0 : i32
        %dma_wait3A_497 = arith.constant 0 : i32
        %dma_wait3A_498 = tpu.memref_slice %arg6[%dma_wait3A_496, %dma_wait3A_497] : memref<524288x768xf32, #tpu.memory_space<hbm>> -> memref<32x768xf32, #tpu.memory_space<hbm>>
        %dma_wait3A_499 = arith.constant 0 : i32
        %dma_wait3A_500 = arith.constant 0 : i32
        %dma_wait3A_501 = tpu.memref_slice %arg6[%dma_wait3A_499, %dma_wait3A_500] : memref<524288x768xf32, #tpu.memory_space<hbm>> -> memref<32x768xf32, #tpu.memory_space<hbm>>
        tpu.wait_dma2 semaphore(%arg24 : memref<!tpu.dma_semaphore, #tpu.memory_space<semaphore_mem>>) src(%arg15 : memref<32x768xf32, #tpu.memory_space<vmem>>) dst(%dma_wait3A_501 : memref<32x768xf32, #tpu.memory_space<hbm>>)
      }
      %scan3A_291 = arith.constant 4 : i32
    }
    %scan3A_250 = arith.constant 4 : i32
    return
  }
}

module attributes {stable_mosaic.version = 14 : i64} {
  func.func @_pre_body(%arg0: memref<2x768xf32, #tpu.memory_space<vmem>>, %arg1: memref<512x768xf32, #tpu.memory_space<vmem>>, %arg2: memref<1024x512xi32, #tpu.memory_space<vmem>>, %arg3: memref<1024x512xi32, #tpu.memory_space<vmem>>, %arg4: memref<512x768xf32, #tpu.memory_space<vmem>>, %arg5: memref<1x768xf32, #tpu.memory_space<vmem>>, %arg6: memref<1024x512xi32, #tpu.memory_space<vmem>>) attributes {dimension_semantics = [], scalar_prefetch = 0 : i64, scratch_operands = 0 : i64, tpu.core_type = #tpu.core_type<tc>} {
    %get3A = arith.constant 0 : index
    %get3A_0 = arith.constant 0 : index
    %get3A_1 = vector.load %arg1[%get3A, %get3A_0] : memref<512x768xf32, #tpu.memory_space<vmem>>, vector<512x768xf32>
    %get3A_2 = arith.constant 0 : index
    %get3A_3 = arith.constant 0 : index
    %get3A_4 = vector.load %arg0[%get3A_2, %get3A_3] : memref<2x768xf32, #tpu.memory_space<vmem>>, vector<1x768xf32>
    %add3A = vector.broadcast %get3A_4 : vector<1x768xf32> to vector<512x768xf32>
    %add3A_5 = arith.addf %get3A_1, %add3A : vector<512x768xf32>
    %swap3A = arith.constant 0 : index
    %swap3A_6 = arith.constant 0 : index
    %swap3A_7 = vector.load %arg4[%swap3A, %swap3A_6] : memref<512x768xf32, #tpu.memory_space<vmem>>, vector<512x768xf32>
    tpu.vector_store %arg4[%swap3A, %swap3A_6], %add3A_5 {strides = array<i32>} : memref<512x768xf32, #tpu.memory_space<vmem>>, vector<512x768xf32>,
    %get3A_8 = arith.constant 1 : index
    %get3A_9 = arith.constant 0 : index
    %get3A_10 = vector.load %arg0[%get3A_8, %get3A_9] : memref<2x768xf32, #tpu.memory_space<vmem>>, vector<1x768xf32>
    %get3A_11 = arith.constant 0 : index
    %get3A_12 = arith.constant 0 : index
    %get3A_13 = vector.load %arg0[%get3A_11, %get3A_12] : memref<2x768xf32, #tpu.memory_space<vmem>>, vector<1x768xf32>
    %sub3A = arith.subf %get3A_10, %get3A_13 : vector<1x768xf32>
    %swap3A_14 = arith.constant 0 : index
    %swap3A_15 = arith.constant 0 : index
    %swap3A_16 = vector.load %arg5[%swap3A_14, %swap3A_15] : memref<1x768xf32, #tpu.memory_space<vmem>>, vector<1x768xf32>
    tpu.vector_store %arg5[%swap3A_14, %swap3A_15], %sub3A {strides = array<i32>} : memref<1x768xf32, #tpu.memory_space<vmem>>, vector<1x768xf32>,
    %get3A_17 = arith.constant 0 : index
    %get3A_18 = arith.constant 0 : index
    %get3A_19 = vector.load %arg2[%get3A_17, %get3A_18] : memref<1024x512xi32, #tpu.memory_space<vmem>>, vector<1024x512xi32>
    %mul3A = arith.constant 2 : i32
    %mul3A_20 = vector.broadcast %mul3A : i32 to vector<1024x512xi32>
    %mul3A_21 = arith.muli %get3A_19, %mul3A_20 : vector<1024x512xi32>
    %get3A_22 = arith.constant 0 : index
    %get3A_23 = arith.constant 0 : index
    %get3A_24 = vector.load %arg3[%get3A_22, %get3A_23] : memref<1024x512xi32, #tpu.memory_space<vmem>>, vector<1024x512xi32>
    %add3A_25 = arith.addi %mul3A_21, %get3A_24 : vector<1024x512xi32>
    %swap3A_26 = arith.constant 0 : index
    %swap3A_27 = arith.constant 0 : index
    %swap3A_28 = vector.load %arg6[%swap3A_26, %swap3A_27] : memref<1024x512xi32, #tpu.memory_space<vmem>>, vector<1024x512xi32>
    tpu.vector_store %arg6[%swap3A_26, %swap3A_27], %add3A_25 {strides = array<i32>} : memref<1024x512xi32, #tpu.memory_space<vmem>>, vector<1024x512xi32>,
    return
  }
}

</mosaic_0001>

<sc_bundles>
// kernel: kernel.4.cloned.1.call-start
scs
__scs_entry_jumppad:
0x0: {  	(pc) =	sbr.rel $0x88, $3  }
0x1: {  	(tag) =	ssettag $0x0;
	lr =	simm.s32 $0x1  }
0x2: {  	[smem:$0x3F9C] =	sst lr;
	_ =	strace $0xD0000000  }
0x3: {  	_ = 	snop  }
0x4: {  	_ = 	snop  }
0x5: {  	_ = 	snop  }
0x6: {  	_ = 	snop  }
0x7: {  	_ = 	snop  }
__scs_overlays_trampoline_lowered:
0x8: {  	[smem:$0x3FAB] =	sst s0  }
0x9: {  	[smem:$0x3FAC] =	sst s1  }
0xa: {  	[smem:$0x3FAD] =	sst s2  }
0xb: {  	[smem:$0x3FAE] =	sst s3  }
0xc: {  	[smem:$0x3FAF] =	sst s4  }
0xd: {  	[smem:$0x3FB0] =	sst s5  }
0xe: {  	[smem:$0x3FB1] =	sst s6  }
0xf: {  	[smem:$0x3FB2] =	sst s7  }
0x10: {  	[smem:$0x3FB3] =	sst s8  }
0x11: {  	[smem:$0x3FB4] =	sst s9;
	s0 =	simm.s32 @!p0 $0x0  }
0x12: {  	s1 =	sld [smem:$0x3F9A];
	s0 =	simm.s32 @p0 $0x1  }
0x13: {  	[smem:$0x3FB5] =	sst s0;
	s0 =	simm.s32 @!p1 $0x0  }
0x14: {  	s2 =	sld [smem:$0x3F99];
	s0 =	simm.s32 @p1 $0x1  }
0x15: {  	[smem:$0x3FB6] =	sst s0;
	s0 =	simm.s32 @!p2 $0x0  }
0x16: {  	s3 =	sld [smem:$0x3FDB];
	s0 =	simm.s32 @p2 $0x1  }
0x17: {  	s4 =	simm.s32 $0x1BF5;
	[smem:$0x3FB8] =	sst s0  }
0x18: {  	s0 =	sld [smem:$0x3F9B];
	_ =	swait.ge [sflag:s4], $0x0  }
0x19: {  	s7 =	sld [smem:$0x3F9C]  }
0x1a: {  	s8 =	sadd.s32 $0xFFFFE003, lr  }
0x1b: {  	s9 =	sadd.s32 $0xFFFFFEF7, lr;
	s5 =	simm.s32 $0xFFFFFFFF;
	p2 =	slt.u32 s8, $0xFFFFF086  }
0x1c: {  	p1 =	slt.u32 s9, $0xF7A;
	s5 =	simm.s32 @!p2 $0x0  }
0x1d: {  	s5 =	simm.s32 @p1 $0x1;
	p0 =	seq.s32 s7, s2  }
0x1e: {  	s7 =	smul.u32 @!p0 $0xF7A, s2;
	p2 =	seq.s32 @!p0 s5, $0x0  }
0x1f: {  	s9 =	smul.u32 $0xF7A, s1;
	s8 =	simm.s32 @!p0 $0x1BF5;
	p2 =	por !p2, p0  }
0x20: {  	[sflag:s8] =	ssyncset.s32 @!p0 $0xFFFFF086;
	s6 =	sadd.s32 @!p0 s3, s7;
	s7 =	simm.s32 @!p0 $0x108  }
0x21: {  	s3 =	sadd.s32 s3, s9;
	s6 =	sadd.s32 @!p0 $0x88, s6;
	s7 =	simm.s32 @p2 $0x1082  }
0x22: {  	[simem:s7], [sflag:s8] =	dma.local @!p0 [hbm:s6], $0xF7A  }
0x23: {  	s9 =	sor.u32 $0xD0000000, s2;
	s6 =	simm.s32 $0x108;
	_ =	swait.ge @!p0 [sflag:s8], $0x0  }
0x24: {  	s3 =	sadd.s32 $0x88, s3;
	s6 =	simm.s32 @!p1 $0x1082;
	[sflag:s4] =	ssyncset.s32 $0xFFFFF086  }
0x25: {  	[simem:s6], [sflag:s4] =	dma.local [hbm:s3], $0xF7A  }
0x26: {  	[smem:$0x3F9C] =	sst s1;
	(tag) =	ssettag s2;
	_ =	strace s9  }
0x27: {  	s1 =	sld [smem:$0x3FAC]  }
0x28: {  	s2 =	sld [smem:$0x3FAD]  }
0x29: {  	s4 =	sld [smem:$0x3FAF]  }
0x2a: {  	p0 =	seq.s32 s5, $0x0;
	s5 =	sld [smem:$0x3FB0]  }
0x2b: {  	s6 =	sld [smem:$0x3FB1]  }
0x2c: {  	s7 =	sld [smem:$0x3FB2]  }
0x2d: {  	s3 =	simm.s32 $0x108;
	s8 =	sld [smem:$0x3FB3]  }
0x2e: {  	s3 =	simm.s32 @!p0 $0x1082;
	s9 =	sld [smem:$0x3FB4]  }
0x2f: {  	lr =	sadd.s32 s0, s3;
	s0 =	sld [smem:$0x3FAB]  }
0x30: {  	s3 =	sld [smem:$0x3FAE]  }
0x31: {  	[smem:$0x3FB7] =	sst s10  }
0x32: {  	s10 =	sld [smem:$0x3FB5];
	_ =	sdelay $0x3  }
0x33: {  	p0 =	seq.s32 s10, $0x1;
	s10 =	sld [smem:$0x3FB7];
	_ =	sdelay $0x3  }
0x34: {  	[smem:$0x3FB7] =	sst s10  }
0x35: {  	s10 =	sld [smem:$0x3FB6];
	_ =	sdelay $0x3  }
0x36: {  	p1 =	seq.s32 s10, $0x1;
	s10 =	sld [smem:$0x3FB7];
	_ =	sdelay $0x3  }
0x37: {  	[smem:$0x3FB7] =	sst s10  }
0x38: {  	s10 =	sld [smem:$0x3FB8]  }
0x39: {  	_ = 	snop;
	(pc) =	sbr.ind lr, $3  }
0x3a: {  	_ = 	snop  }
0x3b: {  	_ = 	snop  }
0x3c: {  	p2 =	seq.s32 s10, $0x1;
	s10 =	sld [smem:$0x3FB7]  }
0x3d: {  	_ =	shalt  }
0x3e: {  	_ =	shalt  }
0x3f: {  	_ =	shalt  }
0x40: {  	_ =	shalt  }
0x41: {  	_ =	shalt  }
0x42: {  	_ =	shalt  }
0x43: {  	_ =	shalt  }
0x44: {  	_ =	shalt  }
0x45: {  	_ =	shalt  }
0x46: {  	_ =	shalt  }
0x47: {  	_ =	shalt  }
0x48: {  	_ =	shalt  }
0x49: {  	_ =	shalt  }
0x4a: {  	_ =	shalt  }
0x4b: {  	_ =	shalt  }
0x4c: {  	_ =	shalt  }
0x4d: {  	_ =	shalt  }
0x4e: {  	_ =	shalt  }
0x4f: {  	_ =	shalt  }
0x50: {  	_ =	shalt  }
0x51: {  	_ =	shalt  }
0x52: {  	_ =	shalt  }
0x53: {  	_ =	shalt  }
0x54: {  	_ =	shalt  }
0x55: {  	_ =	shalt  }
0x56: {  	_ =	shalt  }
0x57: {  	_ =	shalt  }
0x58: {  	_ =	shalt  }
0x59: {  	_ =	shalt  }
0x5a: {  	_ =	shalt  }
0x5b: {  	_ =	shalt  }
0x5c: {  	_ =	shalt  }
0x5d: {  	_ =	shalt  }
0x5e: {  	_ =	shalt  }
0x5f: {  	_ =	shalt  }
0x60: {  	_ =	shalt  }
0x61: {  	_ =	shalt  }
0x62: {  	_ =	shalt  }
0x63: {  	_ =	shalt  }
0x64: {  	_ =	shalt  }
0x65: {  	_ =	shalt  }
0x66: {  	_ =	shalt  }
0x67: {  	_ =	shalt  }
0x68: {  	_ =	shalt  }
0x69: {  	_ =	shalt  }
0x6a: {  	_ =	shalt  }
0x6b: {  	_ =	shalt  }
0x6c: {  	_ =	shalt  }
0x6d: {  	_ =	shalt  }
0x6e: {  	_ =	shalt  }
0x6f: {  	_ =	shalt  }
0x70: {  	_ =	shalt  }
0x71: {  	_ =	shalt  }
0x72: {  	_ =	shalt  }
0x73: {  	_ =	shalt  }
0x74: {  	_ =	shalt  }
0x75: {  	_ =	shalt  }
0x76: {  	_ =	shalt  }
0x77: {  	_ =	shalt  }
0x78: {  	_ =	shalt  }
0x79: {  	_ =	shalt  }
0x7a: {  	_ =	shalt  }
0x7b: {  	_ =	shalt  }
0x7c: {  	_ =	shalt  }
0x7d: {  	_ =	shalt  }
0x7e: {  	_ =	shalt  }
0x7f: {  	_ =	shalt  }
0x80: {  	_ =	shalt  }
0x81: {  	_ =	shalt  }
0x82: {  	_ =	shalt  }
0x83: {  	_ =	shalt  }
0x84: {  	_ =	shalt  }
0x85: {  	_ =	shalt  }
0x86: {  	_ =	shalt  }
0x87: {  	_ =	shalt  }
.Lfunc_end0:
.L_simem_size_0:
called_computation_lowered:
.L_overlay_start_0:
0x88: {  	s2 =	sld [smem:$0x3FD9]  }
0x89: {  	s3 =	sld [smem:$0x3FFE];
	_ =	sdelay $0x1  }
0x8a: {  	s1 =	srdreg.scid  }
0x8b: {  	s0 =	sand.u32 $0x1, s1  }
0x8c: {  	s17 =	sshll.u32 s0, $0xA;
	s2 =	sadd.s32 s3, s2  }
0x8d: {  	s2 =	sadd.s32 s2, s17  }
0x8e: {  	[smem:$0x3FC3] =	sst s2  }
0x8f: {  	_ = 	snop  }
0x90: {  	s2 =	sld [smem:$0x3FC7]  }
0x91: {  	s18 =	sld [smem:$0x3FD0];
	(tm) =	ssettm $0x1  }
0x92: {  	s4 =	sld [smem:$0x3FFB];
	_ =	sdelay $0x3  }
0x93: {  	_ =	strace s4  }
0x94: {  	s4 =	sld [smem:$0x3FFC];
	_ =	sdelay $0x3  }
0x95: {  	_ =	strace s4  }
0x96: {  	s4 =	sld [smem:$0x3FFD];
	_ =	sdelay $0x3  }
0x97: {  	_ =	strace s4  }
0x98: {  	_ =	strace $0x8FFFFFFF  }
0x99: {  	s19 =	sld [smem:$0x3FDB];
	_ =	sdelay $0x1  }
0x9a: {  	s5 =	simm.s32 $_scs_section_size  }
0x9b: {  	s6 =	simm.s32 $_size__tile_overlayer_lowered;
	s7 =	simm.s32 $_tile_overlayer_lowered  }
0x9c: {  	s22 =	simm.s32 $0x1BFF;
	s21 =	sshll.u32 s7, $0x1;
	s4 =	sadd.s32 s5, s19  }
0x9d: {  	s8 =	simm.s32 $0x0;
	s20 =	sshll.u32 s6, $0x1;
	s6 =	sadd.s32 s21, s4  }
0x9e: {  	[timem:s8], [sflag:s22] =	dma.local [hbm:s6], s20  }
0x9f: {  	_ =	swait.ge [sflag:s22], s20  }
0xa0: {  	s5 =	ssub.s32 $0x0, s20;
	[sflag:s22] =	ssyncset.done $0x0  }
0xa1: {  	[sflag:s22] =	ssyncadd.s32 s5;
	_ =	sdelay $0x1  }
0xa2: {  	s23 =	simm.s32 $0x1B8B  }
0xa3: {  	_ =	swait.ge [sflag:s23], $0x1  }
0xa4: {  	[sflag:s23] =	ssyncset.done $0x0  }
0xa5: {  	s25 =	simm.s32 $0x1B8E;
	s24 =	sld [smem:$0x3FFE];
	[sflag:s23] =	ssyncadd.s32 $0xFFFFFFFF  }
0xa6: {  	s26 =	simm.s32 $execute0_lowered;
	[smem:$0x3FD2] =	sst s25  }
0xa7: {  	s6 =	sshll.u32 s26, $0x1;
	_ =	strace $0x80000046;
	[dreg:$0x1] =	wrdreg $0xFFFFFFFF  }
0xa8: {  	s28 =	simm.s32 $_size_execute0_lowered;
	s4 =	sadd.s32 s4, s6;
	[dreg:$0x0] =	wrdreg $0x0  }
0xa9: {  	s6 =	sshll.u32 s28, $0x1;
	[dreg:$0x2] =	wrdreg s4  }
0xaa: {  	[dreg:$0x3] =	wrdreg s6  }
0xab: {  	[dreg:$0x4] =	wrdreg $0xC0  }
0xac: {  	_ =	task [dreg:s8], $0x5FFFF  }
0xad: {  	[dreg:$0x1] =	wrdreg $0xFFFFFFFF  }
0xae: {  	[dreg:$0x0] =	wrdreg $0x60  }
0xaf: {  	[dreg:$0x2] =	wrdreg s2  }
0xb0: {  	[dreg:$0x3] =	wrdreg s24  }
0xb1: {  	[dreg:$0x4] =	wrdreg s18  }
0xb2: {  	[dreg:$0x5] =	wrdreg $0x9  }
0xb3: {  	_ =	task.clear_ibuf [dreg:s8], $0x6FFFF;
	_ =	strace $0x90000046  }
0xb4: {  	s29 =	simm.s32 $0x9;
	_ =	strace $0x80000048  }
0xb5: {  	_ =	swait.ge [sflag:s29], $0x1  }
0xb6: {  	[sflag:s29] =	ssyncadd.s32 $0xFFFFFFFF  }
0xb7: {  	_ =	strace $0x90000048  }
0xb8: {  	_ =	sfence  }
0xb9: {  	s30 =	sld [smem:$0x0];
	_ =	sdelay $0x2  }
0xba: {  	s31 =	sshll.u32 s1, $0xD;
	s1 =	sshrl.u32 s1, $0x2  }
0xbb: {  	s3 =	sand.u32 $0x4000, s31;
	s1 =	sadd.s32 s1, s30  }
0xbc: {  	s0 =	sor.u32 s3, s0;
	s1 =	sshll.u32 s1, $0x11  }
0xbd: {  	s0 =	sor.u32 s1, s0  }
0xbe: {  	s0 =	sadd.s32 $0x8F2B, s0  }
0xbf: {  	[sflag:s0] =	ssyncadd.remote.s32 $0x1  }
0xc0: {  	_ =	sfence.sel $0xFFFF  }
0xc1: {  	[dreg:$0x0] =	wrdreg $0xFFFFFFFF;
	(pc) =	sbr.abs _section_cstart, $3  }
0xc2: {  	[dreg:$0x1] =	wrdreg $0xFFFFFFFF  }
0xc3: {  	_ =	task.clear_ibuf [dreg:s8], $0x2FFFF;
	_ =	strace $0x9FFFFFFF  }
0xc4: {  	(tm) =	ssettm $0x7FFFFFFF  }
0xc5: {  	_ =	shalt  }
tec
execute0_lowered:
.L_overlay_start_1:
0x0: {  	(tag) =	ssettag $0x1  }
0x1: {  	s1 =	rddreg [dreg:$0x0]  }
0x2: {  	s0 =	rddreg [dreg:$0x1]  }
0x3: {  	s2 =	rddreg [dreg:$0x2]  }
0x4: {  	s3 =	simm.s32 $0x0;
	s4 =	srdreg.scid;
	s6 =	stileid.u32  }
0x5: {  	s18 =	simm.s32 $0x7580;
	s31 =	simm.s32 $0xD580;
	s8 =	simm.s32 $0x13580  }
0x6: {  	s30 =	simm.s32 $0x19580;
	s13 =	simm.s32 $0x2;
	s19 =	simm.s32 $0x3  }
0x7: {  	s20 =	simm.s32 $0x4;
	s21 =	simm.s32 $0x5;
	s22 =	simm.s32 $0x6  }
0x8: {  	[smem:$0x7FF] =	sst s3;
	s5 =	sadd.s32 $0x1200, s0;
	s4 =	sand.u32 $0x1, s4  }
0x9: {  	v0 =	vlaneseq.u32;
	s23 =	sadd.s32 $0xD200, s0;
	s6 =	sshll.u32 s6, $0x1;
	s0 =	sadd.s32 $0xD400, s0  }
0xa: {  	s9 =	sadd.s32 $0x100, s1;
	v1 =	vmul.u32 $0x4, v0;
	s24 =	ssub.s32 $0x2, s4;
	s4 =	sor.u32 s4, s6  }
0xb: {  	v62 =	vand.u32 $0x7, v0;
	v63 =	vshrl.u32 v0, $0x3;
	_ =	strace $0x80000047;
	[dreg:$0x4] =	wrdreg s5;
	s28 =	sshll.u32 s4, $0x7  }
.Ltmp0:
0xc: {  	s10 =	sadd.s32 $0x200, s1;
	v0 =	vor.u32 $0x8, v0;
	[dreg:$0x5] =	wrdreg s23;
	[tilespmem:$0x1FFD0] =	vst v62;
	v2 =	vor.u32 s28, v1;
	v1 =	vor.u32 $0x40, v1;
	(pc) =	sbr.rel .LBB2_1-.Ltmp0, $4  }
0xd: {  	[dreg:$0x6] =	wrdreg s0;
	s23 =	simm.s32 $0x7;
	[tilespmem:$0x1FFF0] =	vst v0;
	s25 =	sshrl.u32 s24, $0x1;
	v1 =	vor.u32 s28, v1  }
0xe: {  	s26 =	sshll.u32 s4, $0xE;
	s4 =	simm.s32 $0x0;
	s5 =	ssub.s32 s24, s25;
	[tilespmem:$0x1FFC0] =	vst v1;
	v1 =	vmul.u32 $0x8, v63  }
0xf: {  	[dreg:$0x7] =	wrdreg s26;
	s24 =	simm.s32 $0x8;
	s29 =	smax.u32 s5, $0x1;
	[tilespmem:$0x1FFB0] =	vst v2  }
0x10: {  	vm0 =	vmmov $0xffff;
	s25 =	simm.s32 $0x9;
	s26 =	simm.s32 $0x0;
	[dreg:$0x8] =	wrdreg s29;
	[tilespmem:$0x1FFE0] =	vst v1  }
.LBB2_16:
0x11: {  	s4 =	rddreg [dreg:$0x9]  }
0x12: {  	s0 =	rddreg [dreg:$0x8];
	s4 =	sadd.s32 $0x1, s4  }
0x13: {  	p0 =	sne.s32 s4, s0  }
.Ltmp1:
0x14: {  	_ = 	snop;
	(pc) =	sbr.rel @!p0 .LBB2_17-.Ltmp1, $1  }
0x15: {  	_ =	sdelay $0x3  }
.LBB2_1:
0x16: {  	[dreg:$0x9] =	wrdreg s4  }
0x17: {  	s0 =	rddreg [dreg:$0x5];
	s28 =	simm.s32 $0x7280;
	s29 =	simm.s32 $0xA  }
0x18: {  	[tilespmem:s28], [sflag:$0xA] =	stream.linear.gather [hbm4b:s0+s3], $0x300, $0x38;
	[tilespmem:$0x1F580] =	vst v63  }
0x19: {  	_ =	swait.ge [sflag:s29], $0x300  }
0x1a: {  	[sflag:s29] =	ssyncset.done $0x0  }
0x1b: {  	[sflag:s29] =	ssyncadd.s32 $0xFFFFFD00  }
0x1c: {  	v0 =	vld [tilespmem:$0x74C0]  }
0x1d: {  	v56 =	vld [tilespmem:$0x74D0]  }
0x1e: {  	v57 =	vld [tilespmem:$0x74E0]  }
0x1f: {  	v59 =	vld [tilespmem:$0x74F0]  }
0x20: {  	v60 =	vld [tilespmem:$0x7500]  }
0x21: {  	v61 =	vld [tilespmem:$0x7510];
	[tilespmem:$0x1FCB0] =	vst v0  }
0x22: {  	v62 =	vld [tilespmem:$0x7520];
	[tilespmem:$0x1FCC0] =	vst v56  }
0x23: {  	v63 =	vld [tilespmem:$0x7530];
	[tilespmem:$0x1FCD0] =	vst v57  }
0x24: {  	v48 =	vld [tilespmem:$0x7290];
	[tilespmem:$0x1FCE0] =	vst v59  }
0x25: {  	v49 =	vld [tilespmem:$0x72A0];
	[tilespmem:$0x1FCF0] =	vst v60  }
0x26: {  	v50 =	vld [tilespmem:$0x72B0];
	[tilespmem:$0x1FD00] =	vst v61  }
0x27: {  	v51 =	vld [tilespmem:$0x72C0];
	[tilespmem:$0x1FD10] =	vst v62  }
0x28: {  	v43 =	vld [tilespmem:$0x7300];
	[tilespmem:$0x1FD20] =	vst v63  }
0x29: {  	v41 =	vld [tilespmem:$0x7320];
	[tilespmem:$0x1FD30] =	vst v48  }
0x2a: {  	v40 =	vld [tilespmem:$0x7330];
	[tilespmem:$0x1FD40] =	vst v49  }
0x2b: {  	v39 =	vld [tilespmem:$0x7340];
	[tilespmem:$0x1FD50] =	vst v50  }
0x2c: {  	v1 =	vld [tilespmem:$0x7350];
	[tilespmem:$0x1FD60] =	vst v51  }
0x2d: {  	v44 =	vld [tilespmem:$0x72E0];
	[tilespmem:$0x1FD70] =	vst v43  }
0x2e: {  	v2 =	vld [tilespmem:$0x7360];
	[tilespmem:$0x1FD80] =	vst v41  }
0x2f: {  	v45 =	vld [tilespmem:$0x72F0];
	[tilespmem:$0x1FD90] =	vst v40  }
0x30: {  	v3 =	vld [tilespmem:$0x7370];
	[tilespmem:$0x1FDA0] =	vst v39  }
0x31: {  	v46 =	vld [tilespmem:$0x72D0];
	[tilespmem:$0x1FDB0] =	vst v1  }
0x32: {  	v4 =	vld [tilespmem:$0x7380];
	[tilespmem:$0x1FDC0] =	vst v44  }
0x33: {  	v47 =	vld [tilespmem:$0x7310];
	[tilespmem:$0x1FDD0] =	vst v2  }
0x34: {  	v5 =	vld [tilespmem:$0x7390];
	[tilespmem:$0x1FDE0] =	vst v45  }
0x35: {  	v6 =	vld [tilespmem:$0x73A0];
	[tilespmem:$0x1FDF0] =	vst v3  }
0x36: {  	v7 =	vld [tilespmem:$0x73B0];
	[tilespmem:$0x1FE00] =	vst v46  }
0x37: {  	v8 =	vld [tilespmem:$0x73C0];
	[tilespmem:$0x1FE10] =	vst v4  }
0x38: {  	v9 =	vld [tilespmem:$0x73D0];
	[tilespmem:$0x1FE20] =	vst v47  }
0x39: {  	v10 =	vld [tilespmem:$0x73E0];
	[tilespmem:$0x1FE30] =	vst v5  }
0x3a: {  	v11 =	vld [tilespmem:$0x73F0];
	[tilespmem:$0x1FE40] =	vst v6  }
0x3b: {  	v12 =	vld [tilespmem:$0x7400];
	[tilespmem:$0x1FE50] =	vst v7  }
0x3c: {  	v13 =	vld [tilespmem:$0x7410];
	[tilespmem:$0x1FE60] =	vst v8  }
0x3d: {  	v14 =	vld [tilespmem:$0x7420];
	[tilespmem:$0x1FE70] =	vst v9  }
0x3e: {  	v15 =	vld [tilespmem:$0x7430];
	[tilespmem:$0x1FE80] =	vst v10  }
0x3f: {  	v16 =	vld [tilespmem:$0x7440];
	[tilespmem:$0x1FE90] =	vst v11  }
0x40: {  	v17 =	vld [tilespmem:$0x7450];
	[tilespmem:$0x1FEA0] =	vst v12  }
0x41: {  	v18 =	vld [tilespmem:$0x7460];
	[tilespmem:$0x1FEB0] =	vst v13  }
0x42: {  	v19 =	vld [tilespmem:$0x7470];
	[tilespmem:$0x1FEC0] =	vst v14  }
0x43: {  	v20 =	vld [tilespmem:$0x7480];
	[tilespmem:$0x1FED0] =	vst v15  }
0x44: {  	v21 =	vld [tilespmem:$0x7490];
	[tilespmem:$0x1FEE0] =	vst v16  }
0x45: {  	v22 =	vld [tilespmem:$0x74A0];
	[tilespmem:$0x1FEF0] =	vst v17  }
0x46: {  	v58 =	vld [tilespmem:$0x74B0];
	[tilespmem:$0x1FF00] =	vst v18  }
0x47: {  	v42 =	vld [tilespmem:$0x7280];
	[tilespmem:$0x1FF10] =	vst v19  }
0x48: {  	v26 =	vld [tilespmem:$0x7570];
	[tilespmem:$0x1FF20] =	vst v20  }
0x49: {  	v25 =	vld [tilespmem:$0x7560];
	[tilespmem:$0x1FF30] =	vst v21  }
0x4a: {  	v24 =	vld [tilespmem:$0x7550];
	[tilespmem:$0x1FF40] =	vst v22  }
0x4b: {  	v23 =	vld [tilespmem:$0x7540];
	[tilespmem:$0x1FF50] =	vst v58  }
.Ltmp2:
0x4c: {  	[tilespmem:$0x1FF60] =	vst v42;
	(pc) =	sbr.rel .LBB2_2-.Ltmp2, $4  }
0x4d: {  	[tilespmem:$0x1FF70] =	vst v26  }
0x4e: {  	[tilespmem:$0x1FF80] =	vst v25  }
0x4f: {  	[tilespmem:$0x1FF90] =	vst v24  }
0x50: {  	s6 =	simm.s32 $0x0;
	[tilespmem:$0x1FFA0] =	vst v23  }
.LBB2_15:
0x51: {  	s6 =	rddreg [dreg:$0xa]  }
0x52: {  	s6 =	sadd.s32 $0x1, s6  }
0x53: {  	p0 =	sne.s32 s6, $0x4  }
.Ltmp3:
0x54: {  	_ = 	snop;
	(pc) =	sbr.rel @!p0 .LBB2_16-.Ltmp3, $1  }
0x55: {  	_ =	sdelay $0x3  }
.LBB2_2:
0x56: {  	v0 =	vld [tilespmem:$0x1FFB0]  }
0x57: {  	v63 =	vld [tilespmem:$0x1FFC0];
	_ =	sdelay $0x3  }
0x58: {  	v0 =	vor.u32 s6, v0  }
0x59: {  	s0 =	rddreg [dreg:$0x6];
	s4 =	simm.s32 $0x20;
	[tilespmem:$0x0] =	vst v0;
	v0 =	vor.u32 s6, v63  }
.Ltmp4:
0x5a: {  	s5 =	simm.s32 $0x80;
	s28 =	simm.s32 $0x1;
	[tilespmem:$0x10] =	vst v0;
	(pc) =	sbr.rel .LBB2_3-.Ltmp4, $4  }
0x5b: {  	[tilespmem:s5], [sflag:$0x1] =	stream.indirect.gather [hbm4b:s0+s4], $0x80, s26, s4, $0xb8;
	[tilespmem:$0x1F580] =	vst v63  }
0x5c: {  	_ =	swait.ge [sflag:s28], $0x1000  }
0x5d: {  	s29 =	sshll.u32 s6, $0x7;
	[dreg:$0xa] =	wrdreg s6;
	[sflag:s28] =	ssyncset.done $0x0  }
0x5e: {  	s0 =	simm.s32 $0x0;
	[dreg:$0xb] =	wrdreg s29;
	[sflag:s28] =	ssyncadd.s32 $0xFFFFF000  }
.LBB2_14:
0x5f: {  	_ =	swait.ge [sflag:s23], $0x6000  }
0x60: {  	[sflag:s23] =	ssyncset.done $0x0  }
0x61: {  	[sflag:s23] =	ssyncadd.s32 $0xFFFFA000  }
0x62: {  	_ =	swait.ge [sflag:s24], $0x6000  }
0x63: {  	[sflag:s24] =	ssyncset.done $0x0  }
0x64: {  	[sflag:s24] =	ssyncadd.s32 $0xFFFFA000  }
0x65: {  	_ =	swait.ge [sflag:s25], $0x6000  }
0x66: {  	v42 =	vld [tilespmem:$0x1FF60]  }
0x67: {  	v48 =	vld [tilespmem:$0x1FD30]  }
0x68: {  	v49 =	vld [tilespmem:$0x1FD40]  }
0x69: {  	v50 =	vld [tilespmem:$0x1FD50]  }
0x6a: {  	v51 =	vld [tilespmem:$0x1FD60]  }
0x6b: {  	s0 =	rddreg [dreg:$0xc];
	v46 =	vld [tilespmem:$0x1FE00]  }
0x6c: {  	v44 =	vld [tilespmem:$0x1FDC0];
	s0 =	sadd.s32 $0x1, s0  }
0x6d: {  	v45 =	vld [tilespmem:$0x1FDE0];
	p0 =	sne.s32 s0, $0x4  }
.Ltmp5:
0x6e: {  	v43 =	vld [tilespmem:$0x1FD70];
	(pc) =	sbr.rel @!p0 .LBB2_15-.Ltmp5, $4  }
0x6f: {  	v47 =	vld [tilespmem:$0x1FE20]  }
0x70: {  	v41 =	vld [tilespmem:$0x1FD80]  }
0x71: {  	[sflag:s25] =	ssyncset.done $0x0;
	v40 =	vld [tilespmem:$0x1FD90]  }
0x72: {  	v39 =	vld [tilespmem:$0x1FDA0];
	[sflag:s25] =	ssyncadd.s32 $0xFFFFA000  }
.LBB2_3:
0x73: {  	s28 =	sshll.u32 s0, $0x5;
	s14 =	rddreg [dreg:$0xb]  }
0x74: {  	[dreg:$0xc] =	wrdreg s0;
	s0 =	sadd.s32 s14, s28  }
0x75: {  	s4 =	sshrl.u32 s0, $0x3  }
0x76: {  	s4 =	smul.u32 $0x300, s4  }
0x77: {  	s5 =	rddreg [dreg:$0x4]  }
0x78: {  	s15 =	simm.s32 $0x1280;
	s16 =	simm.s32 $0xA;
	s4 =	sadd.s32 s5, s4  }
0x79: {  	[tilespmem:s15], [sflag:$0xA] =	stream.linear.gather [hbm4b:s4+s26], $0x6000, $0x38;
	[tilespmem:$0x1F580] =	vst v63  }
0x7a: {  	_ =	swait.ge [sflag:s16], $0x6000  }
0x7b: {  	[sflag:s16] =	ssyncset.done $0x0  }
0x7c: {  	[sflag:s16] =	ssyncadd.s32 $0xFFFFA000  }
0x7d: {  	v0 =	vld [tilespmem:s28+$0x80];
	_ =	sdelay $0x3  }
0x7e: {  	v3 =	vld [tilespmem:$0x1FFD0]  }
0x7f: {  	v1 =	vshrl.u32 v0, $0x4  }
0x80: {  	v4 =	vld [tilespmem:$0x1FFE0];
	v0 =	vshrl.u32 v0, $0x1;
	v1 =	vmul.u32 $0x30, v1  }
0x81: {  	v2 =	vand.u32 $0x7, v0  }
0x82: {  	[tilespmem:$0x1080] =	vst v0;
	v31 =	vor.u32 v2, v1  }
0x83: {  	v32 =	vld [tilespmem:s28+$0x90];
	v2 =	vperm.xlane v31, v3  }
0x84: {  	v5 =	vld [tilespmem:$0x1FFF0]  }
0x85: {  	v2 =	vadd.s32 v4, v2;
	_ =	sdelay $0x2  }
0x86: {  	v1 =	vshrl.u32 v32, $0x1  }
0x87: {  	v0 =	vperm.xlane v31, v5;
	[tilespmem:$0x1090] =	vst v1  }
0x88: {  	[tilespmem:s18], [sflag:$0x2] =	stream.indirect_vreg.gather [hbm4b:s1+s26], $0x80, v2, vm0, $0xb8;
	[tilespmem:$0x1F580] =	vst v63  }
0x89: {  	s17 =	simm.s32 $0x7D80;
	v0 =	vadd.s32 v4, v0  }
0x8a: {  	[tilespmem:s17], [sflag:$0x2] =	stream.indirect_vreg.gather [hbm4b:s9+s26], $0x80, v2, vm0, $0xb8;
	[tilespmem:$0x1F580] =	vst v63  }
0x8b: {  	s5 =	simm.s32 $0x8580  }
0x8c: {  	[tilespmem:s5], [sflag:$0x2] =	stream.indirect_vreg.gather [hbm4b:s10+s26], $0x80, v2, vm0, $0xb8;
	[tilespmem:$0x1F580] =	vst v63  }
0x8d: {  	s6 =	simm.s32 $0x8D80  }
0x8e: {  	[tilespmem:s6], [sflag:$0x2] =	stream.indirect_vreg.gather [hbm4b:s1+s26], $0x80, v0, vm0, $0xb8;
	[tilespmem:$0x1F580] =	vst v63  }
0x8f: {  	s7 =	simm.s32 $0x9580  }
0x90: {  	[tilespmem:s7], [sflag:$0x2] =	stream.indirect_vreg.gather [hbm4b:s9+s26], $0x80, v0, vm0, $0xb8;
	[tilespmem:$0x1F580] =	vst v63  }
0x91: {  	s11 =	simm.s32 $0x9D80  }
0x92: {  	[tilespmem:s11], [sflag:$0x2] =	stream.indirect_vreg.gather [hbm4b:s10+s26], $0x80, v0, vm0, $0xb8;
	[tilespmem:$0x1F580] =	vst v63  }
0x93: {  	v0 =	vld [tilespmem:$0x1090];
	_ =	sdelay $0x4  }
0x94: {  	v33 =	vshrl.u32 v0, $0x3  }
0x95: {  	v1 =	vmul.u32 $0x30, v33  }
0x96: {  	v0 =	vand.u32 $0x7, v0  }
0x97: {  	v0 =	vor.u32 v0, v1  }
0x98: {  	v1 =	vperm.xlane v0, v3;
	_ =	sdelay $0x1  }
0x99: {  	v1 =	vadd.s32 v4, v1;
	_ =	sdelay $0x3  }
0x9a: {  	s12 =	simm.s32 $0xA580;
	v0 =	vperm.xlane v0, v5  }
0x9b: {  	[tilespmem:s12], [sflag:$0x2] =	stream.indirect_vreg.gather [hbm4b:s1+s26], $0x80, v1, vm0, $0xb8;
	[tilespmem:$0x1F580] =	vst v63  }
0x9c: {  	s14 =	simm.s32 $0xAD80;
	v0 =	vadd.s32 v4, v0  }
0x9d: {  	[tilespmem:s14], [sflag:$0x2] =	stream.indirect_vreg.gather [hbm4b:s9+s26], $0x80, v1, vm0, $0xb8;
	[tilespmem:$0x1F580] =	vst v63  }
0x9e: {  	s15 =	simm.s32 $0xB580  }
0x9f: {  	[tilespmem:s15], [sflag:$0x2] =	stream.indirect_vreg.gather [hbm4b:s10+s26], $0x80, v1, vm0, $0xb8;
	[tilespmem:$0x1F580] =	vst v63  }
0xa0: {  	s16 =	simm.s32 $0xBD80  }
0xa1: {  	[tilespmem:s16], [sflag:$0x2] =	stream.indirect_vreg.gather [hbm4b:s1+s26], $0x80, v0, vm0, $0xb8;
	[tilespmem:$0x1F580] =	vst v63  }
0xa2: {  	s17 =	simm.s32 $0xC580  }
0xa3: {  	[tilespmem:s17], [sflag:$0x2] =	stream.indirect_vreg.gather [hbm4b:s9+s26], $0x80, v0, vm0, $0xb8;
	[tilespmem:$0x1F580] =	vst v63  }
0xa4: {  	s5 =	simm.s32 $0xCD80  }
0xa5: {  	[tilespmem:s5], [sflag:$0x2] =	stream.indirect_vreg.gather [hbm4b:s10+s26], $0x80, v0, vm0, $0xb8;
	[tilespmem:$0x1F580] =	vst v63  }
0xa6: {  	v0 =	vld [tilespmem:s28+$0x100];
	_ =	sdelay $0x4  }
0xa7: {  	v34 =	vshrl.u32 v0, $0x4  }
0xa8: {  	v0 =	vshrl.u32 v0, $0x1;
	v1 =	vmul.u32 $0x30, v34  }
0xa9: {  	v35 =	vand.u32 $0x7, v0  }
0xaa: {  	[tilespmem:$0x1100] =	vst v0;
	v36 =	vor.u32 v35, v1  }
0xab: {  	v37 =	vld [tilespmem:s28+$0x110];
	v2 =	vperm.xlane v36, v3;
	_ =	sdelay $0x1  }
0xac: {  	v2 =	vadd.s32 v4, v2;
	_ =	sdelay $0x2  }
0xad: {  	v1 =	vshrl.u32 v37, $0x1  }
0xae: {  	v0 =	vperm.xlane v36, v5;
	[tilespmem:$0x1110] =	vst v1  }
0xaf: {  	[tilespmem:s31], [sflag:$0x3] =	stream.indirect_vreg.gather [hbm4b:s1+s26], $0x80, v2, vm0, $0xb8;
	[tilespmem:$0x1F580] =	vst v63  }
0xb0: {  	s6 =	simm.s32 $0xDD80;
	v0 =	vadd.s32 v4, v0  }
0xb1: {  	[tilespmem:s6], [sflag:$0x3] =	stream.indirect_vreg.gather [hbm4b:s9+s26], $0x80, v2, vm0, $0xb8;
	[tilespmem:$0x1F580] =	vst v63  }
0xb2: {  	s7 =	simm.s32 $0xE580  }
0xb3: {  	[tilespmem:s7], [sflag:$0x3] =	stream.indirect_vreg.gather [hbm4b:s10+s26], $0x80, v2, vm0, $0xb8;
	[tilespmem:$0x1F580] =	vst v63  }
0xb4: {  	s11 =	simm.s32 $0xED80  }
0xb5: {  	[tilespmem:s11], [sflag:$0x3] =	stream.indirect_vreg.gather [hbm4b:s1+s26], $0x80, v0, vm0, $0xb8;
	[tilespmem:$0x1F580] =	vst v63  }
0xb6: {  	s12 =	simm.s32 $0xF580  }
0xb7: {  	[tilespmem:s12], [sflag:$0x3] =	stream.indirect_vreg.gather [hbm4b:s9+s26], $0x80, v0, vm0, $0xb8;
	[tilespmem:$0x1F580] =	vst v63  }
0xb8: {  	s14 =	simm.s32 $0xFD80  }
0xb9: {  	[tilespmem:s14], [sflag:$0x3] =	stream.indirect_vreg.gather [hbm4b:s10+s26], $0x80, v0, vm0, $0xb8;
	[tilespmem:$0x1F580] =	vst v63  }
0xba: {  	v0 =	vld [tilespmem:$0x1110];
	_ =	sdelay $0x4  }
0xbb: {  	v38 =	vshrl.u32 v0, $0x3  }
0xbc: {  	v1 =	vmul.u32 $0x30, v38  }
0xbd: {  	v0 =	vand.u32 $0x7, v0  }
0xbe: {  	v0 =	vor.u32 v0, v1  }
0xbf: {  	v1 =	vperm.xlane v0, v3;
	_ =	sdelay $0x1  }
0xc0: {  	v1 =	vadd.s32 v4, v1;
	_ =	sdelay $0x3  }
0xc1: {  	s15 =	simm.s32 $0x10580;
	v0 =	vperm.xlane v0, v5  }
0xc2: {  	[tilespmem:s15], [sflag:$0x3] =	stream.indirect_vreg.gather [hbm4b:s1+s26], $0x80, v1, vm0, $0xb8;
	[tilespmem:$0x1F580] =	vst v63  }
0xc3: {  	s16 =	simm.s32 $0x10D80;
	v0 =	vadd.s32 v4, v0  }
0xc4: {  	[tilespmem:s16], [sflag:$0x3] =	stream.indirect_vreg.gather [hbm4b:s9+s26], $0x80, v1, vm0, $0xb8;
	[tilespmem:$0x1F580] =	vst v63  }
0xc5: {  	s17 =	simm.s32 $0x11580  }
0xc6: {  	[tilespmem:s17], [sflag:$0x3] =	stream.indirect_vreg.gather [hbm4b:s10+s26], $0x80, v1, vm0, $0xb8;
	[tilespmem:$0x1F580] =	vst v63  }
0xc7: {  	s5 =	simm.s32 $0x11D80  }
0xc8: {  	[tilespmem:s5], [sflag:$0x3] =	stream.indirect_vreg.gather [hbm4b:s1+s26], $0x80, v0, vm0, $0xb8;
	[tilespmem:$0x1F580] =	vst v63  }
0xc9: {  	s6 =	simm.s32 $0x12580  }
0xca: {  	[tilespmem:s6], [sflag:$0x3] =	stream.indirect_vreg.gather [hbm4b:s9+s26], $0x80, v0, vm0, $0xb8;
	[tilespmem:$0x1F580] =	vst v63  }
0xcb: {  	s7 =	simm.s32 $0x12D80  }
0xcc: {  	[tilespmem:s7], [sflag:$0x3] =	stream.indirect_vreg.gather [hbm4b:s10+s26], $0x80, v0, vm0, $0xb8;
	[tilespmem:$0x1F580] =	vst v63  }
0xcd: {  	v0 =	vld [tilespmem:s28+$0x180];
	_ =	sdelay $0x4  }
0xce: {  	v52 =	vshrl.u32 v0, $0x4  }
0xcf: {  	v0 =	vshrl.u32 v0, $0x1;
	v1 =	vmul.u32 $0x30, v52  }
0xd0: {  	v53 =	vand.u32 $0x7, v0  }
0xd1: {  	[tilespmem:$0x1180] =	vst v0;
	v54 =	vor.u32 v53, v1  }
0xd2: {  	v55 =	vld [tilespmem:s28+$0x190];
	v2 =	vperm.xlane v54, v3;
	_ =	sdelay $0x1  }
0xd3: {  	v2 =	vadd.s32 v4, v2;
	_ =	sdelay $0x2  }
0xd4: {  	v1 =	vshrl.u32 v55, $0x1  }
0xd5: {  	v0 =	vperm.xlane v54, v5;
	[tilespmem:$0x1190] =	vst v1  }
0xd6: {  	[tilespmem:s8], [sflag:$0x4] =	stream.indirect_vreg.gather [hbm4b:s1+s26], $0x80, v2, vm0, $0xb8;
	[tilespmem:$0x1F580] =	vst v63  }
0xd7: {  	s11 =	simm.s32 $0x13D80;
	v0 =	vadd.s32 v4, v0  }
0xd8: {  	[tilespmem:s11], [sflag:$0x4] =	stream.indirect_vreg.gather [hbm4b:s9+s26], $0x80, v2, vm0, $0xb8;
	[tilespmem:$0x1F580] =	vst v63  }
0xd9: {  	s12 =	simm.s32 $0x14580  }
0xda: {  	[tilespmem:s12], [sflag:$0x4] =	stream.indirect_vreg.gather [hbm4b:s10+s26], $0x80, v2, vm0, $0xb8;
	[tilespmem:$0x1F580] =	vst v63  }
0xdb: {  	s14 =	simm.s32 $0x14D80  }
0xdc: {  	[tilespmem:s14], [sflag:$0x4] =	stream.indirect_vreg.gather [hbm4b:s1+s26], $0x80, v0, vm0, $0xb8;
	[tilespmem:$0x1F580] =	vst v63  }
0xdd: {  	s15 =	simm.s32 $0x15580  }
0xde: {  	[tilespmem:s15], [sflag:$0x4] =	stream.indirect_vreg.gather [hbm4b:s9+s26], $0x80, v0, vm0, $0xb8;
	[tilespmem:$0x1F580] =	vst v63  }
0xdf: {  	s16 =	simm.s32 $0x15D80  }
0xe0: {  	[tilespmem:s16], [sflag:$0x4] =	stream.indirect_vreg.gather [hbm4b:s10+s26], $0x80, v0, vm0, $0xb8;
	[tilespmem:$0x1F580] =	vst v63  }
0xe1: {  	v0 =	vld [tilespmem:$0x1190];
	_ =	sdelay $0x4  }
0xe2: {  	v56 =	vshrl.u32 v0, $0x3  }
0xe3: {  	v1 =	vmul.u32 $0x30, v56  }
0xe4: {  	v0 =	vand.u32 $0x7, v0  }
0xe5: {  	v0 =	vor.u32 v0, v1  }
0xe6: {  	v1 =	vperm.xlane v0, v3;
	_ =	sdelay $0x1  }
0xe7: {  	v1 =	vadd.s32 v4, v1;
	_ =	sdelay $0x3  }
0xe8: {  	s17 =	simm.s32 $0x16580;
	v0 =	vperm.xlane v0, v5  }
0xe9: {  	[tilespmem:s17], [sflag:$0x4] =	stream.indirect_vreg.gather [hbm4b:s1+s26], $0x80, v1, vm0, $0xb8;
	[tilespmem:$0x1F580] =	vst v63  }
0xea: {  	s5 =	simm.s32 $0x16D80;
	v0 =	vadd.s32 v4, v0  }
0xeb: {  	[tilespmem:s5], [sflag:$0x4] =	stream.indirect_vreg.gather [hbm4b:s9+s26], $0x80, v1, vm0, $0xb8;
	[tilespmem:$0x1F580] =	vst v63  }
0xec: {  	s6 =	simm.s32 $0x17580  }
0xed: {  	[tilespmem:s6], [sflag:$0x4] =	stream.indirect_vreg.gather [hbm4b:s10+s26], $0x80, v1, vm0, $0xb8;
	[tilespmem:$0x1F580] =	vst v63  }
0xee: {  	s7 =	simm.s32 $0x17D80  }
0xef: {  	[tilespmem:s7], [sflag:$0x4] =	stream.indirect_vreg.gather [hbm4b:s1+s26], $0x80, v0, vm0, $0xb8;
	[tilespmem:$0x1F580] =	vst v63  }
0xf0: {  	s11 =	simm.s32 $0x18580  }
0xf1: {  	[tilespmem:s11], [sflag:$0x4] =	stream.indirect_vreg.gather [hbm4b:s9+s26], $0x80, v0, vm0, $0xb8;
	[tilespmem:$0x1F580] =	vst v63  }
0xf2: {  	s12 =	simm.s32 $0x18D80  }
0xf3: {  	[tilespmem:s12], [sflag:$0x4] =	stream.indirect_vreg.gather [hbm4b:s10+s26], $0x80, v0, vm0, $0xb8;
	[tilespmem:$0x1F580] =	vst v63  }
0xf4: {  	v0 =	vld [tilespmem:s28+$0x200];
	_ =	sdelay $0x4  }
0xf5: {  	v57 =	vshrl.u32 v0, $0x4  }
0xf6: {  	v0 =	vshrl.u32 v0, $0x1;
	v1 =	vmul.u32 $0x30, v57  }
0xf7: {  	v58 =	vand.u32 $0x7, v0  }
0xf8: {  	[tilespmem:$0x1200] =	vst v0;
	v59 =	vor.u32 v58, v1  }
0xf9: {  	v60 =	vld [tilespmem:s28+$0x210];
	v2 =	vperm.xlane v59, v3;
	_ =	sdelay $0x1  }
0xfa: {  	v2 =	vadd.s32 v4, v2;
	_ =	sdelay $0x2  }
0xfb: {  	v1 =	vshrl.u32 v60, $0x1  }
0xfc: {  	v0 =	vperm.xlane v59, v5;
	[tilespmem:$0x1210] =	vst v1  }
0xfd: {  	[tilespmem:s30], [sflag:$0x5] =	stream.indirect_vreg.gather [hbm4b:s1+s26], $0x80, v2, vm0, $0xb8;
	[tilespmem:$0x1F580] =	vst v63  }
0xfe: {  	s14 =	simm.s32 $0x19D80;
	v0 =	vadd.s32 v4, v0  }
0xff: {  	[tilespmem:s14], [sflag:$0x5] =	stream.indirect_vreg.gather [hbm4b:s9+s26], $0x80, v2, vm0, $0xb8;
	[tilespmem:$0x1F580] =	vst v63  }
0x100: {  	s15 =	simm.s32 $0x1A580  }
0x101: {  	[tilespmem:s15], [sflag:$0x5] =	stream.indirect_vreg.gather [hbm4b:s10+s26], $0x80, v2, vm0, $0xb8;
	[tilespmem:$0x1F580] =	vst v63  }
0x102: {  	s16 =	simm.s32 $0x1AD80  }
0x103: {  	[tilespmem:s16], [sflag:$0x5] =	stream.indirect_vreg.gather [hbm4b:s1+s26], $0x80, v0, vm0, $0xb8;
	[tilespmem:$0x1F580] =	vst v63  }
0x104: {  	s17 =	simm.s32 $0x1B580  }
0x105: {  	[tilespmem:s17], [sflag:$0x5] =	stream.indirect_vreg.gather [hbm4b:s9+s26], $0x80, v0, vm0, $0xb8;
	[tilespmem:$0x1F580] =	vst v63  }
0x106: {  	s5 =	simm.s32 $0x1BD80  }
0x107: {  	[tilespmem:s5], [sflag:$0x5] =	stream.indirect_vreg.gather [hbm4b:s10+s26], $0x80, v0, vm0, $0xb8;
	[tilespmem:$0x1F580] =	vst v63  }
0x108: {  	v0 =	vld [tilespmem:$0x1210];
	_ =	sdelay $0x4  }
0x109: {  	v61 =	vshrl.u32 v0, $0x3  }
0x10a: {  	v1 =	vmul.u32 $0x30, v61  }
0x10b: {  	v0 =	vand.u32 $0x7, v0  }
0x10c: {  	v0 =	vor.u32 v0, v1  }
0x10d: {  	v1 =	vperm.xlane v0, v3;
	_ =	sdelay $0x1  }
0x10e: {  	v1 =	vadd.s32 v4, v1;
	_ =	sdelay $0x3  }
0x10f: {  	s6 =	simm.s32 $0x1C580;
	v0 =	vperm.xlane v0, v5  }
0x110: {  	[tilespmem:s6], [sflag:$0x5] =	stream.indirect_vreg.gather [hbm4b:s1+s26], $0x80, v1, vm0, $0xb8;
	[tilespmem:$0x1F580] =	vst v63  }
0x111: {  	s7 =	simm.s32 $0x1CD80;
	v0 =	vadd.s32 v4, v0  }
0x112: {  	[tilespmem:s7], [sflag:$0x5] =	stream.indirect_vreg.gather [hbm4b:s9+s26], $0x80, v1, vm0, $0xb8;
	[tilespmem:$0x1F580] =	vst v63  }
0x113: {  	s11 =	simm.s32 $0x1D580  }
0x114: {  	[tilespmem:s11], [sflag:$0x5] =	stream.indirect_vreg.gather [hbm4b:s10+s26], $0x80, v1, vm0, $0xb8;
	[tilespmem:$0x1F580] =	vst v63  }
0x115: {  	s12 =	simm.s32 $0x1DD80  }
0x116: {  	v62 =	vmov s28;
	[tilespmem:s12], [sflag:$0x5] =	stream.indirect_vreg.gather [hbm4b:s1+s26], $0x80, v0, vm0, $0xb8;
	[tilespmem:$0x1F580] =	vst v63  }
0x117: {  	[tilespmem:$0x1FC90] =	vst v62;
	s14 =	simm.s32 $0x1E580;
	s16 =	sor.u32 $0x10, s28;
	s17 =	rddreg [dreg:$0x7]  }
0x118: {  	v63 =	vmov s16;
	[tilespmem:s14], [sflag:$0x5] =	stream.indirect_vreg.gather [hbm4b:s9+s26], $0x80, v0, vm0, $0xb8;
	[tilespmem:$0x1F580] =	vst v63  }
0x119: {  	s15 =	simm.s32 $0x1ED80;
	[tilespmem:$0x1FCA0] =	vst v63;
	s29 =	sadd.s32 s0, s17;
	s0 =	simm.s32 $0x0  }
0x11a: {  	[tilespmem:s15], [sflag:$0x5] =	stream.indirect_vreg.gather [hbm4b:s10+s26], $0x80, v0, vm0, $0xb8;
	[tilespmem:$0x1F580] =	vst v63  }
.LBB2_4:
0x11b: {  	_ =	swait.ge [sflag:s13], $0x6000;
	s12 =	sshll.u32 s0, $0xB  }
0x11c: {  	[sflag:s13] =	ssyncset.done $0x0;
	s6 =	sor.u32 $0x200, s12;
	s4 =	sshra.s32 s12, $0x2  }
0x11d: {  	[sflag:s13] =	ssyncadd.s32 $0xFFFFA000;
	s7 =	sshra.s32 s6, $0x2;
	s14 =	sor.u32 $0x80, s4  }
0x11e: {  	_ =	swait.ge [sflag:s19], $0x6000;
	s7 =	sadd.s32 $0x80, s7;
	v0 =	vmov s14  }
0x11f: {  	s11 =	simm.s32 $0x0;
	[sflag:s19] =	ssyncset.done $0x0;
	[tilespmem:$0x1FC70] =	vst v0;
	v63 =	vmov s7  }
0x120: {  	p1 =	por $0x1, $0x1;
	s15 =	simm.s32 $0x0;
	[sflag:s19] =	ssyncadd.s32 $0xFFFFA000;
	[tilespmem:$0x1FC80] =	vst v63  }
.LBB2_5:
0x121: {  	v0 =	vld [tilespmem:$0x1FC70]  }
0x122: {  	v1 =	vld [tilespmem:$0x1FC80];
	_ =	sdelay $0x3  }
0x123: {  	s7 =	sadd.s32 $0x0, s15  }
0x124: {  	s7 =	sshrl.u32 s7, $0x3  }
0x125: {  	s14 =	sor.u32 s28, s15;
	s7 =	smul.u32 $0x1800, s7  }
0x126: {  	s16 =	sand.u32 $0x380, s11;
	v0 =	vld.idx.msk [tilespmem:v0+s14+$0x0 ss:$0x1], $0xffff  }
0x127: {  	v36 =	vld.idx.msk [tilespmem:v1+s14+$0x0 ss:$0x1], $0xffff;
	s14 =	sor.u32 s16, s7  }
0x128: {  	v37 =	vld [tilespmem:s14+$0x1280]  }
0x129: {  	v38 =	vld [tilespmem:s14+$0x1290]  }
0x12a: {  	v54 =	vld [tilespmem:s14+$0x12A0]  }
0x12b: {  	v55 =	vld [tilespmem:s14+$0x12B0]  }
0x12c: {  	v56 =	vld [tilespmem:s14+$0x12C0]  }
0x12d: {  	v57 =	vld [tilespmem:s14+$0x12D0]  }
0x12e: {  	v58 =	vld [tilespmem:s14+$0x12E0]  }
0x12f: {  	v9 =	vld [tilespmem:s14+$0x12F0]  }
0x130: {  	v35 =	vld [tilespmem:s14+$0x1680]  }
0x131: {  	v34 =	vld [tilespmem:s14+$0x1690]  }
0x132: {  	v33 =	vld [tilespmem:s14+$0x16A0]  }
0x133: {  	v32 =	vld [tilespmem:s14+$0x16B0]  }
0x134: {  	v59 =	vmov s11;
	v31 =	vld [tilespmem:s14+$0x16C0]  }
0x135: {  	v59 =	vand.u32 $0xF, v59;
	v53 =	vld [tilespmem:s14+$0x16D0]  }
0x136: {  	v61 =	vbroadcast v59, $0x0;
	v30 =	vld [tilespmem:s14+$0x16E0];
	v60 =	vand.u32 $0x1, v0;
	v36 =	vand.u32 $0x1, v36  }
0x137: {  	v29 =	vld [tilespmem:s14+$0x16F0];
	v2 =	vcvt.s32.f32 v60;
	v3 =	vcvt.s32.f32 v36  }
0x138: {  	v28 =	vld [tilespmem:s14+$0x1A80]  }
0x139: {  	v27 =	vld [tilespmem:s14+$0x1A90];
	v62 =	vperm.xlane v2, v61;
	v61 =	vperm.xlane v3, v61  }
0x13a: {  	v5 =	vld [tilespmem:s14+$0xD580]  }
0x13b: {  	v6 =	vld [tilespmem:s14+$0x7590];
	[tilespmem:$0x1FBF0] =	vst v3;
	v3 =	vmul.f32 v61, v42  }
0x13c: {  	v26 =	vld [tilespmem:s14+$0x1AA0];
	v4 =	vmul.f32 v62, v48  }
0x13d: {  	v36 =	vld [tilespmem:s14+$0x7580];
	v3 =	vadd.f32 v3, v37  }
0x13e: {  	v7 =	vld [tilespmem:s14+$0xD590];
	[tilespmem:$0x1FBE0] =	vst v2;
	v2 =	vmul.f32 v62, v42;
	v4 =	vadd.f32 v38, v4  }
0x13f: {  	v8 =	vld [tilespmem:s14+$0x75A0];
	v3 =	vadd.f32 v5, v3;
	v5 =	vmul.f32 v61, v48  }
0x140: {  	v25 =	vld [tilespmem:s14+$0x1AB0];
	v2 =	vadd.f32 v37, v2;
	v4 =	vadd.f32 v4, v6;
	v6 =	vmul.f32 v62, v49  }
0x141: {  	v24 =	vld [tilespmem:s14+$0x1AC0];
	v5 =	vadd.f32 v38, v5  }
0x142: {  	v2 =	vadd.f32 v2, v36;
	v36 =	vld [tilespmem:s14+$0xD5A0];
	v6 =	vadd.f32 v54, v6  }
0x143: {  	v37 =	vld [tilespmem:s14+$0x75B0];
	v5 =	vadd.f32 v7, v5;
	v7 =	vmul.f32 v61, v49  }
0x144: {  	v23 =	vld [tilespmem:s14+$0x1AD0];
	v6 =	vadd.f32 v6, v8;
	v8 =	vmul.f32 v62, v50  }
0x145: {  	[tilespmem:s14+$0x7580] =	vst v2;
	v2 =	vld [tilespmem:s14+$0xD5B0];
	v7 =	vadd.f32 v54, v7  }
0x146: {  	v22 =	vld [tilespmem:s14+$0x1AE0];
	[tilespmem:s14+$0xD580] =	vst v3;
	v50 =	vmul.f32 v61, v50;
	v8 =	vadd.f32 v55, v8  }
0x147: {  	v3 =	vld [tilespmem:s14+$0x75C0];
	[tilespmem:s14+$0x7590] =	vst v4;
	v7 =	vadd.f32 v36, v7  }
0x148: {  	v4 =	vld [tilespmem:s14+$0xD5C0];
	[tilespmem:s14+$0xD590] =	vst v5;
	v54 =	vmul.f32 v62, v51;
	v36 =	vadd.f32 v55, v50;
	v8 =	vadd.f32 v8, v37  }
0x149: {  	v5 =	vld [tilespmem:s14+$0x75D0];
	[tilespmem:s14+$0x75A0] =	vst v6;
	v55 =	vmul.f32 v61, v51  }
0x14a: {  	v6 =	vld [tilespmem:s14+$0xD5D0];
	v38 =	vadd.f32 v56, v54;
	v2 =	vadd.f32 v2, v36;
	[tilespmem:s14+$0x75B0] =	vst v8;
	v8 =	vmul.f32 v62, v46  }
0x14b: {  	v48 =	vld [tilespmem:s14+$0xD5E0];
	v49 =	vmul.f32 v61, v46;
	[tilespmem:s14+$0xD5A0] =	vst v7;
	v37 =	vadd.f32 v56, v55  }
0x14c: {  	v7 =	vld [tilespmem:s14+$0x75E0];
	v3 =	vadd.f32 v38, v3;
	[tilespmem:s14+$0xD5B0] =	vst v2;
	v2 =	vadd.f32 v57, v8;
	v8 =	vmul.f32 v62, v44  }
0x14d: {  	v21 =	vld [tilespmem:s14+$0x1AF0];
	v51 =	vadd.f32 v57, v49;
	v4 =	vadd.f32 v4, v37;
	v57 =	vmul.f32 v61, v44  }
0x14e: {  	v20 =	vld [tilespmem:s14+$0x1E80];
	[tilespmem:s14+$0x75C0] =	vst v3;
	v2 =	vadd.f32 v2, v5;
	v3 =	vadd.f32 v58, v8  }
0x14f: {  	v19 =	vld [tilespmem:s14+$0x1E90];
	[tilespmem:s14+$0xD5C0] =	vst v4;
	v4 =	vadd.f32 v6, v51;
	v6 =	vadd.f32 v58, v57  }
0x150: {  	v18 =	vld [tilespmem:s14+$0x1EA0];
	v5 =	vmul.f32 v62, v45;
	v58 =	vmul.f32 v61, v45;
	[tilespmem:s14+$0x75D0] =	vst v2  }
0x151: {  	v8 =	vld [tilespmem:s14+$0xD5F0];
	v2 =	vadd.f32 v3, v7;
	[tilespmem:s14+$0xD5D0] =	vst v4;
	v4 =	vadd.f32 v48, v6  }
0x152: {  	v5 =	vadd.f32 v9, v5;
	v7 =	vadd.f32 v9, v58;
	v9 =	vld [tilespmem:s14+$0xD980]  }
0x153: {  	v17 =	vld [tilespmem:s14+$0x1EB0];
	[tilespmem:s14+$0xD5E0] =	vst v4;
	v4 =	vmul.f32 v61, v43  }
0x154: {  	v50 =	vld [tilespmem:s14+$0x75F0]  }
0x155: {  	v3 =	vld [tilespmem:s14+$0x7980];
	v4 =	vadd.f32 v35, v4  }
0x156: {  	v6 =	vmul.f32 v62, v43;
	v7 =	vadd.f32 v8, v7;
	v8 =	vld [tilespmem:s14+$0xD990]  }
0x157: {  	v16 =	vld [tilespmem:s14+$0x1EC0];
	v4 =	vadd.f32 v9, v4;
	v9 =	vmul.f32 v61, v47  }
0x158: {  	v15 =	vld [tilespmem:s14+$0x1ED0];
	v6 =	vadd.f32 v35, v6  }
0x159: {  	[tilespmem:s14+$0x75E0] =	vst v2;
	v2 =	vadd.f32 v5, v50;
	v5 =	vld [tilespmem:s14+$0x7990];
	v9 =	vadd.f32 v34, v9  }
0x15a: {  	v3 =	vadd.f32 v6, v3;
	v6 =	vld [tilespmem:s14+$0xD9A0]  }
0x15b: {  	v14 =	vld [tilespmem:s14+$0x1EE0];
	v36 =	vmul.f32 v62, v47;
	v8 =	vadd.f32 v8, v9;
	v9 =	vmul.f32 v61, v41  }
0x15c: {  	v13 =	vld [tilespmem:s14+$0x1EF0]  }
0x15d: {  	v1 =	vld [tilespmem:s14+$0x22C0];
	v35 =	vadd.f32 v34, v36;
	v9 =	vadd.f32 v33, v9  }
0x15e: {  	[tilespmem:s14+$0x7980] =	vst v3;
	v3 =	vld [tilespmem:s14+$0xD9B0]  }
0x15f: {  	[tilespmem:s14+$0x75F0] =	vst v2;
	v2 =	vld [tilespmem:s14+$0x79A0];
	v5 =	vadd.f32 v35, v5;
	v6 =	vadd.f32 v6, v9;
	v9 =	vmul.f32 v61, v40  }
0x160: {  	v12 =	vld [tilespmem:s14+$0x2280];
	v37 =	vmul.f32 v62, v41  }
0x161: {  	[tilespmem:s14+$0x7990] =	vst v5;
	v5 =	vld [tilespmem:s14+$0xD9C0];
	v9 =	vadd.f32 v32, v9  }
0x162: {  	v34 =	vadd.f32 v33, v37;
	v41 =	vld [tilespmem:$0x1FDB0]  }
0x163: {  	[tilespmem:s14+$0xD5F0] =	vst v7;
	v7 =	vld [tilespmem:s14+$0x79B0];
	v3 =	vadd.f32 v3, v9;
	v9 =	vmul.f32 v61, v39  }
0x164: {  	[tilespmem:$0x1FC00] =	vst v1;
	v1 =	vld [tilespmem:s14+$0x22D0];
	v38 =	vmul.f32 v62, v40;
	v2 =	vadd.f32 v34, v2  }
0x165: {  	v44 =	vld [tilespmem:$0x1FDD0];
	v9 =	vadd.f32 v31, v9  }
0x166: {  	v33 =	vadd.f32 v32, v38;
	[tilespmem:s14+$0x79A0] =	vst v2;
	v2 =	vld [tilespmem:s14+$0xD9D0]  }
0x167: {  	[tilespmem:s14+$0xD980] =	vst v4;
	v4 =	vld [tilespmem:s14+$0x79C0];
	v5 =	vadd.f32 v5, v9;
	v9 =	vmul.f32 v61, v41  }
0x168: {  	v11 =	vld [tilespmem:s14+$0x2290];
	v7 =	vadd.f32 v33, v7;
	v40 =	vmul.f32 v62, v39  }
0x169: {  	v46 =	vld [tilespmem:$0x1FDF0];
	v9 =	vadd.f32 v53, v9  }
0x16a: {  	v32 =	vadd.f32 v31, v40;
	[tilespmem:s14+$0x79B0] =	vst v7;
	v7 =	vld [tilespmem:s14+$0xD9E0]  }
0x16b: {  	[tilespmem:s14+$0xD990] =	vst v8;
	v8 =	vld [tilespmem:s14+$0x79D0];
	v2 =	vadd.f32 v2, v9;
	v9 =	vmul.f32 v61, v44  }
0x16c: {  	[tilespmem:$0x1FC10] =	vst v1;
	v1 =	vld [tilespmem:s14+$0x22E0];
	v43 =	vmul.f32 v62, v41;
	v4 =	vadd.f32 v32, v4  }
0x16d: {  	v48 =	vld [tilespmem:$0x1FE10];
	v9 =	vadd.f32 v30, v9  }
0x16e: {  	v31 =	vadd.f32 v53, v43;
	[tilespmem:s14+$0x79C0] =	vst v4;
	v4 =	vld [tilespmem:s14+$0xD9F0]  }
0x16f: {  	[tilespmem:s14+$0xD9A0] =	vst v6;
	v6 =	vld [tilespmem:s14+$0x79E0];
	v7 =	vadd.f32 v7, v9;
	v9 =	vmul.f32 v61, v46  }
0x170: {  	v10 =	vld [tilespmem:s14+$0x22A0];
	v45 =	vmul.f32 v62, v44;
	v8 =	vadd.f32 v31, v8  }
0x171: {  	v50 =	vld [tilespmem:$0x1FE30];
	v9 =	vadd.f32 v29, v9  }
0x172: {  	v31 =	vadd.f32 v30, v45;
	[tilespmem:s14+$0x79D0] =	vst v8;
	v8 =	vld [tilespmem:s14+$0xDD80]  }
0x173: {  	[tilespmem:s14+$0xD9B0] =	vst v3;
	v3 =	vld [tilespmem:s14+$0x79F0];
	v4 =	vadd.f32 v4, v9;
	v9 =	vmul.f32 v61, v48  }
0x174: {  	[tilespmem:$0x1FC20] =	vst v1;
	v1 =	vld [tilespmem:s14+$0x22F0];
	v47 =	vmul.f32 v62, v46;
	v6 =	vadd.f32 v31, v6  }
0x175: {  	v53 =	vld [tilespmem:$0x1FE40];
	v9 =	vadd.f32 v28, v9  }
0x176: {  	[tilespmem:s14+$0x79E0] =	vst v6;
	v6 =	vld [tilespmem:s14+$0xDD90];
	v30 =	vadd.f32 v29, v47  }
0x177: {  	[tilespmem:s14+$0xD9C0] =	vst v5;
	v5 =	vld [tilespmem:s14+$0x7D80];
	v8 =	vadd.f32 v8, v9;
	v9 =	vmul.f32 v61, v50  }
0x178: {  	v52 =	vld [tilespmem:s14+$0x22B0];
	v49 =	vmul.f32 v62, v48;
	v3 =	vadd.f32 v30, v3  }
0x179: {  	v55 =	vld [tilespmem:$0x1FE50];
	v9 =	vadd.f32 v27, v9  }
0x17a: {  	v29 =	vadd.f32 v28, v49;
	[tilespmem:s14+$0x79F0] =	vst v3;
	v3 =	vld [tilespmem:s14+$0xDDA0]  }
0x17b: {  	[tilespmem:s14+$0xD9D0] =	vst v2;
	v2 =	vld [tilespmem:s14+$0x7D90];
	v6 =	vadd.f32 v6, v9;
	v9 =	vmul.f32 v61, v53  }
0x17c: {  	[tilespmem:$0x1FC30] =	vst v1;
	v1 =	vld [tilespmem:s14+$0x2680];
	v51 =	vmul.f32 v62, v50;
	v5 =	vadd.f32 v29, v5  }
0x17d: {  	v57 =	vld [tilespmem:$0x1FE60];
	v9 =	vadd.f32 v26, v9  }
0x17e: {  	v28 =	vadd.f32 v27, v51;
	[tilespmem:s14+$0x7D80] =	vst v5;
	v5 =	vld [tilespmem:s14+$0xDDB0]  }
0x17f: {  	[tilespmem:s14+$0xD9E0] =	vst v7;
	v7 =	vld [tilespmem:s14+$0x7DA0];
	v3 =	vadd.f32 v3, v9;
	v9 =	vmul.f32 v61, v55  }
0x180: {  	v63 =	vld [tilespmem:s14+$0x26D0];
	v54 =	vmul.f32 v62, v53;
	v2 =	vadd.f32 v28, v2  }
0x181: {  	v28 =	vld [tilespmem:$0x1FE70];
	v9 =	vadd.f32 v25, v9  }
0x182: {  	v27 =	vadd.f32 v26, v54;
	[tilespmem:s14+$0x7D90] =	vst v2;
	v2 =	vld [tilespmem:s14+$0xDDC0]  }
0x183: {  	[tilespmem:s14+$0xD9F0] =	vst v4;
	v4 =	vld [tilespmem:s14+$0x7DB0];
	v5 =	vadd.f32 v5, v9;
	v9 =	vmul.f32 v61, v57  }
0x184: {  	[tilespmem:$0x1FC40] =	vst v1;
	v1 =	vld [tilespmem:s14+$0x2690];
	v56 =	vmul.f32 v62, v55;
	v7 =	vadd.f32 v27, v7  }
0x185: {  	v30 =	vld [tilespmem:$0x1FE80];
	v9 =	vadd.f32 v24, v9  }
0x186: {  	v26 =	vadd.f32 v25, v56;
	[tilespmem:s14+$0x7DA0] =	vst v7;
	v7 =	vld [tilespmem:s14+$0xDDD0]  }
0x187: {  	[tilespmem:s14+$0xDD80] =	vst v8;
	v8 =	vld [tilespmem:s14+$0x7DC0];
	v2 =	vadd.f32 v2, v9;
	v9 =	vmul.f32 v61, v28  }
0x188: {  	v59 =	vld [tilespmem:s14+$0x26F0];
	v58 =	vmul.f32 v62, v57;
	v4 =	vadd.f32 v26, v4  }
0x189: {  	v32 =	vld [tilespmem:$0x1FE90];
	v9 =	vadd.f32 v23, v9  }
0x18a: {  	v25 =	vadd.f32 v24, v58;
	[tilespmem:s14+$0x7DB0] =	vst v4;
	v4 =	vld [tilespmem:s14+$0xDDE0]  }
0x18b: {  	[tilespmem:s14+$0xDD90] =	vst v6;
	v6 =	vld [tilespmem:s14+$0x7DD0];
	v7 =	vadd.f32 v7, v9;
	v9 =	vmul.f32 v61, v30  }
0x18c: {  	[tilespmem:$0x1FC50] =	vst v1;
	v1 =	vld [tilespmem:s14+$0x26A0];
	v29 =	vmul.f32 v62, v28;
	v8 =	vadd.f32 v25, v8  }
0x18d: {  	v34 =	vld [tilespmem:$0x1FEA0];
	v9 =	vadd.f32 v22, v9  }
0x18e: {  	v24 =	vadd.f32 v23, v29;
	[tilespmem:s14+$0x7DC0] =	vst v8;
	v8 =	vld [tilespmem:s14+$0xDDF0]  }
0x18f: {  	[tilespmem:s14+$0xDDA0] =	vst v3;
	v3 =	vld [tilespmem:s14+$0x7DE0];
	v4 =	vadd.f32 v4, v9;
	v9 =	vmul.f32 v61, v32  }
0x190: {  	v0 =	vld [tilespmem:s14+$0x26C0];
	v31 =	vmul.f32 v62, v30;
	v6 =	vadd.f32 v24, v6  }
0x191: {  	v36 =	vld [tilespmem:$0x1FEB0];
	v9 =	vadd.f32 v21, v9  }
0x192: {  	v23 =	vadd.f32 v22, v31;
	[tilespmem:s14+$0x7DD0] =	vst v6;
	v6 =	vld [tilespmem:s14+$0xE180]  }
0x193: {  	[tilespmem:s14+$0xDDB0] =	vst v5;
	v5 =	vld [tilespmem:s14+$0x7DF0];
	v8 =	vadd.f32 v8, v9;
	v9 =	vmul.f32 v61, v34  }
0x194: {  	[tilespmem:$0x1FC60] =	vst v1;
	v1 =	vld [tilespmem:s14+$0x26B0];
	v33 =	vmul.f32 v62, v32;
	v3 =	vadd.f32 v23, v3  }
0x195: {  	v38 =	vld [tilespmem:$0x1FEC0];
	v9 =	vadd.f32 v20, v9  }
0x196: {  	v22 =	vadd.f32 v21, v33;
	[tilespmem:s14+$0x7DE0] =	vst v3;
	v3 =	vld [tilespmem:s14+$0xE190]  }
0x197: {  	[tilespmem:s14+$0xDDC0] =	vst v2;
	v2 =	vld [tilespmem:s14+$0x8180];
	v6 =	vadd.f32 v6, v9;
	v9 =	vmul.f32 v61, v36  }
0x198: {  	v60 =	vld [tilespmem:s14+$0x26E0];
	v35 =	vmul.f32 v62, v34;
	v5 =	vadd.f32 v22, v5  }
0x199: {  	v40 =	vld [tilespmem:$0x1FED0];
	v9 =	vadd.f32 v19, v9  }
0x19a: {  	v21 =	vadd.f32 v20, v35;
	[tilespmem:s14+$0x7DF0] =	vst v5;
	v5 =	vld [tilespmem:s14+$0xE1A0]  }
0x19b: {  	[tilespmem:s14+$0xDDD0] =	vst v7;
	v7 =	vld [tilespmem:s14+$0x8190];
	v3 =	vadd.f32 v3, v9;
	v9 =	vmul.f32 v61, v38  }
0x19c: {  	v37 =	vmul.f32 v62, v36;
	v2 =	vadd.f32 v21, v2  }
0x19d: {  	v43 =	vld [tilespmem:$0x1FEE0];
	v9 =	vadd.f32 v18, v9  }
0x19e: {  	v20 =	vadd.f32 v19, v37;
	[tilespmem:s14+$0x8180] =	vst v2;
	v2 =	vld [tilespmem:s14+$0xE1B0]  }
0x19f: {  	v5 =	vadd.f32 v5, v9;
	v9 =	vmul.f32 v61, v40  }
0x1a0: {  	v45 =	vld [tilespmem:$0x1FEF0];
	v7 =	vadd.f32 v20, v7  }
0x1a1: {  	[tilespmem:s14+$0xDDE0] =	vst v4;
	v4 =	vld [tilespmem:s14+$0x81A0];
	v9 =	vadd.f32 v17, v9  }
0x1a2: {  	[tilespmem:s14+$0x8190] =	vst v7;
	v7 =	vld [tilespmem:s14+$0xE1C0]  }
0x1a3: {  	v39 =	vmul.f32 v62, v38;
	v2 =	vadd.f32 v2, v9;
	v9 =	vmul.f32 v61, v43  }
0x1a4: {  	v47 =	vld [tilespmem:$0x1FF00]  }
0x1a5: {  	v41 =	vmul.f32 v62, v40;
	v19 =	vadd.f32 v18, v39;
	v9 =	vadd.f32 v16, v9  }
0x1a6: {  	v44 =	vmul.f32 v62, v43;
	v46 =	vmul.f32 v62, v45  }
0x1a7: {  	v4 =	vadd.f32 v19, v4;
	v7 =	vadd.f32 v7, v9;
	v9 =	vmul.f32 v61, v45  }
0x1a8: {  	v18 =	vadd.f32 v17, v41;
	[tilespmem:s14+$0xE1A0] =	vst v5;
	v5 =	vld [tilespmem:s14+$0x81E0];
	v17 =	vadd.f32 v16, v44  }
0x1a9: {  	v16 =	vadd.f32 v15, v46;
	v9 =	vadd.f32 v15, v9;
	v15 =	vmul.f32 v62, v47;
	_ =	sdelay $0x1  }
0x1aa: {  	[tilespmem:s14+$0x81A0] =	vst v4;
	v4 =	vld [tilespmem:s14+$0xE1D0];
	v15 =	vadd.f32 v14, v15  }
0x1ab: {  	[tilespmem:s14+$0xDDF0] =	vst v8;
	v8 =	vld [tilespmem:s14+$0x81B0]  }
0x1ac: {  	v5 =	vadd.f32 v15, v5;
	v15 =	vld [tilespmem:$0x1FF10];
	_ =	sdelay $0x2  }
0x1ad: {  	v4 =	vadd.f32 v4, v9;
	v9 =	vmul.f32 v61, v47  }
0x1ae: {  	[tilespmem:s14+$0xE1B0] =	vst v2;
	v2 =	vld [tilespmem:s14+$0x81F0]  }
0x1af: {  	v8 =	vadd.f32 v18, v8;
	v9 =	vadd.f32 v14, v9;
	v14 =	vmul.f32 v62, v15;
	_ =	sdelay $0x1  }
0x1b0: {  	[tilespmem:s14+$0x81B0] =	vst v8;
	v8 =	vld [tilespmem:s14+$0xE1E0];
	v14 =	vadd.f32 v13, v14  }
0x1b1: {  	[tilespmem:s14+$0xE180] =	vst v6;
	v6 =	vld [tilespmem:s14+$0x81C0]  }
0x1b2: {  	v2 =	vadd.f32 v14, v2;
	v14 =	vld [tilespmem:$0x1FF20];
	_ =	sdelay $0x2  }
0x1b3: {  	v8 =	vadd.f32 v8, v9;
	v9 =	vmul.f32 v61, v15  }
0x1b4: {  	[tilespmem:s14+$0xE1C0] =	vst v7;
	v7 =	vld [tilespmem:s14+$0x8580]  }
0x1b5: {  	v6 =	vadd.f32 v17, v6;
	v9 =	vadd.f32 v13, v9;
	v13 =	vmul.f32 v62, v14;
	_ =	sdelay $0x1  }
0x1b6: {  	[tilespmem:s14+$0x81C0] =	vst v6;
	v6 =	vld [tilespmem:s14+$0xE1F0];
	v13 =	vadd.f32 v12, v13  }
0x1b7: {  	[tilespmem:s14+$0xE190] =	vst v3;
	v3 =	vld [tilespmem:s14+$0x81D0]  }
0x1b8: {  	v7 =	vadd.f32 v13, v7;
	v13 =	vld [tilespmem:$0x1FF30];
	_ =	sdelay $0x2  }
0x1b9: {  	v6 =	vadd.f32 v6, v9;
	v9 =	vmul.f32 v61, v14  }
0x1ba: {  	[tilespmem:s14+$0xE1D0] =	vst v4;
	v4 =	vld [tilespmem:s14+$0x8590]  }
0x1bb: {  	v3 =	vadd.f32 v16, v3;
	v9 =	vadd.f32 v12, v9;
	v12 =	vmul.f32 v62, v13;
	_ =	sdelay $0x1  }
0x1bc: {  	[tilespmem:s14+$0x81D0] =	vst v3;
	v3 =	vld [tilespmem:s14+$0xE580];
	v12 =	vadd.f32 v11, v12;
	_ =	sdelay $0x1  }
0x1bd: {  	v4 =	vadd.f32 v12, v4;
	v12 =	vld [tilespmem:$0x1FF40];
	_ =	sdelay $0x2  }
0x1be: {  	v3 =	vadd.f32 v3, v9;
	v9 =	vmul.f32 v61, v13  }
0x1bf: {  	[tilespmem:s14+$0xE1E0] =	vst v8;
	v8 =	vld [tilespmem:s14+$0x85A0]  }
0x1c0: {  	[tilespmem:s14+$0x81E0] =	vst v5;
	v5 =	vld [tilespmem:s14+$0xE590];
	v9 =	vadd.f32 v11, v9;
	v11 =	vmul.f32 v62, v12;
	_ =	sdelay $0x1  }
0x1c1: {  	v11 =	vadd.f32 v10, v11  }
0x1c2: {  	[tilespmem:s14+$0x81F0] =	vst v2;
	v2 =	vld [tilespmem:s14+$0xE5A0]  }
0x1c3: {  	v8 =	vadd.f32 v11, v8;
	v11 =	vld [tilespmem:$0x1FF50]  }
0x1c4: {  	v5 =	vadd.f32 v5, v9;
	v9 =	vmul.f32 v61, v12;
	_ =	sdelay $0x1  }
0x1c5: {  	[tilespmem:s14+$0xE1F0] =	vst v6;
	v6 =	vld [tilespmem:s14+$0x85B0];
	v9 =	vadd.f32 v10, v9  }
0x1c6: {  	[tilespmem:s14+$0x8580] =	vst v7;
	v7 =	vld [tilespmem:s14+$0xE5B0]  }
0x1c7: {  	v2 =	vadd.f32 v2, v9;
	v10 =	vmul.f32 v62, v11;
	v9 =	vmul.f32 v61, v11;
	v11 =	vld [tilespmem:$0x1FCB0];
	_ =	sdelay $0x1  }
0x1c8: {  	v48 =	vld [tilespmem:$0x1FC00];
	v10 =	vadd.f32 v52, v10  }
0x1c9: {  	[tilespmem:s14+$0xE580] =	vst v3;
	v3 =	vld [tilespmem:s14+$0x85C0];
	v9 =	vadd.f32 v52, v9  }
0x1ca: {  	[tilespmem:s14+$0x8590] =	vst v4;
	v4 =	vld [tilespmem:s14+$0xE5C0];
	v6 =	vadd.f32 v10, v6  }
0x1cb: {  	v7 =	vadd.f32 v7, v9;
	v10 =	vmul.f32 v62, v11;
	v9 =	vmul.f32 v61, v11;
	v11 =	vld [tilespmem:$0x1FCC0];
	_ =	sdelay $0x1  }
0x1cc: {  	v10 =	vadd.f32 v48, v10  }
0x1cd: {  	v49 =	vld [tilespmem:$0x1FC10];
	v9 =	vadd.f32 v48, v9  }
0x1ce: {  	[tilespmem:s14+$0xE590] =	vst v5;
	v5 =	vld [tilespmem:s14+$0x85D0];
	v3 =	vadd.f32 v10, v3  }
0x1cf: {  	v4 =	vadd.f32 v4, v9;
	v10 =	vmul.f32 v62, v11;
	v9 =	vmul.f32 v61, v11;
	v11 =	vld [tilespmem:$0x1FCD0];
	_ =	sdelay $0x1  }
0x1d0: {  	v50 =	vld [tilespmem:$0x1FC20]  }
0x1d1: {  	v10 =	vadd.f32 v49, v10  }
0x1d2: {  	[tilespmem:s14+$0xE5A0] =	vst v2;
	v2 =	vld [tilespmem:s14+$0x85E0]  }
0x1d3: {  	v56 =	vld [tilespmem:$0x1FC30];
	v5 =	vadd.f32 v10, v5;
	v10 =	vmul.f32 v62, v11  }
0x1d4: {  	[tilespmem:s14+$0x85A0] =	vst v8;
	v8 =	vld [tilespmem:s14+$0xE5D0]  }
0x1d5: {  	v58 =	vld [tilespmem:$0x1FC50];
	v10 =	vadd.f32 v50, v10  }
0x1d6: {  	v57 =	vld [tilespmem:$0x1FC40]  }
0x1d7: {  	v9 =	vadd.f32 v49, v9;
	v2 =	vadd.f32 v10, v2;
	v10 =	vld [tilespmem:$0x1FCE0]  }
0x1d8: {  	v14 =	vld [tilespmem:$0x1FC60]  }
0x1d9: {  	[tilespmem:s14+$0x85B0] =	vst v6;
	v6 =	vld [tilespmem:s14+$0xE5E0];
	v8 =	vadd.f32 v8, v9;
	v9 =	vmul.f32 v61, v11  }
0x1da: {  	[tilespmem:s14+$0xE5B0] =	vst v7;
	v7 =	vld [tilespmem:s14+$0x85F0]  }
0x1db: {  	[tilespmem:s14+$0x85D0] =	vst v5;
	v5 =	vadd.f32 v50, v9;
	v50 =	vld [tilespmem:$0x1FCF0]  }
0x1dc: {  	v48 =	vld [tilespmem:$0x1FD10];
	v9 =	vmul.f32 v62, v10  }
0x1dd: {  	[tilespmem:s14+$0x85C0] =	vst v3;
	v3 =	vld [tilespmem:s14+$0xE5F0]  }
0x1de: {  	v49 =	vld [tilespmem:$0x1FD00];
	v5 =	vadd.f32 v6, v5;
	v6 =	vmul.f32 v61, v10;
	v9 =	vadd.f32 v56, v9  }
0x1df: {  	[tilespmem:s14+$0xE5C0] =	vst v4;
	v4 =	vld [tilespmem:s14+$0x8980]  }
0x1e0: {  	v11 =	vld [tilespmem:s14+$0xE980];
	[tilespmem:s14+$0xE5D0] =	vst v8;
	v6 =	vadd.f32 v56, v6;
	v7 =	vadd.f32 v9, v7;
	v9 =	vmul.f32 v62, v50  }
0x1e1: {  	v52 =	vld [tilespmem:$0x1FD20];
	[tilespmem:s14+$0x85E0] =	vst v2;
	v10 =	vmul.f32 v61, v50  }
0x1e2: {  	v8 =	vld [tilespmem:s14+$0x8990];
	[tilespmem:s14+$0xE5E0] =	vst v5;
	v3 =	vadd.f32 v3, v6;
	v9 =	vadd.f32 v57, v9  }
0x1e3: {  	v2 =	vld [tilespmem:s14+$0xE990];
	[tilespmem:s14+$0x85F0] =	vst v7;
	v7 =	vadd.f32 v57, v10;
	v10 =	vmul.f32 v62, v49  }
0x1e4: {  	v5 =	vld [tilespmem:s14+$0x89A0];
	[tilespmem:s14+$0xE5F0] =	vst v3;
	v3 =	vmul.f32 v61, v49;
	v9 =	vadd.f32 v9, v4  }
0x1e5: {  	v6 =	vld [tilespmem:s14+$0xE9A0];
	v10 =	vadd.f32 v58, v10;
	v7 =	vadd.f32 v11, v7;
	v11 =	vmul.f32 v62, v48  }
0x1e6: {  	v13 =	vmul.f32 v61, v48;
	v4 =	vld [tilespmem:s14+$0x89B0];
	v12 =	vadd.f32 v58, v3  }
0x1e7: {  	v3 =	vld [tilespmem:s14+$0xE9B0];
	[tilespmem:s14+$0x8980] =	vst v9;
	v10 =	vadd.f32 v10, v8;
	v9 =	vadd.f32 v14, v11;
	v8 =	vmul.f32 v62, v52  }
0x1e8: {  	p0 =	por p1, p1;
	s7 =	simm.s32 $0x1;
	s16 =	simm.s32 $0x0;
	[tilespmem:s14+$0xE980] =	vst v7;
	v12 =	vadd.f32 v2, v12;
	v11 =	vadd.f32 v14, v13;
	v7 =	vmul.f32 v61, v52;
	v2 =	vld [tilespmem:s14+$0x89C0]  }
.LBB2_6:
0x1e9: {  	v13 =	vld [tilespmem:$0x1FFA0];
	_ =	sdelay $0x1  }
0x1ea: {  	[tilespmem:s14+$0xE990] =	vst v12;
	v12 =	vld [tilespmem:$0x1FF90];
	_ =	sdelay $0x2  }
0x1eb: {  	v8 =	vadd.f32 v1, v8;
	v5 =	vadd.f32 v9, v5;
	v9 =	vmul.f32 v62, v13  }
0x1ec: {  	v6 =	vadd.f32 v6, v11;
	v11 =	vld [tilespmem:s14+$0x89D0]  }
0x1ed: {  	v39 =	vld [tilespmem:$0x1FBE0];
	v4 =	vadd.f32 v8, v4;
	[tilespmem:s14+$0x89A0] =	vst v5;
	v8 =	vmul.f32 v62, v12;
	v5 =	vadd.f32 v0, v9  }
0x1ee: {  	v47 =	vld [tilespmem:$0x1FBF0]  }
0x1ef: {  	[tilespmem:s14+$0x89B0] =	vst v4;
	v4 =	vadd.f32 v63, v8;
	v8 =	vld [tilespmem:$0x1FF80];
	v2 =	vadd.f32 v5, v2  }
0x1f0: {  	[tilespmem:s14+$0x8990] =	vst v10;
	v10 =	vld [tilespmem:s14+$0xE9C0]  }
0x1f1: {  	v1 =	vadd.f32 v1, v7;
	v7 =	vmul.f32 v61, v13;
	[tilespmem:s14+$0x89C0] =	vst v2;
	v2 =	vadd.f32 v4, v11;
	v11 =	vld [tilespmem:$0x1FF70]  }
0x1f2: {  	s17 =	sadd.s32 s7, s15;
	v9 =	vld [tilespmem:s14+$0xE9D0]  }
0x1f3: {  	s17 =	sshrl.u32 s17, $0x3;
	v1 =	vadd.f32 v3, v1;
	[tilespmem:s14+$0xE9A0] =	vst v6;
	v3 =	vmul.f32 v61, v12;
	v6 =	vld [tilespmem:s14+$0x89E0];
	v0 =	vadd.f32 v0, v7  }
0x1f4: {  	s16 =	sadd.s32 $0x80, s16;
	s17 =	smul.u32 $0x1800, s17;
	v7 =	vld [tilespmem:s14+$0xE9E0];
	v5 =	vmul.f32 v62, v8  }
0x1f5: {  	s5 =	sand.u32 $0x380, s16;
	[tilespmem:s14+$0xE9B0] =	vst v1;
	v1 =	vadd.f32 v63, v3;
	v0 =	vadd.f32 v10, v0;
	v3 =	vmul.f32 v61, v8;
	v8 =	vld [tilespmem:s14+$0x89F0]  }
0x1f6: {  	s5 =	sor.u32 s5, s17;
	v10 =	vld [tilespmem:s14+$0xE9F0];
	v4 =	vadd.f32 v60, v5;
	v5 =	vmul.f32 v62, v11  }
0x1f7: {  	v38 =	vld [tilespmem:s5+$0x1280];
	[tilespmem:s14+$0xE9C0] =	vst v0;
	v0 =	vadd.f32 v9, v1;
	v1 =	vadd.f32 v60, v3;
	v3 =	vmul.f32 v61, v11  }
0x1f8: {  	v37 =	vld [tilespmem:s5+$0x1290];
	[tilespmem:s14+$0x89D0] =	vst v2;
	v2 =	vadd.f32 v4, v6;
	v4 =	vadd.f32 v59, v5  }
0x1f9: {  	v36 =	vld [tilespmem:s5+$0x12A0];
	[tilespmem:s14+$0xE9D0] =	vst v0;
	v0 =	vadd.f32 v7, v1;
	v1 =	vadd.f32 v59, v3  }
0x1fa: {  	v35 =	vld [tilespmem:s5+$0x12B0];
	[tilespmem:s14+$0x89E0] =	vst v2;
	v2 =	vadd.f32 v4, v8  }
0x1fb: {  	v34 =	vld [tilespmem:s5+$0x12C0];
	[tilespmem:s14+$0xE9E0] =	vst v0;
	v0 =	vadd.f32 v10, v1  }
0x1fc: {  	v33 =	vld [tilespmem:s5+$0x12D0];
	[tilespmem:s14+$0x89F0] =	vst v2  }
0x1fd: {  	v32 =	vld [tilespmem:s5+$0x12E0];
	[tilespmem:s14+$0xE9F0] =	vst v0;
	s14 =	smov.u32 s5  }
0x1fe: {  	v31 =	vld [tilespmem:s14+$0x12F0]  }
0x1ff: {  	v30 =	vld [tilespmem:s14+$0x1680]  }
0x200: {  	v29 =	vld [tilespmem:s14+$0x1690]  }
0x201: {  	v28 =	vld [tilespmem:s14+$0x16A0]  }
0x202: {  	v27 =	vld [tilespmem:s14+$0x16B0]  }
0x203: {  	v26 =	vld [tilespmem:s14+$0x16C0]  }
0x204: {  	v25 =	vld [tilespmem:s14+$0x16D0]  }
0x205: {  	v24 =	vld [tilespmem:s14+$0x16E0]  }
0x206: {  	v23 =	vld [tilespmem:s14+$0x16F0]  }
0x207: {  	v22 =	vld [tilespmem:s14+$0x1A80]  }
0x208: {  	v21 =	vld [tilespmem:s14+$0x1A90]  }
0x209: {  	v20 =	vld [tilespmem:s14+$0x1AA0]  }
0x20a: {  	v19 =	vld [tilespmem:s14+$0x1AB0]  }
0x20b: {  	v18 =	vld [tilespmem:s14+$0x1AC0]  }
0x20c: {  	v17 =	vld [tilespmem:s14+$0x1AD0]  }
0x20d: {  	v16 =	vld [tilespmem:s14+$0x1AE0]  }
0x20e: {  	v15 =	vld [tilespmem:s14+$0x1AF0]  }
0x20f: {  	v14 =	vld [tilespmem:s14+$0x1E80]  }
0x210: {  	v13 =	vld [tilespmem:s14+$0x1E90]  }
0x211: {  	v12 =	vld [tilespmem:s14+$0x1EA0]  }
0x212: {  	v11 =	vld [tilespmem:s14+$0x1EB0]  }
0x213: {  	v10 =	vld [tilespmem:s14+$0x1EC0]  }
0x214: {  	v0 =	vmov s7;
	v9 =	vld [tilespmem:s14+$0x1ED0]  }
0x215: {  	v8 =	vld [tilespmem:s14+$0x1EE0];
	v45 =	vand.u32 $0xF, v0  }
0x216: {  	v7 =	vld [tilespmem:s14+$0x1EF0];
	v46 =	vbroadcast v45, $0x0  }
0x217: {  	v6 =	vld [tilespmem:s14+$0x2280]  }
0x218: {  	v5 =	vld [tilespmem:s14+$0x2290];
	v62 =	vperm.xlane v39, v46  }
0x219: {  	v51 =	vld [tilespmem:s14+$0x7580]  }
0x21a: {  	v61 =	vperm.xlane v47, v46;
	v47 =	vld [tilespmem:$0x1FF60];
	v40 =	vmul.f32 v62, v42  }
0x21b: {  	v46 =	vld [tilespmem:$0x1FD30]  }
0x21c: {  	v58 =	vld [tilespmem:s14+$0x22A0];
	v40 =	vadd.f32 v38, v40  }
0x21d: {  	v41 =	vld [tilespmem:s14+$0xD580]  }
0x21e: {  	v39 =	vadd.f32 v40, v51;
	v51 =	vld [tilespmem:$0x1FD40]  }
0x21f: {  	v57 =	vld [tilespmem:s14+$0x22B0];
	v42 =	vmul.f32 v61, v47  }
0x220: {  	v56 =	vld [tilespmem:s14+$0x22C0];
	v44 =	vmul.f32 v62, v46  }
0x221: {  	v55 =	vld [tilespmem:s14+$0x22D0];
	v38 =	vadd.f32 v42, v38  }
0x222: {  	v43 =	vld [tilespmem:s14+$0x7590];
	v40 =	vadd.f32 v37, v44  }
0x223: {  	v38 =	vadd.f32 v41, v38;
	v44 =	vmul.f32 v62, v51;
	v41 =	vmul.f32 v61, v51;
	v51 =	vld [tilespmem:$0x1FD50]  }
0x224: {  	v45 =	vld [tilespmem:s14+$0xD590]  }
0x225: {  	v47 =	vld [tilespmem:s14+$0xD5A0];
	v42 =	vmul.f32 v61, v46  }
0x226: {  	v46 =	vld [tilespmem:s14+$0x75A0]  }
0x227: {  	[tilespmem:s14+$0x7580] =	vst v39;
	v37 =	vadd.f32 v37, v42;
	v42 =	vld [tilespmem:s14+$0x75B0]  }
0x228: {  	v39 =	vadd.f32 v40, v43;
	[tilespmem:s14+$0xD580] =	vst v38;
	v43 =	vmul.f32 v62, v51;
	v38 =	vmul.f32 v61, v51;
	v51 =	vld [tilespmem:$0x1FD60]  }
0x229: {  	v40 =	vadd.f32 v36, v44;
	v44 =	vld [tilespmem:s14+$0xD5B0]  }
0x22a: {  	v37 =	vadd.f32 v45, v37;
	v45 =	vld [tilespmem:s14+$0xD5C0]  }
0x22b: {  	[tilespmem:s14+$0x7590] =	vst v39;
	v36 =	vadd.f32 v36, v41;
	v39 =	vadd.f32 v40, v46;
	v46 =	vld [tilespmem:$0x1FE00]  }
0x22c: {  	v41 =	vld [tilespmem:s14+$0x75C0];
	v40 =	vadd.f32 v35, v43;
	v35 =	vadd.f32 v35, v38  }
0x22d: {  	v3 =	vld [tilespmem:s14+$0x22E0];
	[tilespmem:s14+$0xD590] =	vst v37;
	v36 =	vadd.f32 v47, v36;
	v43 =	vmul.f32 v62, v51;
	v37 =	vmul.f32 v61, v51  }
0x22e: {  	[tilespmem:s14+$0x75A0] =	vst v39;
	v39 =	vadd.f32 v40, v42;
	v35 =	vadd.f32 v44, v35;
	v44 =	vld [tilespmem:$0x1FDC0]  }
0x22f: {  	v40 =	vadd.f32 v34, v43;
	v43 =	vld [tilespmem:s14+$0xD5D0];
	v34 =	vadd.f32 v34, v37  }
0x230: {  	[tilespmem:s14+$0xD5A0] =	vst v36;
	v38 =	vld [tilespmem:s14+$0x75D0];
	v36 =	vmul.f32 v61, v46;
	v51 =	vmul.f32 v62, v46  }
0x231: {  	[tilespmem:s14+$0x75B0] =	vst v39;
	v39 =	vadd.f32 v40, v41;
	v34 =	vadd.f32 v45, v34;
	v45 =	vld [tilespmem:$0x1FDE0]  }
0x232: {  	v42 =	vld [tilespmem:s14+$0xD5E0];
	v40 =	vadd.f32 v33, v51;
	v33 =	vadd.f32 v33, v36  }
0x233: {  	v37 =	vld [tilespmem:s14+$0x75E0]  }
0x234: {  	[tilespmem:s14+$0xD5B0] =	vst v35;
	v51 =	vmul.f32 v62, v44;
	v33 =	vadd.f32 v43, v33;
	v43 =	vld [tilespmem:$0x1FD70]  }
0x235: {  	v35 =	vmul.f32 v61, v44;
	v41 =	vld [tilespmem:s14+$0xD5F0];
	[tilespmem:s14+$0x75C0] =	vst v39;
	v38 =	vadd.f32 v40, v38  }
0x236: {  	v47 =	vld [tilespmem:$0x1FE20];
	v39 =	vadd.f32 v32, v51;
	[tilespmem:s14+$0xD5C0] =	vst v34;
	v51 =	vmul.f32 v62, v45;
	v34 =	vmul.f32 v61, v45  }
0x237: {  	v36 =	vld [tilespmem:s14+$0x75F0];
	v32 =	vadd.f32 v32, v35  }
0x238: {  	v35 =	vld [tilespmem:s14+$0x7980];
	[tilespmem:s14+$0x75D0] =	vst v38;
	v38 =	vadd.f32 v31, v51;
	v31 =	vadd.f32 v31, v34  }
0x239: {  	v40 =	vld [tilespmem:s14+$0xD980];
	v37 =	vadd.f32 v39, v37;
	v51 =	vmul.f32 v62, v43  }
0x23a: {  	v32 =	vadd.f32 v42, v32;
	[tilespmem:s14+$0xD5D0] =	vst v33;
	v31 =	vadd.f32 v41, v31;
	v41 =	vld [tilespmem:$0x1FD80]  }
0x23b: {  	v39 =	vld [tilespmem:s14+$0xD990];
	[tilespmem:s14+$0x75E0] =	vst v37;
	v33 =	vmul.f32 v61, v43;
	v37 =	vadd.f32 v30, v51  }
0x23c: {  	v4 =	vld [tilespmem:s14+$0x22F0];
	[tilespmem:s14+$0xD5E0] =	vst v32;
	v32 =	vmul.f32 v61, v47;
	v36 =	vadd.f32 v38, v36;
	v51 =	vmul.f32 v62, v47  }
0x23d: {  	v34 =	vld [tilespmem:s14+$0x7990];
	v30 =	vadd.f32 v30, v33;
	v35 =	vadd.f32 v37, v35  }
0x23e: {  	v38 =	vld [tilespmem:s14+$0xD9A0];
	[tilespmem:s14+$0x75F0] =	vst v36;
	v36 =	vadd.f32 v29, v51;
	v29 =	vadd.f32 v29, v32  }
0x23f: {  	[tilespmem:s14+$0xD5F0] =	vst v31;
	v30 =	vadd.f32 v40, v30;
	v40 =	vld [tilespmem:$0x1FD90];
	v51 =	vmul.f32 v62, v41;
	v31 =	vmul.f32 v61, v41  }
0x240: {  	v33 =	vld [tilespmem:s14+$0x79A0];
	v29 =	vadd.f32 v39, v29  }
0x241: {  	[tilespmem:s14+$0x7980] =	vst v35;
	v39 =	vld [tilespmem:$0x1FDA0];
	v35 =	vadd.f32 v28, v51;
	v28 =	vadd.f32 v28, v31  }
0x242: {  	v32 =	vld [tilespmem:s14+$0x79B0]  }
0x243: {  	v28 =	vadd.f32 v38, v28;
	v38 =	vld [tilespmem:$0x1FDB0]  }
0x244: {  	v2 =	vld [tilespmem:s14+$0x2680];
	v34 =	vadd.f32 v36, v34;
	v51 =	vmul.f32 v62, v40  }
0x245: {  	v54 =	vld [tilespmem:s14+$0x2690]  }
0x246: {  	v36 =	vld [tilespmem:s14+$0xD9C0];
	[tilespmem:s14+$0x7990] =	vst v34;
	v33 =	vadd.f32 v35, v33;
	v34 =	vadd.f32 v27, v51;
	v51 =	vmul.f32 v62, v39  }
0x247: {  	v53 =	vld [tilespmem:s14+$0x26A0];
	[tilespmem:s14+$0xD990] =	vst v29;
	v29 =	vmul.f32 v61, v39  }
0x248: {  	v37 =	vld [tilespmem:s14+$0xD9B0];
	[tilespmem:s14+$0x79A0] =	vst v33;
	v32 =	vadd.f32 v34, v32;
	v33 =	vadd.f32 v26, v51;
	v51 =	vmul.f32 v62, v38  }
0x249: {  	[tilespmem:s14+$0xD980] =	vst v30;
	v31 =	vld [tilespmem:s14+$0x79C0];
	v26 =	vadd.f32 v26, v29  }
0x24a: {  	v30 =	vmul.f32 v61, v40;
	[tilespmem:s14+$0x79B0] =	vst v32;
	v32 =	vadd.f32 v25, v51;
	v51 =	vld [tilespmem:$0x1FDD0]  }
0x24b: {  	v26 =	vadd.f32 v36, v26;
	v36 =	vld [tilespmem:$0x1FDF0]  }
0x24c: {  	v1 =	vld [tilespmem:s14+$0x26B0];
	v27 =	vadd.f32 v27, v30  }
0x24d: {  	v0 =	vld [tilespmem:s14+$0x26C0]  }
0x24e: {  	v63 =	vld [tilespmem:s14+$0x26D0];
	v27 =	vadd.f32 v37, v27  }
0x24f: {  	v60 =	vld [tilespmem:s14+$0x26E0];
	[tilespmem:s14+$0xD9A0] =	vst v28;
	v28 =	vmul.f32 v61, v38;
	v38 =	vmul.f32 v62, v51  }
0x250: {  	v59 =	vld [tilespmem:s14+$0x26F0];
	v31 =	vadd.f32 v33, v31;
	[tilespmem:s14+$0xD9B0] =	vst v27;
	v27 =	vmul.f32 v61, v51;
	v51 =	vmul.f32 v62, v36  }
0x251: {  	v42 =	vld [tilespmem:$0x1FF60]  }
0x252: {  	[tilespmem:s14+$0x79C0] =	vst v31;
	v31 =	vadd.f32 v24, v38;
	v38 =	vadd.f32 v23, v51;
	v51 =	vld [tilespmem:$0x1FE10]  }
0x253: {  	v35 =	vld [tilespmem:s14+$0xD9D0]  }
0x254: {  	v30 =	vld [tilespmem:s14+$0x79D0]  }
0x255: {  	v29 =	vld [tilespmem:s14+$0x79E0];
	v37 =	vmul.f32 v61, v36  }
0x256: {  	v25 =	vadd.f32 v25, v28;
	v28 =	vld [tilespmem:s14+$0x79F0]  }
0x257: {  	v23 =	vadd.f32 v23, v37;
	v36 =	vmul.f32 v62, v51;
	v37 =	vmul.f32 v61, v51;
	v51 =	vld [tilespmem:$0x1FE30]  }
0x258: {  	v34 =	vld [tilespmem:s14+$0xD9E0]  }
0x259: {  	v33 =	vld [tilespmem:s14+$0xD9F0]  }
0x25a: {  	[tilespmem:s14+$0xD9C0] =	vst v26;
	v26 =	vld [tilespmem:s14+$0x7D90];
	v25 =	vadd.f32 v35, v25;
	v24 =	vadd.f32 v24, v27  }
0x25b: {  	v27 =	vld [tilespmem:s14+$0x7D80];
	v28 =	vadd.f32 v38, v28;
	v38 =	vadd.f32 v22, v36  }
0x25c: {  	v22 =	vadd.f32 v22, v37;
	v36 =	vmul.f32 v62, v51;
	v37 =	vmul.f32 v61, v51;
	v51 =	vld [tilespmem:$0x1FE40]  }
0x25d: {  	v30 =	vadd.f32 v32, v30;
	v32 =	vld [tilespmem:s14+$0xDD80]  }
0x25e: {  	[tilespmem:s14+$0xD9D0] =	vst v25;
	v25 =	vld [tilespmem:s14+$0x7DA0]  }
0x25f: {  	[tilespmem:s14+$0x79D0] =	vst v30;
	v30 =	vld [tilespmem:s14+$0xDDA0];
	v29 =	vadd.f32 v31, v29;
	v24 =	vadd.f32 v34, v24  }
0x260: {  	v31 =	vld [tilespmem:s14+$0xDD90];
	v27 =	vadd.f32 v38, v27;
	v38 =	vadd.f32 v21, v36  }
0x261: {  	v21 =	vadd.f32 v21, v37;
	v36 =	vmul.f32 v62, v51;
	v37 =	vmul.f32 v61, v51;
	v51 =	vld [tilespmem:$0x1FE50]  }
0x262: {  	[tilespmem:s14+$0xD9E0] =	vst v24;
	v24 =	vld [tilespmem:s14+$0x7DB0]  }
0x263: {  	v23 =	vadd.f32 v33, v23;
	[tilespmem:s14+$0x79E0] =	vst v29;
	v29 =	vld [tilespmem:s14+$0xDDB0]  }
0x264: {  	v26 =	vadd.f32 v38, v26;
	v38 =	vadd.f32 v20, v36;
	v36 =	vld [tilespmem:$0x1FE60]  }
0x265: {  	[tilespmem:s14+$0xD9F0] =	vst v23;
	v23 =	vld [tilespmem:s14+$0x7DC0]  }
0x266: {  	[tilespmem:s14+$0x79F0] =	vst v28;
	v28 =	vld [tilespmem:s14+$0xDDC0];
	v33 =	vmul.f32 v62, v51  }
0x267: {  	v22 =	vadd.f32 v32, v22;
	v32 =	vld [tilespmem:s14+$0x7DF0]  }
0x268: {  	v35 =	vadd.f32 v19, v33;
	v33 =	vld [tilespmem:$0x1FE70]  }
0x269: {  	[tilespmem:s14+$0xDD80] =	vst v22;
	v22 =	vld [tilespmem:s14+$0x7DD0];
	v20 =	vadd.f32 v20, v37;
	v37 =	vmul.f32 v62, v36  }
0x26a: {  	[tilespmem:s14+$0x7D80] =	vst v27;
	v27 =	vld [tilespmem:s14+$0xDDD0]  }
0x26b: {  	v21 =	vadd.f32 v31, v21;
	v34 =	vmul.f32 v61, v51;
	v51 =	vadd.f32 v18, v37;
	v37 =	vld [tilespmem:$0x1FE80]  }
0x26c: {  	v31 =	vld [tilespmem:s14+$0x8190];
	v25 =	vadd.f32 v38, v25  }
0x26d: {  	[tilespmem:s14+$0xDD90] =	vst v21;
	v21 =	vld [tilespmem:s14+$0x7DE0];
	v19 =	vadd.f32 v19, v34;
	v38 =	vmul.f32 v61, v36;
	v34 =	vmul.f32 v62, v33  }
0x26e: {  	[tilespmem:s14+$0x7D90] =	vst v26;
	v26 =	vld [tilespmem:s14+$0xDDE0]  }
0x26f: {  	v18 =	vadd.f32 v18, v38;
	v36 =	vadd.f32 v17, v34;
	v34 =	vld [tilespmem:$0x1FE90]  }
0x270: {  	[tilespmem:s14+$0x7DA0] =	vst v25;
	v25 =	vld [tilespmem:s14+$0xE1D0];
	v23 =	vadd.f32 v51, v23;
	v38 =	vmul.f32 v62, v37;
	v51 =	vmul.f32 v61, v37  }
0x271: {  	v24 =	vadd.f32 v35, v24;
	v19 =	vadd.f32 v29, v19;
	v29 =	vld [tilespmem:s14+$0xE180]  }
0x272: {  	v35 =	vmul.f32 v61, v33;
	v33 =	vadd.f32 v16, v38;
	v16 =	vadd.f32 v16, v51;
	v51 =	vld [tilespmem:$0x1FEA0]  }
0x273: {  	[tilespmem:s14+$0xDDB0] =	vst v19;
	v19 =	vld [tilespmem:s14+$0x8180]  }
0x274: {  	v17 =	vadd.f32 v17, v35;
	v21 =	vadd.f32 v33, v21;
	v33 =	vld [tilespmem:$0x1FEB0];
	v35 =	vmul.f32 v62, v34  }
0x275: {  	v22 =	vadd.f32 v36, v22;
	v36 =	vld [tilespmem:s14+$0xDDF0]  }
0x276: {  	v20 =	vadd.f32 v30, v20;
	v37 =	vmul.f32 v61, v34;
	v38 =	vadd.f32 v15, v35;
	v35 =	vld [tilespmem:s14+$0xE190]  }
0x277: {  	v18 =	vadd.f32 v28, v18;
	v28 =	vmul.f32 v62, v51;
	v30 =	vmul.f32 v61, v51;
	v51 =	vld [tilespmem:$0x1FEC0]  }
0x278: {  	[tilespmem:s14+$0xDDA0] =	vst v20;
	v15 =	vadd.f32 v15, v37;
	v37 =	vld [tilespmem:s14+$0x81A0];
	v20 =	vadd.f32 v38, v32  }
0x279: {  	v32 =	vadd.f32 v14, v28;
	v34 =	vmul.f32 v62, v33;
	v14 =	vadd.f32 v14, v30;
	v28 =	vld [tilespmem:s14+$0xE1A0]  }
0x27a: {  	v17 =	vadd.f32 v27, v17;
	v15 =	vadd.f32 v36, v15;
	v36 =	vmul.f32 v61, v33;
	v33 =	vld [tilespmem:s14+$0xE1B0]  }
0x27b: {  	v38 =	vadd.f32 v13, v34;
	v14 =	vadd.f32 v29, v14;
	v29 =	vld [tilespmem:s14+$0x81B0]  }
0x27c: {  	[tilespmem:s14+$0xDDF0] =	vst v15;
	v13 =	vadd.f32 v13, v36;
	v27 =	vmul.f32 v62, v51;
	v15 =	vmul.f32 v61, v51;
	v51 =	vld [tilespmem:$0x1FEF0]  }
0x27d: {  	[tilespmem:s14+$0xDDC0] =	vst v18;
	v18 =	vadd.f32 v38, v31;
	v31 =	vld [tilespmem:$0x1FED0]  }
0x27e: {  	v13 =	vadd.f32 v35, v13;
	v35 =	vld [tilespmem:$0x1FEE0]  }
0x27f: {  	v30 =	vadd.f32 v12, v27;
	v12 =	vadd.f32 v12, v15;
	v15 =	vld [tilespmem:s14+$0x81C0]  }
0x280: {  	[tilespmem:s14+$0x7DB0] =	vst v24;
	v27 =	vld [tilespmem:$0x1FF00]  }
0x281: {  	[tilespmem:s14+$0xDDD0] =	vst v17;
	v19 =	vadd.f32 v32, v19;
	v17 =	vadd.f32 v30, v37;
	v37 =	vld [tilespmem:s14+$0xE1C0]  }
0x282: {  	[tilespmem:s14+$0xE180] =	vst v14;
	v12 =	vadd.f32 v28, v12;
	v30 =	vld [tilespmem:$0x1FF10];
	v32 =	vmul.f32 v62, v31;
	v14 =	vmul.f32 v61, v31  }
0x283: {  	[tilespmem:s14+$0xE190] =	vst v13;
	v36 =	vmul.f32 v62, v35;
	v13 =	vmul.f32 v61, v35;
	v35 =	vld [tilespmem:$0x1FF30]  }
0x284: {  	v16 =	vadd.f32 v26, v16;
	v24 =	vmul.f32 v62, v51;
	[tilespmem:s14+$0xE1A0] =	vst v12;
	v12 =	vmul.f32 v61, v51;
	v51 =	vld [tilespmem:$0x1FCC0]  }
0x285: {  	[tilespmem:s14+$0x7DC0] =	vst v23;
	v34 =	vadd.f32 v11, v32;
	v11 =	vadd.f32 v11, v14;
	v14 =	vld [tilespmem:s14+$0x81D0]  }
0x286: {  	[tilespmem:s14+$0x7DD0] =	vst v22;
	v38 =	vadd.f32 v10, v36;
	v10 =	vadd.f32 v10, v13;
	v13 =	vld [tilespmem:s14+$0x81E0]  }
0x287: {  	[tilespmem:s14+$0x7DE0] =	vst v21;
	v26 =	vadd.f32 v9, v24;
	v9 =	vadd.f32 v9, v12;
	v12 =	vld [tilespmem:s14+$0x81F0]  }
0x288: {  	[tilespmem:s14+$0xDDE0] =	vst v16;
	v32 =	vld [tilespmem:s14+$0xE1F0]  }
0x289: {  	[tilespmem:s14+$0x7DF0] =	vst v20;
	v36 =	vld [tilespmem:$0x1FF40]  }
0x28a: {  	[tilespmem:s14+$0x8180] =	vst v19;
	v11 =	vadd.f32 v33, v11;
	v33 =	vld [tilespmem:$0x1FF20]  }
0x28b: {  	[tilespmem:s14+$0x8190] =	vst v18;
	v28 =	vmul.f32 v62, v27;
	v16 =	vadd.f32 v34, v29;
	v15 =	vadd.f32 v38, v15;
	v29 =	vld [tilespmem:s14+$0xE1E0]  }
0x28c: {  	v10 =	vadd.f32 v37, v10;
	v34 =	vld [tilespmem:s14+$0xE580];
	[tilespmem:s14+$0xE1B0] =	vst v11;
	v11 =	vmul.f32 v61, v27  }
0x28d: {  	v31 =	vmul.f32 v62, v30;
	v37 =	vld [tilespmem:$0x1FF50];
	[tilespmem:s14+$0x81C0] =	vst v15;
	v15 =	vadd.f32 v8, v28;
	v14 =	vadd.f32 v26, v14  }
0x28e: {  	v9 =	vadd.f32 v25, v9;
	[tilespmem:s14+$0xE1C0] =	vst v10;
	v10 =	vmul.f32 v61, v30;
	v8 =	vadd.f32 v8, v11;
	v11 =	vld [tilespmem:s14+$0x8580]  }
0x28f: {  	v38 =	vld [tilespmem:$0x1FCB0];
	v13 =	vadd.f32 v15, v13;
	[tilespmem:s14+$0x81D0] =	vst v14;
	v14 =	vadd.f32 v7, v31;
	v15 =	vmul.f32 v62, v33  }
0x290: {  	[tilespmem:s14+$0xE1D0] =	vst v9;
	v7 =	vadd.f32 v7, v10;
	v9 =	vmul.f32 v61, v33;
	v10 =	vld [tilespmem:s14+$0x8590];
	v8 =	vadd.f32 v29, v8  }
0x291: {  	[tilespmem:s14+$0x81E0] =	vst v13;
	v12 =	vadd.f32 v14, v12;
	v13 =	vadd.f32 v6, v15;
	v14 =	vmul.f32 v62, v35;
	v15 =	vld [tilespmem:s14+$0xE590]  }
0x292: {  	v7 =	vadd.f32 v32, v7;
	v6 =	vadd.f32 v6, v9;
	v9 =	vld [tilespmem:s14+$0x85A0];
	[tilespmem:s14+$0xE1E0] =	vst v8;
	v8 =	vmul.f32 v61, v35  }
0x293: {  	[tilespmem:s14+$0x81F0] =	vst v12;
	v11 =	vadd.f32 v13, v11;
	v12 =	vadd.f32 v5, v14;
	v13 =	vmul.f32 v62, v36;
	v14 =	vld [tilespmem:s14+$0xE5A0]  }
0x294: {  	[tilespmem:s14+$0xE1F0] =	vst v7;
	v6 =	vadd.f32 v34, v6;
	v7 =	vmul.f32 v61, v36;
	v5 =	vadd.f32 v5, v8;
	v8 =	vld [tilespmem:s14+$0x85B0]  }
0x295: {  	[tilespmem:s14+$0x8580] =	vst v11;
	v10 =	vadd.f32 v12, v10;
	v11 =	vadd.f32 v58, v13;
	v12 =	vmul.f32 v62, v37;
	v13 =	vld [tilespmem:s14+$0xE5B0]  }
0x296: {  	[tilespmem:s14+$0xE580] =	vst v6;
	v6 =	vadd.f32 v58, v7;
	v7 =	vmul.f32 v61, v37;
	v58 =	vld [tilespmem:$0x1FCE0];
	v5 =	vadd.f32 v15, v5  }
0x297: {  	v15 =	vld [tilespmem:s14+$0x85C0];
	[tilespmem:s14+$0x8590] =	vst v10;
	v10 =	vadd.f32 v57, v12  }
0x298: {  	[tilespmem:s14+$0xE590] =	vst v5;
	v5 =	vadd.f32 v14, v6;
	v6 =	vadd.f32 v57, v7;
	v57 =	vld [tilespmem:$0x1FCD0]  }
0x299: {  	[tilespmem:s14+$0x81A0] =	vst v17;
	v9 =	vadd.f32 v11, v9;
	v11 =	vmul.f32 v62, v38;
	v12 =	vld [tilespmem:s14+$0xE5C0]  }
0x29a: {  	[tilespmem:s14+$0x81B0] =	vst v16;
	v7 =	vmul.f32 v61, v38;
	v14 =	vld [tilespmem:s14+$0x85D0]  }
0x29b: {  	[tilespmem:s14+$0x85A0] =	vst v9;
	v8 =	vadd.f32 v10, v8;
	v9 =	vadd.f32 v56, v11;
	v10 =	vmul.f32 v62, v51;
	v11 =	vld [tilespmem:s14+$0xE5D0]  }
0x29c: {  	[tilespmem:s14+$0xE5A0] =	vst v5;
	v5 =	vadd.f32 v13, v6;
	v6 =	vadd.f32 v56, v7;
	v7 =	vmul.f32 v61, v51;
	v13 =	vld [tilespmem:s14+$0x85E0]  }
0x29d: {  	[tilespmem:s14+$0x85B0] =	vst v8;
	v8 =	vadd.f32 v9, v15;
	v9 =	vadd.f32 v55, v10;
	v15 =	vld [tilespmem:s14+$0xE5E0];
	v10 =	vmul.f32 v62, v57  }
0x29e: {  	[tilespmem:s14+$0xE5B0] =	vst v5;
	v5 =	vadd.f32 v12, v6;
	v6 =	vadd.f32 v55, v7;
	v12 =	vld [tilespmem:s14+$0x85F0];
	v7 =	vmul.f32 v61, v57  }
0x29f: {  	[tilespmem:s14+$0x85C0] =	vst v8;
	v8 =	vadd.f32 v9, v14;
	v14 =	vld [tilespmem:s14+$0xE5F0];
	v9 =	vadd.f32 v3, v10;
	v10 =	vmul.f32 v62, v58  }
0x2a0: {  	[tilespmem:s14+$0xE5C0] =	vst v5;
	v5 =	vadd.f32 v11, v6;
	v6 =	vmul.f32 v61, v58;
	v3 =	vadd.f32 v3, v7;
	v7 =	vld [tilespmem:s14+$0x8980]  }
0x2a1: {  	v11 =	vld [tilespmem:s14+$0xE980];
	[tilespmem:s14+$0x85D0] =	vst v8;
	v8 =	vadd.f32 v9, v13;
	v9 =	vadd.f32 v4, v10;
	v10 =	vmul.f32 v62, v50  }
0x2a2: {  	[tilespmem:s14+$0xE5D0] =	vst v5;
	v5 =	vmul.f32 v61, v50;
	v3 =	vadd.f32 v15, v3;
	v4 =	vadd.f32 v4, v6;
	v13 =	vld [tilespmem:s14+$0x8990]  }
0x2a3: {  	p1 =	sne.s32 s7, $0xF;
	[tilespmem:s14+$0x85E0] =	vst v8;
	v6 =	vadd.f32 v9, v12;
	v8 =	vadd.f32 v2, v10;
	v9 =	vmul.f32 v62, v49;
	v12 =	vld [tilespmem:s14+$0xE990]  }
.Ltmp6:
0x2a4: {  	[tilespmem:s14+$0xE5E0] =	vst v3;
	v3 =	vadd.f32 v14, v4;
	v2 =	vadd.f32 v2, v5;
	v4 =	vmul.f32 v61, v49;
	v5 =	vld [tilespmem:s14+$0x89A0];
	(pc) =	sbr.rel @p1 .LBB2_6-.Ltmp6, $4  }
0x2a5: {  	[tilespmem:s14+$0x85F0] =	vst v6;
	v7 =	vadd.f32 v8, v7;
	v8 =	vadd.f32 v54, v9;
	v9 =	vmul.f32 v62, v48;
	v6 =	vld [tilespmem:s14+$0xE9A0]  }
0x2a6: {  	v14 =	vmul.f32 v61, v48;
	[tilespmem:s14+$0xE5F0] =	vst v3;
	v2 =	vadd.f32 v11, v2;
	v11 =	vadd.f32 v54, v4;
	v4 =	vld [tilespmem:s14+$0x89B0]  }
0x2a7: {  	v3 =	vld [tilespmem:s14+$0xE9B0];
	[tilespmem:s14+$0x8980] =	vst v7;
	v10 =	vadd.f32 v8, v13;
	v9 =	vadd.f32 v53, v9;
	v8 =	vmul.f32 v62, v52  }
0x2a8: {  	s7 =	sadd.s32 $0x1, s7;
	[tilespmem:s14+$0xE980] =	vst v2;
	v7 =	vmul.f32 v61, v52;
	v2 =	vld [tilespmem:s14+$0x89C0];
	v12 =	vadd.f32 v12, v11;
	v11 =	vadd.f32 v53, v14  }
0x2a9: {  	v23 =	vld [tilespmem:$0x1FFA0];
	_ =	sdelay $0x1  }
0x2aa: {  	v24 =	vld [tilespmem:$0x1FF90]  }
0x2ab: {  	v18 =	vld [tilespmem:s14+$0xE9C0]  }
0x2ac: {  	v25 =	vld [tilespmem:$0x1FF80]  }
0x2ad: {  	[tilespmem:s14+$0x8990] =	vst v10;
	v5 =	vadd.f32 v9, v5;
	v19 =	vld [tilespmem:s14+$0x89D0];
	v8 =	vadd.f32 v1, v8;
	v29 =	vmul.f32 v62, v23  }
0x2ae: {  	v26 =	vld [tilespmem:$0x1FF70];
	[tilespmem:s14+$0xE990] =	vst v12;
	v6 =	vadd.f32 v6, v11;
	v30 =	vadd.f32 v1, v7;
	v32 =	vmul.f32 v61, v23  }
0x2af: {  	v28 =	vld [tilespmem:s14+$0xE9D0];
	[tilespmem:s14+$0x89A0] =	vst v5;
	v4 =	vadd.f32 v8, v4;
	v34 =	vmul.f32 v62, v24;
	v33 =	vadd.f32 v0, v29  }
0x2b0: {  	v31 =	vld [tilespmem:s14+$0x89E0];
	[tilespmem:s14+$0xE9A0] =	vst v6;
	v1 =	vadd.f32 v3, v30;
	v37 =	vmul.f32 v61, v24;
	v36 =	vadd.f32 v0, v32  }
0x2b1: {  	v35 =	vld [tilespmem:s14+$0xE9E0];
	[tilespmem:s14+$0x89B0] =	vst v4;
	v48 =	vmul.f32 v62, v25;
	v38 =	vadd.f32 v63, v34;
	v2 =	vadd.f32 v33, v2  }
0x2b2: {  	v49 =	vld [tilespmem:s14+$0x89F0];
	[tilespmem:s14+$0xE9B0] =	vst v1;
	v50 =	vmul.f32 v61, v25;
	v7 =	vadd.f32 v63, v37;
	v0 =	vadd.f32 v18, v36  }
0x2b3: {  	v53 =	vld [tilespmem:s14+$0xE9F0];
	v52 =	vmul.f32 v62, v26;
	v51 =	vadd.f32 v60, v48;
	v1 =	vadd.f32 v38, v19;
	[tilespmem:s14+$0x89C0] =	vst v2  }
0x2b4: {  	v56 =	vmul.f32 v61, v26;
	v55 =	vadd.f32 v60, v50;
	v54 =	vadd.f32 v28, v7;
	[tilespmem:s14+$0xE9C0] =	vst v0  }
0x2b5: {  	v58 =	vadd.f32 v59, v52;
	v57 =	vadd.f32 v51, v31;
	[tilespmem:s14+$0x89D0] =	vst v1  }
.Ltmp7:
0x2b6: {  	v61 =	vadd.f32 v59, v56;
	v60 =	vadd.f32 v35, v55;
	[tilespmem:s14+$0xE9D0] =	vst v54;
	(pc) =	sbr.rel @p0 .LBB2_5-.Ltmp7, $4  }
0x2b7: {  	v48 =	vld [tilespmem:$0x1FD30];
	v62 =	vadd.f32 v58, v49;
	[tilespmem:s14+$0x89E0] =	vst v57  }
0x2b8: {  	v50 =	vld [tilespmem:$0x1FD50];
	v63 =	vadd.f32 v53, v61;
	[tilespmem:s14+$0xE9E0] =	vst v60  }
0x2b9: {  	v49 =	vld [tilespmem:$0x1FD40];
	[tilespmem:s14+$0x89F0] =	vst v62  }
0x2ba: {  	s15 =	simm.s32 $0x10;
	p1 =	por $0x0, $0x0;
	v51 =	vld [tilespmem:$0x1FD60];
	[tilespmem:s14+$0xE9F0] =	vst v63  }
0x2bb: {  	s5 =	sadd.s32 s29, s12  }
0x2bc: {  	s5 =	sshrl.u32 s5, $0x3  }
0x2bd: {  	s6 =	sadd.s32 s29, s6;
	s5 =	smul.u32 $0x300, s5  }
0x2be: {  	s7 =	sshrl.u32 s6, $0x3  }
0x2bf: {  	s6 =	simm.s32 $0x0;
	s7 =	smul.u32 $0x300, s7;
	s5 =	sadd.s32 s2, s5  }
0x2c0: {  	[hbm4b:s5+s6] =	stream.linear.scatter [tilespmem:s18], [sflag:$0x6], $0x6000, $0x38;
	[tilespmem:$0x1F580] =	vst v63  }
0x2c1: {  	s15 =	sadd.s32 s2, s7  }
0x2c2: {  	[hbm4b:s15+s6] =	stream.linear.scatter [tilespmem:s31], [sflag:$0x7], $0x6000, $0x38;
	[tilespmem:$0x1F580] =	vst v63  }
0x2c3: {  	s11 =	sor.u32 $0x600, s12;
	s12 =	sor.u32 $0x400, s12;
	_ =	swait.ge [sflag:s20], $0x6000  }
0x2c4: {  	s16 =	sshra.s32 s12, $0x2;
	[sflag:s20] =	ssyncset.done $0x0  }
0x2c5: {  	s17 =	sshra.s32 s11, $0x2;
	s5 =	sadd.s32 $0x80, s16;
	[sflag:s20] =	ssyncadd.s32 $0xFFFFA000  }
0x2c6: {  	s7 =	sadd.s32 $0x80, s17;
	v0 =	vmov s5;
	_ =	swait.ge [sflag:s21], $0x6000  }
0x2c7: {  	v63 =	vmov s7;
	[sflag:s21] =	ssyncset.done $0x0;
	[tilespmem:$0x1FBC0] =	vst v0  }
0x2c8: {  	p1 =	por $0x1, $0x1;
	s15 =	simm.s32 $0x0;
	[tilespmem:$0x1FBD0] =	vst v63;
	v58 =	vld [tilespmem:$0x1FF50];
	[sflag:s21] =	ssyncadd.s32 $0xFFFFA000  }
.LBB2_9:
0x2c9: {  	s5 =	sadd.s32 $0x0, s15  }
0x2ca: {  	s5 =	sshrl.u32 s5, $0x3  }
0x2cb: {  	v0 =	vld [tilespmem:$0x1FBC0];
	s5 =	smul.u32 $0x1800, s5  }
0x2cc: {  	s14 =	sand.u32 $0x380, s6;
	v1 =	vld [tilespmem:$0x1FBD0]  }
0x2cd: {  	v48 =	vld [tilespmem:$0x1FF60];
	s14 =	sor.u32 s14, s5  }
0x2ce: {  	v37 =	vld [tilespmem:s14+$0x1280]  }
0x2cf: {  	v38 =	vld [tilespmem:s14+$0x1290]  }
0x2d0: {  	v39 =	vld [tilespmem:s14+$0x12A0]  }
0x2d1: {  	v40 =	vld [tilespmem:s14+$0x12B0]  }
0x2d2: {  	v41 =	vld [tilespmem:s14+$0x12C0]  }
0x2d3: {  	v42 =	vld [tilespmem:s14+$0x12D0]  }
0x2d4: {  	v43 =	vld [tilespmem:s14+$0x12E0]  }
0x2d5: {  	v44 =	vld [tilespmem:s14+$0x12F0]  }
0x2d6: {  	v35 =	vld [tilespmem:s14+$0x1680]  }
0x2d7: {  	v34 =	vld [tilespmem:s14+$0x1690]  }
0x2d8: {  	v33 =	vld [tilespmem:s14+$0x16A0]  }
0x2d9: {  	v32 =	vld [tilespmem:s14+$0x16B0]  }
0x2da: {  	v31 =	vld [tilespmem:s14+$0x16C0]  }
0x2db: {  	v53 =	vld [tilespmem:s14+$0x16D0]  }
0x2dc: {  	v30 =	vld [tilespmem:s14+$0x16E0]  }
0x2dd: {  	v29 =	vld [tilespmem:s14+$0x16F0]  }
0x2de: {  	v28 =	vld [tilespmem:s14+$0x1A80]  }
0x2df: {  	v27 =	vld [tilespmem:s14+$0x1A90]  }
0x2e0: {  	s7 =	sor.u32 s28, s15;
	v26 =	vld [tilespmem:s14+$0x1AA0]  }
0x2e1: {  	v0 =	vld.idx.msk [tilespmem:v0+s7+$0x0 ss:$0x1], $0xffff  }
0x2e2: {  	v36 =	vld.idx.msk [tilespmem:v1+s7+$0x0 ss:$0x1], $0xffff  }
0x2e3: {  	v25 =	vld [tilespmem:s14+$0x1AB0]  }
0x2e4: {  	v24 =	vld [tilespmem:s14+$0x1AC0]  }
0x2e5: {  	v45 =	vmov s6;
	v23 =	vld [tilespmem:s14+$0x1AD0]  }
0x2e6: {  	v45 =	vand.u32 $0xF, v45;
	v22 =	vld [tilespmem:s14+$0x1AE0]  }
0x2e7: {  	v45 =	vbroadcast v45, $0x0;
	v21 =	vld [tilespmem:s14+$0x1AF0];
	v46 =	vand.u32 $0x1, v0;
	v36 =	vand.u32 $0x1, v36  }
0x2e8: {  	v20 =	vld [tilespmem:s14+$0x1E80];
	v46 =	vcvt.s32.f32 v46;
	v47 =	vcvt.s32.f32 v36  }
0x2e9: {  	v19 =	vld [tilespmem:s14+$0x1E90]  }
0x2ea: {  	v18 =	vld [tilespmem:s14+$0x1EA0];
	v62 =	vperm.xlane v46, v45;
	v61 =	vperm.xlane v47, v45  }
0x2eb: {  	v17 =	vld [tilespmem:s14+$0x1EB0]  }
0x2ec: {  	v51 =	vmul.f32 v62, v48;
	v54 =	vmul.f32 v61, v48;
	v48 =	vld [tilespmem:$0x1FD30]  }
0x2ed: {  	v16 =	vld [tilespmem:s14+$0x1EC0]  }
0x2ee: {  	v15 =	vld [tilespmem:s14+$0x1ED0]  }
0x2ef: {  	[tilespmem:$0x1FBA0] =	vst v46;
	v46 =	vld [tilespmem:s14+$0x19580]  }
0x2f0: {  	[tilespmem:$0x1FBB0] =	vst v47;
	v47 =	vld [tilespmem:s14+$0x13590]  }
0x2f1: {  	v14 =	vld [tilespmem:s14+$0x1EE0];
	v57 =	vmul.f32 v62, v48  }
0x2f2: {  	v13 =	vld [tilespmem:s14+$0x1EF0];
	v45 =	vadd.f32 v37, v51  }
0x2f3: {  	v12 =	vld [tilespmem:s14+$0x2280];
	v37 =	vadd.f32 v54, v37;
	v57 =	vadd.f32 v38, v57  }
0x2f4: {  	v11 =	vld [tilespmem:s14+$0x2290]  }
0x2f5: {  	v37 =	vadd.f32 v46, v37;
	v46 =	vadd.f32 v57, v47;
	v57 =	vld [tilespmem:$0x1FD40]  }
0x2f6: {  	v10 =	vld [tilespmem:s14+$0x22A0]  }
0x2f7: {  	v9 =	vld [tilespmem:s14+$0x22B0]  }
0x2f8: {  	v8 =	vld [tilespmem:s14+$0x22C0]  }
0x2f9: {  	v7 =	vld [tilespmem:s14+$0x22D0]  }
0x2fa: {  	v50 =	vmul.f32 v62, v57;
	v51 =	vmul.f32 v61, v57;
	v57 =	vld [tilespmem:$0x1FD50]  }
0x2fb: {  	v6 =	vld [tilespmem:s14+$0x22E0]  }
0x2fc: {  	v55 =	vld [tilespmem:s14+$0x19590]  }
0x2fd: {  	v36 =	vld [tilespmem:s14+$0x13580]  }
0x2fe: {  	v54 =	vld [tilespmem:s14+$0x135B0];
	v52 =	vmul.f32 v61, v48;
	v47 =	vadd.f32 v39, v50  }
0x2ff: {  	v39 =	vadd.f32 v39, v51;
	v50 =	vmul.f32 v62, v57;
	v51 =	vmul.f32 v61, v57;
	v57 =	vld [tilespmem:$0x1FD60]  }
0x300: {  	v5 =	vld [tilespmem:s14+$0x22F0];
	v38 =	vadd.f32 v38, v52  }
0x301: {  	v4 =	vld [tilespmem:s14+$0x2680]  }
0x302: {  	v3 =	vld [tilespmem:s14+$0x2690];
	v38 =	vadd.f32 v55, v38;
	v55 =	vadd.f32 v40, v50  }
0x303: {  	v36 =	vadd.f32 v45, v36;
	v45 =	vld [tilespmem:s14+$0x195A0];
	v40 =	vadd.f32 v40, v51  }
0x304: {  	v54 =	vadd.f32 v55, v54;
	v51 =	vmul.f32 v62, v57;
	v55 =	vmul.f32 v61, v57;
	v57 =	vld [tilespmem:$0x1FE00]  }
0x305: {  	v56 =	vld [tilespmem:s14+$0x135A0]  }
0x306: {  	v2 =	vld [tilespmem:s14+$0x26A0]  }
0x307: {  	v63 =	vld [tilespmem:s14+$0x26D0]  }
0x308: {  	[tilespmem:s14+$0x13580] =	vst v36;
	v36 =	vld [tilespmem:s14+$0x195B0];
	v39 =	vadd.f32 v45, v39;
	v45 =	vadd.f32 v41, v51  }
0x309: {  	v41 =	vadd.f32 v41, v55;
	v51 =	vmul.f32 v62, v57;
	v55 =	vmul.f32 v61, v57;
	v57 =	vld [tilespmem:$0x1FDC0]  }
0x30a: {  	[tilespmem:s14+$0x13590] =	vst v46;
	v46 =	vld [tilespmem:s14+$0x195C0];
	v47 =	vadd.f32 v47, v56  }
0x30b: {  	[tilespmem:s14+$0x19590] =	vst v38;
	v38 =	vld [tilespmem:s14+$0x135D0]  }
0x30c: {  	[tilespmem:s14+$0x135A0] =	vst v47;
	v47 =	vld [tilespmem:s14+$0x195D0]  }
0x30d: {  	[tilespmem:s14+$0x195A0] =	vst v39;
	v39 =	vld [tilespmem:s14+$0x135E0]  }
0x30e: {  	[tilespmem:s14+$0x135B0] =	vst v54;
	v54 =	vld [tilespmem:s14+$0x195E0];
	v56 =	vadd.f32 v42, v51;
	v51 =	vmul.f32 v62, v57  }
0x30f: {  	v42 =	vadd.f32 v42, v55;
	v55 =	vld [tilespmem:$0x1FDE0]  }
0x310: {  	v36 =	vadd.f32 v36, v40;
	v52 =	vadd.f32 v43, v51;
	v51 =	vld [tilespmem:$0x1FD70]  }
0x311: {  	[tilespmem:s14+$0x19580] =	vst v37;
	v37 =	vld [tilespmem:s14+$0x135C0];
	v41 =	vadd.f32 v46, v41;
	v46 =	vmul.f32 v61, v57  }
0x312: {  	v60 =	vld [tilespmem:s14+$0x26E0];
	[tilespmem:s14+$0x195B0] =	vst v36;
	v36 =	vadd.f32 v56, v38  }
0x313: {  	v59 =	vld [tilespmem:s14+$0x26F0];
	v57 =	vadd.f32 v47, v42;
	v47 =	vadd.f32 v43, v46  }
0x314: {  	v56 =	vmul.f32 v62, v55;
	v48 =	vmul.f32 v61, v55;
	v55 =	vld [tilespmem:s14+$0x19980];
	v49 =	vadd.f32 v52, v39  }
0x315: {  	v1 =	vld [tilespmem:s14+$0x26B0];
	v50 =	vadd.f32 v54, v47;
	v52 =	vmul.f32 v62, v51;
	v47 =	vmul.f32 v61, v51  }
0x316: {  	v37 =	vadd.f32 v45, v37;
	[tilespmem:s14+$0x135E0] =	vst v49;
	v49 =	vld [tilespmem:$0x1FE20]  }
0x317: {  	v45 =	vld [tilespmem:s14+$0x135F0];
	[tilespmem:s14+$0x195C0] =	vst v41;
	v41 =	vadd.f32 v35, v52;
	v35 =	vadd.f32 v35, v47  }
0x318: {  	v0 =	vld [tilespmem:s14+$0x26C0]  }
0x319: {  	v35 =	vadd.f32 v55, v35;
	v55 =	vld [tilespmem:$0x1FD80]  }
0x31a: {  	[tilespmem:s14+$0x195D0] =	vst v57;
	v57 =	vld [tilespmem:s14+$0x13990];
	v38 =	vadd.f32 v44, v56  }
0x31b: {  	v40 =	vld [tilespmem:s14+$0x195F0];
	[tilespmem:s14+$0x195E0] =	vst v50;
	v50 =	vmul.f32 v62, v49  }
0x31c: {  	v54 =	vadd.f32 v44, v48;
	v48 =	vld [tilespmem:s14+$0x139A0];
	v56 =	vadd.f32 v38, v45  }
0x31d: {  	v51 =	vld [tilespmem:s14+$0x199A0];
	v39 =	vadd.f32 v34, v50  }
0x31e: {  	[tilespmem:s14+$0x135F0] =	vst v56;
	v47 =	vld [tilespmem:$0x1FD90];
	v56 =	vmul.f32 v62, v55;
	v45 =	vmul.f32 v61, v55  }
0x31f: {  	[tilespmem:s14+$0x135C0] =	vst v37;
	v37 =	vld [tilespmem:s14+$0x13980];
	v38 =	vadd.f32 v39, v57  }
0x320: {  	v42 =	vld [tilespmem:s14+$0x19990];
	v39 =	vadd.f32 v33, v56;
	v33 =	vadd.f32 v33, v45  }
0x321: {  	v52 =	vld [tilespmem:s14+$0x139B0]  }
0x322: {  	v33 =	vadd.f32 v51, v33;
	v51 =	vld [tilespmem:$0x1FDA0]  }
0x323: {  	[tilespmem:s14+$0x135D0] =	vst v36;
	v46 =	vld [tilespmem:s14+$0x199C0];
	v36 =	vadd.f32 v39, v48;
	v48 =	vmul.f32 v62, v47  }
0x324: {  	v43 =	vld [tilespmem:s14+$0x19DA0]  }
0x325: {  	v40 =	vadd.f32 v40, v54;
	v54 =	vmul.f32 v61, v49;
	v49 =	vld [tilespmem:s14+$0x139D0];
	v39 =	vadd.f32 v32, v48  }
0x326: {  	v37 =	vadd.f32 v41, v37;
	v57 =	vld [tilespmem:s14+$0x139C0]  }
0x327: {  	v41 =	vld [tilespmem:s14+$0x13DA0];
	v39 =	vadd.f32 v39, v52;
	v52 =	vmul.f32 v62, v51  }
0x328: {  	[tilespmem:s14+$0x13980] =	vst v37;
	v37 =	vld [tilespmem:s14+$0x199B0]  }
0x329: {  	[tilespmem:s14+$0x195F0] =	vst v40;
	v34 =	vadd.f32 v34, v54;
	v54 =	vld [tilespmem:s14+$0x139E0];
	v40 =	vadd.f32 v31, v52  }
0x32a: {  	v56 =	vld [tilespmem:s14+$0x199E0]  }
0x32b: {  	[tilespmem:s14+$0x19980] =	vst v35;
	v35 =	vadd.f32 v40, v57;
	v57 =	vld [tilespmem:$0x1FDB0]  }
0x32c: {  	v45 =	vld [tilespmem:s14+$0x139F0]  }
0x32d: {  	v50 =	vmul.f32 v61, v47;
	v47 =	vld [tilespmem:s14+$0x199F0];
	v55 =	vmul.f32 v61, v51  }
0x32e: {  	[tilespmem:s14+$0x139A0] =	vst v36;
	v36 =	vld [tilespmem:s14+$0x199D0]  }
0x32f: {  	v48 =	vld [tilespmem:$0x1FDD0];
	v31 =	vadd.f32 v31, v55  }
0x330: {  	v32 =	vadd.f32 v32, v50;
	v50 =	vld [tilespmem:s14+$0x13D80];
	v44 =	vmul.f32 v62, v57  }
0x331: {  	v34 =	vadd.f32 v42, v34;
	v52 =	vld [tilespmem:s14+$0x19D80];
	v31 =	vadd.f32 v46, v31;
	v46 =	vmul.f32 v61, v57  }
0x332: {  	v32 =	vadd.f32 v37, v32;
	v57 =	vld [tilespmem:$0x1FE10];
	v37 =	vadd.f32 v53, v44  }
0x333: {  	[tilespmem:s14+$0x13990] =	vst v38;
	v38 =	vadd.f32 v53, v46;
	v53 =	vld [tilespmem:$0x1FDF0]  }
0x334: {  	[tilespmem:s14+$0x19990] =	vst v34;
	v55 =	vld [tilespmem:s14+$0x13D90];
	v34 =	vadd.f32 v37, v49;
	v49 =	vmul.f32 v62, v48  }
0x335: {  	v51 =	vmul.f32 v61, v48;
	v44 =	vld [tilespmem:$0x1FE30]  }
0x336: {  	v46 =	vld [tilespmem:s14+$0x13DB0];
	v37 =	vadd.f32 v30, v49  }
0x337: {  	v48 =	vld [tilespmem:s14+$0x19DB0];
	v40 =	vmul.f32 v62, v57;
	v30 =	vadd.f32 v30, v51  }
0x338: {  	[tilespmem:s14+$0x199A0] =	vst v33;
	v42 =	vmul.f32 v61, v57;
	v57 =	vld [tilespmem:s14+$0x13DD0];
	v33 =	vadd.f32 v37, v54;
	v54 =	vmul.f32 v62, v53  }
0x339: {  	v36 =	vadd.f32 v36, v38;
	v38 =	vmul.f32 v61, v53;
	v30 =	vadd.f32 v56, v30;
	v56 =	vld [tilespmem:s14+$0x19D90]  }
0x33a: {  	v37 =	vadd.f32 v29, v54;
	v54 =	vld [tilespmem:s14+$0x19DC0]  }
0x33b: {  	v29 =	vadd.f32 v29, v38;
	v38 =	vld [tilespmem:$0x1FE60]  }
0x33c: {  	[tilespmem:s14+$0x199B0] =	vst v32;
	v32 =	vadd.f32 v37, v45;
	v37 =	vadd.f32 v28, v40;
	v40 =	vld [tilespmem:s14+$0x13DE0]  }
0x33d: {  	v28 =	vadd.f32 v28, v42;
	v45 =	vmul.f32 v62, v44;
	v42 =	vld [tilespmem:s14+$0x19DE0]  }
0x33e: {  	[tilespmem:s14+$0x199C0] =	vst v31;
	v31 =	vadd.f32 v37, v50;
	v50 =	vld [tilespmem:$0x1FE40]  }
0x33f: {  	[tilespmem:s14+$0x139C0] =	vst v35;
	v28 =	vadd.f32 v52, v28;
	v35 =	vadd.f32 v27, v45;
	v52 =	vld [tilespmem:s14+$0x13DC0]  }
0x340: {  	[tilespmem:s14+$0x139B0] =	vst v39;
	v37 =	vld [tilespmem:s14+$0x19DD0];
	v39 =	vmul.f32 v62, v38  }
0x341: {  	v29 =	vadd.f32 v47, v29;
	v47 =	vmul.f32 v61, v44;
	v49 =	vadd.f32 v35, v55;
	v55 =	vld [tilespmem:$0x1FE50]  }
0x342: {  	[tilespmem:s14+$0x139F0] =	vst v32;
	v45 =	vld [tilespmem:s14+$0x13DF0];
	v32 =	vadd.f32 v24, v39  }
0x343: {  	v27 =	vadd.f32 v27, v47;
	v47 =	vld [tilespmem:$0x1FE80];
	[tilespmem:s14+$0x19D80] =	vst v28;
	v51 =	vmul.f32 v62, v50;
	v53 =	vmul.f32 v61, v50  }
0x344: {  	[tilespmem:s14+$0x13D90] =	vst v49;
	v49 =	vld [tilespmem:s14+$0x14180];
	v28 =	vadd.f32 v32, v52  }
0x345: {  	v52 =	vld [tilespmem:$0x1FE90];
	v35 =	vadd.f32 v26, v51;
	v26 =	vadd.f32 v26, v53  }
0x346: {  	v27 =	vadd.f32 v56, v27;
	v56 =	vmul.f32 v62, v55;
	v51 =	vld [tilespmem:s14+$0x1A180]  }
0x347: {  	[tilespmem:s14+$0x199D0] =	vst v36;
	v36 =	vmul.f32 v61, v55;
	v26 =	vadd.f32 v43, v26;
	v43 =	vld [tilespmem:$0x1FE70]  }
0x348: {  	[tilespmem:s14+$0x139E0] =	vst v33;
	v33 =	vadd.f32 v25, v56;
	v56 =	vld [tilespmem:s14+$0x1A190]  }
0x349: {  	[tilespmem:s14+$0x199E0] =	vst v30;
	v30 =	vadd.f32 v35, v41;
	v25 =	vadd.f32 v25, v36;
	v41 =	vmul.f32 v61, v38;
	v36 =	vld [tilespmem:$0x1FEB0]  }
0x34a: {  	[tilespmem:s14+$0x199F0] =	vst v29;
	v53 =	vmul.f32 v62, v52;
	v29 =	vadd.f32 v33, v46;
	v46 =	vld [tilespmem:s14+$0x19DF0]  }
0x34b: {  	v35 =	vld [tilespmem:s14+$0x1A1A0];
	v55 =	vmul.f32 v61, v52;
	v25 =	vadd.f32 v48, v25;
	v24 =	vadd.f32 v24, v41  }
0x34c: {  	v38 =	vld [tilespmem:s14+$0x141B0];
	[tilespmem:s14+$0x13DA0] =	vst v30;
	v30 =	vadd.f32 v21, v53;
	v44 =	vmul.f32 v62, v43;
	v32 =	vmul.f32 v61, v43  }
0x34d: {  	v50 =	vmul.f32 v61, v47;
	v41 =	vld [tilespmem:$0x1FEC0];
	v21 =	vadd.f32 v21, v55;
	v24 =	vadd.f32 v54, v24  }
0x34e: {  	[tilespmem:s14+$0x13D80] =	vst v31;
	v48 =	vmul.f32 v62, v47;
	v54 =	vld [tilespmem:s14+$0x14190];
	v31 =	vadd.f32 v23, v44;
	v23 =	vadd.f32 v23, v32  }
0x34f: {  	[tilespmem:s14+$0x19DB0] =	vst v25;
	v25 =	vadd.f32 v30, v45;
	v39 =	vmul.f32 v61, v36;
	v21 =	vadd.f32 v46, v21;
	v46 =	vld [tilespmem:$0x1FED0]  }
0x350: {  	[tilespmem:s14+$0x19D90] =	vst v27;
	v27 =	vadd.f32 v31, v57;
	v23 =	vadd.f32 v37, v23;
	v57 =	vld [tilespmem:$0x1FEA0];
	v37 =	vmul.f32 v62, v36  }
0x351: {  	[tilespmem:s14+$0x139D0] =	vst v34;
	v33 =	vld [tilespmem:s14+$0x141A0];
	v31 =	vadd.f32 v22, v48;
	v22 =	vadd.f32 v22, v50  }
0x352: {  	[tilespmem:s14+$0x13DC0] =	vst v28;
	v53 =	vld [tilespmem:s14+$0x141E0];
	v44 =	vmul.f32 v61, v41;
	v28 =	vadd.f32 v19, v37;
	v19 =	vadd.f32 v19, v39  }
0x353: {  	[tilespmem:s14+$0x19DA0] =	vst v26;
	v36 =	vld [tilespmem:$0x1FF10];
	v26 =	vadd.f32 v31, v40;
	v22 =	vadd.f32 v42, v22;
	v42 =	vmul.f32 v62, v41  }
0x354: {  	v55 =	vld [tilespmem:s14+$0x1A1E0];
	[tilespmem:s14+$0x19DD0] =	vst v23;
	v47 =	vmul.f32 v62, v46;
	v23 =	vadd.f32 v28, v54;
	v19 =	vadd.f32 v56, v19  }
0x355: {  	[tilespmem:s14+$0x13DD0] =	vst v27;
	v31 =	vld [tilespmem:$0x1FF00];
	v27 =	vadd.f32 v18, v42;
	v32 =	vmul.f32 v62, v57;
	v34 =	vmul.f32 v61, v57  }
0x356: {  	[tilespmem:s14+$0x13DE0] =	vst v26;
	v18 =	vadd.f32 v18, v44;
	v56 =	vld [tilespmem:$0x1FEF0];
	v26 =	vadd.f32 v17, v47  }
0x357: {  	[tilespmem:s14+$0x13DB0] =	vst v29;
	v43 =	vld [tilespmem:s14+$0x141C0];
	v29 =	vadd.f32 v20, v32;
	v20 =	vadd.f32 v20, v34  }
0x358: {  	v45 =	vld [tilespmem:s14+$0x1A1C0];
	[tilespmem:s14+$0x19DE0] =	vst v22;
	v37 =	vmul.f32 v62, v36;
	v22 =	vadd.f32 v27, v33;
	v18 =	vadd.f32 v35, v18  }
0x359: {  	[tilespmem:s14+$0x19DF0] =	vst v21;
	v21 =	vadd.f32 v26, v38;
	v20 =	vadd.f32 v51, v20;
	v51 =	vld [tilespmem:$0x1FEE0]  }
0x35a: {  	v50 =	vld [tilespmem:s14+$0x1A1D0];
	v32 =	vmul.f32 v62, v31;
	v34 =	vmul.f32 v61, v31;
	[tilespmem:s14+$0x141A0] =	vst v22;
	v22 =	vadd.f32 v13, v37  }
0x35b: {  	v30 =	vld [tilespmem:s14+$0x1A1F0];
	[tilespmem:s14+$0x19DC0] =	vst v24;
	v24 =	vadd.f32 v29, v49;
	v57 =	vmul.f32 v62, v56;
	v29 =	vmul.f32 v61, v56  }
0x35c: {  	v40 =	vld [tilespmem:s14+$0x1A1B0];
	[tilespmem:s14+$0x14190] =	vst v23;
	v49 =	vmul.f32 v61, v46;
	v23 =	vadd.f32 v14, v32;
	v14 =	vadd.f32 v14, v34  }
0x35d: {  	v44 =	vld [tilespmem:$0x1FF30];
	[tilespmem:s14+$0x14180] =	vst v24;
	v24 =	vadd.f32 v15, v57;
	v15 =	vadd.f32 v15, v29  }
0x35e: {  	[tilespmem:s14+$0x13DF0] =	vst v25;
	v48 =	vld [tilespmem:s14+$0x141D0];
	v17 =	vadd.f32 v17, v49;
	v52 =	vmul.f32 v62, v51;
	v54 =	vmul.f32 v61, v51  }
0x35f: {  	v28 =	vld [tilespmem:s14+$0x141F0];
	v38 =	vmul.f32 v61, v36;
	[tilespmem:s14+$0x1A1A0] =	vst v18;
	v18 =	vadd.f32 v23, v53;
	v15 =	vadd.f32 v50, v15  }
0x360: {  	[tilespmem:s14+$0x1A190] =	vst v19;
	v53 =	vld [tilespmem:$0x1FCB0];
	v25 =	vadd.f32 v16, v52;
	v16 =	vadd.f32 v16, v54  }
0x361: {  	v13 =	vadd.f32 v13, v38;
	v17 =	vadd.f32 v40, v17;
	[tilespmem:s14+$0x1A1D0] =	vst v15;
	v15 =	vld [tilespmem:s14+$0x14590]  }
0x362: {  	[tilespmem:s14+$0x1A180] =	vst v20;
	v40 =	vld [tilespmem:$0x1FF20];
	v20 =	vadd.f32 v25, v43;
	v16 =	vadd.f32 v45, v16;
	v45 =	vmul.f32 v62, v44  }
0x363: {  	[tilespmem:s14+$0x141B0] =	vst v21;
	v14 =	vadd.f32 v55, v14;
	v19 =	vadd.f32 v24, v48;
	v48 =	vld [tilespmem:$0x1FF40]  }
0x364: {  	v33 =	vld [tilespmem:s14+$0x14580];
	v13 =	vadd.f32 v30, v13;
	[tilespmem:s14+$0x141C0] =	vst v20;
	v20 =	vadd.f32 v11, v45  }
0x365: {  	v56 =	vld [tilespmem:$0x1FCC0];
	[tilespmem:s14+$0x1A1E0] =	vst v14  }
0x366: {  	v14 =	vld [tilespmem:s14+$0x145A0];
	[tilespmem:s14+$0x1A1F0] =	vst v13;
	v51 =	vmul.f32 v62, v58;
	v52 =	vmul.f32 v61, v58;
	v15 =	vadd.f32 v20, v15  }
0x367: {  	[tilespmem:s14+$0x1A1B0] =	vst v17;
	v17 =	vadd.f32 v22, v28;
	v54 =	vmul.f32 v62, v53;
	v41 =	vmul.f32 v62, v40;
	v43 =	vld [tilespmem:s14+$0x1A5A0]  }
0x368: {  	v49 =	vmul.f32 v62, v48;
	v50 =	vmul.f32 v61, v48;
	[tilespmem:s14+$0x14590] =	vst v15;
	v15 =	vld [tilespmem:s14+$0x1A5C0]  }
0x369: {  	v35 =	vld [tilespmem:s14+$0x1A580];
	v55 =	vmul.f32 v61, v53;
	[tilespmem:s14+$0x141F0] =	vst v17;
	v17 =	vadd.f32 v8, v54;
	v21 =	vadd.f32 v12, v41  }
0x36a: {  	[tilespmem:s14+$0x141D0] =	vst v19;
	v58 =	vld [tilespmem:$0x1FCD0];
	v42 =	vmul.f32 v61, v40;
	v19 =	vadd.f32 v10, v49;
	v10 =	vadd.f32 v10, v50  }
0x36b: {  	v13 =	vld [tilespmem:s14+$0x145B0];
	v8 =	vadd.f32 v8, v55;
	[tilespmem:s14+$0x1A1C0] =	vst v16;
	v16 =	vadd.f32 v21, v33  }
0x36c: {  	v39 =	vld [tilespmem:s14+$0x1A590];
	[tilespmem:s14+$0x141E0] =	vst v18;
	v57 =	vmul.f32 v62, v56;
	v12 =	vadd.f32 v12, v42;
	v10 =	vadd.f32 v43, v10  }
0x36d: {  	v47 =	vld [tilespmem:s14+$0x1A5B0];
	v14 =	vadd.f32 v19, v14;
	[tilespmem:s14+$0x14580] =	vst v16;
	v8 =	vadd.f32 v15, v8;
	v15 =	vmul.f32 v61, v56  }
0x36e: {  	v46 =	vmul.f32 v61, v44;
	v18 =	vadd.f32 v9, v51;
	v12 =	vadd.f32 v35, v12;
	[tilespmem:s14+$0x1A5A0] =	vst v10;
	v10 =	vld [tilespmem:s14+$0x145E0]  }
0x36f: {  	[tilespmem:s14+$0x145A0] =	vst v14;
	v14 =	vld [tilespmem:s14+$0x1A5D0];
	v16 =	vadd.f32 v7, v57;
	v7 =	vadd.f32 v7, v15;
	v15 =	vmul.f32 v62, v58  }
0x370: {  	v13 =	vadd.f32 v18, v13;
	v11 =	vadd.f32 v11, v46;
	[tilespmem:s14+$0x1A580] =	vst v12;
	v12 =	vld [tilespmem:s14+$0x145C0]  }
0x371: {  	v15 =	vadd.f32 v6, v15  }
0x372: {  	v9 =	vadd.f32 v9, v52;
	[tilespmem:s14+$0x145B0] =	vst v13;
	v13 =	vld [tilespmem:s14+$0x1A5E0];
	v11 =	vadd.f32 v39, v11  }
0x373: {  	v10 =	vadd.f32 v15, v10;
	v15 =	vld [tilespmem:$0x1FCE0]  }
0x374: {  	v9 =	vadd.f32 v47, v9;
	[tilespmem:s14+$0x1A590] =	vst v11;
	v11 =	vld [tilespmem:s14+$0x145D0];
	v7 =	vadd.f32 v14, v7;
	v14 =	vmul.f32 v61, v58  }
0x375: {  	v51 =	vld [tilespmem:$0x1FCF0];
	v12 =	vadd.f32 v17, v12  }
0x376: {  	[tilespmem:s14+$0x1A5B0] =	vst v9;
	v9 =	vld [tilespmem:s14+$0x145F0];
	v6 =	vadd.f32 v6, v14  }
0x377: {  	[tilespmem:s14+$0x145C0] =	vst v12;
	v12 =	vld [tilespmem:s14+$0x1A5F0]  }
0x378: {  	v48 =	vld [tilespmem:$0x1FD10];
	v6 =	vadd.f32 v13, v6;
	v14 =	vmul.f32 v62, v15;
	v13 =	vmul.f32 v61, v15  }
0x379: {  	v50 =	vld [tilespmem:$0x1FD00];
	v11 =	vadd.f32 v16, v11;
	[tilespmem:s14+$0x1A5C0] =	vst v8  }
0x37a: {  	v8 =	vld [tilespmem:s14+$0x14980];
	[tilespmem:s14+$0x145E0] =	vst v10;
	v14 =	vadd.f32 v5, v14;
	v10 =	vadd.f32 v5, v13  }
0x37b: {  	[tilespmem:s14+$0x145D0] =	vst v11;
	v11 =	vld [tilespmem:s14+$0x1A980];
	v13 =	vmul.f32 v62, v51  }
0x37c: {  	v49 =	vld [tilespmem:$0x1FD20];
	[tilespmem:s14+$0x1A5D0] =	vst v7;
	v9 =	vadd.f32 v14, v9;
	v10 =	vadd.f32 v12, v10;
	v12 =	vmul.f32 v61, v51  }
0x37d: {  	v7 =	vld [tilespmem:s14+$0x14990];
	[tilespmem:s14+$0x1A5E0] =	vst v6;
	v13 =	vadd.f32 v4, v13  }
0x37e: {  	v15 =	vld [tilespmem:s14+$0x1A990];
	[tilespmem:s14+$0x145F0] =	vst v9;
	v9 =	vadd.f32 v4, v12;
	v12 =	vmul.f32 v62, v50  }
0x37f: {  	v6 =	vld [tilespmem:s14+$0x1A9A0];
	v8 =	vadd.f32 v13, v8;
	[tilespmem:s14+$0x1A5F0] =	vst v10;
	v10 =	vmul.f32 v61, v50  }
0x380: {  	v5 =	vld [tilespmem:s14+$0x149A0];
	v12 =	vadd.f32 v3, v12;
	v11 =	vadd.f32 v11, v9;
	v9 =	vmul.f32 v62, v48  }
0x381: {  	v14 =	vmul.f32 v61, v48;
	v4 =	vld [tilespmem:s14+$0x149B0];
	v13 =	vadd.f32 v3, v10  }
0x382: {  	[tilespmem:s14+$0x14980] =	vst v8;
	v3 =	vld [tilespmem:s14+$0x1A9B0];
	v8 =	vmul.f32 v62, v49;
	v10 =	vadd.f32 v12, v7;
	v9 =	vadd.f32 v2, v9  }
0x383: {  	p0 =	por p1, p1;
	s16 =	simm.s32 $0x0;
	s7 =	simm.s32 $0x1;
	[tilespmem:s14+$0x1A980] =	vst v11;
	v12 =	vadd.f32 v15, v13;
	v11 =	vadd.f32 v2, v14;
	v7 =	vmul.f32 v61, v49;
	v2 =	vld [tilespmem:s14+$0x149C0]  }
.LBB2_10:
0x384: {  	v13 =	vld [tilespmem:$0x1FFA0];
	_ =	sdelay $0x1  }
0x385: {  	[tilespmem:s14+$0x1A990] =	vst v12;
	v12 =	vld [tilespmem:$0x1FF90];
	_ =	sdelay $0x1  }
0x386: {  	v40 =	vld [tilespmem:$0x1FBA0]  }
0x387: {  	v47 =	vld [tilespmem:$0x1FBB0];
	v8 =	vadd.f32 v1, v8;
	v5 =	vadd.f32 v9, v5;
	v9 =	vmul.f32 v62, v13  }
0x388: {  	v6 =	vadd.f32 v6, v11;
	v11 =	vld [tilespmem:s14+$0x149D0]  }
0x389: {  	v42 =	vld [tilespmem:$0x1FF60];
	v4 =	vadd.f32 v8, v4;
	[tilespmem:s14+$0x149A0] =	vst v5;
	v8 =	vmul.f32 v62, v12;
	v5 =	vadd.f32 v0, v9  }
0x38a: {  	v46 =	vld [tilespmem:$0x1FD30]  }
0x38b: {  	[tilespmem:s14+$0x149B0] =	vst v4;
	v4 =	vadd.f32 v63, v8;
	v8 =	vld [tilespmem:$0x1FF80];
	v2 =	vadd.f32 v5, v2  }
0x38c: {  	[tilespmem:s14+$0x14990] =	vst v10;
	v10 =	vld [tilespmem:s14+$0x1A9C0]  }
0x38d: {  	v1 =	vadd.f32 v1, v7;
	v7 =	vmul.f32 v61, v13;
	[tilespmem:s14+$0x149C0] =	vst v2;
	v2 =	vadd.f32 v4, v11;
	v11 =	vld [tilespmem:$0x1FF70]  }
0x38e: {  	s5 =	sadd.s32 s7, s15;
	v9 =	vld [tilespmem:s14+$0x1A9D0]  }
0x38f: {  	s5 =	sshrl.u32 s5, $0x3;
	v1 =	vadd.f32 v3, v1;
	[tilespmem:s14+$0x1A9A0] =	vst v6;
	v3 =	vmul.f32 v61, v12;
	v6 =	vld [tilespmem:s14+$0x149E0];
	v0 =	vadd.f32 v0, v7  }
0x390: {  	s16 =	sadd.s32 $0x80, s16;
	s5 =	smul.u32 $0x1800, s5;
	v7 =	vld [tilespmem:s14+$0x1A9E0];
	v5 =	vmul.f32 v62, v8  }
0x391: {  	s17 =	sand.u32 $0x380, s16;
	[tilespmem:s14+$0x1A9B0] =	vst v1;
	v1 =	vadd.f32 v63, v3;
	v0 =	vadd.f32 v10, v0;
	v3 =	vmul.f32 v61, v8;
	v8 =	vld [tilespmem:s14+$0x149F0]  }
0x392: {  	s5 =	sor.u32 s17, s5;
	v10 =	vld [tilespmem:s14+$0x1A9F0];
	v4 =	vadd.f32 v60, v5;
	v5 =	vmul.f32 v62, v11  }
0x393: {  	v38 =	vld [tilespmem:s5+$0x1280];
	[tilespmem:s14+$0x1A9C0] =	vst v0;
	v0 =	vadd.f32 v9, v1;
	v1 =	vadd.f32 v60, v3;
	v3 =	vmul.f32 v61, v11  }
0x394: {  	v37 =	vld [tilespmem:s5+$0x1290];
	[tilespmem:s14+$0x149D0] =	vst v2;
	v2 =	vadd.f32 v4, v6;
	v4 =	vadd.f32 v59, v5  }
0x395: {  	v36 =	vld [tilespmem:s5+$0x12A0];
	[tilespmem:s14+$0x1A9D0] =	vst v0;
	v0 =	vadd.f32 v7, v1;
	v1 =	vadd.f32 v59, v3  }
0x396: {  	v35 =	vld [tilespmem:s5+$0x12B0];
	[tilespmem:s14+$0x149E0] =	vst v2;
	v2 =	vadd.f32 v4, v8  }
0x397: {  	v34 =	vld [tilespmem:s5+$0x12C0];
	[tilespmem:s14+$0x1A9E0] =	vst v0;
	v0 =	vadd.f32 v10, v1  }
0x398: {  	v33 =	vld [tilespmem:s5+$0x12D0];
	[tilespmem:s14+$0x149F0] =	vst v2  }
0x399: {  	v32 =	vld [tilespmem:s5+$0x12E0];
	[tilespmem:s14+$0x1A9F0] =	vst v0;
	s14 =	smov.u32 s5  }
0x39a: {  	v31 =	vld [tilespmem:s14+$0x12F0]  }
0x39b: {  	v30 =	vld [tilespmem:s14+$0x1680]  }
0x39c: {  	v29 =	vld [tilespmem:s14+$0x1690]  }
0x39d: {  	v28 =	vld [tilespmem:s14+$0x16A0]  }
0x39e: {  	v27 =	vld [tilespmem:s14+$0x16B0]  }
0x39f: {  	v26 =	vld [tilespmem:s14+$0x16C0]  }
0x3a0: {  	v25 =	vld [tilespmem:s14+$0x16D0]  }
0x3a1: {  	v24 =	vld [tilespmem:s14+$0x16E0]  }
0x3a2: {  	v23 =	vld [tilespmem:s14+$0x16F0]  }
0x3a3: {  	v22 =	vld [tilespmem:s14+$0x1A80]  }
0x3a4: {  	v21 =	vld [tilespmem:s14+$0x1A90]  }
0x3a5: {  	v20 =	vld [tilespmem:s14+$0x1AA0]  }
0x3a6: {  	v19 =	vld [tilespmem:s14+$0x1AB0]  }
0x3a7: {  	v18 =	vld [tilespmem:s14+$0x1AC0]  }
0x3a8: {  	v17 =	vld [tilespmem:s14+$0x1AD0]  }
0x3a9: {  	v16 =	vld [tilespmem:s14+$0x1AE0]  }
0x3aa: {  	v15 =	vld [tilespmem:s14+$0x1AF0]  }
0x3ab: {  	v14 =	vld [tilespmem:s14+$0x1E80]  }
0x3ac: {  	v13 =	vld [tilespmem:s14+$0x1E90]  }
0x3ad: {  	v12 =	vld [tilespmem:s14+$0x1EA0]  }
0x3ae: {  	v11 =	vld [tilespmem:s14+$0x1EB0]  }
0x3af: {  	v10 =	vld [tilespmem:s14+$0x1EC0]  }
0x3b0: {  	v9 =	vld [tilespmem:s14+$0x1ED0]  }
0x3b1: {  	v8 =	vld [tilespmem:s14+$0x1EE0]  }
0x3b2: {  	v0 =	vmov s7;
	v7 =	vld [tilespmem:s14+$0x1EF0]  }
0x3b3: {  	v6 =	vld [tilespmem:s14+$0x2280];
	v39 =	vand.u32 $0xF, v0  }
0x3b4: {  	v5 =	vld [tilespmem:s14+$0x2290];
	v39 =	vbroadcast v39, $0x0  }
0x3b5: {  	v58 =	vld [tilespmem:s14+$0x22A0]  }
0x3b6: {  	v57 =	vld [tilespmem:s14+$0x22B0];
	v62 =	vperm.xlane v40, v39  }
0x3b7: {  	v52 =	vld [tilespmem:s14+$0x13580]  }
0x3b8: {  	v56 =	vld [tilespmem:s14+$0x22C0];
	v61 =	vperm.xlane v47, v39;
	v47 =	vmul.f32 v62, v42  }
0x3b9: {  	v55 =	vld [tilespmem:s14+$0x22D0]  }
0x3ba: {  	v3 =	vld [tilespmem:s14+$0x22E0];
	v40 =	vadd.f32 v38, v47  }
0x3bb: {  	v4 =	vld [tilespmem:s14+$0x22F0]  }
0x3bc: {  	v39 =	vadd.f32 v40, v52;
	v52 =	vld [tilespmem:$0x1FD40]  }
0x3bd: {  	v41 =	vld [tilespmem:s14+$0x19580]  }
0x3be: {  	v43 =	vld [tilespmem:s14+$0x13590];
	v42 =	vmul.f32 v61, v42  }
0x3bf: {  	v2 =	vld [tilespmem:s14+$0x2680];
	v44 =	vmul.f32 v62, v46  }
0x3c0: {  	v38 =	vadd.f32 v42, v38;
	v42 =	vmul.f32 v61, v46;
	v46 =	vld [tilespmem:s14+$0x135A0]  }
0x3c1: {  	v54 =	vld [tilespmem:s14+$0x2690];
	v40 =	vadd.f32 v37, v44;
	v44 =	vmul.f32 v62, v52  }
0x3c2: {  	v53 =	vld [tilespmem:s14+$0x26A0];
	v38 =	vadd.f32 v41, v38  }
0x3c3: {  	[tilespmem:s14+$0x13580] =	vst v39;
	v39 =	vadd.f32 v40, v43;
	v41 =	vmul.f32 v61, v52;
	v52 =	vld [tilespmem:$0x1FD50];
	v40 =	vadd.f32 v36, v44  }
0x3c4: {  	v1 =	vld [tilespmem:s14+$0x26B0]  }
0x3c5: {  	[tilespmem:s14+$0x13590] =	vst v39;
	v39 =	vadd.f32 v40, v46;
	v46 =	vld [tilespmem:$0x1FD60]  }
0x3c6: {  	v0 =	vld [tilespmem:s14+$0x26C0]  }
0x3c7: {  	v37 =	vadd.f32 v37, v42;
	v42 =	vld [tilespmem:s14+$0x135B0]  }
0x3c8: {  	v63 =	vld [tilespmem:s14+$0x26D0];
	v43 =	vmul.f32 v62, v52  }
0x3c9: {  	v45 =	vld [tilespmem:s14+$0x19590]  }
0x3ca: {  	v47 =	vld [tilespmem:s14+$0x195A0];
	[tilespmem:s14+$0x19580] =	vst v38;
	v38 =	vmul.f32 v61, v52;
	v40 =	vadd.f32 v35, v43;
	v52 =	vmul.f32 v62, v46  }
0x3cb: {  	v60 =	vld [tilespmem:s14+$0x26E0]  }
0x3cc: {  	[tilespmem:s14+$0x135A0] =	vst v39;
	v39 =	vadd.f32 v40, v42;
	v40 =	vadd.f32 v34, v52;
	v52 =	vld [tilespmem:$0x1FE00]  }
0x3cd: {  	v59 =	vld [tilespmem:s14+$0x26F0];
	v36 =	vadd.f32 v36, v41  }
0x3ce: {  	v37 =	vadd.f32 v45, v37;
	v45 =	vld [tilespmem:s14+$0x195C0]  }
0x3cf: {  	v44 =	vld [tilespmem:s14+$0x195B0];
	v36 =	vadd.f32 v47, v36  }
0x3d0: {  	v41 =	vld [tilespmem:s14+$0x135C0]  }
0x3d1: {  	[tilespmem:s14+$0x195A0] =	vst v36;
	v47 =	vmul.f32 v62, v52;
	v36 =	vmul.f32 v61, v52;
	v52 =	vld [tilespmem:$0x1FDC0]  }
0x3d2: {  	v35 =	vadd.f32 v35, v38;
	v38 =	vld [tilespmem:s14+$0x135D0]  }
0x3d3: {  	[tilespmem:s14+$0x19590] =	vst v37;
	v43 =	vld [tilespmem:s14+$0x195D0];
	v37 =	vmul.f32 v61, v46  }
0x3d4: {  	v35 =	vadd.f32 v44, v35;
	v42 =	vld [tilespmem:s14+$0x195E0]  }
0x3d5: {  	v44 =	vld [tilespmem:$0x1FD80];
	v34 =	vadd.f32 v34, v37;
	[tilespmem:s14+$0x135B0] =	vst v39;
	v39 =	vadd.f32 v40, v41  }
0x3d6: {  	[tilespmem:s14+$0x195B0] =	vst v35;
	v40 =	vadd.f32 v33, v47;
	v47 =	vmul.f32 v62, v52;
	v35 =	vmul.f32 v61, v52;
	v52 =	vld [tilespmem:$0x1FDE0]  }
0x3d7: {  	v37 =	vld [tilespmem:s14+$0x135E0]  }
0x3d8: {  	v34 =	vadd.f32 v45, v34;
	v41 =	vld [tilespmem:s14+$0x195F0]  }
0x3d9: {  	v45 =	vld [tilespmem:$0x1FD70];
	v33 =	vadd.f32 v33, v36  }
0x3da: {  	[tilespmem:s14+$0x195C0] =	vst v34;
	v34 =	vld [tilespmem:s14+$0x13990]  }
0x3db: {  	v36 =	vld [tilespmem:s14+$0x135F0];
	v33 =	vadd.f32 v43, v33;
	v46 =	vmul.f32 v62, v52  }
0x3dc: {  	[tilespmem:s14+$0x135C0] =	vst v39;
	v38 =	vadd.f32 v40, v38;
	v40 =	vld [tilespmem:s14+$0x19980];
	v39 =	vadd.f32 v32, v47;
	v47 =	vmul.f32 v61, v52  }
0x3dd: {  	[tilespmem:s14+$0x195D0] =	vst v33;
	v33 =	vld [tilespmem:s14+$0x139A0];
	v32 =	vadd.f32 v32, v35;
	v52 =	vadd.f32 v31, v46  }
0x3de: {  	v46 =	vmul.f32 v62, v45;
	v31 =	vadd.f32 v31, v47;
	v47 =	vmul.f32 v61, v45;
	v45 =	vld [tilespmem:$0x1FE20]  }
0x3df: {  	v35 =	vld [tilespmem:s14+$0x13980]  }
0x3e0: {  	[tilespmem:s14+$0x135D0] =	vst v38;
	v38 =	vld [tilespmem:s14+$0x199A0];
	v32 =	vadd.f32 v42, v32  }
0x3e1: {  	v37 =	vadd.f32 v39, v37;
	v39 =	vld [tilespmem:s14+$0x19990];
	v36 =	vadd.f32 v52, v36  }
0x3e2: {  	[tilespmem:s14+$0x195E0] =	vst v32;
	v32 =	vld [tilespmem:s14+$0x139B0];
	v52 =	vadd.f32 v30, v46;
	v31 =	vadd.f32 v41, v31  }
0x3e3: {  	[tilespmem:s14+$0x135E0] =	vst v37;
	v37 =	vld [tilespmem:s14+$0x199B0];
	v30 =	vadd.f32 v30, v47;
	v46 =	vmul.f32 v62, v45;
	v47 =	vmul.f32 v61, v45  }
0x3e4: {  	v35 =	vadd.f32 v52, v35;
	[tilespmem:s14+$0x195F0] =	vst v31;
	v31 =	vld [tilespmem:s14+$0x139C0];
	v45 =	vmul.f32 v62, v44  }
0x3e5: {  	v52 =	vadd.f32 v29, v46;
	v29 =	vadd.f32 v29, v47;
	v46 =	vmul.f32 v61, v44;
	v44 =	vld [tilespmem:$0x1FDA0]  }
0x3e6: {  	[tilespmem:s14+$0x135F0] =	vst v36;
	v30 =	vadd.f32 v40, v30;
	v36 =	vld [tilespmem:s14+$0x199C0]  }
0x3e7: {  	v34 =	vadd.f32 v52, v34;
	v52 =	vld [tilespmem:$0x1FD90];
	v29 =	vadd.f32 v39, v29  }
0x3e8: {  	[tilespmem:s14+$0x19980] =	vst v30;
	v30 =	vld [tilespmem:s14+$0x139D0];
	v47 =	vadd.f32 v28, v45;
	v28 =	vadd.f32 v28, v46  }
0x3e9: {  	[tilespmem:s14+$0x19990] =	vst v29;
	v29 =	vld [tilespmem:s14+$0x139E0]  }
0x3ea: {  	v28 =	vadd.f32 v38, v28;
	v45 =	vmul.f32 v62, v44;
	v46 =	vmul.f32 v61, v44;
	v44 =	vld [tilespmem:$0x1FDD0]  }
0x3eb: {  	[tilespmem:s14+$0x13990] =	vst v34;
	v34 =	vld [tilespmem:s14+$0x199E0]  }
0x3ec: {  	v33 =	vadd.f32 v47, v33;
	[tilespmem:s14+$0x199A0] =	vst v28;
	v28 =	vld [tilespmem:s14+$0x139F0];
	v41 =	vmul.f32 v62, v52;
	v42 =	vmul.f32 v61, v52  }
0x3ed: {  	v47 =	vadd.f32 v26, v45;
	v52 =	vld [tilespmem:$0x1FDB0];
	v26 =	vadd.f32 v26, v46  }
0x3ee: {  	v43 =	vadd.f32 v27, v41;
	v27 =	vadd.f32 v27, v42;
	v41 =	vld [tilespmem:s14+$0x199D0]  }
0x3ef: {  	v31 =	vadd.f32 v47, v31;
	v45 =	vmul.f32 v62, v44;
	v46 =	vmul.f32 v61, v44;
	v44 =	vld [tilespmem:$0x1FE10]  }
0x3f0: {  	v27 =	vadd.f32 v37, v27;
	v37 =	vld [tilespmem:$0x1FE30]  }
0x3f1: {  	[tilespmem:s14+$0x139C0] =	vst v31;
	v31 =	vld [tilespmem:$0x1FEA0]  }
0x3f2: {  	v40 =	vmul.f32 v62, v52;
	v42 =	vmul.f32 v61, v52;
	v52 =	vld [tilespmem:$0x1FDF0]  }
0x3f3: {  	v47 =	vadd.f32 v24, v45;
	v24 =	vadd.f32 v24, v46;
	v46 =	vld [tilespmem:s14+$0x19D80]  }
0x3f4: {  	v32 =	vadd.f32 v43, v32;
	v43 =	vadd.f32 v25, v40;
	v40 =	vld [tilespmem:s14+$0x199F0]  }
0x3f5: {  	v25 =	vadd.f32 v25, v42;
	v42 =	vld [tilespmem:s14+$0x13D80];
	v29 =	vadd.f32 v47, v29  }
0x3f6: {  	v24 =	vadd.f32 v34, v24;
	v34 =	vld [tilespmem:s14+$0x19DD0]  }
0x3f7: {  	v26 =	vadd.f32 v36, v26;
	v45 =	vmul.f32 v62, v44;
	v47 =	vmul.f32 v61, v44;
	[tilespmem:s14+$0x139E0] =	vst v29;
	v29 =	vld [tilespmem:$0x1FEE0]  }
0x3f8: {  	v25 =	vadd.f32 v41, v25;
	v39 =	vmul.f32 v62, v52;
	v41 =	vmul.f32 v61, v52;
	v52 =	vld [tilespmem:s14+$0x13D90]  }
0x3f9: {  	v30 =	vadd.f32 v43, v30;
	v36 =	vadd.f32 v22, v45;
	v45 =	vld [tilespmem:s14+$0x19DA0]  }
0x3fa: {  	v22 =	vadd.f32 v22, v47;
	v47 =	vld [tilespmem:s14+$0x13DB0];
	v43 =	vadd.f32 v23, v39  }
0x3fb: {  	v39 =	vld [tilespmem:s14+$0x19D90]  }
0x3fc: {  	v38 =	vmul.f32 v62, v37;
	v28 =	vadd.f32 v43, v28;
	v43 =	vld [tilespmem:$0x1FE40]  }
0x3fd: {  	[tilespmem:s14+$0x199B0] =	vst v27;
	v23 =	vadd.f32 v23, v41;
	v27 =	vadd.f32 v36, v42;
	v36 =	vld [tilespmem:$0x1FE50]  }
0x3fe: {  	v41 =	vld [tilespmem:s14+$0x13DA0];
	v42 =	vadd.f32 v21, v38  }
0x3ff: {  	v38 =	vld [tilespmem:s14+$0x19DB0];
	v23 =	vadd.f32 v40, v23;
	v40 =	vmul.f32 v61, v37  }
0x400: {  	[tilespmem:s14+$0x199C0] =	vst v26;
	v26 =	vadd.f32 v42, v52;
	v42 =	vld [tilespmem:$0x1FE60]  }
0x401: {  	[tilespmem:s14+$0x13D80] =	vst v27;
	v27 =	vld [tilespmem:s14+$0x1A1B0];
	v21 =	vadd.f32 v21, v40;
	v44 =	vmul.f32 v62, v43  }
0x402: {  	v22 =	vadd.f32 v46, v22;
	v40 =	vld [tilespmem:s14+$0x13DC0];
	v37 =	vmul.f32 v62, v36;
	v46 =	vmul.f32 v61, v43  }
0x403: {  	v21 =	vadd.f32 v39, v21;
	v39 =	vmul.f32 v61, v36;
	v36 =	vld [tilespmem:s14+$0x13DE0];
	v52 =	vadd.f32 v20, v44  }
0x404: {  	v20 =	vadd.f32 v20, v46;
	v44 =	vld [tilespmem:s14+$0x19DC0]  }
0x405: {  	[tilespmem:s14+$0x199D0] =	vst v25;
	v43 =	vmul.f32 v62, v42;
	v25 =	vadd.f32 v52, v41;
	v41 =	vadd.f32 v19, v37;
	v52 =	vld [tilespmem:$0x1FE70]  }
0x406: {  	v46 =	vld [tilespmem:s14+$0x13DD0];
	v20 =	vadd.f32 v45, v20;
	v19 =	vadd.f32 v19, v39;
	v45 =	vmul.f32 v61, v42  }
0x407: {  	[tilespmem:s14+$0x199E0] =	vst v24;
	v42 =	vld [tilespmem:s14+$0x13DF0];
	v24 =	vadd.f32 v41, v47;
	v47 =	vadd.f32 v18, v43  }
0x408: {  	v19 =	vadd.f32 v38, v19;
	v18 =	vadd.f32 v18, v45;
	v38 =	vld [tilespmem:$0x1FE80]  }
0x409: {  	[tilespmem:s14+$0x199F0] =	vst v23;
	v23 =	vadd.f32 v47, v40;
	v40 =	vld [tilespmem:s14+$0x19DE0]  }
0x40a: {  	[tilespmem:s14+$0x139A0] =	vst v33;
	v18 =	vadd.f32 v44, v18;
	v44 =	vld [tilespmem:$0x1FE90];
	v33 =	vmul.f32 v62, v52  }
0x40b: {  	[tilespmem:s14+$0x13980] =	vst v35;
	v35 =	vmul.f32 v61, v52;
	v52 =	vld [tilespmem:s14+$0x14180]  }
0x40c: {  	v37 =	vadd.f32 v17, v33;
	v33 =	vld [tilespmem:s14+$0x1A180]  }
0x40d: {  	v17 =	vadd.f32 v17, v35;
	v35 =	vld [tilespmem:s14+$0x14190]  }
0x40e: {  	[tilespmem:s14+$0x19D80] =	vst v22;
	v39 =	vmul.f32 v62, v38;
	v22 =	vadd.f32 v37, v46;
	v46 =	vld [tilespmem:s14+$0x19DF0]  }
0x40f: {  	v41 =	vmul.f32 v61, v38;
	v37 =	vld [tilespmem:$0x1FEB0]  }
0x410: {  	v43 =	vadd.f32 v16, v39;
	v39 =	vld [tilespmem:s14+$0x1A190]  }
0x411: {  	[tilespmem:s14+$0x139B0] =	vst v32;
	v32 =	vmul.f32 v62, v31;
	v16 =	vadd.f32 v16, v41;
	v41 =	vld [tilespmem:s14+$0x141A0]  }
0x412: {  	v45 =	vmul.f32 v62, v44;
	v17 =	vadd.f32 v34, v17;
	v34 =	vmul.f32 v61, v31;
	v31 =	vld [tilespmem:s14+$0x1A1C0]  }
0x413: {  	[tilespmem:s14+$0x19D90] =	vst v21;
	v47 =	vmul.f32 v61, v44;
	v21 =	vadd.f32 v43, v36;
	v36 =	vadd.f32 v14, v32;
	v43 =	vld [tilespmem:$0x1FEC0]  }
0x414: {  	[tilespmem:s14+$0x139D0] =	vst v30;
	v30 =	vadd.f32 v15, v45;
	v14 =	vadd.f32 v14, v34;
	v45 =	vld [tilespmem:s14+$0x1A1A0]  }
0x415: {  	[tilespmem:s14+$0x19DB0] =	vst v19;
	v15 =	vadd.f32 v15, v47;
	v19 =	vadd.f32 v36, v52;
	v52 =	vld [tilespmem:$0x1FED0]  }
0x416: {  	[tilespmem:s14+$0x139F0] =	vst v28;
	v16 =	vadd.f32 v40, v16;
	v14 =	vadd.f32 v33, v14;
	v33 =	vld [tilespmem:$0x1FEF0]  }
0x417: {  	[tilespmem:s14+$0x13D90] =	vst v26;
	v38 =	vmul.f32 v62, v37;
	v15 =	vadd.f32 v46, v15;
	v40 =	vmul.f32 v61, v37;
	v46 =	vld [tilespmem:s14+$0x141B0]  }
0x418: {  	[tilespmem:s14+$0x19DA0] =	vst v20;
	v20 =	vadd.f32 v30, v42;
	v37 =	vld [tilespmem:$0x1FF00];
	v44 =	vmul.f32 v62, v43  }
0x419: {  	v42 =	vadd.f32 v13, v38;
	[tilespmem:s14+$0x19DF0] =	vst v15;
	v13 =	vadd.f32 v13, v40;
	v15 =	vmul.f32 v61, v43;
	v40 =	vld [tilespmem:$0x1FF10]  }
0x41a: {  	[tilespmem:s14+$0x13DA0] =	vst v25;
	v43 =	vld [tilespmem:$0x1FF20];
	v47 =	vadd.f32 v12, v44;
	v26 =	vmul.f32 v62, v52  }
0x41b: {  	[tilespmem:s14+$0x1A180] =	vst v14;
	v13 =	vadd.f32 v39, v13;
	v12 =	vadd.f32 v12, v15;
	v14 =	vmul.f32 v61, v52;
	v15 =	vld [tilespmem:s14+$0x141C0]  }
0x41c: {  	[tilespmem:s14+$0x19DC0] =	vst v18;
	v30 =	vmul.f32 v62, v29;
	v18 =	vadd.f32 v42, v35;
	v35 =	vld [tilespmem:s14+$0x1A1D0];
	v28 =	vadd.f32 v11, v26  }
0x41d: {  	[tilespmem:s14+$0x1A190] =	vst v13;
	v12 =	vadd.f32 v45, v12;
	v11 =	vadd.f32 v11, v14;
	v13 =	vmul.f32 v61, v29;
	v14 =	vld [tilespmem:s14+$0x141D0]  }
0x41e: {  	[tilespmem:s14+$0x19DD0] =	vst v17;
	v32 =	vadd.f32 v10, v30;
	v34 =	vmul.f32 v62, v33;
	v39 =	vld [tilespmem:s14+$0x1A1E0];
	v17 =	vadd.f32 v47, v41  }
0x41f: {  	[tilespmem:s14+$0x1A1A0] =	vst v12;
	v11 =	vadd.f32 v27, v11;
	v10 =	vadd.f32 v10, v13;
	v12 =	vmul.f32 v61, v33;
	v13 =	vld [tilespmem:s14+$0x141E0]  }
0x420: {  	[tilespmem:s14+$0x19DE0] =	vst v16;
	v42 =	vld [tilespmem:s14+$0x1A1F0];
	v38 =	vmul.f32 v62, v37;
	v36 =	vadd.f32 v9, v34;
	v15 =	vadd.f32 v32, v15  }
0x421: {  	v44 =	vld [tilespmem:s14+$0x1A580];
	[tilespmem:s14+$0x1A1B0] =	vst v11;
	v10 =	vadd.f32 v31, v10;
	v9 =	vadd.f32 v9, v12;
	v11 =	vmul.f32 v61, v37  }
0x422: {  	v45 =	vld [tilespmem:$0x1FF30];
	v41 =	vmul.f32 v62, v40;
	[tilespmem:s14+$0x141C0] =	vst v15;
	v14 =	vadd.f32 v36, v14;
	v15 =	vadd.f32 v8, v38  }
0x423: {  	[tilespmem:s14+$0x1A1C0] =	vst v10;
	v9 =	vadd.f32 v35, v9;
	v8 =	vadd.f32 v8, v11;
	v10 =	vmul.f32 v61, v40;
	v11 =	vld [tilespmem:s14+$0x14580]  }
0x424: {  	v16 =	vadd.f32 v28, v46;
	v46 =	vld [tilespmem:$0x1FF40];
	[tilespmem:s14+$0x141D0] =	vst v14;
	v13 =	vadd.f32 v15, v13;
	v15 =	vmul.f32 v62, v43  }
0x425: {  	v12 =	vld [tilespmem:s14+$0x141F0];
	v14 =	vadd.f32 v7, v41;
	[tilespmem:s14+$0x1A1D0] =	vst v9;
	v7 =	vadd.f32 v7, v10;
	v9 =	vmul.f32 v61, v43  }
0x426: {  	v8 =	vadd.f32 v39, v8;
	[tilespmem:s14+$0x141E0] =	vst v13;
	v13 =	vadd.f32 v6, v15  }
0x427: {  	[tilespmem:s14+$0x13DB0] =	vst v24;
	v7 =	vadd.f32 v42, v7;
	v6 =	vadd.f32 v6, v9  }
0x428: {  	v47 =	vld [tilespmem:$0x1FCB0];
	[tilespmem:s14+$0x1A1E0] =	vst v8;
	v11 =	vadd.f32 v13, v11  }
0x429: {  	v10 =	vld [tilespmem:s14+$0x14590];
	v13 =	vmul.f32 v62, v46;
	[tilespmem:s14+$0x1A1F0] =	vst v7;
	v6 =	vadd.f32 v44, v6;
	v7 =	vmul.f32 v61, v46  }
0x42a: {  	v12 =	vadd.f32 v14, v12;
	v14 =	vmul.f32 v62, v45;
	v15 =	vld [tilespmem:s14+$0x1A590];
	[tilespmem:s14+$0x14580] =	vst v11  }
0x42b: {  	v11 =	vadd.f32 v58, v13;
	[tilespmem:s14+$0x1A580] =	vst v6;
	v6 =	vadd.f32 v58, v7;
	v58 =	vld [tilespmem:$0x1FF50]  }
0x42c: {  	v8 =	vmul.f32 v61, v45;
	v9 =	vld [tilespmem:s14+$0x145A0];
	[tilespmem:s14+$0x141F0] =	vst v12;
	v12 =	vadd.f32 v5, v14  }
0x42d: {  	[tilespmem:s14+$0x13DC0] =	vst v23;
	v14 =	vld [tilespmem:s14+$0x1A5A0]  }
0x42e: {  	[tilespmem:s14+$0x13DD0] =	vst v22;
	v5 =	vadd.f32 v5, v8;
	v10 =	vadd.f32 v12, v10;
	v12 =	vld [tilespmem:$0x1FF50]  }
0x42f: {  	[tilespmem:s14+$0x13DE0] =	vst v21;
	v13 =	vld [tilespmem:s14+$0x1A5B0]  }
0x430: {  	[tilespmem:s14+$0x13DF0] =	vst v20;
	v52 =	vld [tilespmem:$0x1FCC0];
	v5 =	vadd.f32 v15, v5;
	v7 =	vmul.f32 v61, v58  }
0x431: {  	[tilespmem:s14+$0x14180] =	vst v19;
	v8 =	vld [tilespmem:s14+$0x145B0];
	v9 =	vadd.f32 v11, v9;
	v11 =	vmul.f32 v62, v47  }
0x432: {  	v15 =	vld [tilespmem:s14+$0x145C0];
	[tilespmem:s14+$0x1A590] =	vst v5;
	v5 =	vadd.f32 v14, v6;
	v6 =	vadd.f32 v57, v7;
	v7 =	vmul.f32 v61, v47  }
0x433: {  	v14 =	vld [tilespmem:s14+$0x145D0];
	[tilespmem:s14+$0x145A0] =	vst v9;
	v9 =	vadd.f32 v56, v11;
	v12 =	vmul.f32 v62, v12  }
0x434: {  	[tilespmem:s14+$0x1A5A0] =	vst v5;
	v5 =	vadd.f32 v13, v6;
	v6 =	vadd.f32 v56, v7;
	v56 =	vld [tilespmem:$0x1FCD0]  }
0x435: {  	[tilespmem:s14+$0x14590] =	vst v10;
	v10 =	vadd.f32 v57, v12;
	v12 =	vld [tilespmem:s14+$0x1A5C0]  }
0x436: {  	[tilespmem:s14+$0x14190] =	vst v18;
	v57 =	vld [tilespmem:$0x1FCE0]  }
0x437: {  	[tilespmem:s14+$0x141A0] =	vst v17;
	v11 =	vld [tilespmem:s14+$0x1A5D0];
	v8 =	vadd.f32 v10, v8;
	v10 =	vmul.f32 v62, v52  }
0x438: {  	[tilespmem:s14+$0x141B0] =	vst v16;
	v7 =	vmul.f32 v61, v52;
	v13 =	vld [tilespmem:s14+$0x145E0]  }
0x439: {  	[tilespmem:s14+$0x145B0] =	vst v8;
	v8 =	vadd.f32 v9, v15;
	v9 =	vadd.f32 v55, v10;
	v15 =	vld [tilespmem:s14+$0x1A5E0];
	v10 =	vmul.f32 v62, v56  }
0x43a: {  	[tilespmem:s14+$0x1A5B0] =	vst v5;
	v5 =	vadd.f32 v12, v6;
	v6 =	vadd.f32 v55, v7;
	v12 =	vld [tilespmem:s14+$0x145F0];
	v7 =	vmul.f32 v61, v56  }
0x43b: {  	[tilespmem:s14+$0x145C0] =	vst v8;
	v8 =	vadd.f32 v9, v14;
	v14 =	vld [tilespmem:s14+$0x1A5F0];
	v9 =	vadd.f32 v3, v10;
	v10 =	vmul.f32 v62, v57  }
0x43c: {  	[tilespmem:s14+$0x1A5C0] =	vst v5;
	v5 =	vadd.f32 v11, v6;
	v6 =	vmul.f32 v61, v57;
	v3 =	vadd.f32 v3, v7;
	v7 =	vld [tilespmem:s14+$0x14980]  }
0x43d: {  	v11 =	vld [tilespmem:s14+$0x1A980];
	[tilespmem:s14+$0x145D0] =	vst v8;
	v8 =	vadd.f32 v9, v13;
	v9 =	vadd.f32 v4, v10;
	v10 =	vmul.f32 v62, v51  }
0x43e: {  	[tilespmem:s14+$0x1A5D0] =	vst v5;
	v5 =	vmul.f32 v61, v51;
	v3 =	vadd.f32 v15, v3;
	v4 =	vadd.f32 v4, v6;
	v13 =	vld [tilespmem:s14+$0x14990]  }
0x43f: {  	p1 =	sne.s32 s7, $0xF;
	[tilespmem:s14+$0x145E0] =	vst v8;
	v6 =	vadd.f32 v9, v12;
	v8 =	vadd.f32 v2, v10;
	v9 =	vmul.f32 v62, v50;
	v12 =	vld [tilespmem:s14+$0x1A990]  }
.Ltmp8:
0x440: {  	[tilespmem:s14+$0x1A5E0] =	vst v3;
	v3 =	vadd.f32 v14, v4;
	v2 =	vadd.f32 v2, v5;
	v4 =	vmul.f32 v61, v50;
	v5 =	vld [tilespmem:s14+$0x149A0];
	(pc) =	sbr.rel @p1 .LBB2_10-.Ltmp8, $4  }
0x441: {  	[tilespmem:s14+$0x145F0] =	vst v6;
	v7 =	vadd.f32 v8, v7;
	v8 =	vadd.f32 v54, v9;
	v9 =	vmul.f32 v62, v48;
	v6 =	vld [tilespmem:s14+$0x1A9A0]  }
0x442: {  	v14 =	vmul.f32 v61, v48;
	[tilespmem:s14+$0x1A5F0] =	vst v3;
	v2 =	vadd.f32 v11, v2;
	v11 =	vadd.f32 v54, v4;
	v4 =	vld [tilespmem:s14+$0x149B0]  }
0x443: {  	v3 =	vld [tilespmem:s14+$0x1A9B0];
	[tilespmem:s14+$0x14980] =	vst v7;
	v10 =	vadd.f32 v8, v13;
	v9 =	vadd.f32 v53, v9;
	v8 =	vmul.f32 v62, v49  }
0x444: {  	s7 =	sadd.s32 $0x1, s7;
	[tilespmem:s14+$0x1A980] =	vst v2;
	v7 =	vmul.f32 v61, v49;
	v2 =	vld [tilespmem:s14+$0x149C0];
	v12 =	vadd.f32 v12, v11;
	v11 =	vadd.f32 v53, v14  }
0x445: {  	v23 =	vld [tilespmem:$0x1FFA0];
	_ =	sdelay $0x1  }
0x446: {  	v24 =	vld [tilespmem:$0x1FF90]  }
0x447: {  	v34 =	vld [tilespmem:s14+$0x1A9C0]  }
0x448: {  	v25 =	vld [tilespmem:$0x1FF80]  }
0x449: {  	[tilespmem:s14+$0x14990] =	vst v10;
	v5 =	vadd.f32 v9, v5;
	v35 =	vld [tilespmem:s14+$0x149D0];
	v8 =	vadd.f32 v1, v8;
	v37 =	vmul.f32 v62, v23  }
0x44a: {  	v26 =	vld [tilespmem:$0x1FF70];
	[tilespmem:s14+$0x1A990] =	vst v12;
	v6 =	vadd.f32 v6, v11;
	v38 =	vadd.f32 v1, v7;
	v40 =	vmul.f32 v61, v23  }
0x44b: {  	v36 =	vld [tilespmem:s14+$0x1A9D0];
	[tilespmem:s14+$0x149A0] =	vst v5;
	v4 =	vadd.f32 v8, v4;
	v42 =	vmul.f32 v62, v24;
	v41 =	vadd.f32 v0, v37  }
0x44c: {  	v39 =	vld [tilespmem:s14+$0x149E0];
	[tilespmem:s14+$0x1A9A0] =	vst v6;
	v1 =	vadd.f32 v3, v38;
	v45 =	vmul.f32 v61, v24;
	v44 =	vadd.f32 v0, v40  }
0x44d: {  	v43 =	vld [tilespmem:s14+$0x1A9E0];
	[tilespmem:s14+$0x149B0] =	vst v4;
	v47 =	vmul.f32 v62, v25;
	v46 =	vadd.f32 v63, v42;
	v2 =	vadd.f32 v41, v2  }
0x44e: {  	v48 =	vld [tilespmem:s14+$0x149F0];
	[tilespmem:s14+$0x1A9B0] =	vst v1;
	v49 =	vmul.f32 v61, v25;
	v7 =	vadd.f32 v63, v45;
	v0 =	vadd.f32 v34, v44  }
0x44f: {  	v52 =	vld [tilespmem:s14+$0x1A9F0];
	v51 =	vmul.f32 v62, v26;
	v50 =	vadd.f32 v60, v47;
	v1 =	vadd.f32 v46, v35;
	[tilespmem:s14+$0x149C0] =	vst v2  }
0x450: {  	v55 =	vmul.f32 v61, v26;
	v54 =	vadd.f32 v60, v49;
	v53 =	vadd.f32 v36, v7;
	[tilespmem:s14+$0x1A9C0] =	vst v0  }
0x451: {  	v57 =	vadd.f32 v59, v51;
	v56 =	vadd.f32 v50, v39;
	[tilespmem:s14+$0x149D0] =	vst v1  }
.Ltmp9:
0x452: {  	v61 =	vadd.f32 v59, v55;
	v60 =	vadd.f32 v43, v54;
	[tilespmem:s14+$0x1A9D0] =	vst v53;
	(pc) =	sbr.rel @p0 .LBB2_9-.Ltmp9, $4  }
0x453: {  	v62 =	vadd.f32 v57, v48;
	[tilespmem:s14+$0x149E0] =	vst v56  }
0x454: {  	v63 =	vadd.f32 v52, v61;
	[tilespmem:s14+$0x1A9E0] =	vst v60  }
0x455: {  	[tilespmem:s14+$0x149F0] =	vst v62  }
0x456: {  	s15 =	simm.s32 $0x10;
	p1 =	por $0x0, $0x0;
	[tilespmem:s14+$0x1A9F0] =	vst v63  }
0x457: {  	s5 =	sadd.s32 s29, s12  }
0x458: {  	s5 =	sshrl.u32 s5, $0x3  }
0x459: {  	s6 =	sadd.s32 s29, s11;
	s5 =	smul.u32 $0x300, s5  }
0x45a: {  	s6 =	sshrl.u32 s6, $0x3  }
0x45b: {  	p0 =	seq.s32 s0, $0x7;
	s6 =	smul.u32 $0x300, s6;
	s5 =	sadd.s32 s2, s5  }
0x45c: {  	[hbm4b:s5+s3] =	stream.linear.scatter [tilespmem:s8], [sflag:$0x8], $0x6000, $0x38;
	[tilespmem:$0x1F580] =	vst v63  }
.Ltmp10:
0x45d: {  	s17 =	sadd.s32 s2, s6;
	(pc) =	sbr.rel @p0 .LBB2_14-.Ltmp10, $4  }
0x45e: {  	[hbm4b:s17+s3] =	stream.linear.scatter [tilespmem:s30], [sflag:$0x9], $0x6000, $0x38;
	[tilespmem:$0x1F580] =	vst v63  }
0x45f: {  	_ =	swait.ge [sflag:s22], $0x6000  }
0x460: {  	[sflag:s22] =	ssyncset.done $0x0  }
0x461: {  	[sflag:s22] =	ssyncadd.s32 $0xFFFFA000  }
0x462: {  	v6 =	vld [tilespmem:$0x1FC90];
	_ =	sdelay $0x6  }
0x463: {  	s5 =	sadd.s32 $0x280, s4  }
0x464: {  	v0 =	vld.idx.msk [tilespmem:v6+s5+$0x0 ss:$0x1], $0xffff  }
0x465: {  	v7 =	vld [tilespmem:$0x1FCA0];
	_ =	sdelay $0x2  }
0x466: {  	v3 =	vld [tilespmem:$0x1FFD0]  }
0x467: {  	v1 =	vshrl.u32 v0, $0x4  }
0x468: {  	v4 =	vld [tilespmem:$0x1FFE0];
	v0 =	vshrl.u32 v0, $0x1;
	v1 =	vmul.u32 $0x30, v1  }
0x469: {  	v2 =	vand.u32 $0x7, v0  }
0x46a: {  	[tilespmem:$0x1080] =	vst v0;
	v43 =	vor.u32 v2, v1  }
0x46b: {  	v44 =	vld.idx.msk [tilespmem:v7+s5+$0x0 ss:$0x1], $0xffff;
	v2 =	vperm.xlane v43, v3  }
0x46c: {  	v5 =	vld [tilespmem:$0x1FFF0]  }
0x46d: {  	v2 =	vadd.s32 v4, v2;
	_ =	sdelay $0x2  }
0x46e: {  	v1 =	vshrl.u32 v44, $0x1  }
0x46f: {  	v0 =	vperm.xlane v43, v5;
	[tilespmem:$0x1090] =	vst v1  }
0x470: {  	[tilespmem:s18], [sflag:$0x2] =	stream.indirect_vreg.gather [hbm4b:s1+s3], $0x80, v2, vm0, $0xb8;
	[tilespmem:$0x1F580] =	vst v63  }
0x471: {  	s11 =	simm.s32 $0x7D80;
	v0 =	vadd.s32 v4, v0  }
0x472: {  	[tilespmem:s11], [sflag:$0x2] =	stream.indirect_vreg.gather [hbm4b:s9+s3], $0x80, v2, vm0, $0xb8;
	[tilespmem:$0x1F580] =	vst v63  }
0x473: {  	s12 =	simm.s32 $0x8580  }
0x474: {  	[tilespmem:s12], [sflag:$0x2] =	stream.indirect_vreg.gather [hbm4b:s10+s3], $0x80, v2, vm0, $0xb8;
	[tilespmem:$0x1F580] =	vst v63  }
0x475: {  	s14 =	simm.s32 $0x8D80  }
0x476: {  	[tilespmem:s14], [sflag:$0x2] =	stream.indirect_vreg.gather [hbm4b:s1+s3], $0x80, v0, vm0, $0xb8;
	[tilespmem:$0x1F580] =	vst v63  }
0x477: {  	s15 =	simm.s32 $0x9580  }
0x478: {  	[tilespmem:s15], [sflag:$0x2] =	stream.indirect_vreg.gather [hbm4b:s9+s3], $0x80, v0, vm0, $0xb8;
	[tilespmem:$0x1F580] =	vst v63  }
0x479: {  	s16 =	simm.s32 $0x9D80  }
0x47a: {  	[tilespmem:s16], [sflag:$0x2] =	stream.indirect_vreg.gather [hbm4b:s10+s3], $0x80, v0, vm0, $0xb8;
	[tilespmem:$0x1F580] =	vst v63  }
0x47b: {  	v0 =	vld [tilespmem:$0x1090];
	_ =	sdelay $0x4  }
0x47c: {  	v45 =	vshrl.u32 v0, $0x3  }
0x47d: {  	v1 =	vmul.u32 $0x30, v45  }
0x47e: {  	v0 =	vand.u32 $0x7, v0  }
0x47f: {  	v0 =	vor.u32 v0, v1  }
0x480: {  	v1 =	vperm.xlane v0, v3;
	_ =	sdelay $0x1  }
0x481: {  	v1 =	vadd.s32 v4, v1;
	_ =	sdelay $0x3  }
0x482: {  	s17 =	simm.s32 $0xA580;
	v0 =	vperm.xlane v0, v5  }
0x483: {  	[tilespmem:s17], [sflag:$0x2] =	stream.indirect_vreg.gather [hbm4b:s1+s3], $0x80, v1, vm0, $0xb8;
	[tilespmem:$0x1F580] =	vst v63  }
0x484: {  	s6 =	simm.s32 $0xAD80;
	v0 =	vadd.s32 v4, v0  }
0x485: {  	[tilespmem:s6], [sflag:$0x2] =	stream.indirect_vreg.gather [hbm4b:s9+s3], $0x80, v1, vm0, $0xb8;
	[tilespmem:$0x1F580] =	vst v63  }
0x486: {  	s7 =	simm.s32 $0xB580  }
0x487: {  	[tilespmem:s7], [sflag:$0x2] =	stream.indirect_vreg.gather [hbm4b:s10+s3], $0x80, v1, vm0, $0xb8;
	[tilespmem:$0x1F580] =	vst v63  }
0x488: {  	s11 =	simm.s32 $0xBD80  }
0x489: {  	[tilespmem:s11], [sflag:$0x2] =	stream.indirect_vreg.gather [hbm4b:s1+s3], $0x80, v0, vm0, $0xb8;
	[tilespmem:$0x1F580] =	vst v63  }
0x48a: {  	s12 =	simm.s32 $0xC580  }
0x48b: {  	[tilespmem:s12], [sflag:$0x2] =	stream.indirect_vreg.gather [hbm4b:s9+s3], $0x80, v0, vm0, $0xb8;
	[tilespmem:$0x1F580] =	vst v63  }
0x48c: {  	s14 =	simm.s32 $0xCD80  }
0x48d: {  	[tilespmem:s14], [sflag:$0x2] =	stream.indirect_vreg.gather [hbm4b:s10+s3], $0x80, v0, vm0, $0xb8;
	[tilespmem:$0x1F580] =	vst v63  }
0x48e: {  	_ =	swait.ge [sflag:s23], $0x6000  }
0x48f: {  	[sflag:s23] =	ssyncset.done $0x0  }
0x490: {  	s15 =	sadd.s32 $0x300, s4;
	[sflag:s23] =	ssyncadd.s32 $0xFFFFA000  }
0x491: {  	v46 =	vld.idx.msk [tilespmem:v6+s15+$0x0 ss:$0x1], $0xffff;
	_ =	sdelay $0x4  }
0x492: {  	v47 =	vshrl.u32 v46, $0x4  }
0x493: {  	v0 =	vshrl.u32 v46, $0x1;
	v1 =	vmul.u32 $0x30, v47  }
0x494: {  	v48 =	vand.u32 $0x7, v0  }
0x495: {  	[tilespmem:$0x1100] =	vst v0;
	v49 =	vor.u32 v48, v1  }
0x496: {  	v50 =	vld.idx.msk [tilespmem:v7+s15+$0x0 ss:$0x1], $0xffff;
	v2 =	vperm.xlane v49, v3;
	_ =	sdelay $0x1  }
0x497: {  	v2 =	vadd.s32 v4, v2;
	_ =	sdelay $0x2  }
0x498: {  	v1 =	vshrl.u32 v50, $0x1  }
0x499: {  	v0 =	vperm.xlane v49, v5;
	[tilespmem:$0x1110] =	vst v1  }
0x49a: {  	[tilespmem:s31], [sflag:$0x3] =	stream.indirect_vreg.gather [hbm4b:s1+s3], $0x80, v2, vm0, $0xb8;
	[tilespmem:$0x1F580] =	vst v63  }
0x49b: {  	s16 =	simm.s32 $0xDD80;
	v0 =	vadd.s32 v4, v0  }
0x49c: {  	[tilespmem:s16], [sflag:$0x3] =	stream.indirect_vreg.gather [hbm4b:s9+s3], $0x80, v2, vm0, $0xb8;
	[tilespmem:$0x1F580] =	vst v63  }
0x49d: {  	s17 =	simm.s32 $0xE580  }
0x49e: {  	[tilespmem:s17], [sflag:$0x3] =	stream.indirect_vreg.gather [hbm4b:s10+s3], $0x80, v2, vm0, $0xb8;
	[tilespmem:$0x1F580] =	vst v63  }
0x49f: {  	s6 =	simm.s32 $0xED80  }
0x4a0: {  	[tilespmem:s6], [sflag:$0x3] =	stream.indirect_vreg.gather [hbm4b:s1+s3], $0x80, v0, vm0, $0xb8;
	[tilespmem:$0x1F580] =	vst v63  }
0x4a1: {  	s7 =	simm.s32 $0xF580  }
0x4a2: {  	[tilespmem:s7], [sflag:$0x3] =	stream.indirect_vreg.gather [hbm4b:s9+s3], $0x80, v0, vm0, $0xb8;
	[tilespmem:$0x1F580] =	vst v63  }
0x4a3: {  	s11 =	simm.s32 $0xFD80  }
0x4a4: {  	[tilespmem:s11], [sflag:$0x3] =	stream.indirect_vreg.gather [hbm4b:s10+s3], $0x80, v0, vm0, $0xb8;
	[tilespmem:$0x1F580] =	vst v63  }
0x4a5: {  	v0 =	vld [tilespmem:$0x1110];
	_ =	sdelay $0x4  }
0x4a6: {  	v51 =	vshrl.u32 v0, $0x3  }
0x4a7: {  	v1 =	vmul.u32 $0x30, v51  }
0x4a8: {  	v0 =	vand.u32 $0x7, v0  }
0x4a9: {  	v0 =	vor.u32 v0, v1  }
0x4aa: {  	v1 =	vperm.xlane v0, v3;
	_ =	sdelay $0x1  }
0x4ab: {  	v1 =	vadd.s32 v4, v1;
	_ =	sdelay $0x3  }
0x4ac: {  	s12 =	simm.s32 $0x10580;
	v0 =	vperm.xlane v0, v5  }
0x4ad: {  	[tilespmem:s12], [sflag:$0x3] =	stream.indirect_vreg.gather [hbm4b:s1+s3], $0x80, v1, vm0, $0xb8;
	[tilespmem:$0x1F580] =	vst v63  }
0x4ae: {  	s14 =	simm.s32 $0x10D80;
	v0 =	vadd.s32 v4, v0  }
0x4af: {  	[tilespmem:s14], [sflag:$0x3] =	stream.indirect_vreg.gather [hbm4b:s9+s3], $0x80, v1, vm0, $0xb8;
	[tilespmem:$0x1F580] =	vst v63  }
0x4b0: {  	s15 =	simm.s32 $0x11580  }
0x4b1: {  	[tilespmem:s15], [sflag:$0x3] =	stream.indirect_vreg.gather [hbm4b:s10+s3], $0x80, v1, vm0, $0xb8;
	[tilespmem:$0x1F580] =	vst v63  }
0x4b2: {  	s16 =	simm.s32 $0x11D80  }
0x4b3: {  	[tilespmem:s16], [sflag:$0x3] =	stream.indirect_vreg.gather [hbm4b:s1+s3], $0x80, v0, vm0, $0xb8;
	[tilespmem:$0x1F580] =	vst v63  }
0x4b4: {  	s17 =	simm.s32 $0x12580  }
0x4b5: {  	[tilespmem:s17], [sflag:$0x3] =	stream.indirect_vreg.gather [hbm4b:s9+s3], $0x80, v0, vm0, $0xb8;
	[tilespmem:$0x1F580] =	vst v63  }
0x4b6: {  	s6 =	simm.s32 $0x12D80  }
0x4b7: {  	[tilespmem:s6], [sflag:$0x3] =	stream.indirect_vreg.gather [hbm4b:s10+s3], $0x80, v0, vm0, $0xb8;
	[tilespmem:$0x1F580] =	vst v63  }
0x4b8: {  	_ =	swait.ge [sflag:s24], $0x6000  }
0x4b9: {  	[sflag:s24] =	ssyncset.done $0x0  }
0x4ba: {  	s7 =	sadd.s32 $0x380, s4;
	[sflag:s24] =	ssyncadd.s32 $0xFFFFA000  }
0x4bb: {  	v52 =	vld.idx.msk [tilespmem:v6+s7+$0x0 ss:$0x1], $0xffff;
	_ =	sdelay $0x4  }
0x4bc: {  	v53 =	vshrl.u32 v52, $0x4  }
0x4bd: {  	v0 =	vshrl.u32 v52, $0x1;
	v1 =	vmul.u32 $0x30, v53  }
0x4be: {  	v54 =	vand.u32 $0x7, v0  }
0x4bf: {  	[tilespmem:$0x1180] =	vst v0;
	v55 =	vor.u32 v54, v1  }
0x4c0: {  	v56 =	vld.idx.msk [tilespmem:v7+s7+$0x0 ss:$0x1], $0xffff;
	v2 =	vperm.xlane v55, v3;
	_ =	sdelay $0x1  }
0x4c1: {  	v2 =	vadd.s32 v4, v2;
	_ =	sdelay $0x2  }
0x4c2: {  	v1 =	vshrl.u32 v56, $0x1  }
0x4c3: {  	v0 =	vperm.xlane v55, v5;
	[tilespmem:$0x1190] =	vst v1  }
0x4c4: {  	[tilespmem:s8], [sflag:$0x4] =	stream.indirect_vreg.gather [hbm4b:s1+s3], $0x80, v2, vm0, $0xb8;
	[tilespmem:$0x1F580] =	vst v63  }
0x4c5: {  	s11 =	simm.s32 $0x13D80;
	v0 =	vadd.s32 v4, v0  }
0x4c6: {  	[tilespmem:s11], [sflag:$0x4] =	stream.indirect_vreg.gather [hbm4b:s9+s3], $0x80, v2, vm0, $0xb8;
	[tilespmem:$0x1F580] =	vst v63  }
0x4c7: {  	s12 =	simm.s32 $0x14580  }
0x4c8: {  	[tilespmem:s12], [sflag:$0x4] =	stream.indirect_vreg.gather [hbm4b:s10+s3], $0x80, v2, vm0, $0xb8;
	[tilespmem:$0x1F580] =	vst v63  }
0x4c9: {  	s14 =	simm.s32 $0x14D80  }
0x4ca: {  	[tilespmem:s14], [sflag:$0x4] =	stream.indirect_vreg.gather [hbm4b:s1+s3], $0x80, v0, vm0, $0xb8;
	[tilespmem:$0x1F580] =	vst v63  }
0x4cb: {  	s15 =	simm.s32 $0x15580  }
0x4cc: {  	[tilespmem:s15], [sflag:$0x4] =	stream.indirect_vreg.gather [hbm4b:s9+s3], $0x80, v0, vm0, $0xb8;
	[tilespmem:$0x1F580] =	vst v63  }
0x4cd: {  	s16 =	simm.s32 $0x15D80  }
0x4ce: {  	[tilespmem:s16], [sflag:$0x4] =	stream.indirect_vreg.gather [hbm4b:s10+s3], $0x80, v0, vm0, $0xb8;
	[tilespmem:$0x1F580] =	vst v63  }
0x4cf: {  	v0 =	vld [tilespmem:$0x1190];
	_ =	sdelay $0x4  }
0x4d0: {  	v57 =	vshrl.u32 v0, $0x3  }
0x4d1: {  	v1 =	vmul.u32 $0x30, v57  }
0x4d2: {  	v0 =	vand.u32 $0x7, v0  }
0x4d3: {  	v0 =	vor.u32 v0, v1  }
0x4d4: {  	v1 =	vperm.xlane v0, v3;
	_ =	sdelay $0x1  }
0x4d5: {  	v1 =	vadd.s32 v4, v1;
	_ =	sdelay $0x3  }
0x4d6: {  	s17 =	simm.s32 $0x16580;
	v0 =	vperm.xlane v0, v5  }
0x4d7: {  	[tilespmem:s17], [sflag:$0x4] =	stream.indirect_vreg.gather [hbm4b:s1+s3], $0x80, v1, vm0, $0xb8;
	[tilespmem:$0x1F580] =	vst v63  }
0x4d8: {  	s6 =	simm.s32 $0x16D80;
	v0 =	vadd.s32 v4, v0  }
0x4d9: {  	[tilespmem:s6], [sflag:$0x4] =	stream.indirect_vreg.gather [hbm4b:s9+s3], $0x80, v1, vm0, $0xb8;
	[tilespmem:$0x1F580] =	vst v63  }
0x4da: {  	s7 =	simm.s32 $0x17580  }
0x4db: {  	[tilespmem:s7], [sflag:$0x4] =	stream.indirect_vreg.gather [hbm4b:s10+s3], $0x80, v1, vm0, $0xb8;
	[tilespmem:$0x1F580] =	vst v63  }
0x4dc: {  	s11 =	simm.s32 $0x17D80  }
0x4dd: {  	[tilespmem:s11], [sflag:$0x4] =	stream.indirect_vreg.gather [hbm4b:s1+s3], $0x80, v0, vm0, $0xb8;
	[tilespmem:$0x1F580] =	vst v63  }
0x4de: {  	s12 =	simm.s32 $0x18580  }
0x4df: {  	[tilespmem:s12], [sflag:$0x4] =	stream.indirect_vreg.gather [hbm4b:s9+s3], $0x80, v0, vm0, $0xb8;
	[tilespmem:$0x1F580] =	vst v63  }
0x4e0: {  	s14 =	simm.s32 $0x18D80  }
0x4e1: {  	[tilespmem:s14], [sflag:$0x4] =	stream.indirect_vreg.gather [hbm4b:s10+s3], $0x80, v0, vm0, $0xb8;
	[tilespmem:$0x1F580] =	vst v63  }
0x4e2: {  	_ =	swait.ge [sflag:s25], $0x6000  }
0x4e3: {  	[sflag:s25] =	ssyncset.done $0x0  }
0x4e4: {  	s15 =	sadd.s32 $0x400, s4;
	[sflag:s25] =	ssyncadd.s32 $0xFFFFA000  }
0x4e5: {  	v58 =	vld.idx.msk [tilespmem:v6+s15+$0x0 ss:$0x1], $0xffff;
	_ =	sdelay $0x4  }
0x4e6: {  	v59 =	vshrl.u32 v58, $0x4  }
0x4e7: {  	v0 =	vshrl.u32 v58, $0x1;
	v1 =	vmul.u32 $0x30, v59  }
0x4e8: {  	v60 =	vand.u32 $0x7, v0  }
0x4e9: {  	[tilespmem:$0x1200] =	vst v0;
	v61 =	vor.u32 v60, v1  }
0x4ea: {  	v62 =	vld.idx.msk [tilespmem:v7+s15+$0x0 ss:$0x1], $0xffff;
	v2 =	vperm.xlane v61, v3;
	_ =	sdelay $0x1  }
0x4eb: {  	v2 =	vadd.s32 v4, v2;
	_ =	sdelay $0x2  }
0x4ec: {  	v1 =	vshrl.u32 v62, $0x1  }
0x4ed: {  	v0 =	vperm.xlane v61, v5;
	[tilespmem:$0x1210] =	vst v1  }
0x4ee: {  	[tilespmem:s30], [sflag:$0x5] =	stream.indirect_vreg.gather [hbm4b:s1+s3], $0x80, v2, vm0, $0xb8;
	[tilespmem:$0x1F580] =	vst v63  }
0x4ef: {  	s16 =	simm.s32 $0x19D80;
	v0 =	vadd.s32 v4, v0  }
0x4f0: {  	[tilespmem:s16], [sflag:$0x5] =	stream.indirect_vreg.gather [hbm4b:s9+s3], $0x80, v2, vm0, $0xb8;
	[tilespmem:$0x1F580] =	vst v63  }
0x4f1: {  	s17 =	simm.s32 $0x1A580  }
0x4f2: {  	[tilespmem:s17], [sflag:$0x5] =	stream.indirect_vreg.gather [hbm4b:s10+s3], $0x80, v2, vm0, $0xb8;
	[tilespmem:$0x1F580] =	vst v63  }
0x4f3: {  	s5 =	simm.s32 $0x1AD80  }
0x4f4: {  	[tilespmem:s5], [sflag:$0x5] =	stream.indirect_vreg.gather [hbm4b:s1+s3], $0x80, v0, vm0, $0xb8;
	[tilespmem:$0x1F580] =	vst v63  }
0x4f5: {  	s6 =	simm.s32 $0x1B580  }
0x4f6: {  	[tilespmem:s6], [sflag:$0x5] =	stream.indirect_vreg.gather [hbm4b:s9+s3], $0x80, v0, vm0, $0xb8;
	[tilespmem:$0x1F580] =	vst v63  }
0x4f7: {  	s7 =	simm.s32 $0x1BD80  }
0x4f8: {  	[tilespmem:s7], [sflag:$0x5] =	stream.indirect_vreg.gather [hbm4b:s10+s3], $0x80, v0, vm0, $0xb8;
	[tilespmem:$0x1F580] =	vst v63  }
0x4f9: {  	v0 =	vld [tilespmem:$0x1210];
	_ =	sdelay $0x4  }
0x4fa: {  	v63 =	vshrl.u32 v0, $0x3  }
0x4fb: {  	v1 =	vmul.u32 $0x30, v63  }
0x4fc: {  	v0 =	vand.u32 $0x7, v0  }
0x4fd: {  	v0 =	vor.u32 v0, v1  }
0x4fe: {  	v1 =	vperm.xlane v0, v3;
	_ =	sdelay $0x1  }
0x4ff: {  	v1 =	vadd.s32 v4, v1;
	_ =	sdelay $0x3  }
0x500: {  	s11 =	simm.s32 $0x1C580;
	v42 =	vld [tilespmem:$0x1FF60];
	v0 =	vperm.xlane v0, v5  }
0x501: {  	v48 =	vld [tilespmem:$0x1FD30];
	[tilespmem:s11], [sflag:$0x5] =	stream.indirect_vreg.gather [hbm4b:s1+s3], $0x80, v1, vm0, $0xb8  }
0x502: {  	s12 =	simm.s32 $0x1CD80;
	v49 =	vld [tilespmem:$0x1FD40];
	v0 =	vadd.s32 v4, v0  }
0x503: {  	v50 =	vld [tilespmem:$0x1FD50];
	[tilespmem:s12], [sflag:$0x5] =	stream.indirect_vreg.gather [hbm4b:s9+s3], $0x80, v1, vm0, $0xb8  }
0x504: {  	s14 =	simm.s32 $0x1D580;
	v51 =	vld [tilespmem:$0x1FD60]  }
0x505: {  	v46 =	vld [tilespmem:$0x1FE00];
	[tilespmem:s14], [sflag:$0x5] =	stream.indirect_vreg.gather [hbm4b:s10+s3], $0x80, v1, vm0, $0xb8  }
0x506: {  	v44 =	vld [tilespmem:$0x1FDC0];
	s15 =	simm.s32 $0x1DD80  }
0x507: {  	v45 =	vld [tilespmem:$0x1FDE0];
	[tilespmem:s15], [sflag:$0x5] =	stream.indirect_vreg.gather [hbm4b:s1+s3], $0x80, v0, vm0, $0xb8  }
.Ltmp11:
0x508: {  	v43 =	vld [tilespmem:$0x1FD70];
	(pc) =	sbr.rel .LBB2_4-.Ltmp11, $4  }
0x509: {  	v47 =	vld [tilespmem:$0x1FE20];
	s16 =	simm.s32 $0x1E580  }
0x50a: {  	v41 =	vld [tilespmem:$0x1FD80];
	[tilespmem:s16], [sflag:$0x5] =	stream.indirect_vreg.gather [hbm4b:s9+s3], $0x80, v0, vm0, $0xb8  }
0x50b: {  	s0 =	sadd.s32 $0x1, s0;
	v40 =	vld [tilespmem:$0x1FD90];
	s17 =	simm.s32 $0x1ED80  }
0x50c: {  	v39 =	vld [tilespmem:$0x1FDA0];
	[tilespmem:s17], [sflag:$0x5] =	stream.indirect_vreg.gather [hbm4b:s10+s3], $0x80, v0, vm0, $0xb8  }
.LBB2_17:
0x50d: {  	_ =	sfence.sel $0x180000  }
0x50e: {  	[bflag:$0x0] =	sbarrier.arrive $0xFFFF  }
0x50f: {  	_ =	strace $0x90000047  }
0x510: {  	s0 =	stileid.u32;
	[bflag:$0x2] =	sbarrier.arrive $0xFFFF  }
0x511: {  	p0 =	sne.s32 s0, $0x0;
	s0 =	rddreg [dreg:$0x3]  }
0x512: {  	s0 =	sadd.s32 @!p0 $0x100000, s0  }
0x513: {  	[sflag:s0] =	ssyncadd.tile.s32 @!p0 $0x1;
	_ =	shalt  }
.Lfunc_end2:
_tile_overlayer_lowered:
.L_overlay_start_2:
0x514: {  	(tag) =	ssettag $0x2  }
0x515: {  	s0 =	rddreg [dreg:$0x0];
	s2 =	stileid.u32  }
0x516: {  	s1 =	rddreg [dreg:$0x1];
	p0 =	sne.s32 s2, $0x0  }
0x517: {  	s3 =	rddreg [dreg:$0x2];
	[bflag:$0x3] =	sbarrier.arrive $0xFFFF;
	s2 =	simm.s32 @!p0 $0x1C0A  }
0x518: {  	[timem:s3], [sflag:s2] =	dma.local @!p0 [hbm:s0], s1  }
0x519: {  	s0 =	simm.s32 @!p0 $0xA  }
0x51a: {  	_ =	swait.ge @!p0 [sflag:s0], s1  }
0x51b: {  	s1 =	ssub.s32 @!p0 $0x0, s1;
	[sflag:s0] =	ssyncset.done @!p0 $0x0  }
0x51c: {  	[sflag:s0] =	ssyncadd.s32 @!p0 s1  }
0x51d: {  	[bflag:$0x3] =	sbarrier.arrive $0xFFFF  }
0x51e: {  	_ =	shalt  }

</sc_bundles>
